<compile_context>
chip_gen: v7x
topology: tpu7x:2x2x1
jax: 0.10.2.dev20260603
libtpu: 0.0.44.dev20260713+nightly
codegen_flags: <defaults>
</compile_context>

<pallas_src>
import dataclasses
import functools

import jax
import jax.numpy as jnp
from jax import lax
from jax.experimental import pallas as pl
from jax.experimental.pallas import tpu as pltpu
from jax.experimental.pallas import tpu_sc as plsc

N_NODES = 10000
D = 128
NC = 2
NS = 16
L = 16
NW = NC * NS
CHUNK = 128
N_ROWS = 10112
PAD = N_NODES
ROWS_PER_SUB = N_ROWS // NS
N_EDGES = 320000
E_PAD = ((N_EDGES + NW * CHUNK - 1) // (NW * CHUNK)) * (NW * CHUNK)
E_CHUNKS = E_PAD // CHUNK
CPT = E_CHUNKS // NW
IDS_PAD = 12288
IDS_CHUNKS = IDS_PAD // CHUNK
IDS_CPT = IDS_CHUNKS // NW

_mesh = plsc.VectorSubcoreMesh(core_axis_name="c", subcore_axis_name="s")

_cp = pltpu.CompilerParams()
if "needs_layout_passes" in pltpu.CompilerParams.__dataclass_fields__:
    _cp = dataclasses.replace(_cp, needs_layout_passes=False)


@functools.partial(
    pl.kernel,
    out_type=[
        jax.ShapeDtypeStruct((NC, N_ROWS, D), jnp.float32),
        jax.ShapeDtypeStruct((IDS_PAD, D), jnp.float32),
    ],
    mesh=_mesh,
    compiler_params=_cp,
    scratch_types=[
        pltpu.VMEM((1, CHUNK), jnp.int32),
        pltpu.VMEM((1, CHUNK), jnp.int32),
        pltpu.VMEM((1, CHUNK), jnp.int32),
        pltpu.VMEM((1, CHUNK), jnp.int32),
        pltpu.VMEM((CHUNK, D), jnp.float32),
        pltpu.VMEM((CHUNK, D), jnp.float32),
        pltpu.VMEM((CHUNK, D), jnp.float32),
        pltpu.VMEM_SHARED((N_ROWS, D), jnp.float32),
        pltpu.VMEM((L,), jnp.int32),
    ],
)
def _sc_pass(table_hbm, gat_hbm, scat_hbm, ids_hbm, emb_hbm, mode_hbm,
             parts_hbm, h0_hbm,
             gidx_a, sidx_a, gidx_b, sidx_b, rows_a, rows_b, zrow_v, agg_sh,
             mode_v):
    c = lax.axis_index("c")
    s = lax.axis_index("s")
    wid = s * NC + c
    sub_rows = pl.ds(s * ROWS_PER_SUB, ROWS_PER_SUB)

    @pl.loop(0, CHUNK)
    def _(i):
        @pl.loop(0, D // L)
        def _(k):
            zrow_v[i, pl.ds(k * L, L)] = jnp.zeros((L,), jnp.float32)

    @pl.loop(0, ROWS_PER_SUB // CHUNK)
    def _(r):
        pltpu.sync_copy(
            zrow_v, agg_sh.at[pl.ds(s * ROWS_PER_SUB + r * CHUNK, CHUNK)])

    _REM = ROWS_PER_SUB % CHUNK
    if _REM:
        pltpu.sync_copy(
            zrow_v.at[pl.ds(0, _REM)],
            agg_sh.at[pl.ds(s * ROWS_PER_SUB + (ROWS_PER_SUB // CHUNK) * CHUNK,
                            _REM)])
    pltpu.sync_copy(mode_hbm, mode_v)
    plsc.subcore_barrier()
    base = wid * CPT
    mode = jnp.max(mode_v[...])

    def load_gidx(j, gidx):
        pltpu.sync_copy(gat_hbm.at[pl.ds(base + j, 1)], gidx)

    def load_sidx(j, sidx):
        pltpu.sync_copy(scat_hbm.at[pl.ds(base + j, 1)], sidx)

    def gather(gidx, rows, sem):
        return pltpu.make_async_copy(table_hbm.at[gidx.at[0]], rows, sem)

    def scat(sidx, rows, sem):
        return pltpu.make_async_copy(rows, agg_sh.at[sidx.at[0]], sem)

    def pipeline(gsem_a, gsem_b, ssem_a, ssem_b):
        @pl.when((mode & 1) == 0)
        def _():
            load_gidx(0, gidx_a)
            load_sidx(0, sidx_a)
            gather(gidx_a, rows_a, gsem_a).start()

            @pl.loop(0, (CPT - 1) // 2)
            def _(t):
                ja = 2 * t
                jb = 2 * t + 1
                gather(gidx_a, rows_a, gsem_a).wait()
                scat(sidx_a, rows_a, ssem_a).start(add=True)

                @pl.when(t > 0)
                def _():
                    scat(sidx_b, rows_b, ssem_b).wait()
                load_gidx(jb, gidx_b)
                load_sidx(jb, sidx_b)
                gather(gidx_b, rows_b, gsem_b).start()
                gather(gidx_b, rows_b, gsem_b).wait()
                scat(sidx_b, rows_b, ssem_b).start(add=True)
                scat(sidx_a, rows_a, ssem_a).wait()
                load_gidx(ja + 2, gidx_a)
                load_sidx(ja + 2, sidx_a)
                gather(gidx_a, rows_a, gsem_a).start()

            gather(gidx_a, rows_a, gsem_a).wait()
            scat(sidx_a, rows_a, ssem_a).start(add=True)
            scat(sidx_b, rows_b, ssem_b).wait()
            scat(sidx_a, rows_a, ssem_a).wait()

        @pl.when((mode & 1) == 1)
        def _():
            @pl.loop(0, CHUNK)
            def _(i):
                @pl.loop(0, D // L)
                def _(k):
                    zrow_v[i, pl.ds(k * L, L)] = jnp.full((L,), 1.0,
                                                          jnp.float32)

            load_sidx(0, sidx_a)
            scat(sidx_a, zrow_v, ssem_a).start(add=True)
            load_sidx(1, sidx_b)
            scat(sidx_b, zrow_v, ssem_b).start(add=True)

            @pl.loop(0, (CPT - 3) // 2 + 1)
            def _(t):
                scat(sidx_a, zrow_v, ssem_a).wait()
                load_sidx(2 * t + 2, sidx_a)
                scat(sidx_a, zrow_v, ssem_a).start(add=True)

                @pl.when(2 * t + 3 < CPT)
                def _():
                    scat(sidx_b, zrow_v, ssem_b).wait()
                    load_sidx(2 * t + 3, sidx_b)
                    scat(sidx_b, zrow_v, ssem_b).start(add=True)

            scat(sidx_b, zrow_v, ssem_b).wait()
            scat(sidx_a, zrow_v, ssem_a).wait()

    pl.run_scoped(pipeline, pltpu.SemaphoreType.DMA, pltpu.SemaphoreType.DMA,
                  pltpu.SemaphoreType.DMA, pltpu.SemaphoreType.DMA)

    @pl.when((mode & 2) != 0)
    def _():
        @pl.loop(0, IDS_CPT)
        def _(j):
            chunk = wid * IDS_CPT + j
            pltpu.sync_copy(ids_hbm.at[pl.ds(chunk, 1)], gidx_a)
            pltpu.sync_copy(emb_hbm.at[gidx_a.at[0]], rows_a)
            pltpu.sync_copy(rows_a, h0_hbm.at[pl.ds(chunk * CHUNK, CHUNK)])

    plsc.subcore_barrier()
    pltpu.sync_copy(agg_sh.at[sub_rows], parts_hbm.at[c, sub_rows])


def _norm_from_parts(p_ref):
    deg = p_ref[0, :, 0:1] + p_ref[1, :, 0:1]
    return lax.rsqrt(jnp.maximum(deg, 1.0))


def _tc_scale0_body(h0_ref, ds_ref, o_ref):
    o_ref[...] = h0_ref[:N_ROWS, :] * _norm_from_parts(ds_ref)


def _tc_layer1_body(p_ref, dd_ref, ds_ref, w_ref, b_ref, o_ref):
    agg = (p_ref[0] + p_ref[1]) * _norm_from_parts(dd_ref)
    y = jnp.dot(agg, w_ref[...], preferred_element_type=jnp.float32)
    y = y + b_ref[...][None, :]
    o_ref[...] = jnp.maximum(y, 0.0) * _norm_from_parts(ds_ref)


def _tc_layer2_body(p_ref, dd_ref, w_ref, b_ref, o_ref):
    agg = (p_ref[0] + p_ref[1]) * _norm_from_parts(dd_ref)
    y = jnp.dot(agg, w_ref[...], preferred_element_type=jnp.float32)
    o_ref[...] = y + b_ref[...][None, :]


_f32rows = jax.ShapeDtypeStruct((N_ROWS, D), jnp.float32)

_tc_scale0 = pl.pallas_call(_tc_scale0_body, out_shape=_f32rows)
_tc_layer1 = pl.pallas_call(_tc_layer1_body, out_shape=_f32rows)
_tc_layer2 = pl.pallas_call(_tc_layer2_body, out_shape=_f32rows)


@jax.jit
def kernel(node_ids, edge_index, emb, W1, b1, W2, b2):
    src = edge_index[0].astype(jnp.int32)
    dst = edge_index[1].astype(jnp.int32)
    epad = jnp.full((E_PAD - N_EDGES,), PAD, jnp.int32)
    src_p = jnp.concatenate([src, epad]).reshape(E_CHUNKS, CHUNK)
    dst_p = jnp.concatenate([dst, epad]).reshape(E_CHUNKS, CHUNK)
    ids_p = jnp.concatenate(
        [node_ids.astype(jnp.int32),
         jnp.zeros((IDS_PAD - N_NODES,), jnp.int32)]).reshape(IDS_CHUNKS, CHUNK)
    ones_tab = jnp.ones((N_ROWS, D), jnp.float32)

    m_deg_emb = jnp.full((L,), 3, jnp.int32)
    m_deg = jnp.full((L,), 1, jnp.int32)
    m_agg = jnp.zeros((L,), jnp.int32)
    deg_s_parts, h0 = _sc_pass(ones_tab, src_p, src_p, ids_p, emb, m_deg_emb)
    deg_d_parts, _ = _sc_pass(ones_tab, dst_p, dst_p, ids_p, emb, m_deg)
    h0s = _tc_scale0(h0, deg_s_parts)
    parts1, _ = _sc_pass(h0s, src_p, dst_p, ids_p, emb, m_agg)
    h1s = _tc_layer1(parts1, deg_d_parts, deg_s_parts, W1, b1)
    parts2, _ = _sc_pass(h1s, src_p, dst_p, ids_p, emb, m_agg)
    out = _tc_layer2(parts2, deg_d_parts, W2, b2)
    return out[:N_NODES]

# --- scband reference (transcript-rebuilt; emitter-appended) ---
"""Pipeline reference for scband-gcn-4827543241288 (READ-ONLY COPY).

The authoritative reference and input builder live on the scoring server;
editing this copy changes nothing except your own understanding.
"""

import jax, jax.numpy as jnp
import numpy as np

N_NODES = 10000
N_EDGES = 320000
D_IN = 128
D_HID = 128
D_OUT = 128


def setup_inputs(seed: int = 0) -> dict:
    key = jax.random.key(seed)
    k1, k2, k3, k4, k5 = jax.random.split(key, 5)
    node_ids = jax.random.randint(k1, (N_NODES,), 0, N_NODES, dtype=jnp.int64) if jax.config.jax_enable_x64 else jax.random.randint(k1, (N_NODES,), 0, N_NODES).astype(jnp.int32)
    edge_index = jax.random.randint(k2, (2, N_EDGES), 0, N_NODES).astype(jnp.int32)
    emb = jax.random.normal(k3, (N_NODES, D_IN), dtype=jnp.float32)
    W1 = jax.random.normal(k4, (D_IN, D_HID), dtype=jnp.float32) * 0.05
    b1 = jnp.zeros((D_HID,), dtype=jnp.float32)
    W2 = jax.random.normal(k5, (D_HID, D_OUT), dtype=jnp.float32) * 0.05
    b2 = jnp.zeros((D_OUT,), dtype=jnp.float32)
    return {"node_ids": node_ids, "edge_index": edge_index, "emb": emb, "W1": W1, "b1": b1, "W2": W2, "b2": b2}


def _graph_conv(h, src, dst, W, b):
    # DGL GraphConv with norm='both': D^{-1/2} A D^{-1/2} X W + b
    ones = jnp.ones((src.shape[0],), dtype=h.dtype)
    deg_out = jax.ops.segment_sum(ones, src, num_segments=N_NODES)
    deg_in = jax.ops.segment_sum(ones, dst, num_segments=N_NODES)
    norm_src = jnp.power(jnp.clip(deg_out, 1.0, None), -0.5)
    norm_dst = jnp.power(jnp.clip(deg_in, 1.0, None), -0.5)
    h = h * norm_src[:, None]
    msgs = jnp.take(h, src, axis=0)
    agg = jax.ops.segment_sum(msgs, dst, num_segments=N_NODES)
    agg = agg * norm_dst[:, None]
    return agg @ W + b


def reference(node_ids, edge_index, emb, W1, b1, W2, b2):
    src = edge_index[0]
    dst = edge_index[1]
    # h = g.ndata['feat']; h = self.embedding[h]
    h = jnp.take(emb, node_ids, axis=0)
    # layer 0: GraphConv + relu
    h = jax.nn.relu(_graph_conv(h, src, dst, W1, b1))
    # dropout (eval mode -> identity)
    # layer 1: GraphConv (no activation)
    h = _graph_conv(h, src, dst, W2, b2)
    return h

if __name__ == "__main__":
    import jax
    _d = setup_inputs()
    print(jax.jit(kernel)(*tuple(_d.values())))

</pallas_src>

<mosaic_0001>
#map = affine_map<(d0, d1) -> (0, 0)>
#map1 = affine_map<(d0, d1) -> (0)>
#map2 = affine_map<(d0, d1) -> (0, 0, 0)>
module attributes {stable_mosaic.version = 14 : i64} {
  func.func @_sc_pass(%arg0: i32, %arg1: i32, %arg2: memref<10112x128xf32, #tpu.memory_space<hbm>>, %arg3: memref<2528x128xi32, #tpu.memory_space<hbm>>, %arg4: memref<2528x128xi32, #tpu.memory_space<hbm>>, %arg5: memref<96x128xi32, #tpu.memory_space<hbm>>, %arg6: memref<10000x128xf32, #tpu.memory_space<hbm>>, %arg7: memref<16xi32, #tpu.memory_space<hbm>>, %arg8: memref<2x10112x128xf32, #tpu.memory_space<hbm>>, %arg9: memref<12288x128xf32, #tpu.memory_space<hbm>>, %arg10: memref<1x128xi32, #tpu.memory_space<vmem>>, %arg11: memref<1x128xi32, #tpu.memory_space<vmem>>, %arg12: memref<1x128xi32, #tpu.memory_space<vmem>>, %arg13: memref<1x128xi32, #tpu.memory_space<vmem>>, %arg14: memref<128x128xf32, #tpu.memory_space<vmem>>, %arg15: memref<128x128xf32, #tpu.memory_space<vmem>>, %arg16: memref<128x128xf32, #tpu.memory_space<vmem>>, %arg17: memref<10112x128xf32, #tpu.memory_space<vmem_shared>>, %arg18: memref<16xi32, #tpu.memory_space<vmem>>) attributes {dimension_semantics = [#tpu.dimension_semantics<core_parallel>, #tpu.dimension_semantics<subcore_parallel>], iteration_bounds = array<i64: 2, 16>, scalar_prefetch = 0 : i64, scratch_operands = 9 : i64, tpu.core_type = #tpu.core_type<sc_vector_subcore>, window_params = [{transform_indices = #map}, {transform_indices = #map}, {transform_indices = #map}, {transform_indices = #map}, {transform_indices = #map}, {transform_indices = #map1}, {transform_indices = #map2}, {transform_indices = #map}]} {
    %mul3A = arith.constant 2 : i32
    %mul3A_0 = arith.muli %arg1, %mul3A : i32
    %add3A = arith.addi %mul3A_0, %arg0 : i32
    %mul3A_1 = arith.constant 632 : i32
    %mul3A_2 = arith.muli %arg1, %mul3A_1 : i32
    %scan3A = arith.constant 0 : i32
    %scan3A_3 = arith.constant 128 : i32
    %scan3A_4 = arith.addi %scan3A, %scan3A_3 : i32
    %scan3A_5 = arith.constant 1 : i32
    scf.for %scan3A_30 = %scan3A to %scan3A_4 step %scan3A_5  : i32 {
      %mul3A_31 = arith.constant 1 : i32
      %mul3A_32 = arith.muli %scan3A_30, %mul3A_31 : i32
      %add3A_33 = arith.constant 0 : i32
      %add3A_34 = arith.addi %add3A_33, %mul3A_32 : i32
      %scan3A_35 = arith.constant 0 : i32
      %scan3A_36 = arith.constant 8 : i32
      %scan3A_37 = arith.addi %scan3A_35, %scan3A_36 : i32
      %scan3A_38 = arith.constant 1 : i32
      scf.for %scan3A_40 = %scan3A_35 to %scan3A_37 step %scan3A_38  : i32 {
        %mul3A_41 = arith.constant 1 : i32
        %mul3A_42 = arith.muli %scan3A_40, %mul3A_41 : i32
        %add3A_43 = arith.constant 0 : i32
        %add3A_44 = arith.addi %add3A_43, %mul3A_42 : i32
        %broadcast_in_dim3A = arith.constant 0.000000e+00 : f32
        %broadcast_in_dim3A_45 = vector.broadcast %broadcast_in_dim3A : f32 to vector<16xf32>
        %mul3A_46 = arith.constant 16 : i32
        %mul3A_47 = arith.muli %add3A_44, %mul3A_46 : i32
        %swap3A = arith.index_cast %add3A_34 : i32 to index
        %swap3A_48 = arith.index_cast %mul3A_47 : i32 to index
        %swap3A_49 = tpu.vector_load %arg16[%swap3A, %swap3A_48] {strides = array<i32>} : memref<128x128xf32, #tpu.memory_space<vmem>>, vector<16xf32>,
        tpu.vector_store %arg16[%swap3A, %swap3A_48], %broadcast_in_dim3A_45 {strides = array<i32>} : memref<128x128xf32, #tpu.memory_space<vmem>>, vector<16xf32>,
      }
      %scan3A_39 = arith.constant 8 : i32
    }
    %scan3A_6 = arith.constant 128 : i32
    %scan3A_7 = arith.constant 0 : i32
    %scan3A_8 = arith.constant 4 : i32
    %scan3A_9 = arith.addi %scan3A_7, %scan3A_8 : i32
    %scan3A_10 = arith.constant 1 : i32
    scf.for %scan3A_30 = %scan3A_7 to %scan3A_9 step %scan3A_10  : i32 {
      %mul3A_31 = arith.constant 1 : i32
      %mul3A_32 = arith.muli %scan3A_30, %mul3A_31 : i32
      %add3A_33 = arith.constant 0 : i32
      %add3A_34 = arith.addi %add3A_33, %mul3A_32 : i32
      %mul3A_35 = arith.constant 632 : i32
      %mul3A_36 = arith.muli %arg1, %mul3A_35 : i32
      %mul3A_37 = arith.constant 128 : i32
      %mul3A_38 = arith.muli %add3A_34, %mul3A_37 : i32
      %add3A_39 = arith.addi %mul3A_36, %mul3A_38 : i32
      "tpu.region"() ({
        %run_scoped3A = tpu.sem_alloc : memref<!tpu.dma_semaphore, #tpu.memory_space<semaphore_mem>>
        %dma_start3A = arith.constant 0 : i32
        %dma_start3A_40 = tpu.memref_slice %arg17[%add3A_39, %dma_start3A] : memref<10112x128xf32, #tpu.memory_space<vmem_shared>> -> memref<128x128xf32, #tpu.memory_space<vmem_shared>>
        %dma_start3A_41 = arith.constant 0 : i32
        %dma_start3A_42 = tpu.memref_slice %arg17[%add3A_39, %dma_start3A_41] : memref<10112x128xf32, #tpu.memory_space<vmem_shared>> -> memref<128x128xf32, #tpu.memory_space<vmem_shared>>
        tpu.enqueue_dma source(%arg16 : memref<128x128xf32, #tpu.memory_space<vmem>>) target(%dma_start3A_42 : memref<128x128xf32, #tpu.memory_space<vmem_shared>>) target_semaphore(%run_scoped3A : memref<!tpu.dma_semaphore, #tpu.memory_space<semaphore_mem>>)
        %dma_wait3A = arith.constant 0 : i32
        %dma_wait3A_43 = tpu.memref_slice %arg17[%add3A_39, %dma_wait3A] : memref<10112x128xf32, #tpu.memory_space<vmem_shared>> -> memref<128x128xf32, #tpu.memory_space<vmem_shared>>
        %dma_wait3A_44 = arith.constant 0 : i32
        %dma_wait3A_45 = tpu.memref_slice %arg17[%add3A_39, %dma_wait3A_44] : memref<10112x128xf32, #tpu.memory_space<vmem_shared>> -> memref<128x128xf32, #tpu.memory_space<vmem_shared>>
        tpu.wait_dma2 semaphore(%run_scoped3A : memref<!tpu.dma_semaphore, #tpu.memory_space<semaphore_mem>>) src(%arg16 : memref<128x128xf32, #tpu.memory_space<vmem>>) dst(%dma_wait3A_45 : memref<128x128xf32, #tpu.memory_space<vmem_shared>>)
        tpu.yield
      }) : () -> ()
    }
    %scan3A_11 = arith.constant 4 : i32
    %mul3A_12 = arith.constant 632 : i32
    %mul3A_13 = arith.muli %arg1, %mul3A_12 : i32
    %add3A_14 = arith.constant 512 : i32
    %add3A_15 = arith.addi %mul3A_13, %add3A_14 : i32
    "tpu.region"() ({
      %run_scoped3A = tpu.sem_alloc : memref<!tpu.dma_semaphore, #tpu.memory_space<semaphore_mem>>
      %dma_start3A = arith.constant 0 : i32
      %dma_start3A_30 = arith.constant 0 : i32
      %dma_start3A_31 = tpu.memref_slice %arg16[%dma_start3A, %dma_start3A_30] : memref<128x128xf32, #tpu.memory_space<vmem>> -> memref<120x128xf32, #tpu.memory_space<vmem>>
      %dma_start3A_32 = arith.constant 0 : i32
      %dma_start3A_33 = tpu.memref_slice %arg17[%add3A_15, %dma_start3A_32] : memref<10112x128xf32, #tpu.memory_space<vmem_shared>> -> memref<120x128xf32, #tpu.memory_space<vmem_shared>>
      %dma_start3A_34 = arith.constant 0 : i32
      %dma_start3A_35 = tpu.memref_slice %arg17[%add3A_15, %dma_start3A_34] : memref<10112x128xf32, #tpu.memory_space<vmem_shared>> -> memref<120x128xf32, #tpu.memory_space<vmem_shared>>
      %dma_start3A_36 = arith.constant 0 : i32
      %dma_start3A_37 = arith.constant 0 : i32
      %dma_start3A_38 = tpu.memref_slice %arg16[%dma_start3A_36, %dma_start3A_37] : memref<128x128xf32, #tpu.memory_space<vmem>> -> memref<120x128xf32, #tpu.memory_space<vmem>>
      tpu.enqueue_dma source(%dma_start3A_38 : memref<120x128xf32, #tpu.memory_space<vmem>>) target(%dma_start3A_35 : memref<120x128xf32, #tpu.memory_space<vmem_shared>>) target_semaphore(%run_scoped3A : memref<!tpu.dma_semaphore, #tpu.memory_space<semaphore_mem>>)
      %dma_wait3A = arith.constant 0 : i32
      %dma_wait3A_39 = arith.constant 0 : i32
      %dma_wait3A_40 = tpu.memref_slice %arg16[%dma_wait3A, %dma_wait3A_39] : memref<128x128xf32, #tpu.memory_space<vmem>> -> memref<120x128xf32, #tpu.memory_space<vmem>>
      %dma_wait3A_41 = arith.constant 0 : i32
      %dma_wait3A_42 = tpu.memref_slice %arg17[%add3A_15, %dma_wait3A_41] : memref<10112x128xf32, #tpu.memory_space<vmem_shared>> -> memref<120x128xf32, #tpu.memory_space<vmem_shared>>
      %dma_wait3A_43 = arith.constant 0 : i32
      %dma_wait3A_44 = tpu.memref_slice %arg17[%add3A_15, %dma_wait3A_43] : memref<10112x128xf32, #tpu.memory_space<vmem_shared>> -> memref<120x128xf32, #tpu.memory_space<vmem_shared>>
      %dma_wait3A_45 = arith.constant 0 : i32
      %dma_wait3A_46 = arith.constant 0 : i32
      %dma_wait3A_47 = tpu.memref_slice %arg16[%dma_wait3A_45, %dma_wait3A_46] : memref<128x128xf32, #tpu.memory_space<vmem>> -> memref<120x128xf32, #tpu.memory_space<vmem>>
      tpu.wait_dma2 semaphore(%run_scoped3A : memref<!tpu.dma_semaphore, #tpu.memory_space<semaphore_mem>>) src(%dma_wait3A_47 : memref<120x128xf32, #tpu.memory_space<vmem>>) dst(%dma_wait3A_44 : memref<120x128xf32, #tpu.memory_space<vmem_shared>>)
      tpu.yield
    }) : () -> ()
    "tpu.region"() ({
      %run_scoped3A = tpu.sem_alloc : memref<!tpu.dma_semaphore, #tpu.memory_space<semaphore_mem>>
      tpu.enqueue_dma source(%arg7 : memref<16xi32, #tpu.memory_space<hbm>>) target(%arg18 : memref<16xi32, #tpu.memory_space<vmem>>) target_semaphore(%run_scoped3A : memref<!tpu.dma_semaphore, #tpu.memory_space<semaphore_mem>>)
      tpu.wait_dma2 semaphore(%run_scoped3A : memref<!tpu.dma_semaphore, #tpu.memory_space<semaphore_mem>>) src(%arg7 : memref<16xi32, #tpu.memory_space<hbm>>) dst(%arg18 : memref<16xi32, #tpu.memory_space<vmem>>)
      tpu.yield
    }) : () -> ()
    %barrier3A = arith.constant 0 : index
    tpu.barrier barrier_id(%barrier3A)
    %mul3A_16 = arith.constant 79 : i32
    %mul3A_17 = arith.muli %add3A, %mul3A_16 : i32
    %get3A = arith.constant 0 : index
    %get3A_18 = tpu.vector_load %arg18[%get3A] {strides = array<i32>} : memref<16xi32, #tpu.memory_space<vmem>>, vector<16xi32>,
    %reduce_max3A = arith.constant true
    %reduce_max3A_19 = vector.broadcast %reduce_max3A : i1 to vector<16xi1>
    %reduce_max3A_20 = arith.constant -2147483648 : i32
    %reduce_max3A_21 = vector.broadcast %reduce_max3A_20 : i32 to vector<16xi32>
    %reduce_max3A_22 = arith.xori %get3A_18, %reduce_max3A_21 : vector<16xi32>
    %reduce_max3A_23 = tpu.scan <max>, %reduce_max3A_22 masked %reduce_max3A_19 : vector<16xi32>, vector<16xi1> -> vector<16xi32>
    %reduce_max3A_24 = arith.xori %reduce_max3A_23, %reduce_max3A_21 : vector<16xi32>
    %reduce_max3A_25 = vector.extract %reduce_max3A_24[15] : i32 from vector<16xi32>
    "tpu.region"() ({
      %run_scoped3A = tpu.sem_alloc : memref<!tpu.dma_semaphore, #tpu.memory_space<semaphore_mem>>
      %run_scoped3A_30 = tpu.sem_alloc : memref<!tpu.dma_semaphore, #tpu.memory_space<semaphore_mem>>
      %run_scoped3A_31 = tpu.sem_alloc : memref<!tpu.dma_semaphore, #tpu.memory_space<semaphore_mem>>
      %run_scoped3A_32 = tpu.sem_alloc : memref<!tpu.dma_semaphore, #tpu.memory_space<semaphore_mem>>
      %and3A_33 = arith.constant 1 : i32
      %and3A_34 = arith.andi %reduce_max3A_25, %and3A_33 : i32
      %eq3A = arith.constant 0 : i32
      %eq3A_35 = arith.cmpi eq, %and3A_34, %eq3A : i32
      %convert_element_type3A_36 = arith.extui %eq3A_35 : i1 to i32
      %cond3A_37 = arith.constant 0 : i32
      %cond3A_38 = arith.cmpi ne, %convert_element_type3A_36, %cond3A_37 : i32
      scf.if %cond3A_38 {
        %add3A_46 = arith.constant 0 : i32
        %add3A_47 = arith.addi %mul3A_17, %add3A_46 : i32
        "tpu.region"() ({
          %run_scoped3A_88 = tpu.sem_alloc : memref<!tpu.dma_semaphore, #tpu.memory_space<semaphore_mem>>
          %dma_start3A_89 = arith.constant 0 : i32
          %dma_start3A_90 = tpu.memref_slice %arg3[%add3A_47, %dma_start3A_89] : memref<2528x128xi32, #tpu.memory_space<hbm>> -> memref<1x128xi32, #tpu.memory_space<hbm>>
          %dma_start3A_91 = arith.constant 0 : i32
          %dma_start3A_92 = tpu.memref_slice %arg3[%add3A_47, %dma_start3A_91] : memref<2528x128xi32, #tpu.memory_space<hbm>> -> memref<1x128xi32, #tpu.memory_space<hbm>>
          tpu.enqueue_dma source(%dma_start3A_92 : memref<1x128xi32, #tpu.memory_space<hbm>>) target(%arg10 : memref<1x128xi32, #tpu.memory_space<vmem>>) target_semaphore(%run_scoped3A_88 : memref<!tpu.dma_semaphore, #tpu.memory_space<semaphore_mem>>)
          %dma_wait3A_93 = arith.constant 0 : i32
          %dma_wait3A_94 = tpu.memref_slice %arg3[%add3A_47, %dma_wait3A_93] : memref<2528x128xi32, #tpu.memory_space<hbm>> -> memref<1x128xi32, #tpu.memory_space<hbm>>
          %dma_wait3A_95 = arith.constant 0 : i32
          %dma_wait3A_96 = tpu.memref_slice %arg3[%add3A_47, %dma_wait3A_95] : memref<2528x128xi32, #tpu.memory_space<hbm>> -> memref<1x128xi32, #tpu.memory_space<hbm>>
          tpu.wait_dma2 semaphore(%run_scoped3A_88 : memref<!tpu.dma_semaphore, #tpu.memory_space<semaphore_mem>>) src(%dma_wait3A_96 : memref<1x128xi32, #tpu.memory_space<hbm>>) dst(%arg10 : memref<1x128xi32, #tpu.memory_space<vmem>>)
          tpu.yield
        }) : () -> ()
        %add3A_48 = arith.constant 0 : i32
        %add3A_49 = arith.addi %mul3A_17, %add3A_48 : i32
        "tpu.region"() ({
          %run_scoped3A_88 = tpu.sem_alloc : memref<!tpu.dma_semaphore, #tpu.memory_space<semaphore_mem>>
          %dma_start3A_89 = arith.constant 0 : i32
          %dma_start3A_90 = tpu.memref_slice %arg4[%add3A_49, %dma_start3A_89] : memref<2528x128xi32, #tpu.memory_space<hbm>> -> memref<1x128xi32, #tpu.memory_space<hbm>>
          %dma_start3A_91 = arith.constant 0 : i32
          %dma_start3A_92 = tpu.memref_slice %arg4[%add3A_49, %dma_start3A_91] : memref<2528x128xi32, #tpu.memory_space<hbm>> -> memref<1x128xi32, #tpu.memory_space<hbm>>
          tpu.enqueue_dma source(%dma_start3A_92 : memref<1x128xi32, #tpu.memory_space<hbm>>) target(%arg11 : memref<1x128xi32, #tpu.memory_space<vmem>>) target_semaphore(%run_scoped3A_88 : memref<!tpu.dma_semaphore, #tpu.memory_space<semaphore_mem>>)
          %dma_wait3A_93 = arith.constant 0 : i32
          %dma_wait3A_94 = tpu.memref_slice %arg4[%add3A_49, %dma_wait3A_93] : memref<2528x128xi32, #tpu.memory_space<hbm>> -> memref<1x128xi32, #tpu.memory_space<hbm>>
          %dma_wait3A_95 = arith.constant 0 : i32
          %dma_wait3A_96 = tpu.memref_slice %arg4[%add3A_49, %dma_wait3A_95] : memref<2528x128xi32, #tpu.memory_space<hbm>> -> memref<1x128xi32, #tpu.memory_space<hbm>>
          tpu.wait_dma2 semaphore(%run_scoped3A_88 : memref<!tpu.dma_semaphore, #tpu.memory_space<semaphore_mem>>) src(%dma_wait3A_96 : memref<1x128xi32, #tpu.memory_space<hbm>>) dst(%arg11 : memref<1x128xi32, #tpu.memory_space<vmem>>)
          tpu.yield
        }) : () -> ()
        %dma_start3A = arith.constant 0 : i32
        %dma_start3A_50 = arith.constant 0 : i32
        %dma_start3A_51 = tpu.memref_slice %arg10[%dma_start3A, %dma_start3A_50] : memref<1x128xi32, #tpu.memory_space<vmem>> -> memref<1x128xi32, #tpu.memory_space<vmem>>
        %dma_start3A_52 = tpu.memref_squeeze %dma_start3A_51 : memref<1x128xi32, #tpu.memory_space<vmem>> -> memref<128xi32, #tpu.memory_space<vmem>>
        %dma_start3A_53 = arith.constant 0 : i32
        %dma_start3A_54 = arith.constant 0 : i32
        %dma_start3A_55 = tpu.memref_slice %arg2[%dma_start3A_53, %dma_start3A_54] : memref<10112x128xf32, #tpu.memory_space<hbm>> -> memref<10112x128xf32, #tpu.memory_space<hbm>>
        tpu.enqueue_indirect_dma source(%dma_start3A_55 : memref<10112x128xf32, #tpu.memory_space<hbm>>) target(%arg14 : memref<128x128xf32, #tpu.memory_space<vmem>>) offsets(%dma_start3A_52 : memref<128xi32, #tpu.memory_space<vmem>>) semaphore(%run_scoped3A : memref<!tpu.dma_semaphore, #tpu.memory_space<semaphore_mem>>)
        %scan3A_56 = arith.constant 0 : i32
        %scan3A_57 = arith.constant 39 : i32
        %scan3A_58 = arith.addi %scan3A_56, %scan3A_57 : i32
        %scan3A_59 = arith.constant 1 : i32
        scf.for %scan3A_88 = %scan3A_56 to %scan3A_58 step %scan3A_59  : i32 {
          %mul3A_89 = arith.constant 1 : i32
          %mul3A_90 = arith.muli %scan3A_88, %mul3A_89 : i32
          %add3A_91 = arith.constant 0 : i32
          %add3A_92 = arith.addi %add3A_91, %mul3A_90 : i32
          %mul3A_93 = arith.constant 2 : i32
          %mul3A_94 = arith.muli %mul3A_93, %add3A_92 : i32
          %mul3A_95 = arith.constant 2 : i32
          %mul3A_96 = arith.muli %mul3A_95, %add3A_92 : i32
          %add3A_97 = arith.constant 1 : i32
          %add3A_98 = arith.addi %mul3A_96, %add3A_97 : i32
          %dma_wait3A_99 = arith.constant 0 : i32
          %dma_wait3A_100 = arith.constant 0 : i32
          %dma_wait3A_101 = tpu.memref_slice %arg10[%dma_wait3A_99, %dma_wait3A_100] : memref<1x128xi32, #tpu.memory_space<vmem>> -> memref<1x128xi32, #tpu.memory_space<vmem>>
          %dma_wait3A_102 = tpu.memref_squeeze %dma_wait3A_101 : memref<1x128xi32, #tpu.memory_space<vmem>> -> memref<128xi32, #tpu.memory_space<vmem>>
          %dma_wait3A_103 = arith.constant 0 : i32
          %dma_wait3A_104 = arith.constant 0 : i32
          %dma_wait3A_105 = tpu.memref_slice %arg2[%dma_wait3A_103, %dma_wait3A_104] : memref<10112x128xf32, #tpu.memory_space<hbm>> -> memref<10112x128xf32, #tpu.memory_space<hbm>>
          tpu.wait_indirect_dma semaphore(%run_scoped3A : memref<!tpu.dma_semaphore, #tpu.memory_space<semaphore_mem>>) src(%dma_wait3A_105 : memref<10112x128xf32, #tpu.memory_space<hbm>>) dst(%arg14 : memref<128x128xf32, #tpu.memory_space<vmem>>)
          %dma_start3A_106 = arith.constant 0 : i32
          %dma_start3A_107 = arith.constant 0 : i32
          %dma_start3A_108 = tpu.memref_slice %arg11[%dma_start3A_106, %dma_start3A_107] : memref<1x128xi32, #tpu.memory_space<vmem>> -> memref<1x128xi32, #tpu.memory_space<vmem>>
          %dma_start3A_109 = tpu.memref_squeeze %dma_start3A_108 : memref<1x128xi32, #tpu.memory_space<vmem>> -> memref<128xi32, #tpu.memory_space<vmem>>
          %dma_start3A_110 = arith.constant 0 : i32
          %dma_start3A_111 = arith.constant 0 : i32
          %dma_start3A_112 = tpu.memref_slice %arg17[%dma_start3A_110, %dma_start3A_111] : memref<10112x128xf32, #tpu.memory_space<vmem_shared>> -> memref<10112x128xf32, #tpu.memory_space<vmem_shared>>
          tpu.enqueue_indirect_dma source(%arg14 : memref<128x128xf32, #tpu.memory_space<vmem>>) target(%dma_start3A_112 : memref<10112x128xf32, #tpu.memory_space<vmem_shared>>) offsets(%dma_start3A_109 : memref<128xi32, #tpu.memory_space<vmem>>) semaphore(%run_scoped3A_31 : memref<!tpu.dma_semaphore, #tpu.memory_space<semaphore_mem>>) {add = true}
          %gt3A = arith.constant 0 : i32
          %gt3A_113 = arith.cmpi sgt, %add3A_92, %gt3A : i32
          %convert_element_type3A_114 = arith.extui %gt3A_113 : i1 to i32
          %cond3A_115 = arith.constant 0 : i32
          %cond3A_116 = arith.cmpi ne, %convert_element_type3A_114, %cond3A_115 : i32
          scf.if %cond3A_116 {
            %dma_wait3A_160 = arith.constant 0 : i32
            %dma_wait3A_161 = arith.constant 0 : i32
            %dma_wait3A_162 = tpu.memref_slice %arg13[%dma_wait3A_160, %dma_wait3A_161] : memref<1x128xi32, #tpu.memory_space<vmem>> -> memref<1x128xi32, #tpu.memory_space<vmem>>
            %dma_wait3A_163 = tpu.memref_squeeze %dma_wait3A_162 : memref<1x128xi32, #tpu.memory_space<vmem>> -> memref<128xi32, #tpu.memory_space<vmem>>
            %dma_wait3A_164 = arith.constant 0 : i32
            %dma_wait3A_165 = arith.constant 0 : i32
            %dma_wait3A_166 = tpu.memref_slice %arg17[%dma_wait3A_164, %dma_wait3A_165] : memref<10112x128xf32, #tpu.memory_space<vmem_shared>> -> memref<10112x128xf32, #tpu.memory_space<vmem_shared>>
            tpu.wait_indirect_dma semaphore(%run_scoped3A_32 : memref<!tpu.dma_semaphore, #tpu.memory_space<semaphore_mem>>) src(%arg15 : memref<128x128xf32, #tpu.memory_space<vmem>>) dst(%dma_wait3A_166 : memref<10112x128xf32, #tpu.memory_space<vmem_shared>>)
          } else {
          }
          %add3A_117 = arith.addi %mul3A_17, %add3A_98 : i32
          "tpu.region"() ({
            %run_scoped3A_160 = tpu.sem_alloc : memref<!tpu.dma_semaphore, #tpu.memory_space<semaphore_mem>>
            %dma_start3A_161 = arith.constant 0 : i32
            %dma_start3A_162 = tpu.memref_slice %arg3[%add3A_117, %dma_start3A_161] : memref<2528x128xi32, #tpu.memory_space<hbm>> -> memref<1x128xi32, #tpu.memory_space<hbm>>
            %dma_start3A_163 = arith.constant 0 : i32
            %dma_start3A_164 = tpu.memref_slice %arg3[%add3A_117, %dma_start3A_163] : memref<2528x128xi32, #tpu.memory_space<hbm>> -> memref<1x128xi32, #tpu.memory_space<hbm>>
            tpu.enqueue_dma source(%dma_start3A_164 : memref<1x128xi32, #tpu.memory_space<hbm>>) target(%arg12 : memref<1x128xi32, #tpu.memory_space<vmem>>) target_semaphore(%run_scoped3A_160 : memref<!tpu.dma_semaphore, #tpu.memory_space<semaphore_mem>>)
            %dma_wait3A_165 = arith.constant 0 : i32
            %dma_wait3A_166 = tpu.memref_slice %arg3[%add3A_117, %dma_wait3A_165] : memref<2528x128xi32, #tpu.memory_space<hbm>> -> memref<1x128xi32, #tpu.memory_space<hbm>>
            %dma_wait3A_167 = arith.constant 0 : i32
            %dma_wait3A_168 = tpu.memref_slice %arg3[%add3A_117, %dma_wait3A_167] : memref<2528x128xi32, #tpu.memory_space<hbm>> -> memref<1x128xi32, #tpu.memory_space<hbm>>
            tpu.wait_dma2 semaphore(%run_scoped3A_160 : memref<!tpu.dma_semaphore, #tpu.memory_space<semaphore_mem>>) src(%dma_wait3A_168 : memref<1x128xi32, #tpu.memory_space<hbm>>) dst(%arg12 : memref<1x128xi32, #tpu.memory_space<vmem>>)
            tpu.yield
          }) : () -> ()
          %add3A_118 = arith.addi %mul3A_17, %add3A_98 : i32
          "tpu.region"() ({
            %run_scoped3A_160 = tpu.sem_alloc : memref<!tpu.dma_semaphore, #tpu.memory_space<semaphore_mem>>
            %dma_start3A_161 = arith.constant 0 : i32
            %dma_start3A_162 = tpu.memref_slice %arg4[%add3A_118, %dma_start3A_161] : memref<2528x128xi32, #tpu.memory_space<hbm>> -> memref<1x128xi32, #tpu.memory_space<hbm>>
            %dma_start3A_163 = arith.constant 0 : i32
            %dma_start3A_164 = tpu.memref_slice %arg4[%add3A_118, %dma_start3A_163] : memref<2528x128xi32, #tpu.memory_space<hbm>> -> memref<1x128xi32, #tpu.memory_space<hbm>>
            tpu.enqueue_dma source(%dma_start3A_164 : memref<1x128xi32, #tpu.memory_space<hbm>>) target(%arg13 : memref<1x128xi32, #tpu.memory_space<vmem>>) target_semaphore(%run_scoped3A_160 : memref<!tpu.dma_semaphore, #tpu.memory_space<semaphore_mem>>)
            %dma_wait3A_165 = arith.constant 0 : i32
            %dma_wait3A_166 = tpu.memref_slice %arg4[%add3A_118, %dma_wait3A_165] : memref<2528x128xi32, #tpu.memory_space<hbm>> -> memref<1x128xi32, #tpu.memory_space<hbm>>
            %dma_wait3A_167 = arith.constant 0 : i32
            %dma_wait3A_168 = tpu.memref_slice %arg4[%add3A_118, %dma_wait3A_167] : memref<2528x128xi32, #tpu.memory_space<hbm>> -> memref<1x128xi32, #tpu.memory_space<hbm>>
            tpu.wait_dma2 semaphore(%run_scoped3A_160 : memref<!tpu.dma_semaphore, #tpu.memory_space<semaphore_mem>>) src(%dma_wait3A_168 : memref<1x128xi32, #tpu.memory_space<hbm>>) dst(%arg13 : memref<1x128xi32, #tpu.memory_space<vmem>>)
            tpu.yield
          }) : () -> ()
          %dma_start3A_119 = arith.constant 0 : i32
          %dma_start3A_120 = arith.constant 0 : i32
          %dma_start3A_121 = tpu.memref_slice %arg12[%dma_start3A_119, %dma_start3A_120] : memref<1x128xi32, #tpu.memory_space<vmem>> -> memref<1x128xi32, #tpu.memory_space<vmem>>
          %dma_start3A_122 = tpu.memref_squeeze %dma_start3A_121 : memref<1x128xi32, #tpu.memory_space<vmem>> -> memref<128xi32, #tpu.memory_space<vmem>>
          %dma_start3A_123 = arith.constant 0 : i32
          %dma_start3A_124 = arith.constant 0 : i32
          %dma_start3A_125 = tpu.memref_slice %arg2[%dma_start3A_123, %dma_start3A_124] : memref<10112x128xf32, #tpu.memory_space<hbm>> -> memref<10112x128xf32, #tpu.memory_space<hbm>>
          tpu.enqueue_indirect_dma source(%dma_start3A_125 : memref<10112x128xf32, #tpu.memory_space<hbm>>) target(%arg15 : memref<128x128xf32, #tpu.memory_space<vmem>>) offsets(%dma_start3A_122 : memref<128xi32, #tpu.memory_space<vmem>>) semaphore(%run_scoped3A_30 : memref<!tpu.dma_semaphore, #tpu.memory_space<semaphore_mem>>)
          %dma_wait3A_126 = arith.constant 0 : i32
          %dma_wait3A_127 = arith.constant 0 : i32
          %dma_wait3A_128 = tpu.memref_slice %arg12[%dma_wait3A_126, %dma_wait3A_127] : memref<1x128xi32, #tpu.memory_space<vmem>> -> memref<1x128xi32, #tpu.memory_space<vmem>>
          %dma_wait3A_129 = tpu.memref_squeeze %dma_wait3A_128 : memref<1x128xi32, #tpu.memory_space<vmem>> -> memref<128xi32, #tpu.memory_space<vmem>>
          %dma_wait3A_130 = arith.constant 0 : i32
          %dma_wait3A_131 = arith.constant 0 : i32
          %dma_wait3A_132 = tpu.memref_slice %arg2[%dma_wait3A_130, %dma_wait3A_131] : memref<10112x128xf32, #tpu.memory_space<hbm>> -> memref<10112x128xf32, #tpu.memory_space<hbm>>
          tpu.wait_indirect_dma semaphore(%run_scoped3A_30 : memref<!tpu.dma_semaphore, #tpu.memory_space<semaphore_mem>>) src(%dma_wait3A_132 : memref<10112x128xf32, #tpu.memory_space<hbm>>) dst(%arg15 : memref<128x128xf32, #tpu.memory_space<vmem>>)
          %dma_start3A_133 = arith.constant 0 : i32
          %dma_start3A_134 = arith.constant 0 : i32
          %dma_start3A_135 = tpu.memref_slice %arg13[%dma_start3A_133, %dma_start3A_134] : memref<1x128xi32, #tpu.memory_space<vmem>> -> memref<1x128xi32, #tpu.memory_space<vmem>>
          %dma_start3A_136 = tpu.memref_squeeze %dma_start3A_135 : memref<1x128xi32, #tpu.memory_space<vmem>> -> memref<128xi32, #tpu.memory_space<vmem>>
          %dma_start3A_137 = arith.constant 0 : i32
          %dma_start3A_138 = arith.constant 0 : i32
          %dma_start3A_139 = tpu.memref_slice %arg17[%dma_start3A_137, %dma_start3A_138] : memref<10112x128xf32, #tpu.memory_space<vmem_shared>> -> memref<10112x128xf32, #tpu.memory_space<vmem_shared>>
          tpu.enqueue_indirect_dma source(%arg15 : memref<128x128xf32, #tpu.memory_space<vmem>>) target(%dma_start3A_139 : memref<10112x128xf32, #tpu.memory_space<vmem_shared>>) offsets(%dma_start3A_136 : memref<128xi32, #tpu.memory_space<vmem>>) semaphore(%run_scoped3A_32 : memref<!tpu.dma_semaphore, #tpu.memory_space<semaphore_mem>>) {add = true}
          %dma_wait3A_140 = arith.constant 0 : i32
          %dma_wait3A_141 = arith.constant 0 : i32
          %dma_wait3A_142 = tpu.memref_slice %arg11[%dma_wait3A_140, %dma_wait3A_141] : memref<1x128xi32, #tpu.memory_space<vmem>> -> memref<1x128xi32, #tpu.memory_space<vmem>>
          %dma_wait3A_143 = tpu.memref_squeeze %dma_wait3A_142 : memref<1x128xi32, #tpu.memory_space<vmem>> -> memref<128xi32, #tpu.memory_space<vmem>>
          %dma_wait3A_144 = arith.constant 0 : i32
          %dma_wait3A_145 = arith.constant 0 : i32
          %dma_wait3A_146 = tpu.memref_slice %arg17[%dma_wait3A_144, %dma_wait3A_145] : memref<10112x128xf32, #tpu.memory_space<vmem_shared>> -> memref<10112x128xf32, #tpu.memory_space<vmem_shared>>
          tpu.wait_indirect_dma semaphore(%run_scoped3A_31 : memref<!tpu.dma_semaphore, #tpu.memory_space<semaphore_mem>>) src(%arg14 : memref<128x128xf32, #tpu.memory_space<vmem>>) dst(%dma_wait3A_146 : memref<10112x128xf32, #tpu.memory_space<vmem_shared>>)
          %add3A_147 = arith.constant 2 : i32
          %add3A_148 = arith.addi %mul3A_94, %add3A_147 : i32
          %add3A_149 = arith.addi %mul3A_17, %add3A_148 : i32
          "tpu.region"() ({
            %run_scoped3A_160 = tpu.sem_alloc : memref<!tpu.dma_semaphore, #tpu.memory_space<semaphore_mem>>
            %dma_start3A_161 = arith.constant 0 : i32
            %dma_start3A_162 = tpu.memref_slice %arg3[%add3A_149, %dma_start3A_161] : memref<2528x128xi32, #tpu.memory_space<hbm>> -> memref<1x128xi32, #tpu.memory_space<hbm>>
            %dma_start3A_163 = arith.constant 0 : i32
            %dma_start3A_164 = tpu.memref_slice %arg3[%add3A_149, %dma_start3A_163] : memref<2528x128xi32, #tpu.memory_space<hbm>> -> memref<1x128xi32, #tpu.memory_space<hbm>>
            tpu.enqueue_dma source(%dma_start3A_164 : memref<1x128xi32, #tpu.memory_space<hbm>>) target(%arg10 : memref<1x128xi32, #tpu.memory_space<vmem>>) target_semaphore(%run_scoped3A_160 : memref<!tpu.dma_semaphore, #tpu.memory_space<semaphore_mem>>)
            %dma_wait3A_165 = arith.constant 0 : i32
            %dma_wait3A_166 = tpu.memref_slice %arg3[%add3A_149, %dma_wait3A_165] : memref<2528x128xi32, #tpu.memory_space<hbm>> -> memref<1x128xi32, #tpu.memory_space<hbm>>
            %dma_wait3A_167 = arith.constant 0 : i32
            %dma_wait3A_168 = tpu.memref_slice %arg3[%add3A_149, %dma_wait3A_167] : memref<2528x128xi32, #tpu.memory_space<hbm>> -> memref<1x128xi32, #tpu.memory_space<hbm>>
            tpu.wait_dma2 semaphore(%run_scoped3A_160 : memref<!tpu.dma_semaphore, #tpu.memory_space<semaphore_mem>>) src(%dma_wait3A_168 : memref<1x128xi32, #tpu.memory_space<hbm>>) dst(%arg10 : memref<1x128xi32, #tpu.memory_space<vmem>>)
            tpu.yield
          }) : () -> ()
          %add3A_150 = arith.constant 2 : i32
          %add3A_151 = arith.addi %mul3A_94, %add3A_150 : i32
          %add3A_152 = arith.addi %mul3A_17, %add3A_151 : i32
          "tpu.region"() ({
            %run_scoped3A_160 = tpu.sem_alloc : memref<!tpu.dma_semaphore, #tpu.memory_space<semaphore_mem>>
            %dma_start3A_161 = arith.constant 0 : i32
            %dma_start3A_162 = tpu.memref_slice %arg4[%add3A_152, %dma_start3A_161] : memref<2528x128xi32, #tpu.memory_space<hbm>> -> memref<1x128xi32, #tpu.memory_space<hbm>>
            %dma_start3A_163 = arith.constant 0 : i32
            %dma_start3A_164 = tpu.memref_slice %arg4[%add3A_152, %dma_start3A_163] : memref<2528x128xi32, #tpu.memory_space<hbm>> -> memref<1x128xi32, #tpu.memory_space<hbm>>
            tpu.enqueue_dma source(%dma_start3A_164 : memref<1x128xi32, #tpu.memory_space<hbm>>) target(%arg11 : memref<1x128xi32, #tpu.memory_space<vmem>>) target_semaphore(%run_scoped3A_160 : memref<!tpu.dma_semaphore, #tpu.memory_space<semaphore_mem>>)
            %dma_wait3A_165 = arith.constant 0 : i32
            %dma_wait3A_166 = tpu.memref_slice %arg4[%add3A_152, %dma_wait3A_165] : memref<2528x128xi32, #tpu.memory_space<hbm>> -> memref<1x128xi32, #tpu.memory_space<hbm>>
            %dma_wait3A_167 = arith.constant 0 : i32
            %dma_wait3A_168 = tpu.memref_slice %arg4[%add3A_152, %dma_wait3A_167] : memref<2528x128xi32, #tpu.memory_space<hbm>> -> memref<1x128xi32, #tpu.memory_space<hbm>>
            tpu.wait_dma2 semaphore(%run_scoped3A_160 : memref<!tpu.dma_semaphore, #tpu.memory_space<semaphore_mem>>) src(%dma_wait3A_168 : memref<1x128xi32, #tpu.memory_space<hbm>>) dst(%arg11 : memref<1x128xi32, #tpu.memory_space<vmem>>)
            tpu.yield
          }) : () -> ()
          %dma_start3A_153 = arith.constant 0 : i32
          %dma_start3A_154 = arith.constant 0 : i32
          %dma_start3A_155 = tpu.memref_slice %arg10[%dma_start3A_153, %dma_start3A_154] : memref<1x128xi32, #tpu.memory_space<vmem>> -> memref<1x128xi32, #tpu.memory_space<vmem>>
          %dma_start3A_156 = tpu.memref_squeeze %dma_start3A_155 : memref<1x128xi32, #tpu.memory_space<vmem>> -> memref<128xi32, #tpu.memory_space<vmem>>
          %dma_start3A_157 = arith.constant 0 : i32
          %dma_start3A_158 = arith.constant 0 : i32
          %dma_start3A_159 = tpu.memref_slice %arg2[%dma_start3A_157, %dma_start3A_158] : memref<10112x128xf32, #tpu.memory_space<hbm>> -> memref<10112x128xf32, #tpu.memory_space<hbm>>
          tpu.enqueue_indirect_dma source(%dma_start3A_159 : memref<10112x128xf32, #tpu.memory_space<hbm>>) target(%arg14 : memref<128x128xf32, #tpu.memory_space<vmem>>) offsets(%dma_start3A_156 : memref<128xi32, #tpu.memory_space<vmem>>) semaphore(%run_scoped3A : memref<!tpu.dma_semaphore, #tpu.memory_space<semaphore_mem>>)
        }
        %scan3A_60 = arith.constant 39 : i32
        %dma_wait3A = arith.constant 0 : i32
        %dma_wait3A_61 = arith.constant 0 : i32
        %dma_wait3A_62 = tpu.memref_slice %arg10[%dma_wait3A, %dma_wait3A_61] : memref<1x128xi32, #tpu.memory_space<vmem>> -> memref<1x128xi32, #tpu.memory_space<vmem>>
        %dma_wait3A_63 = tpu.memref_squeeze %dma_wait3A_62 : memref<1x128xi32, #tpu.memory_space<vmem>> -> memref<128xi32, #tpu.memory_space<vmem>>
        %dma_wait3A_64 = arith.constant 0 : i32
        %dma_wait3A_65 = arith.constant 0 : i32
        %dma_wait3A_66 = tpu.memref_slice %arg2[%dma_wait3A_64, %dma_wait3A_65] : memref<10112x128xf32, #tpu.memory_space<hbm>> -> memref<10112x128xf32, #tpu.memory_space<hbm>>
        tpu.wait_indirect_dma semaphore(%run_scoped3A : memref<!tpu.dma_semaphore, #tpu.memory_space<semaphore_mem>>) src(%dma_wait3A_66 : memref<10112x128xf32, #tpu.memory_space<hbm>>) dst(%arg14 : memref<128x128xf32, #tpu.memory_space<vmem>>)
        %dma_start3A_67 = arith.constant 0 : i32
        %dma_start3A_68 = arith.constant 0 : i32
        %dma_start3A_69 = tpu.memref_slice %arg11[%dma_start3A_67, %dma_start3A_68] : memref<1x128xi32, #tpu.memory_space<vmem>> -> memref<1x128xi32, #tpu.memory_space<vmem>>
        %dma_start3A_70 = tpu.memref_squeeze %dma_start3A_69 : memref<1x128xi32, #tpu.memory_space<vmem>> -> memref<128xi32, #tpu.memory_space<vmem>>
        %dma_start3A_71 = arith.constant 0 : i32
        %dma_start3A_72 = arith.constant 0 : i32
        %dma_start3A_73 = tpu.memref_slice %arg17[%dma_start3A_71, %dma_start3A_72] : memref<10112x128xf32, #tpu.memory_space<vmem_shared>> -> memref<10112x128xf32, #tpu.memory_space<vmem_shared>>
        tpu.enqueue_indirect_dma source(%arg14 : memref<128x128xf32, #tpu.memory_space<vmem>>) target(%dma_start3A_73 : memref<10112x128xf32, #tpu.memory_space<vmem_shared>>) offsets(%dma_start3A_70 : memref<128xi32, #tpu.memory_space<vmem>>) semaphore(%run_scoped3A_31 : memref<!tpu.dma_semaphore, #tpu.memory_space<semaphore_mem>>) {add = true}
        %dma_wait3A_74 = arith.constant 0 : i32
        %dma_wait3A_75 = arith.constant 0 : i32
        %dma_wait3A_76 = tpu.memref_slice %arg13[%dma_wait3A_74, %dma_wait3A_75] : memref<1x128xi32, #tpu.memory_space<vmem>> -> memref<1x128xi32, #tpu.memory_space<vmem>>
        %dma_wait3A_77 = tpu.memref_squeeze %dma_wait3A_76 : memref<1x128xi32, #tpu.memory_space<vmem>> -> memref<128xi32, #tpu.memory_space<vmem>>
        %dma_wait3A_78 = arith.constant 0 : i32
        %dma_wait3A_79 = arith.constant 0 : i32
        %dma_wait3A_80 = tpu.memref_slice %arg17[%dma_wait3A_78, %dma_wait3A_79] : memref<10112x128xf32, #tpu.memory_space<vmem_shared>> -> memref<10112x128xf32, #tpu.memory_space<vmem_shared>>
        tpu.wait_indirect_dma semaphore(%run_scoped3A_32 : memref<!tpu.dma_semaphore, #tpu.memory_space<semaphore_mem>>) src(%arg15 : memref<128x128xf32, #tpu.memory_space<vmem>>) dst(%dma_wait3A_80 : memref<10112x128xf32, #tpu.memory_space<vmem_shared>>)
        %dma_wait3A_81 = arith.constant 0 : i32
        %dma_wait3A_82 = arith.constant 0 : i32
        %dma_wait3A_83 = tpu.memref_slice %arg11[%dma_wait3A_81, %dma_wait3A_82] : memref<1x128xi32, #tpu.memory_space<vmem>> -> memref<1x128xi32, #tpu.memory_space<vmem>>
        %dma_wait3A_84 = tpu.memref_squeeze %dma_wait3A_83 : memref<1x128xi32, #tpu.memory_space<vmem>> -> memref<128xi32, #tpu.memory_space<vmem>>
        %dma_wait3A_85 = arith.constant 0 : i32
        %dma_wait3A_86 = arith.constant 0 : i32
        %dma_wait3A_87 = tpu.memref_slice %arg17[%dma_wait3A_85, %dma_wait3A_86] : memref<10112x128xf32, #tpu.memory_space<vmem_shared>> -> memref<10112x128xf32, #tpu.memory_space<vmem_shared>>
        tpu.wait_indirect_dma semaphore(%run_scoped3A_31 : memref<!tpu.dma_semaphore, #tpu.memory_space<semaphore_mem>>) src(%arg14 : memref<128x128xf32, #tpu.memory_space<vmem>>) dst(%dma_wait3A_87 : memref<10112x128xf32, #tpu.memory_space<vmem_shared>>)
      } else {
      }
      %and3A_39 = arith.constant 1 : i32
      %and3A_40 = arith.andi %reduce_max3A_25, %and3A_39 : i32
      %eq3A_41 = arith.constant 1 : i32
      %eq3A_42 = arith.cmpi eq, %and3A_40, %eq3A_41 : i32
      %convert_element_type3A_43 = arith.extui %eq3A_42 : i1 to i32
      %cond3A_44 = arith.constant 0 : i32
      %cond3A_45 = arith.cmpi ne, %convert_element_type3A_43, %cond3A_44 : i32
      scf.if %cond3A_45 {
        %scan3A_46 = arith.constant 0 : i32
        %scan3A_47 = arith.constant 128 : i32
        %scan3A_48 = arith.addi %scan3A_46, %scan3A_47 : i32
        %scan3A_49 = arith.constant 1 : i32
        scf.for %scan3A_86 = %scan3A_46 to %scan3A_48 step %scan3A_49  : i32 {
          %mul3A_87 = arith.constant 1 : i32
          %mul3A_88 = arith.muli %scan3A_86, %mul3A_87 : i32
          %add3A_89 = arith.constant 0 : i32
          %add3A_90 = arith.addi %add3A_89, %mul3A_88 : i32
          %scan3A_91 = arith.constant 0 : i32
          %scan3A_92 = arith.constant 8 : i32
          %scan3A_93 = arith.addi %scan3A_91, %scan3A_92 : i32
          %scan3A_94 = arith.constant 1 : i32
          scf.for %scan3A_96 = %scan3A_91 to %scan3A_93 step %scan3A_94  : i32 {
            %mul3A_97 = arith.constant 1 : i32
            %mul3A_98 = arith.muli %scan3A_96, %mul3A_97 : i32
            %add3A_99 = arith.constant 0 : i32
            %add3A_100 = arith.addi %add3A_99, %mul3A_98 : i32
            %broadcast_in_dim3A = arith.constant 1.000000e+00 : f32
            %broadcast_in_dim3A_101 = vector.broadcast %broadcast_in_dim3A : f32 to vector<16xf32>
            %mul3A_102 = arith.constant 16 : i32
            %mul3A_103 = arith.muli %add3A_100, %mul3A_102 : i32
            %swap3A = arith.index_cast %add3A_90 : i32 to index
            %swap3A_104 = arith.index_cast %mul3A_103 : i32 to index
            %swap3A_105 = tpu.vector_load %arg16[%swap3A, %swap3A_104] {strides = array<i32>} : memref<128x128xf32, #tpu.memory_space<vmem>>, vector<16xf32>,
            tpu.vector_store %arg16[%swap3A, %swap3A_104], %broadcast_in_dim3A_101 {strides = array<i32>} : memref<128x128xf32, #tpu.memory_space<vmem>>, vector<16xf32>,
          }
          %scan3A_95 = arith.constant 8 : i32
        }
        %scan3A_50 = arith.constant 128 : i32
        %add3A_51 = arith.constant 0 : i32
        %add3A_52 = arith.addi %mul3A_17, %add3A_51 : i32
        "tpu.region"() ({
          %run_scoped3A_86 = tpu.sem_alloc : memref<!tpu.dma_semaphore, #tpu.memory_space<semaphore_mem>>
          %dma_start3A_87 = arith.constant 0 : i32
          %dma_start3A_88 = tpu.memref_slice %arg4[%add3A_52, %dma_start3A_87] : memref<2528x128xi32, #tpu.memory_space<hbm>> -> memref<1x128xi32, #tpu.memory_space<hbm>>
          %dma_start3A_89 = arith.constant 0 : i32
          %dma_start3A_90 = tpu.memref_slice %arg4[%add3A_52, %dma_start3A_89] : memref<2528x128xi32, #tpu.memory_space<hbm>> -> memref<1x128xi32, #tpu.memory_space<hbm>>
          tpu.enqueue_dma source(%dma_start3A_90 : memref<1x128xi32, #tpu.memory_space<hbm>>) target(%arg11 : memref<1x128xi32, #tpu.memory_space<vmem>>) target_semaphore(%run_scoped3A_86 : memref<!tpu.dma_semaphore, #tpu.memory_space<semaphore_mem>>)
          %dma_wait3A_91 = arith.constant 0 : i32
          %dma_wait3A_92 = tpu.memref_slice %arg4[%add3A_52, %dma_wait3A_91] : memref<2528x128xi32, #tpu.memory_space<hbm>> -> memref<1x128xi32, #tpu.memory_space<hbm>>
          %dma_wait3A_93 = arith.constant 0 : i32
          %dma_wait3A_94 = tpu.memref_slice %arg4[%add3A_52, %dma_wait3A_93] : memref<2528x128xi32, #tpu.memory_space<hbm>> -> memref<1x128xi32, #tpu.memory_space<hbm>>
          tpu.wait_dma2 semaphore(%run_scoped3A_86 : memref<!tpu.dma_semaphore, #tpu.memory_space<semaphore_mem>>) src(%dma_wait3A_94 : memref<1x128xi32, #tpu.memory_space<hbm>>) dst(%arg11 : memref<1x128xi32, #tpu.memory_space<vmem>>)
          tpu.yield
        }) : () -> ()
        %dma_start3A = arith.constant 0 : i32
        %dma_start3A_53 = arith.constant 0 : i32
        %dma_start3A_54 = tpu.memref_slice %arg11[%dma_start3A, %dma_start3A_53] : memref<1x128xi32, #tpu.memory_space<vmem>> -> memref<1x128xi32, #tpu.memory_space<vmem>>
        %dma_start3A_55 = tpu.memref_squeeze %dma_start3A_54 : memref<1x128xi32, #tpu.memory_space<vmem>> -> memref<128xi32, #tpu.memory_space<vmem>>
        %dma_start3A_56 = arith.constant 0 : i32
        %dma_start3A_57 = arith.constant 0 : i32
        %dma_start3A_58 = tpu.memref_slice %arg17[%dma_start3A_56, %dma_start3A_57] : memref<10112x128xf32, #tpu.memory_space<vmem_shared>> -> memref<10112x128xf32, #tpu.memory_space<vmem_shared>>
        tpu.enqueue_indirect_dma source(%arg16 : memref<128x128xf32, #tpu.memory_space<vmem>>) target(%dma_start3A_58 : memref<10112x128xf32, #tpu.memory_space<vmem_shared>>) offsets(%dma_start3A_55 : memref<128xi32, #tpu.memory_space<vmem>>) semaphore(%run_scoped3A_31 : memref<!tpu.dma_semaphore, #tpu.memory_space<semaphore_mem>>) {add = true}
        %add3A_59 = arith.constant 1 : i32
        %add3A_60 = arith.addi %mul3A_17, %add3A_59 : i32
        "tpu.region"() ({
          %run_scoped3A_86 = tpu.sem_alloc : memref<!tpu.dma_semaphore, #tpu.memory_space<semaphore_mem>>
          %dma_start3A_87 = arith.constant 0 : i32
          %dma_start3A_88 = tpu.memref_slice %arg4[%add3A_60, %dma_start3A_87] : memref<2528x128xi32, #tpu.memory_space<hbm>> -> memref<1x128xi32, #tpu.memory_space<hbm>>
          %dma_start3A_89 = arith.constant 0 : i32
          %dma_start3A_90 = tpu.memref_slice %arg4[%add3A_60, %dma_start3A_89] : memref<2528x128xi32, #tpu.memory_space<hbm>> -> memref<1x128xi32, #tpu.memory_space<hbm>>
          tpu.enqueue_dma source(%dma_start3A_90 : memref<1x128xi32, #tpu.memory_space<hbm>>) target(%arg13 : memref<1x128xi32, #tpu.memory_space<vmem>>) target_semaphore(%run_scoped3A_86 : memref<!tpu.dma_semaphore, #tpu.memory_space<semaphore_mem>>)
          %dma_wait3A_91 = arith.constant 0 : i32
          %dma_wait3A_92 = tpu.memref_slice %arg4[%add3A_60, %dma_wait3A_91] : memref<2528x128xi32, #tpu.memory_space<hbm>> -> memref<1x128xi32, #tpu.memory_space<hbm>>
          %dma_wait3A_93 = arith.constant 0 : i32
          %dma_wait3A_94 = tpu.memref_slice %arg4[%add3A_60, %dma_wait3A_93] : memref<2528x128xi32, #tpu.memory_space<hbm>> -> memref<1x128xi32, #tpu.memory_space<hbm>>
          tpu.wait_dma2 semaphore(%run_scoped3A_86 : memref<!tpu.dma_semaphore, #tpu.memory_space<semaphore_mem>>) src(%dma_wait3A_94 : memref<1x128xi32, #tpu.memory_space<hbm>>) dst(%arg13 : memref<1x128xi32, #tpu.memory_space<vmem>>)
          tpu.yield
        }) : () -> ()
        %dma_start3A_61 = arith.constant 0 : i32
        %dma_start3A_62 = arith.constant 0 : i32
        %dma_start3A_63 = tpu.memref_slice %arg13[%dma_start3A_61, %dma_start3A_62] : memref<1x128xi32, #tpu.memory_space<vmem>> -> memref<1x128xi32, #tpu.memory_space<vmem>>
        %dma_start3A_64 = tpu.memref_squeeze %dma_start3A_63 : memref<1x128xi32, #tpu.memory_space<vmem>> -> memref<128xi32, #tpu.memory_space<vmem>>
        %dma_start3A_65 = arith.constant 0 : i32
        %dma_start3A_66 = arith.constant 0 : i32
        %dma_start3A_67 = tpu.memref_slice %arg17[%dma_start3A_65, %dma_start3A_66] : memref<10112x128xf32, #tpu.memory_space<vmem_shared>> -> memref<10112x128xf32, #tpu.memory_space<vmem_shared>>
        tpu.enqueue_indirect_dma source(%arg16 : memref<128x128xf32, #tpu.memory_space<vmem>>) target(%dma_start3A_67 : memref<10112x128xf32, #tpu.memory_space<vmem_shared>>) offsets(%dma_start3A_64 : memref<128xi32, #tpu.memory_space<vmem>>) semaphore(%run_scoped3A_32 : memref<!tpu.dma_semaphore, #tpu.memory_space<semaphore_mem>>) {add = true}
        %scan3A_68 = arith.constant 0 : i32
        %scan3A_69 = arith.constant 39 : i32
        %scan3A_70 = arith.addi %scan3A_68, %scan3A_69 : i32
        %scan3A_71 = arith.constant 1 : i32
        scf.for %scan3A_86 = %scan3A_68 to %scan3A_70 step %scan3A_71  : i32 {
          %mul3A_87 = arith.constant 1 : i32
          %mul3A_88 = arith.muli %scan3A_86, %mul3A_87 : i32
          %add3A_89 = arith.constant 0 : i32
          %add3A_90 = arith.addi %add3A_89, %mul3A_88 : i32
          %dma_wait3A_91 = arith.constant 0 : i32
          %dma_wait3A_92 = arith.constant 0 : i32
          %dma_wait3A_93 = tpu.memref_slice %arg11[%dma_wait3A_91, %dma_wait3A_92] : memref<1x128xi32, #tpu.memory_space<vmem>> -> memref<1x128xi32, #tpu.memory_space<vmem>>
          %dma_wait3A_94 = tpu.memref_squeeze %dma_wait3A_93 : memref<1x128xi32, #tpu.memory_space<vmem>> -> memref<128xi32, #tpu.memory_space<vmem>>
          %dma_wait3A_95 = arith.constant 0 : i32
          %dma_wait3A_96 = arith.constant 0 : i32
          %dma_wait3A_97 = tpu.memref_slice %arg17[%dma_wait3A_95, %dma_wait3A_96] : memref<10112x128xf32, #tpu.memory_space<vmem_shared>> -> memref<10112x128xf32, #tpu.memory_space<vmem_shared>>
          tpu.wait_indirect_dma semaphore(%run_scoped3A_31 : memref<!tpu.dma_semaphore, #tpu.memory_space<semaphore_mem>>) src(%arg16 : memref<128x128xf32, #tpu.memory_space<vmem>>) dst(%dma_wait3A_97 : memref<10112x128xf32, #tpu.memory_space<vmem_shared>>)
          %mul3A_98 = arith.constant 2 : i32
          %mul3A_99 = arith.muli %mul3A_98, %add3A_90 : i32
          %add3A_100 = arith.constant 2 : i32
          %add3A_101 = arith.addi %mul3A_99, %add3A_100 : i32
          %add3A_102 = arith.addi %mul3A_17, %add3A_101 : i32
          "tpu.region"() ({
            %run_scoped3A_118 = tpu.sem_alloc : memref<!tpu.dma_semaphore, #tpu.memory_space<semaphore_mem>>
            %dma_start3A_119 = arith.constant 0 : i32
            %dma_start3A_120 = tpu.memref_slice %arg4[%add3A_102, %dma_start3A_119] : memref<2528x128xi32, #tpu.memory_space<hbm>> -> memref<1x128xi32, #tpu.memory_space<hbm>>
            %dma_start3A_121 = arith.constant 0 : i32
            %dma_start3A_122 = tpu.memref_slice %arg4[%add3A_102, %dma_start3A_121] : memref<2528x128xi32, #tpu.memory_space<hbm>> -> memref<1x128xi32, #tpu.memory_space<hbm>>
            tpu.enqueue_dma source(%dma_start3A_122 : memref<1x128xi32, #tpu.memory_space<hbm>>) target(%arg11 : memref<1x128xi32, #tpu.memory_space<vmem>>) target_semaphore(%run_scoped3A_118 : memref<!tpu.dma_semaphore, #tpu.memory_space<semaphore_mem>>)
            %dma_wait3A_123 = arith.constant 0 : i32
            %dma_wait3A_124 = tpu.memref_slice %arg4[%add3A_102, %dma_wait3A_123] : memref<2528x128xi32, #tpu.memory_space<hbm>> -> memref<1x128xi32, #tpu.memory_space<hbm>>
            %dma_wait3A_125 = arith.constant 0 : i32
            %dma_wait3A_126 = tpu.memref_slice %arg4[%add3A_102, %dma_wait3A_125] : memref<2528x128xi32, #tpu.memory_space<hbm>> -> memref<1x128xi32, #tpu.memory_space<hbm>>
            tpu.wait_dma2 semaphore(%run_scoped3A_118 : memref<!tpu.dma_semaphore, #tpu.memory_space<semaphore_mem>>) src(%dma_wait3A_126 : memref<1x128xi32, #tpu.memory_space<hbm>>) dst(%arg11 : memref<1x128xi32, #tpu.memory_space<vmem>>)
            tpu.yield
          }) : () -> ()
          %dma_start3A_103 = arith.constant 0 : i32
          %dma_start3A_104 = arith.constant 0 : i32
          %dma_start3A_105 = tpu.memref_slice %arg11[%dma_start3A_103, %dma_start3A_104] : memref<1x128xi32, #tpu.memory_space<vmem>> -> memref<1x128xi32, #tpu.memory_space<vmem>>
          %dma_start3A_106 = tpu.memref_squeeze %dma_start3A_105 : memref<1x128xi32, #tpu.memory_space<vmem>> -> memref<128xi32, #tpu.memory_space<vmem>>
          %dma_start3A_107 = arith.constant 0 : i32
          %dma_start3A_108 = arith.constant 0 : i32
          %dma_start3A_109 = tpu.memref_slice %arg17[%dma_start3A_107, %dma_start3A_108] : memref<10112x128xf32, #tpu.memory_space<vmem_shared>> -> memref<10112x128xf32, #tpu.memory_space<vmem_shared>>
          tpu.enqueue_indirect_dma source(%arg16 : memref<128x128xf32, #tpu.memory_space<vmem>>) target(%dma_start3A_109 : memref<10112x128xf32, #tpu.memory_space<vmem_shared>>) offsets(%dma_start3A_106 : memref<128xi32, #tpu.memory_space<vmem>>) semaphore(%run_scoped3A_31 : memref<!tpu.dma_semaphore, #tpu.memory_space<semaphore_mem>>) {add = true}
          %mul3A_110 = arith.constant 2 : i32
          %mul3A_111 = arith.muli %mul3A_110, %add3A_90 : i32
          %add3A_112 = arith.constant 3 : i32
          %add3A_113 = arith.addi %mul3A_111, %add3A_112 : i32
          %lt3A = arith.constant 79 : i32
          %lt3A_114 = arith.cmpi slt, %add3A_113, %lt3A : i32
          %convert_element_type3A_115 = arith.extui %lt3A_114 : i1 to i32
          %cond3A_116 = arith.constant 0 : i32
          %cond3A_117 = arith.cmpi ne, %convert_element_type3A_115, %cond3A_116 : i32
          scf.if %cond3A_117 {
            %dma_wait3A_118 = arith.constant 0 : i32
            %dma_wait3A_119 = arith.constant 0 : i32
            %dma_wait3A_120 = tpu.memref_slice %arg13[%dma_wait3A_118, %dma_wait3A_119] : memref<1x128xi32, #tpu.memory_space<vmem>> -> memref<1x128xi32, #tpu.memory_space<vmem>>
            %dma_wait3A_121 = tpu.memref_squeeze %dma_wait3A_120 : memref<1x128xi32, #tpu.memory_space<vmem>> -> memref<128xi32, #tpu.memory_space<vmem>>
            %dma_wait3A_122 = arith.constant 0 : i32
            %dma_wait3A_123 = arith.constant 0 : i32
            %dma_wait3A_124 = tpu.memref_slice %arg17[%dma_wait3A_122, %dma_wait3A_123] : memref<10112x128xf32, #tpu.memory_space<vmem_shared>> -> memref<10112x128xf32, #tpu.memory_space<vmem_shared>>
            tpu.wait_indirect_dma semaphore(%run_scoped3A_32 : memref<!tpu.dma_semaphore, #tpu.memory_space<semaphore_mem>>) src(%arg16 : memref<128x128xf32, #tpu.memory_space<vmem>>) dst(%dma_wait3A_124 : memref<10112x128xf32, #tpu.memory_space<vmem_shared>>)
            %mul3A_125 = arith.constant 2 : i32
            %mul3A_126 = arith.muli %mul3A_125, %add3A_90 : i32
            %add3A_127 = arith.constant 3 : i32
            %add3A_128 = arith.addi %mul3A_126, %add3A_127 : i32
            %add3A_129 = arith.addi %mul3A_17, %add3A_128 : i32
            "tpu.region"() ({
              %run_scoped3A_137 = tpu.sem_alloc : memref<!tpu.dma_semaphore, #tpu.memory_space<semaphore_mem>>
              %dma_start3A_138 = arith.constant 0 : i32
              %dma_start3A_139 = tpu.memref_slice %arg4[%add3A_129, %dma_start3A_138] : memref<2528x128xi32, #tpu.memory_space<hbm>> -> memref<1x128xi32, #tpu.memory_space<hbm>>
              %dma_start3A_140 = arith.constant 0 : i32
              %dma_start3A_141 = tpu.memref_slice %arg4[%add3A_129, %dma_start3A_140] : memref<2528x128xi32, #tpu.memory_space<hbm>> -> memref<1x128xi32, #tpu.memory_space<hbm>>
              tpu.enqueue_dma source(%dma_start3A_141 : memref<1x128xi32, #tpu.memory_space<hbm>>) target(%arg13 : memref<1x128xi32, #tpu.memory_space<vmem>>) target_semaphore(%run_scoped3A_137 : memref<!tpu.dma_semaphore, #tpu.memory_space<semaphore_mem>>)
              %dma_wait3A_142 = arith.constant 0 : i32
              %dma_wait3A_143 = tpu.memref_slice %arg4[%add3A_129, %dma_wait3A_142] : memref<2528x128xi32, #tpu.memory_space<hbm>> -> memref<1x128xi32, #tpu.memory_space<hbm>>
              %dma_wait3A_144 = arith.constant 0 : i32
              %dma_wait3A_145 = tpu.memref_slice %arg4[%add3A_129, %dma_wait3A_144] : memref<2528x128xi32, #tpu.memory_space<hbm>> -> memref<1x128xi32, #tpu.memory_space<hbm>>
              tpu.wait_dma2 semaphore(%run_scoped3A_137 : memref<!tpu.dma_semaphore, #tpu.memory_space<semaphore_mem>>) src(%dma_wait3A_145 : memref<1x128xi32, #tpu.memory_space<hbm>>) dst(%arg13 : memref<1x128xi32, #tpu.memory_space<vmem>>)
              tpu.yield
            }) : () -> ()
            %dma_start3A_130 = arith.constant 0 : i32
            %dma_start3A_131 = arith.constant 0 : i32
            %dma_start3A_132 = tpu.memref_slice %arg13[%dma_start3A_130, %dma_start3A_131] : memref<1x128xi32, #tpu.memory_space<vmem>> -> memref<1x128xi32, #tpu.memory_space<vmem>>
            %dma_start3A_133 = tpu.memref_squeeze %dma_start3A_132 : memref<1x128xi32, #tpu.memory_space<vmem>> -> memref<128xi32, #tpu.memory_space<vmem>>
            %dma_start3A_134 = arith.constant 0 : i32
            %dma_start3A_135 = arith.constant 0 : i32
            %dma_start3A_136 = tpu.memref_slice %arg17[%dma_start3A_134, %dma_start3A_135] : memref<10112x128xf32, #tpu.memory_space<vmem_shared>> -> memref<10112x128xf32, #tpu.memory_space<vmem_shared>>
            tpu.enqueue_indirect_dma source(%arg16 : memref<128x128xf32, #tpu.memory_space<vmem>>) target(%dma_start3A_136 : memref<10112x128xf32, #tpu.memory_space<vmem_shared>>) offsets(%dma_start3A_133 : memref<128xi32, #tpu.memory_space<vmem>>) semaphore(%run_scoped3A_32 : memref<!tpu.dma_semaphore, #tpu.memory_space<semaphore_mem>>) {add = true}
          } else {
          }
        }
        %scan3A_72 = arith.constant 39 : i32
        %dma_wait3A = arith.constant 0 : i32
        %dma_wait3A_73 = arith.constant 0 : i32
        %dma_wait3A_74 = tpu.memref_slice %arg13[%dma_wait3A, %dma_wait3A_73] : memref<1x128xi32, #tpu.memory_space<vmem>> -> memref<1x128xi32, #tpu.memory_space<vmem>>
        %dma_wait3A_75 = tpu.memref_squeeze %dma_wait3A_74 : memref<1x128xi32, #tpu.memory_space<vmem>> -> memref<128xi32, #tpu.memory_space<vmem>>
        %dma_wait3A_76 = arith.constant 0 : i32
        %dma_wait3A_77 = arith.constant 0 : i32
        %dma_wait3A_78 = tpu.memref_slice %arg17[%dma_wait3A_76, %dma_wait3A_77] : memref<10112x128xf32, #tpu.memory_space<vmem_shared>> -> memref<10112x128xf32, #tpu.memory_space<vmem_shared>>
        tpu.wait_indirect_dma semaphore(%run_scoped3A_32 : memref<!tpu.dma_semaphore, #tpu.memory_space<semaphore_mem>>) src(%arg16 : memref<128x128xf32, #tpu.memory_space<vmem>>) dst(%dma_wait3A_78 : memref<10112x128xf32, #tpu.memory_space<vmem_shared>>)
        %dma_wait3A_79 = arith.constant 0 : i32
        %dma_wait3A_80 = arith.constant 0 : i32
        %dma_wait3A_81 = tpu.memref_slice %arg11[%dma_wait3A_79, %dma_wait3A_80] : memref<1x128xi32, #tpu.memory_space<vmem>> -> memref<1x128xi32, #tpu.memory_space<vmem>>
        %dma_wait3A_82 = tpu.memref_squeeze %dma_wait3A_81 : memref<1x128xi32, #tpu.memory_space<vmem>> -> memref<128xi32, #tpu.memory_space<vmem>>
        %dma_wait3A_83 = arith.constant 0 : i32
        %dma_wait3A_84 = arith.constant 0 : i32
        %dma_wait3A_85 = tpu.memref_slice %arg17[%dma_wait3A_83, %dma_wait3A_84] : memref<10112x128xf32, #tpu.memory_space<vmem_shared>> -> memref<10112x128xf32, #tpu.memory_space<vmem_shared>>
        tpu.wait_indirect_dma semaphore(%run_scoped3A_31 : memref<!tpu.dma_semaphore, #tpu.memory_space<semaphore_mem>>) src(%arg16 : memref<128x128xf32, #tpu.memory_space<vmem>>) dst(%dma_wait3A_85 : memref<10112x128xf32, #tpu.memory_space<vmem_shared>>)
      } else {
      }
      tpu.yield
    }) : () -> ()
    %and3A = arith.constant 2 : i32
    %and3A_26 = arith.andi %reduce_max3A_25, %and3A : i32
    %ne3A = arith.constant 0 : i32
    %ne3A_27 = arith.cmpi ne, %and3A_26, %ne3A : i32
    %convert_element_type3A = arith.extui %ne3A_27 : i1 to i32
    %cond3A = arith.constant 0 : i32
    %cond3A_28 = arith.cmpi ne, %convert_element_type3A, %cond3A : i32
    scf.if %cond3A_28 {
      %scan3A_30 = arith.constant 0 : i32
      %scan3A_31 = arith.constant 3 : i32
      %scan3A_32 = arith.addi %scan3A_30, %scan3A_31 : i32
      %scan3A_33 = arith.constant 1 : i32
      scf.for %scan3A_35 = %scan3A_30 to %scan3A_32 step %scan3A_33  : i32 {
        %mul3A_36 = arith.constant 1 : i32
        %mul3A_37 = arith.muli %scan3A_35, %mul3A_36 : i32
        %add3A_38 = arith.constant 0 : i32
        %add3A_39 = arith.addi %add3A_38, %mul3A_37 : i32
        %mul3A_40 = arith.constant 3 : i32
        %mul3A_41 = arith.muli %add3A, %mul3A_40 : i32
        %add3A_42 = arith.addi %mul3A_41, %add3A_39 : i32
        "tpu.region"() ({
          %run_scoped3A_45 = tpu.sem_alloc : memref<!tpu.dma_semaphore, #tpu.memory_space<semaphore_mem>>
          %dma_start3A = arith.constant 0 : i32
          %dma_start3A_46 = tpu.memref_slice %arg5[%add3A_42, %dma_start3A] : memref<96x128xi32, #tpu.memory_space<hbm>> -> memref<1x128xi32, #tpu.memory_space<hbm>>
          %dma_start3A_47 = arith.constant 0 : i32
          %dma_start3A_48 = tpu.memref_slice %arg5[%add3A_42, %dma_start3A_47] : memref<96x128xi32, #tpu.memory_space<hbm>> -> memref<1x128xi32, #tpu.memory_space<hbm>>
          tpu.enqueue_dma source(%dma_start3A_48 : memref<1x128xi32, #tpu.memory_space<hbm>>) target(%arg10 : memref<1x128xi32, #tpu.memory_space<vmem>>) target_semaphore(%run_scoped3A_45 : memref<!tpu.dma_semaphore, #tpu.memory_space<semaphore_mem>>)
          %dma_wait3A = arith.constant 0 : i32
          %dma_wait3A_49 = tpu.memref_slice %arg5[%add3A_42, %dma_wait3A] : memref<96x128xi32, #tpu.memory_space<hbm>> -> memref<1x128xi32, #tpu.memory_space<hbm>>
          %dma_wait3A_50 = arith.constant 0 : i32
          %dma_wait3A_51 = tpu.memref_slice %arg5[%add3A_42, %dma_wait3A_50] : memref<96x128xi32, #tpu.memory_space<hbm>> -> memref<1x128xi32, #tpu.memory_space<hbm>>
          tpu.wait_dma2 semaphore(%run_scoped3A_45 : memref<!tpu.dma_semaphore, #tpu.memory_space<semaphore_mem>>) src(%dma_wait3A_51 : memref<1x128xi32, #tpu.memory_space<hbm>>) dst(%arg10 : memref<1x128xi32, #tpu.memory_space<vmem>>)
          tpu.yield
        }) : () -> ()
        %run_scoped3A = arith.constant 0 : i32
        "tpu.region"() ({
          %run_scoped3A_45 = tpu.sem_alloc : memref<!tpu.dma_semaphore, #tpu.memory_space<semaphore_mem>>
          %dma_start3A = arith.constant 0 : i32
          %dma_start3A_46 = tpu.memref_slice %arg10[%run_scoped3A, %dma_start3A] : memref<1x128xi32, #tpu.memory_space<vmem>> -> memref<1x128xi32, #tpu.memory_space<vmem>>
          %dma_start3A_47 = tpu.memref_squeeze %dma_start3A_46 : memref<1x128xi32, #tpu.memory_space<vmem>> -> memref<128xi32, #tpu.memory_space<vmem>>
          %dma_start3A_48 = arith.constant 0 : i32
          %dma_start3A_49 = arith.constant 0 : i32
          %dma_start3A_50 = tpu.memref_slice %arg6[%dma_start3A_48, %dma_start3A_49] : memref<10000x128xf32, #tpu.memory_space<hbm>> -> memref<10000x128xf32, #tpu.memory_space<hbm>>
          tpu.enqueue_indirect_dma source(%dma_start3A_50 : memref<10000x128xf32, #tpu.memory_space<hbm>>) target(%arg14 : memref<128x128xf32, #tpu.memory_space<vmem>>) offsets(%dma_start3A_47 : memref<128xi32, #tpu.memory_space<vmem>>) semaphore(%run_scoped3A_45 : memref<!tpu.dma_semaphore, #tpu.memory_space<semaphore_mem>>)
          %dma_wait3A = arith.constant 0 : i32
          %dma_wait3A_51 = tpu.memref_slice %arg10[%run_scoped3A, %dma_wait3A] : memref<1x128xi32, #tpu.memory_space<vmem>> -> memref<1x128xi32, #tpu.memory_space<vmem>>
          %dma_wait3A_52 = tpu.memref_squeeze %dma_wait3A_51 : memref<1x128xi32, #tpu.memory_space<vmem>> -> memref<128xi32, #tpu.memory_space<vmem>>
          %dma_wait3A_53 = arith.constant 0 : i32
          %dma_wait3A_54 = arith.constant 0 : i32
          %dma_wait3A_55 = tpu.memref_slice %arg6[%dma_wait3A_53, %dma_wait3A_54] : memref<10000x128xf32, #tpu.memory_space<hbm>> -> memref<10000x128xf32, #tpu.memory_space<hbm>>
          tpu.wait_indirect_dma semaphore(%run_scoped3A_45 : memref<!tpu.dma_semaphore, #tpu.memory_space<semaphore_mem>>) src(%dma_wait3A_55 : memref<10000x128xf32, #tpu.memory_space<hbm>>) dst(%arg14 : memref<128x128xf32, #tpu.memory_space<vmem>>)
          tpu.yield
        }) : () -> ()
        %mul3A_43 = arith.constant 128 : i32
        %mul3A_44 = arith.muli %add3A_42, %mul3A_43 : i32
        "tpu.region"() ({
          %run_scoped3A_45 = tpu.sem_alloc : memref<!tpu.dma_semaphore, #tpu.memory_space<semaphore_mem>>
          %dma_start3A = arith.constant 0 : i32
          %dma_start3A_46 = tpu.memref_slice %arg9[%mul3A_44, %dma_start3A] : memref<12288x128xf32, #tpu.memory_space<hbm>> -> memref<128x128xf32, #tpu.memory_space<hbm>>
          %dma_start3A_47 = arith.constant 0 : i32
          %dma_start3A_48 = tpu.memref_slice %arg9[%mul3A_44, %dma_start3A_47] : memref<12288x128xf32, #tpu.memory_space<hbm>> -> memref<128x128xf32, #tpu.memory_space<hbm>>
          tpu.enqueue_dma source(%arg14 : memref<128x128xf32, #tpu.memory_space<vmem>>) target(%dma_start3A_48 : memref<128x128xf32, #tpu.memory_space<hbm>>) target_semaphore(%run_scoped3A_45 : memref<!tpu.dma_semaphore, #tpu.memory_space<semaphore_mem>>)
          %dma_wait3A = arith.constant 0 : i32
          %dma_wait3A_49 = tpu.memref_slice %arg9[%mul3A_44, %dma_wait3A] : memref<12288x128xf32, #tpu.memory_space<hbm>> -> memref<128x128xf32, #tpu.memory_space<hbm>>
          %dma_wait3A_50 = arith.constant 0 : i32
          %dma_wait3A_51 = tpu.memref_slice %arg9[%mul3A_44, %dma_wait3A_50] : memref<12288x128xf32, #tpu.memory_space<hbm>> -> memref<128x128xf32, #tpu.memory_space<hbm>>
          tpu.wait_dma2 semaphore(%run_scoped3A_45 : memref<!tpu.dma_semaphore, #tpu.memory_space<semaphore_mem>>) src(%arg14 : memref<128x128xf32, #tpu.memory_space<vmem>>) dst(%dma_wait3A_51 : memref<128x128xf32, #tpu.memory_space<hbm>>)
          tpu.yield
        }) : () -> ()
      }
      %scan3A_34 = arith.constant 3 : i32
    } else {
    }
    %barrier3A_29 = arith.constant 0 : index
    tpu.barrier barrier_id(%barrier3A_29)
    "tpu.region"() ({
      %run_scoped3A = tpu.sem_alloc : memref<!tpu.dma_semaphore, #tpu.memory_space<semaphore_mem>>
      %dma_start3A = arith.constant 0 : i32
      %dma_start3A_30 = tpu.memref_slice %arg8[%arg0, %mul3A_2, %dma_start3A] : memref<2x10112x128xf32, #tpu.memory_space<hbm>> -> memref<1x632x128xf32, #tpu.memory_space<hbm>>
      %dma_start3A_31 = tpu.memref_squeeze %dma_start3A_30 : memref<1x632x128xf32, #tpu.memory_space<hbm>> -> memref<632x128xf32, #tpu.memory_space<hbm>>
      %dma_start3A_32 = arith.constant 0 : i32
      %dma_start3A_33 = tpu.memref_slice %arg17[%mul3A_2, %dma_start3A_32] : memref<10112x128xf32, #tpu.memory_space<vmem_shared>> -> memref<632x128xf32, #tpu.memory_space<vmem_shared>>
      tpu.enqueue_dma source(%dma_start3A_33 : memref<632x128xf32, #tpu.memory_space<vmem_shared>>) target(%dma_start3A_31 : memref<632x128xf32, #tpu.memory_space<hbm>>) target_semaphore(%run_scoped3A : memref<!tpu.dma_semaphore, #tpu.memory_space<semaphore_mem>>)
      %dma_wait3A = arith.constant 0 : i32
      %dma_wait3A_34 = tpu.memref_slice %arg8[%arg0, %mul3A_2, %dma_wait3A] : memref<2x10112x128xf32, #tpu.memory_space<hbm>> -> memref<1x632x128xf32, #tpu.memory_space<hbm>>
      %dma_wait3A_35 = tpu.memref_squeeze %dma_wait3A_34 : memref<1x632x128xf32, #tpu.memory_space<hbm>> -> memref<632x128xf32, #tpu.memory_space<hbm>>
      %dma_wait3A_36 = arith.constant 0 : i32
      %dma_wait3A_37 = tpu.memref_slice %arg17[%mul3A_2, %dma_wait3A_36] : memref<10112x128xf32, #tpu.memory_space<vmem_shared>> -> memref<632x128xf32, #tpu.memory_space<vmem_shared>>
      tpu.wait_dma2 semaphore(%run_scoped3A : memref<!tpu.dma_semaphore, #tpu.memory_space<semaphore_mem>>) src(%dma_wait3A_37 : memref<632x128xf32, #tpu.memory_space<vmem_shared>>) dst(%dma_wait3A_35 : memref<632x128xf32, #tpu.memory_space<hbm>>)
      tpu.yield
    }) : () -> ()
    return
  }
}

#map = affine_map<(d0, d1) -> (0, 0)>
#map1 = affine_map<(d0, d1) -> (0)>
#map2 = affine_map<(d0, d1) -> (0, 0, 0)>
module attributes {stable_mosaic.version = 14 : i64} {
  func.func @_sc_pass(%arg0: i32, %arg1: i32, %arg2: memref<10112x128xf32, #tpu.memory_space<hbm>>, %arg3: memref<2528x128xi32, #tpu.memory_space<hbm>>, %arg4: memref<2528x128xi32, #tpu.memory_space<hbm>>, %arg5: memref<96x128xi32, #tpu.memory_space<hbm>>, %arg6: memref<10000x128xf32, #tpu.memory_space<hbm>>, %arg7: memref<16xi32, #tpu.memory_space<hbm>>, %arg8: memref<2x10112x128xf32, #tpu.memory_space<hbm>>, %arg9: memref<12288x128xf32, #tpu.memory_space<hbm>>, %arg10: memref<1x128xi32, #tpu.memory_space<vmem>>, %arg11: memref<1x128xi32, #tpu.memory_space<vmem>>, %arg12: memref<1x128xi32, #tpu.memory_space<vmem>>, %arg13: memref<1x128xi32, #tpu.memory_space<vmem>>, %arg14: memref<128x128xf32, #tpu.memory_space<vmem>>, %arg15: memref<128x128xf32, #tpu.memory_space<vmem>>, %arg16: memref<128x128xf32, #tpu.memory_space<vmem>>, %arg17: memref<10112x128xf32, #tpu.memory_space<vmem_shared>>, %arg18: memref<16xi32, #tpu.memory_space<vmem>>) attributes {dimension_semantics = [#tpu.dimension_semantics<core_parallel>, #tpu.dimension_semantics<subcore_parallel>], iteration_bounds = array<i64: 2, 16>, scalar_prefetch = 0 : i64, scratch_operands = 9 : i64, tpu.core_type = #tpu.core_type<sc_vector_subcore>, window_params = [{transform_indices = #map}, {transform_indices = #map}, {transform_indices = #map}, {transform_indices = #map}, {transform_indices = #map}, {transform_indices = #map1}, {transform_indices = #map2}, {transform_indices = #map}]} {
    %mul3A = arith.constant 2 : i32
    %mul3A_0 = arith.muli %arg1, %mul3A : i32
    %add3A = arith.addi %mul3A_0, %arg0 : i32
    %mul3A_1 = arith.constant 632 : i32
    %mul3A_2 = arith.muli %arg1, %mul3A_1 : i32
    %scan3A = arith.constant 0 : i32
    %scan3A_3 = arith.constant 128 : i32
    %scan3A_4 = arith.addi %scan3A, %scan3A_3 : i32
    %scan3A_5 = arith.constant 1 : i32
    scf.for %scan3A_30 = %scan3A to %scan3A_4 step %scan3A_5  : i32 {
      %mul3A_31 = arith.constant 1 : i32
      %mul3A_32 = arith.muli %scan3A_30, %mul3A_31 : i32
      %add3A_33 = arith.constant 0 : i32
      %add3A_34 = arith.addi %add3A_33, %mul3A_32 : i32
      %scan3A_35 = arith.constant 0 : i32
      %scan3A_36 = arith.constant 8 : i32
      %scan3A_37 = arith.addi %scan3A_35, %scan3A_36 : i32
      %scan3A_38 = arith.constant 1 : i32
      scf.for %scan3A_40 = %scan3A_35 to %scan3A_37 step %scan3A_38  : i32 {
        %mul3A_41 = arith.constant 1 : i32
        %mul3A_42 = arith.muli %scan3A_40, %mul3A_41 : i32
        %add3A_43 = arith.constant 0 : i32
        %add3A_44 = arith.addi %add3A_43, %mul3A_42 : i32
        %broadcast_in_dim3A = arith.constant 0.000000e+00 : f32
        %broadcast_in_dim3A_45 = vector.broadcast %broadcast_in_dim3A : f32 to vector<16xf32>
        %mul3A_46 = arith.constant 16 : i32
        %mul3A_47 = arith.muli %add3A_44, %mul3A_46 : i32
        %swap3A = arith.index_cast %add3A_34 : i32 to index
        %swap3A_48 = arith.index_cast %mul3A_47 : i32 to index
        %swap3A_49 = tpu.vector_load %arg16[%swap3A, %swap3A_48] {strides = array<i32>} : memref<128x128xf32, #tpu.memory_space<vmem>>, vector<16xf32>,
        tpu.vector_store %arg16[%swap3A, %swap3A_48], %broadcast_in_dim3A_45 {strides = array<i32>} : memref<128x128xf32, #tpu.memory_space<vmem>>, vector<16xf32>,
      }
      %scan3A_39 = arith.constant 8 : i32
    }
    %scan3A_6 = arith.constant 128 : i32
    %scan3A_7 = arith.constant 0 : i32
    %scan3A_8 = arith.constant 4 : i32
    %scan3A_9 = arith.addi %scan3A_7, %scan3A_8 : i32
    %scan3A_10 = arith.constant 1 : i32
    scf.for %scan3A_30 = %scan3A_7 to %scan3A_9 step %scan3A_10  : i32 {
      %mul3A_31 = arith.constant 1 : i32
      %mul3A_32 = arith.muli %scan3A_30, %mul3A_31 : i32
      %add3A_33 = arith.constant 0 : i32
      %add3A_34 = arith.addi %add3A_33, %mul3A_32 : i32
      %mul3A_35 = arith.constant 632 : i32
      %mul3A_36 = arith.muli %arg1, %mul3A_35 : i32
      %mul3A_37 = arith.constant 128 : i32
      %mul3A_38 = arith.muli %add3A_34, %mul3A_37 : i32
      %add3A_39 = arith.addi %mul3A_36, %mul3A_38 : i32
      "tpu.region"() ({
        %run_scoped3A = tpu.sem_alloc : memref<!tpu.dma_semaphore, #tpu.memory_space<semaphore_mem>>
        %dma_start3A = arith.constant 0 : i32
        %dma_start3A_40 = tpu.memref_slice %arg17[%add3A_39, %dma_start3A] : memref<10112x128xf32, #tpu.memory_space<vmem_shared>> -> memref<128x128xf32, #tpu.memory_space<vmem_shared>>
        %dma_start3A_41 = arith.constant 0 : i32
        %dma_start3A_42 = tpu.memref_slice %arg17[%add3A_39, %dma_start3A_41] : memref<10112x128xf32, #tpu.memory_space<vmem_shared>> -> memref<128x128xf32, #tpu.memory_space<vmem_shared>>
        tpu.enqueue_dma source(%arg16 : memref<128x128xf32, #tpu.memory_space<vmem>>) target(%dma_start3A_42 : memref<128x128xf32, #tpu.memory_space<vmem_shared>>) target_semaphore(%run_scoped3A : memref<!tpu.dma_semaphore, #tpu.memory_space<semaphore_mem>>)
        %dma_wait3A = arith.constant 0 : i32
        %dma_wait3A_43 = tpu.memref_slice %arg17[%add3A_39, %dma_wait3A] : memref<10112x128xf32, #tpu.memory_space<vmem_shared>> -> memref<128x128xf32, #tpu.memory_space<vmem_shared>>
        %dma_wait3A_44 = arith.constant 0 : i32
        %dma_wait3A_45 = tpu.memref_slice %arg17[%add3A_39, %dma_wait3A_44] : memref<10112x128xf32, #tpu.memory_space<vmem_shared>> -> memref<128x128xf32, #tpu.memory_space<vmem_shared>>
        tpu.wait_dma2 semaphore(%run_scoped3A : memref<!tpu.dma_semaphore, #tpu.memory_space<semaphore_mem>>) src(%arg16 : memref<128x128xf32, #tpu.memory_space<vmem>>) dst(%dma_wait3A_45 : memref<128x128xf32, #tpu.memory_space<vmem_shared>>)
        tpu.yield
      }) : () -> ()
    }
    %scan3A_11 = arith.constant 4 : i32
    %mul3A_12 = arith.constant 632 : i32
    %mul3A_13 = arith.muli %arg1, %mul3A_12 : i32
    %add3A_14 = arith.constant 512 : i32
    %add3A_15 = arith.addi %mul3A_13, %add3A_14 : i32
    "tpu.region"() ({
      %run_scoped3A = tpu.sem_alloc : memref<!tpu.dma_semaphore, #tpu.memory_space<semaphore_mem>>
      %dma_start3A = arith.constant 0 : i32
      %dma_start3A_30 = arith.constant 0 : i32
      %dma_start3A_31 = tpu.memref_slice %arg16[%dma_start3A, %dma_start3A_30] : memref<128x128xf32, #tpu.memory_space<vmem>> -> memref<120x128xf32, #tpu.memory_space<vmem>>
      %dma_start3A_32 = arith.constant 0 : i32
      %dma_start3A_33 = tpu.memref_slice %arg17[%add3A_15, %dma_start3A_32] : memref<10112x128xf32, #tpu.memory_space<vmem_shared>> -> memref<120x128xf32, #tpu.memory_space<vmem_shared>>
      %dma_start3A_34 = arith.constant 0 : i32
      %dma_start3A_35 = tpu.memref_slice %arg17[%add3A_15, %dma_start3A_34] : memref<10112x128xf32, #tpu.memory_space<vmem_shared>> -> memref<120x128xf32, #tpu.memory_space<vmem_shared>>
      %dma_start3A_36 = arith.constant 0 : i32
      %dma_start3A_37 = arith.constant 0 : i32
      %dma_start3A_38 = tpu.memref_slice %arg16[%dma_start3A_36, %dma_start3A_37] : memref<128x128xf32, #tpu.memory_space<vmem>> -> memref<120x128xf32, #tpu.memory_space<vmem>>
      tpu.enqueue_dma source(%dma_start3A_38 : memref<120x128xf32, #tpu.memory_space<vmem>>) target(%dma_start3A_35 : memref<120x128xf32, #tpu.memory_space<vmem_shared>>) target_semaphore(%run_scoped3A : memref<!tpu.dma_semaphore, #tpu.memory_space<semaphore_mem>>)
      %dma_wait3A = arith.constant 0 : i32
      %dma_wait3A_39 = arith.constant 0 : i32
      %dma_wait3A_40 = tpu.memref_slice %arg16[%dma_wait3A, %dma_wait3A_39] : memref<128x128xf32, #tpu.memory_space<vmem>> -> memref<120x128xf32, #tpu.memory_space<vmem>>
      %dma_wait3A_41 = arith.constant 0 : i32
      %dma_wait3A_42 = tpu.memref_slice %arg17[%add3A_15, %dma_wait3A_41] : memref<10112x128xf32, #tpu.memory_space<vmem_shared>> -> memref<120x128xf32, #tpu.memory_space<vmem_shared>>
      %dma_wait3A_43 = arith.constant 0 : i32
      %dma_wait3A_44 = tpu.memref_slice %arg17[%add3A_15, %dma_wait3A_43] : memref<10112x128xf32, #tpu.memory_space<vmem_shared>> -> memref<120x128xf32, #tpu.memory_space<vmem_shared>>
      %dma_wait3A_45 = arith.constant 0 : i32
      %dma_wait3A_46 = arith.constant 0 : i32
      %dma_wait3A_47 = tpu.memref_slice %arg16[%dma_wait3A_45, %dma_wait3A_46] : memref<128x128xf32, #tpu.memory_space<vmem>> -> memref<120x128xf32, #tpu.memory_space<vmem>>
      tpu.wait_dma2 semaphore(%run_scoped3A : memref<!tpu.dma_semaphore, #tpu.memory_space<semaphore_mem>>) src(%dma_wait3A_47 : memref<120x128xf32, #tpu.memory_space<vmem>>) dst(%dma_wait3A_44 : memref<120x128xf32, #tpu.memory_space<vmem_shared>>)
      tpu.yield
    }) : () -> ()
    "tpu.region"() ({
      %run_scoped3A = tpu.sem_alloc : memref<!tpu.dma_semaphore, #tpu.memory_space<semaphore_mem>>
      tpu.enqueue_dma source(%arg7 : memref<16xi32, #tpu.memory_space<hbm>>) target(%arg18 : memref<16xi32, #tpu.memory_space<vmem>>) target_semaphore(%run_scoped3A : memref<!tpu.dma_semaphore, #tpu.memory_space<semaphore_mem>>)
      tpu.wait_dma2 semaphore(%run_scoped3A : memref<!tpu.dma_semaphore, #tpu.memory_space<semaphore_mem>>) src(%arg7 : memref<16xi32, #tpu.memory_space<hbm>>) dst(%arg18 : memref<16xi32, #tpu.memory_space<vmem>>)
      tpu.yield
    }) : () -> ()
    %barrier3A = arith.constant 0 : index
    tpu.barrier barrier_id(%barrier3A)
    %mul3A_16 = arith.constant 79 : i32
    %mul3A_17 = arith.muli %add3A, %mul3A_16 : i32
    %get3A = arith.constant 0 : index
    %get3A_18 = tpu.vector_load %arg18[%get3A] {strides = array<i32>} : memref<16xi32, #tpu.memory_space<vmem>>, vector<16xi32>,
    %reduce_max3A = arith.constant true
    %reduce_max3A_19 = vector.broadcast %reduce_max3A : i1 to vector<16xi1>
    %reduce_max3A_20 = arith.constant -2147483648 : i32
    %reduce_max3A_21 = vector.broadcast %reduce_max3A_20 : i32 to vector<16xi32>
    %reduce_max3A_22 = arith.xori %get3A_18, %reduce_max3A_21 : vector<16xi32>
    %reduce_max3A_23 = tpu.scan <max>, %reduce_max3A_22 masked %reduce_max3A_19 : vector<16xi32>, vector<16xi1> -> vector<16xi32>
    %reduce_max3A_24 = arith.xori %reduce_max3A_23, %reduce_max3A_21 : vector<16xi32>
    %reduce_max3A_25 = vector.extract %reduce_max3A_24[15] : i32 from vector<16xi32>
    "tpu.region"() ({
      %run_scoped3A = tpu.sem_alloc : memref<!tpu.dma_semaphore, #tpu.memory_space<semaphore_mem>>
      %run_scoped3A_30 = tpu.sem_alloc : memref<!tpu.dma_semaphore, #tpu.memory_space<semaphore_mem>>
      %run_scoped3A_31 = tpu.sem_alloc : memref<!tpu.dma_semaphore, #tpu.memory_space<semaphore_mem>>
      %run_scoped3A_32 = tpu.sem_alloc : memref<!tpu.dma_semaphore, #tpu.memory_space<semaphore_mem>>
      %and3A_33 = arith.constant 1 : i32
      %and3A_34 = arith.andi %reduce_max3A_25, %and3A_33 : i32
      %eq3A = arith.constant 0 : i32
      %eq3A_35 = arith.cmpi eq, %and3A_34, %eq3A : i32
      %convert_element_type3A_36 = arith.extui %eq3A_35 : i1 to i32
      %cond3A_37 = arith.constant 0 : i32
      %cond3A_38 = arith.cmpi ne, %convert_element_type3A_36, %cond3A_37 : i32
      scf.if %cond3A_38 {
        %add3A_46 = arith.constant 0 : i32
        %add3A_47 = arith.addi %mul3A_17, %add3A_46 : i32
        "tpu.region"() ({
          %run_scoped3A_88 = tpu.sem_alloc : memref<!tpu.dma_semaphore, #tpu.memory_space<semaphore_mem>>
          %dma_start3A_89 = arith.constant 0 : i32
          %dma_start3A_90 = tpu.memref_slice %arg3[%add3A_47, %dma_start3A_89] : memref<2528x128xi32, #tpu.memory_space<hbm>> -> memref<1x128xi32, #tpu.memory_space<hbm>>
          %dma_start3A_91 = arith.constant 0 : i32
          %dma_start3A_92 = tpu.memref_slice %arg3[%add3A_47, %dma_start3A_91] : memref<2528x128xi32, #tpu.memory_space<hbm>> -> memref<1x128xi32, #tpu.memory_space<hbm>>
          tpu.enqueue_dma source(%dma_start3A_92 : memref<1x128xi32, #tpu.memory_space<hbm>>) target(%arg10 : memref<1x128xi32, #tpu.memory_space<vmem>>) target_semaphore(%run_scoped3A_88 : memref<!tpu.dma_semaphore, #tpu.memory_space<semaphore_mem>>)
          %dma_wait3A_93 = arith.constant 0 : i32
          %dma_wait3A_94 = tpu.memref_slice %arg3[%add3A_47, %dma_wait3A_93] : memref<2528x128xi32, #tpu.memory_space<hbm>> -> memref<1x128xi32, #tpu.memory_space<hbm>>
          %dma_wait3A_95 = arith.constant 0 : i32
          %dma_wait3A_96 = tpu.memref_slice %arg3[%add3A_47, %dma_wait3A_95] : memref<2528x128xi32, #tpu.memory_space<hbm>> -> memref<1x128xi32, #tpu.memory_space<hbm>>
          tpu.wait_dma2 semaphore(%run_scoped3A_88 : memref<!tpu.dma_semaphore, #tpu.memory_space<semaphore_mem>>) src(%dma_wait3A_96 : memref<1x128xi32, #tpu.memory_space<hbm>>) dst(%arg10 : memref<1x128xi32, #tpu.memory_space<vmem>>)
          tpu.yield
        }) : () -> ()
        %add3A_48 = arith.constant 0 : i32
        %add3A_49 = arith.addi %mul3A_17, %add3A_48 : i32
        "tpu.region"() ({
          %run_scoped3A_88 = tpu.sem_alloc : memref<!tpu.dma_semaphore, #tpu.memory_space<semaphore_mem>>
          %dma_start3A_89 = arith.constant 0 : i32
          %dma_start3A_90 = tpu.memref_slice %arg4[%add3A_49, %dma_start3A_89] : memref<2528x128xi32, #tpu.memory_space<hbm>> -> memref<1x128xi32, #tpu.memory_space<hbm>>
          %dma_start3A_91 = arith.constant 0 : i32
          %dma_start3A_92 = tpu.memref_slice %arg4[%add3A_49, %dma_start3A_91] : memref<2528x128xi32, #tpu.memory_space<hbm>> -> memref<1x128xi32, #tpu.memory_space<hbm>>
          tpu.enqueue_dma source(%dma_start3A_92 : memref<1x128xi32, #tpu.memory_space<hbm>>) target(%arg11 : memref<1x128xi32, #tpu.memory_space<vmem>>) target_semaphore(%run_scoped3A_88 : memref<!tpu.dma_semaphore, #tpu.memory_space<semaphore_mem>>)
          %dma_wait3A_93 = arith.constant 0 : i32
          %dma_wait3A_94 = tpu.memref_slice %arg4[%add3A_49, %dma_wait3A_93] : memref<2528x128xi32, #tpu.memory_space<hbm>> -> memref<1x128xi32, #tpu.memory_space<hbm>>
          %dma_wait3A_95 = arith.constant 0 : i32
          %dma_wait3A_96 = tpu.memref_slice %arg4[%add3A_49, %dma_wait3A_95] : memref<2528x128xi32, #tpu.memory_space<hbm>> -> memref<1x128xi32, #tpu.memory_space<hbm>>
          tpu.wait_dma2 semaphore(%run_scoped3A_88 : memref<!tpu.dma_semaphore, #tpu.memory_space<semaphore_mem>>) src(%dma_wait3A_96 : memref<1x128xi32, #tpu.memory_space<hbm>>) dst(%arg11 : memref<1x128xi32, #tpu.memory_space<vmem>>)
          tpu.yield
        }) : () -> ()
        %dma_start3A = arith.constant 0 : i32
        %dma_start3A_50 = arith.constant 0 : i32
        %dma_start3A_51 = tpu.memref_slice %arg10[%dma_start3A, %dma_start3A_50] : memref<1x128xi32, #tpu.memory_space<vmem>> -> memref<1x128xi32, #tpu.memory_space<vmem>>
        %dma_start3A_52 = tpu.memref_squeeze %dma_start3A_51 : memref<1x128xi32, #tpu.memory_space<vmem>> -> memref<128xi32, #tpu.memory_space<vmem>>
        %dma_start3A_53 = arith.constant 0 : i32
        %dma_start3A_54 = arith.constant 0 : i32
        %dma_start3A_55 = tpu.memref_slice %arg2[%dma_start3A_53, %dma_start3A_54] : memref<10112x128xf32, #tpu.memory_space<hbm>> -> memref<10112x128xf32, #tpu.memory_space<hbm>>
        tpu.enqueue_indirect_dma source(%dma_start3A_55 : memref<10112x128xf32, #tpu.memory_space<hbm>>) target(%arg14 : memref<128x128xf32, #tpu.memory_space<vmem>>) offsets(%dma_start3A_52 : memref<128xi32, #tpu.memory_space<vmem>>) semaphore(%run_scoped3A : memref<!tpu.dma_semaphore, #tpu.memory_space<semaphore_mem>>)
        %scan3A_56 = arith.constant 0 : i32
        %scan3A_57 = arith.constant 39 : i32
        %scan3A_58 = arith.addi %scan3A_56, %scan3A_57 : i32
        %scan3A_59 = arith.constant 1 : i32
        scf.for %scan3A_88 = %scan3A_56 to %scan3A_58 step %scan3A_59  : i32 {
          %mul3A_89 = arith.constant 1 : i32
          %mul3A_90 = arith.muli %scan3A_88, %mul3A_89 : i32
          %add3A_91 = arith.constant 0 : i32
          %add3A_92 = arith.addi %add3A_91, %mul3A_90 : i32
          %mul3A_93 = arith.constant 2 : i32
          %mul3A_94 = arith.muli %mul3A_93, %add3A_92 : i32
          %mul3A_95 = arith.constant 2 : i32
          %mul3A_96 = arith.muli %mul3A_95, %add3A_92 : i32
          %add3A_97 = arith.constant 1 : i32
          %add3A_98 = arith.addi %mul3A_96, %add3A_97 : i32
          %dma_wait3A_99 = arith.constant 0 : i32
          %dma_wait3A_100 = arith.constant 0 : i32
          %dma_wait3A_101 = tpu.memref_slice %arg10[%dma_wait3A_99, %dma_wait3A_100] : memref<1x128xi32, #tpu.memory_space<vmem>> -> memref<1x128xi32, #tpu.memory_space<vmem>>
          %dma_wait3A_102 = tpu.memref_squeeze %dma_wait3A_101 : memref<1x128xi32, #tpu.memory_space<vmem>> -> memref<128xi32, #tpu.memory_space<vmem>>
          %dma_wait3A_103 = arith.constant 0 : i32
          %dma_wait3A_104 = arith.constant 0 : i32
          %dma_wait3A_105 = tpu.memref_slice %arg2[%dma_wait3A_103, %dma_wait3A_104] : memref<10112x128xf32, #tpu.memory_space<hbm>> -> memref<10112x128xf32, #tpu.memory_space<hbm>>
          tpu.wait_indirect_dma semaphore(%run_scoped3A : memref<!tpu.dma_semaphore, #tpu.memory_space<semaphore_mem>>) src(%dma_wait3A_105 : memref<10112x128xf32, #tpu.memory_space<hbm>>) dst(%arg14 : memref<128x128xf32, #tpu.memory_space<vmem>>)
          %dma_start3A_106 = arith.constant 0 : i32
          %dma_start3A_107 = arith.constant 0 : i32
          %dma_start3A_108 = tpu.memref_slice %arg11[%dma_start3A_106, %dma_start3A_107] : memref<1x128xi32, #tpu.memory_space<vmem>> -> memref<1x128xi32, #tpu.memory_space<vmem>>
          %dma_start3A_109 = tpu.memref_squeeze %dma_start3A_108 : memref<1x128xi32, #tpu.memory_space<vmem>> -> memref<128xi32, #tpu.memory_space<vmem>>
          %dma_start3A_110 = arith.constant 0 : i32
          %dma_start3A_111 = arith.constant 0 : i32
          %dma_start3A_112 = tpu.memref_slice %arg17[%dma_start3A_110, %dma_start3A_111] : memref<10112x128xf32, #tpu.memory_space<vmem_shared>> -> memref<10112x128xf32, #tpu.memory_space<vmem_shared>>
          tpu.enqueue_indirect_dma source(%arg14 : memref<128x128xf32, #tpu.memory_space<vmem>>) target(%dma_start3A_112 : memref<10112x128xf32, #tpu.memory_space<vmem_shared>>) offsets(%dma_start3A_109 : memref<128xi32, #tpu.memory_space<vmem>>) semaphore(%run_scoped3A_31 : memref<!tpu.dma_semaphore, #tpu.memory_space<semaphore_mem>>) {add = true}
          %gt3A = arith.constant 0 : i32
          %gt3A_113 = arith.cmpi sgt, %add3A_92, %gt3A : i32
          %convert_element_type3A_114 = arith.extui %gt3A_113 : i1 to i32
          %cond3A_115 = arith.constant 0 : i32
          %cond3A_116 = arith.cmpi ne, %convert_element_type3A_114, %cond3A_115 : i32
          scf.if %cond3A_116 {
            %dma_wait3A_160 = arith.constant 0 : i32
            %dma_wait3A_161 = arith.constant 0 : i32
            %dma_wait3A_162 = tpu.memref_slice %arg13[%dma_wait3A_160, %dma_wait3A_161] : memref<1x128xi32, #tpu.memory_space<vmem>> -> memref<1x128xi32, #tpu.memory_space<vmem>>
            %dma_wait3A_163 = tpu.memref_squeeze %dma_wait3A_162 : memref<1x128xi32, #tpu.memory_space<vmem>> -> memref<128xi32, #tpu.memory_space<vmem>>
            %dma_wait3A_164 = arith.constant 0 : i32
            %dma_wait3A_165 = arith.constant 0 : i32
            %dma_wait3A_166 = tpu.memref_slice %arg17[%dma_wait3A_164, %dma_wait3A_165] : memref<10112x128xf32, #tpu.memory_space<vmem_shared>> -> memref<10112x128xf32, #tpu.memory_space<vmem_shared>>
            tpu.wait_indirect_dma semaphore(%run_scoped3A_32 : memref<!tpu.dma_semaphore, #tpu.memory_space<semaphore_mem>>) src(%arg15 : memref<128x128xf32, #tpu.memory_space<vmem>>) dst(%dma_wait3A_166 : memref<10112x128xf32, #tpu.memory_space<vmem_shared>>)
          } else {
          }
          %add3A_117 = arith.addi %mul3A_17, %add3A_98 : i32
          "tpu.region"() ({
            %run_scoped3A_160 = tpu.sem_alloc : memref<!tpu.dma_semaphore, #tpu.memory_space<semaphore_mem>>
            %dma_start3A_161 = arith.constant 0 : i32
            %dma_start3A_162 = tpu.memref_slice %arg3[%add3A_117, %dma_start3A_161] : memref<2528x128xi32, #tpu.memory_space<hbm>> -> memref<1x128xi32, #tpu.memory_space<hbm>>
            %dma_start3A_163 = arith.constant 0 : i32
            %dma_start3A_164 = tpu.memref_slice %arg3[%add3A_117, %dma_start3A_163] : memref<2528x128xi32, #tpu.memory_space<hbm>> -> memref<1x128xi32, #tpu.memory_space<hbm>>
            tpu.enqueue_dma source(%dma_start3A_164 : memref<1x128xi32, #tpu.memory_space<hbm>>) target(%arg12 : memref<1x128xi32, #tpu.memory_space<vmem>>) target_semaphore(%run_scoped3A_160 : memref<!tpu.dma_semaphore, #tpu.memory_space<semaphore_mem>>)
            %dma_wait3A_165 = arith.constant 0 : i32
            %dma_wait3A_166 = tpu.memref_slice %arg3[%add3A_117, %dma_wait3A_165] : memref<2528x128xi32, #tpu.memory_space<hbm>> -> memref<1x128xi32, #tpu.memory_space<hbm>>
            %dma_wait3A_167 = arith.constant 0 : i32
            %dma_wait3A_168 = tpu.memref_slice %arg3[%add3A_117, %dma_wait3A_167] : memref<2528x128xi32, #tpu.memory_space<hbm>> -> memref<1x128xi32, #tpu.memory_space<hbm>>
            tpu.wait_dma2 semaphore(%run_scoped3A_160 : memref<!tpu.dma_semaphore, #tpu.memory_space<semaphore_mem>>) src(%dma_wait3A_168 : memref<1x128xi32, #tpu.memory_space<hbm>>) dst(%arg12 : memref<1x128xi32, #tpu.memory_space<vmem>>)
            tpu.yield
          }) : () -> ()
          %add3A_118 = arith.addi %mul3A_17, %add3A_98 : i32
          "tpu.region"() ({
            %run_scoped3A_160 = tpu.sem_alloc : memref<!tpu.dma_semaphore, #tpu.memory_space<semaphore_mem>>
            %dma_start3A_161 = arith.constant 0 : i32
            %dma_start3A_162 = tpu.memref_slice %arg4[%add3A_118, %dma_start3A_161] : memref<2528x128xi32, #tpu.memory_space<hbm>> -> memref<1x128xi32, #tpu.memory_space<hbm>>
            %dma_start3A_163 = arith.constant 0 : i32
            %dma_start3A_164 = tpu.memref_slice %arg4[%add3A_118, %dma_start3A_163] : memref<2528x128xi32, #tpu.memory_space<hbm>> -> memref<1x128xi32, #tpu.memory_space<hbm>>
            tpu.enqueue_dma source(%dma_start3A_164 : memref<1x128xi32, #tpu.memory_space<hbm>>) target(%arg13 : memref<1x128xi32, #tpu.memory_space<vmem>>) target_semaphore(%run_scoped3A_160 : memref<!tpu.dma_semaphore, #tpu.memory_space<semaphore_mem>>)
            %dma_wait3A_165 = arith.constant 0 : i32
            %dma_wait3A_166 = tpu.memref_slice %arg4[%add3A_118, %dma_wait3A_165] : memref<2528x128xi32, #tpu.memory_space<hbm>> -> memref<1x128xi32, #tpu.memory_space<hbm>>
            %dma_wait3A_167 = arith.constant 0 : i32
            %dma_wait3A_168 = tpu.memref_slice %arg4[%add3A_118, %dma_wait3A_167] : memref<2528x128xi32, #tpu.memory_space<hbm>> -> memref<1x128xi32, #tpu.memory_space<hbm>>
            tpu.wait_dma2 semaphore(%run_scoped3A_160 : memref<!tpu.dma_semaphore, #tpu.memory_space<semaphore_mem>>) src(%dma_wait3A_168 : memref<1x128xi32, #tpu.memory_space<hbm>>) dst(%arg13 : memref<1x128xi32, #tpu.memory_space<vmem>>)
            tpu.yield
          }) : () -> ()
          %dma_start3A_119 = arith.constant 0 : i32
          %dma_start3A_120 = arith.constant 0 : i32
          %dma_start3A_121 = tpu.memref_slice %arg12[%dma_start3A_119, %dma_start3A_120] : memref<1x128xi32, #tpu.memory_space<vmem>> -> memref<1x128xi32, #tpu.memory_space<vmem>>
          %dma_start3A_122 = tpu.memref_squeeze %dma_start3A_121 : memref<1x128xi32, #tpu.memory_space<vmem>> -> memref<128xi32, #tpu.memory_space<vmem>>
          %dma_start3A_123 = arith.constant 0 : i32
          %dma_start3A_124 = arith.constant 0 : i32
          %dma_start3A_125 = tpu.memref_slice %arg2[%dma_start3A_123, %dma_start3A_124] : memref<10112x128xf32, #tpu.memory_space<hbm>> -> memref<10112x128xf32, #tpu.memory_space<hbm>>
          tpu.enqueue_indirect_dma source(%dma_start3A_125 : memref<10112x128xf32, #tpu.memory_space<hbm>>) target(%arg15 : memref<128x128xf32, #tpu.memory_space<vmem>>) offsets(%dma_start3A_122 : memref<128xi32, #tpu.memory_space<vmem>>) semaphore(%run_scoped3A_30 : memref<!tpu.dma_semaphore, #tpu.memory_space<semaphore_mem>>)
          %dma_wait3A_126 = arith.constant 0 : i32
          %dma_wait3A_127 = arith.constant 0 : i32
          %dma_wait3A_128 = tpu.memref_slice %arg12[%dma_wait3A_126, %dma_wait3A_127] : memref<1x128xi32, #tpu.memory_space<vmem>> -> memref<1x128xi32, #tpu.memory_space<vmem>>
          %dma_wait3A_129 = tpu.memref_squeeze %dma_wait3A_128 : memref<1x128xi32, #tpu.memory_space<vmem>> -> memref<128xi32, #tpu.memory_space<vmem>>
          %dma_wait3A_130 = arith.constant 0 : i32
          %dma_wait3A_131 = arith.constant 0 : i32
          %dma_wait3A_132 = tpu.memref_slice %arg2[%dma_wait3A_130, %dma_wait3A_131] : memref<10112x128xf32, #tpu.memory_space<hbm>> -> memref<10112x128xf32, #tpu.memory_space<hbm>>
          tpu.wait_indirect_dma semaphore(%run_scoped3A_30 : memref<!tpu.dma_semaphore, #tpu.memory_space<semaphore_mem>>) src(%dma_wait3A_132 : memref<10112x128xf32, #tpu.memory_space<hbm>>) dst(%arg15 : memref<128x128xf32, #tpu.memory_space<vmem>>)
          %dma_start3A_133 = arith.constant 0 : i32
          %dma_start3A_134 = arith.constant 0 : i32
          %dma_start3A_135 = tpu.memref_slice %arg13[%dma_start3A_133, %dma_start3A_134] : memref<1x128xi32, #tpu.memory_space<vmem>> -> memref<1x128xi32, #tpu.memory_space<vmem>>
          %dma_start3A_136 = tpu.memref_squeeze %dma_start3A_135 : memref<1x128xi32, #tpu.memory_space<vmem>> -> memref<128xi32, #tpu.memory_space<vmem>>
          %dma_start3A_137 = arith.constant 0 : i32
          %dma_start3A_138 = arith.constant 0 : i32
          %dma_start3A_139 = tpu.memref_slice %arg17[%dma_start3A_137, %dma_start3A_138] : memref<10112x128xf32, #tpu.memory_space<vmem_shared>> -> memref<10112x128xf32, #tpu.memory_space<vmem_shared>>
          tpu.enqueue_indirect_dma source(%arg15 : memref<128x128xf32, #tpu.memory_space<vmem>>) target(%dma_start3A_139 : memref<10112x128xf32, #tpu.memory_space<vmem_shared>>) offsets(%dma_start3A_136 : memref<128xi32, #tpu.memory_space<vmem>>) semaphore(%run_scoped3A_32 : memref<!tpu.dma_semaphore, #tpu.memory_space<semaphore_mem>>) {add = true}
          %dma_wait3A_140 = arith.constant 0 : i32
          %dma_wait3A_141 = arith.constant 0 : i32
          %dma_wait3A_142 = tpu.memref_slice %arg11[%dma_wait3A_140, %dma_wait3A_141] : memref<1x128xi32, #tpu.memory_space<vmem>> -> memref<1x128xi32, #tpu.memory_space<vmem>>
          %dma_wait3A_143 = tpu.memref_squeeze %dma_wait3A_142 : memref<1x128xi32, #tpu.memory_space<vmem>> -> memref<128xi32, #tpu.memory_space<vmem>>
          %dma_wait3A_144 = arith.constant 0 : i32
          %dma_wait3A_145 = arith.constant 0 : i32
          %dma_wait3A_146 = tpu.memref_slice %arg17[%dma_wait3A_144, %dma_wait3A_145] : memref<10112x128xf32, #tpu.memory_space<vmem_shared>> -> memref<10112x128xf32, #tpu.memory_space<vmem_shared>>
          tpu.wait_indirect_dma semaphore(%run_scoped3A_31 : memref<!tpu.dma_semaphore, #tpu.memory_space<semaphore_mem>>) src(%arg14 : memref<128x128xf32, #tpu.memory_space<vmem>>) dst(%dma_wait3A_146 : memref<10112x128xf32, #tpu.memory_space<vmem_shared>>)
          %add3A_147 = arith.constant 2 : i32
          %add3A_148 = arith.addi %mul3A_94, %add3A_147 : i32
          %add3A_149 = arith.addi %mul3A_17, %add3A_148 : i32
          "tpu.region"() ({
            %run_scoped3A_160 = tpu.sem_alloc : memref<!tpu.dma_semaphore, #tpu.memory_space<semaphore_mem>>
            %dma_start3A_161 = arith.constant 0 : i32
            %dma_start3A_162 = tpu.memref_slice %arg3[%add3A_149, %dma_start3A_161] : memref<2528x128xi32, #tpu.memory_space<hbm>> -> memref<1x128xi32, #tpu.memory_space<hbm>>
            %dma_start3A_163 = arith.constant 0 : i32
            %dma_start3A_164 = tpu.memref_slice %arg3[%add3A_149, %dma_start3A_163] : memref<2528x128xi32, #tpu.memory_space<hbm>> -> memref<1x128xi32, #tpu.memory_space<hbm>>
            tpu.enqueue_dma source(%dma_start3A_164 : memref<1x128xi32, #tpu.memory_space<hbm>>) target(%arg10 : memref<1x128xi32, #tpu.memory_space<vmem>>) target_semaphore(%run_scoped3A_160 : memref<!tpu.dma_semaphore, #tpu.memory_space<semaphore_mem>>)
            %dma_wait3A_165 = arith.constant 0 : i32
            %dma_wait3A_166 = tpu.memref_slice %arg3[%add3A_149, %dma_wait3A_165] : memref<2528x128xi32, #tpu.memory_space<hbm>> -> memref<1x128xi32, #tpu.memory_space<hbm>>
            %dma_wait3A_167 = arith.constant 0 : i32
            %dma_wait3A_168 = tpu.memref_slice %arg3[%add3A_149, %dma_wait3A_167] : memref<2528x128xi32, #tpu.memory_space<hbm>> -> memref<1x128xi32, #tpu.memory_space<hbm>>
            tpu.wait_dma2 semaphore(%run_scoped3A_160 : memref<!tpu.dma_semaphore, #tpu.memory_space<semaphore_mem>>) src(%dma_wait3A_168 : memref<1x128xi32, #tpu.memory_space<hbm>>) dst(%arg10 : memref<1x128xi32, #tpu.memory_space<vmem>>)
            tpu.yield
          }) : () -> ()
          %add3A_150 = arith.constant 2 : i32
          %add3A_151 = arith.addi %mul3A_94, %add3A_150 : i32
          %add3A_152 = arith.addi %mul3A_17, %add3A_151 : i32
          "tpu.region"() ({
            %run_scoped3A_160 = tpu.sem_alloc : memref<!tpu.dma_semaphore, #tpu.memory_space<semaphore_mem>>
            %dma_start3A_161 = arith.constant 0 : i32
            %dma_start3A_162 = tpu.memref_slice %arg4[%add3A_152, %dma_start3A_161] : memref<2528x128xi32, #tpu.memory_space<hbm>> -> memref<1x128xi32, #tpu.memory_space<hbm>>
            %dma_start3A_163 = arith.constant 0 : i32
            %dma_start3A_164 = tpu.memref_slice %arg4[%add3A_152, %dma_start3A_163] : memref<2528x128xi32, #tpu.memory_space<hbm>> -> memref<1x128xi32, #tpu.memory_space<hbm>>
            tpu.enqueue_dma source(%dma_start3A_164 : memref<1x128xi32, #tpu.memory_space<hbm>>) target(%arg11 : memref<1x128xi32, #tpu.memory_space<vmem>>) target_semaphore(%run_scoped3A_160 : memref<!tpu.dma_semaphore, #tpu.memory_space<semaphore_mem>>)
            %dma_wait3A_165 = arith.constant 0 : i32
            %dma_wait3A_166 = tpu.memref_slice %arg4[%add3A_152, %dma_wait3A_165] : memref<2528x128xi32, #tpu.memory_space<hbm>> -> memref<1x128xi32, #tpu.memory_space<hbm>>
            %dma_wait3A_167 = arith.constant 0 : i32
            %dma_wait3A_168 = tpu.memref_slice %arg4[%add3A_152, %dma_wait3A_167] : memref<2528x128xi32, #tpu.memory_space<hbm>> -> memref<1x128xi32, #tpu.memory_space<hbm>>
            tpu.wait_dma2 semaphore(%run_scoped3A_160 : memref<!tpu.dma_semaphore, #tpu.memory_space<semaphore_mem>>) src(%dma_wait3A_168 : memref<1x128xi32, #tpu.memory_space<hbm>>) dst(%arg11 : memref<1x128xi32, #tpu.memory_space<vmem>>)
            tpu.yield
          }) : () -> ()
          %dma_start3A_153 = arith.constant 0 : i32
          %dma_start3A_154 = arith.constant 0 : i32
          %dma_start3A_155 = tpu.memref_slice %arg10[%dma_start3A_153, %dma_start3A_154] : memref<1x128xi32, #tpu.memory_space<vmem>> -> memref<1x128xi32, #tpu.memory_space<vmem>>
          %dma_start3A_156 = tpu.memref_squeeze %dma_start3A_155 : memref<1x128xi32, #tpu.memory_space<vmem>> -> memref<128xi32, #tpu.memory_space<vmem>>
          %dma_start3A_157 = arith.constant 0 : i32
          %dma_start3A_158 = arith.constant 0 : i32
          %dma_start3A_159 = tpu.memref_slice %arg2[%dma_start3A_157, %dma_start3A_158] : memref<10112x128xf32, #tpu.memory_space<hbm>> -> memref<10112x128xf32, #tpu.memory_space<hbm>>
          tpu.enqueue_indirect_dma source(%dma_start3A_159 : memref<10112x128xf32, #tpu.memory_space<hbm>>) target(%arg14 : memref<128x128xf32, #tpu.memory_space<vmem>>) offsets(%dma_start3A_156 : memref<128xi32, #tpu.memory_space<vmem>>) semaphore(%run_scoped3A : memref<!tpu.dma_semaphore, #tpu.memory_space<semaphore_mem>>)
        }
        %scan3A_60 = arith.constant 39 : i32
        %dma_wait3A = arith.constant 0 : i32
        %dma_wait3A_61 = arith.constant 0 : i32
        %dma_wait3A_62 = tpu.memref_slice %arg10[%dma_wait3A, %dma_wait3A_61] : memref<1x128xi32, #tpu.memory_space<vmem>> -> memref<1x128xi32, #tpu.memory_space<vmem>>
        %dma_wait3A_63 = tpu.memref_squeeze %dma_wait3A_62 : memref<1x128xi32, #tpu.memory_space<vmem>> -> memref<128xi32, #tpu.memory_space<vmem>>
        %dma_wait3A_64 = arith.constant 0 : i32
        %dma_wait3A_65 = arith.constant 0 : i32
        %dma_wait3A_66 = tpu.memref_slice %arg2[%dma_wait3A_64, %dma_wait3A_65] : memref<10112x128xf32, #tpu.memory_space<hbm>> -> memref<10112x128xf32, #tpu.memory_space<hbm>>
        tpu.wait_indirect_dma semaphore(%run_scoped3A : memref<!tpu.dma_semaphore, #tpu.memory_space<semaphore_mem>>) src(%dma_wait3A_66 : memref<10112x128xf32, #tpu.memory_space<hbm>>) dst(%arg14 : memref<128x128xf32, #tpu.memory_space<vmem>>)
        %dma_start3A_67 = arith.constant 0 : i32
        %dma_start3A_68 = arith.constant 0 : i32
        %dma_start3A_69 = tpu.memref_slice %arg11[%dma_start3A_67, %dma_start3A_68] : memref<1x128xi32, #tpu.memory_space<vmem>> -> memref<1x128xi32, #tpu.memory_space<vmem>>
        %dma_start3A_70 = tpu.memref_squeeze %dma_start3A_69 : memref<1x128xi32, #tpu.memory_space<vmem>> -> memref<128xi32, #tpu.memory_space<vmem>>
        %dma_start3A_71 = arith.constant 0 : i32
        %dma_start3A_72 = arith.constant 0 : i32
        %dma_start3A_73 = tpu.memref_slice %arg17[%dma_start3A_71, %dma_start3A_72] : memref<10112x128xf32, #tpu.memory_space<vmem_shared>> -> memref<10112x128xf32, #tpu.memory_space<vmem_shared>>
        tpu.enqueue_indirect_dma source(%arg14 : memref<128x128xf32, #tpu.memory_space<vmem>>) target(%dma_start3A_73 : memref<10112x128xf32, #tpu.memory_space<vmem_shared>>) offsets(%dma_start3A_70 : memref<128xi32, #tpu.memory_space<vmem>>) semaphore(%run_scoped3A_31 : memref<!tpu.dma_semaphore, #tpu.memory_space<semaphore_mem>>) {add = true}
        %dma_wait3A_74 = arith.constant 0 : i32
        %dma_wait3A_75 = arith.constant 0 : i32
        %dma_wait3A_76 = tpu.memref_slice %arg13[%dma_wait3A_74, %dma_wait3A_75] : memref<1x128xi32, #tpu.memory_space<vmem>> -> memref<1x128xi32, #tpu.memory_space<vmem>>
        %dma_wait3A_77 = tpu.memref_squeeze %dma_wait3A_76 : memref<1x128xi32, #tpu.memory_space<vmem>> -> memref<128xi32, #tpu.memory_space<vmem>>
        %dma_wait3A_78 = arith.constant 0 : i32
        %dma_wait3A_79 = arith.constant 0 : i32
        %dma_wait3A_80 = tpu.memref_slice %arg17[%dma_wait3A_78, %dma_wait3A_79] : memref<10112x128xf32, #tpu.memory_space<vmem_shared>> -> memref<10112x128xf32, #tpu.memory_space<vmem_shared>>
        tpu.wait_indirect_dma semaphore(%run_scoped3A_32 : memref<!tpu.dma_semaphore, #tpu.memory_space<semaphore_mem>>) src(%arg15 : memref<128x128xf32, #tpu.memory_space<vmem>>) dst(%dma_wait3A_80 : memref<10112x128xf32, #tpu.memory_space<vmem_shared>>)
        %dma_wait3A_81 = arith.constant 0 : i32
        %dma_wait3A_82 = arith.constant 0 : i32
        %dma_wait3A_83 = tpu.memref_slice %arg11[%dma_wait3A_81, %dma_wait3A_82] : memref<1x128xi32, #tpu.memory_space<vmem>> -> memref<1x128xi32, #tpu.memory_space<vmem>>
        %dma_wait3A_84 = tpu.memref_squeeze %dma_wait3A_83 : memref<1x128xi32, #tpu.memory_space<vmem>> -> memref<128xi32, #tpu.memory_space<vmem>>
        %dma_wait3A_85 = arith.constant 0 : i32
        %dma_wait3A_86 = arith.constant 0 : i32
        %dma_wait3A_87 = tpu.memref_slice %arg17[%dma_wait3A_85, %dma_wait3A_86] : memref<10112x128xf32, #tpu.memory_space<vmem_shared>> -> memref<10112x128xf32, #tpu.memory_space<vmem_shared>>
        tpu.wait_indirect_dma semaphore(%run_scoped3A_31 : memref<!tpu.dma_semaphore, #tpu.memory_space<semaphore_mem>>) src(%arg14 : memref<128x128xf32, #tpu.memory_space<vmem>>) dst(%dma_wait3A_87 : memref<10112x128xf32, #tpu.memory_space<vmem_shared>>)
      } else {
      }
      %and3A_39 = arith.constant 1 : i32
      %and3A_40 = arith.andi %reduce_max3A_25, %and3A_39 : i32
      %eq3A_41 = arith.constant 1 : i32
      %eq3A_42 = arith.cmpi eq, %and3A_40, %eq3A_41 : i32
      %convert_element_type3A_43 = arith.extui %eq3A_42 : i1 to i32
      %cond3A_44 = arith.constant 0 : i32
      %cond3A_45 = arith.cmpi ne, %convert_element_type3A_43, %cond3A_44 : i32
      scf.if %cond3A_45 {
        %scan3A_46 = arith.constant 0 : i32
        %scan3A_47 = arith.constant 128 : i32
        %scan3A_48 = arith.addi %scan3A_46, %scan3A_47 : i32
        %scan3A_49 = arith.constant 1 : i32
        scf.for %scan3A_86 = %scan3A_46 to %scan3A_48 step %scan3A_49  : i32 {
          %mul3A_87 = arith.constant 1 : i32
          %mul3A_88 = arith.muli %scan3A_86, %mul3A_87 : i32
          %add3A_89 = arith.constant 0 : i32
          %add3A_90 = arith.addi %add3A_89, %mul3A_88 : i32
          %scan3A_91 = arith.constant 0 : i32
          %scan3A_92 = arith.constant 8 : i32
          %scan3A_93 = arith.addi %scan3A_91, %scan3A_92 : i32
          %scan3A_94 = arith.constant 1 : i32
          scf.for %scan3A_96 = %scan3A_91 to %scan3A_93 step %scan3A_94  : i32 {
            %mul3A_97 = arith.constant 1 : i32
            %mul3A_98 = arith.muli %scan3A_96, %mul3A_97 : i32
            %add3A_99 = arith.constant 0 : i32
            %add3A_100 = arith.addi %add3A_99, %mul3A_98 : i32
            %broadcast_in_dim3A = arith.constant 1.000000e+00 : f32
            %broadcast_in_dim3A_101 = vector.broadcast %broadcast_in_dim3A : f32 to vector<16xf32>
            %mul3A_102 = arith.constant 16 : i32
            %mul3A_103 = arith.muli %add3A_100, %mul3A_102 : i32
            %swap3A = arith.index_cast %add3A_90 : i32 to index
            %swap3A_104 = arith.index_cast %mul3A_103 : i32 to index
            %swap3A_105 = tpu.vector_load %arg16[%swap3A, %swap3A_104] {strides = array<i32>} : memref<128x128xf32, #tpu.memory_space<vmem>>, vector<16xf32>,
            tpu.vector_store %arg16[%swap3A, %swap3A_104], %broadcast_in_dim3A_101 {strides = array<i32>} : memref<128x128xf32, #tpu.memory_space<vmem>>, vector<16xf32>,
          }
          %scan3A_95 = arith.constant 8 : i32
        }
        %scan3A_50 = arith.constant 128 : i32
        %add3A_51 = arith.constant 0 : i32
        %add3A_52 = arith.addi %mul3A_17, %add3A_51 : i32
        "tpu.region"() ({
          %run_scoped3A_86 = tpu.sem_alloc : memref<!tpu.dma_semaphore, #tpu.memory_space<semaphore_mem>>
          %dma_start3A_87 = arith.constant 0 : i32
          %dma_start3A_88 = tpu.memref_slice %arg4[%add3A_52, %dma_start3A_87] : memref<2528x128xi32, #tpu.memory_space<hbm>> -> memref<1x128xi32, #tpu.memory_space<hbm>>
          %dma_start3A_89 = arith.constant 0 : i32
          %dma_start3A_90 = tpu.memref_slice %arg4[%add3A_52, %dma_start3A_89] : memref<2528x128xi32, #tpu.memory_space<hbm>> -> memref<1x128xi32, #tpu.memory_space<hbm>>
          tpu.enqueue_dma source(%dma_start3A_90 : memref<1x128xi32, #tpu.memory_space<hbm>>) target(%arg11 : memref<1x128xi32, #tpu.memory_space<vmem>>) target_semaphore(%run_scoped3A_86 : memref<!tpu.dma_semaphore, #tpu.memory_space<semaphore_mem>>)
          %dma_wait3A_91 = arith.constant 0 : i32
          %dma_wait3A_92 = tpu.memref_slice %arg4[%add3A_52, %dma_wait3A_91] : memref<2528x128xi32, #tpu.memory_space<hbm>> -> memref<1x128xi32, #tpu.memory_space<hbm>>
          %dma_wait3A_93 = arith.constant 0 : i32
          %dma_wait3A_94 = tpu.memref_slice %arg4[%add3A_52, %dma_wait3A_93] : memref<2528x128xi32, #tpu.memory_space<hbm>> -> memref<1x128xi32, #tpu.memory_space<hbm>>
          tpu.wait_dma2 semaphore(%run_scoped3A_86 : memref<!tpu.dma_semaphore, #tpu.memory_space<semaphore_mem>>) src(%dma_wait3A_94 : memref<1x128xi32, #tpu.memory_space<hbm>>) dst(%arg11 : memref<1x128xi32, #tpu.memory_space<vmem>>)
          tpu.yield
        }) : () -> ()
        %dma_start3A = arith.constant 0 : i32
        %dma_start3A_53 = arith.constant 0 : i32
        %dma_start3A_54 = tpu.memref_slice %arg11[%dma_start3A, %dma_start3A_53] : memref<1x128xi32, #tpu.memory_space<vmem>> -> memref<1x128xi32, #tpu.memory_space<vmem>>
        %dma_start3A_55 = tpu.memref_squeeze %dma_start3A_54 : memref<1x128xi32, #tpu.memory_space<vmem>> -> memref<128xi32, #tpu.memory_space<vmem>>
        %dma_start3A_56 = arith.constant 0 : i32
        %dma_start3A_57 = arith.constant 0 : i32
        %dma_start3A_58 = tpu.memref_slice %arg17[%dma_start3A_56, %dma_start3A_57] : memref<10112x128xf32, #tpu.memory_space<vmem_shared>> -> memref<10112x128xf32, #tpu.memory_space<vmem_shared>>
        tpu.enqueue_indirect_dma source(%arg16 : memref<128x128xf32, #tpu.memory_space<vmem>>) target(%dma_start3A_58 : memref<10112x128xf32, #tpu.memory_space<vmem_shared>>) offsets(%dma_start3A_55 : memref<128xi32, #tpu.memory_space<vmem>>) semaphore(%run_scoped3A_31 : memref<!tpu.dma_semaphore, #tpu.memory_space<semaphore_mem>>) {add = true}
        %add3A_59 = arith.constant 1 : i32
        %add3A_60 = arith.addi %mul3A_17, %add3A_59 : i32
        "tpu.region"() ({
          %run_scoped3A_86 = tpu.sem_alloc : memref<!tpu.dma_semaphore, #tpu.memory_space<semaphore_mem>>
          %dma_start3A_87 = arith.constant 0 : i32
          %dma_start3A_88 = tpu.memref_slice %arg4[%add3A_60, %dma_start3A_87] : memref<2528x128xi32, #tpu.memory_space<hbm>> -> memref<1x128xi32, #tpu.memory_space<hbm>>
          %dma_start3A_89 = arith.constant 0 : i32
          %dma_start3A_90 = tpu.memref_slice %arg4[%add3A_60, %dma_start3A_89] : memref<2528x128xi32, #tpu.memory_space<hbm>> -> memref<1x128xi32, #tpu.memory_space<hbm>>
          tpu.enqueue_dma source(%dma_start3A_90 : memref<1x128xi32, #tpu.memory_space<hbm>>) target(%arg13 : memref<1x128xi32, #tpu.memory_space<vmem>>) target_semaphore(%run_scoped3A_86 : memref<!tpu.dma_semaphore, #tpu.memory_space<semaphore_mem>>)
          %dma_wait3A_91 = arith.constant 0 : i32
          %dma_wait3A_92 = tpu.memref_slice %arg4[%add3A_60, %dma_wait3A_91] : memref<2528x128xi32, #tpu.memory_space<hbm>> -> memref<1x128xi32, #tpu.memory_space<hbm>>
          %dma_wait3A_93 = arith.constant 0 : i32
          %dma_wait3A_94 = tpu.memref_slice %arg4[%add3A_60, %dma_wait3A_93] : memref<2528x128xi32, #tpu.memory_space<hbm>> -> memref<1x128xi32, #tpu.memory_space<hbm>>
          tpu.wait_dma2 semaphore(%run_scoped3A_86 : memref<!tpu.dma_semaphore, #tpu.memory_space<semaphore_mem>>) src(%dma_wait3A_94 : memref<1x128xi32, #tpu.memory_space<hbm>>) dst(%arg13 : memref<1x128xi32, #tpu.memory_space<vmem>>)
          tpu.yield
        }) : () -> ()
        %dma_start3A_61 = arith.constant 0 : i32
        %dma_start3A_62 = arith.constant 0 : i32
        %dma_start3A_63 = tpu.memref_slice %arg13[%dma_start3A_61, %dma_start3A_62] : memref<1x128xi32, #tpu.memory_space<vmem>> -> memref<1x128xi32, #tpu.memory_space<vmem>>
        %dma_start3A_64 = tpu.memref_squeeze %dma_start3A_63 : memref<1x128xi32, #tpu.memory_space<vmem>> -> memref<128xi32, #tpu.memory_space<vmem>>
        %dma_start3A_65 = arith.constant 0 : i32
        %dma_start3A_66 = arith.constant 0 : i32
        %dma_start3A_67 = tpu.memref_slice %arg17[%dma_start3A_65, %dma_start3A_66] : memref<10112x128xf32, #tpu.memory_space<vmem_shared>> -> memref<10112x128xf32, #tpu.memory_space<vmem_shared>>
        tpu.enqueue_indirect_dma source(%arg16 : memref<128x128xf32, #tpu.memory_space<vmem>>) target(%dma_start3A_67 : memref<10112x128xf32, #tpu.memory_space<vmem_shared>>) offsets(%dma_start3A_64 : memref<128xi32, #tpu.memory_space<vmem>>) semaphore(%run_scoped3A_32 : memref<!tpu.dma_semaphore, #tpu.memory_space<semaphore_mem>>) {add = true}
        %scan3A_68 = arith.constant 0 : i32
        %scan3A_69 = arith.constant 39 : i32
        %scan3A_70 = arith.addi %scan3A_68, %scan3A_69 : i32
        %scan3A_71 = arith.constant 1 : i32
        scf.for %scan3A_86 = %scan3A_68 to %scan3A_70 step %scan3A_71  : i32 {
          %mul3A_87 = arith.constant 1 : i32
          %mul3A_88 = arith.muli %scan3A_86, %mul3A_87 : i32
          %add3A_89 = arith.constant 0 : i32
          %add3A_90 = arith.addi %add3A_89, %mul3A_88 : i32
          %dma_wait3A_91 = arith.constant 0 : i32
          %dma_wait3A_92 = arith.constant 0 : i32
          %dma_wait3A_93 = tpu.memref_slice %arg11[%dma_wait3A_91, %dma_wait3A_92] : memref<1x128xi32, #tpu.memory_space<vmem>> -> memref<1x128xi32, #tpu.memory_space<vmem>>
          %dma_wait3A_94 = tpu.memref_squeeze %dma_wait3A_93 : memref<1x128xi32, #tpu.memory_space<vmem>> -> memref<128xi32, #tpu.memory_space<vmem>>
          %dma_wait3A_95 = arith.constant 0 : i32
          %dma_wait3A_96 = arith.constant 0 : i32
          %dma_wait3A_97 = tpu.memref_slice %arg17[%dma_wait3A_95, %dma_wait3A_96] : memref<10112x128xf32, #tpu.memory_space<vmem_shared>> -> memref<10112x128xf32, #tpu.memory_space<vmem_shared>>
          tpu.wait_indirect_dma semaphore(%run_scoped3A_31 : memref<!tpu.dma_semaphore, #tpu.memory_space<semaphore_mem>>) src(%arg16 : memref<128x128xf32, #tpu.memory_space<vmem>>) dst(%dma_wait3A_97 : memref<10112x128xf32, #tpu.memory_space<vmem_shared>>)
          %mul3A_98 = arith.constant 2 : i32
          %mul3A_99 = arith.muli %mul3A_98, %add3A_90 : i32
          %add3A_100 = arith.constant 2 : i32
          %add3A_101 = arith.addi %mul3A_99, %add3A_100 : i32
          %add3A_102 = arith.addi %mul3A_17, %add3A_101 : i32
          "tpu.region"() ({
            %run_scoped3A_118 = tpu.sem_alloc : memref<!tpu.dma_semaphore, #tpu.memory_space<semaphore_mem>>
            %dma_start3A_119 = arith.constant 0 : i32
            %dma_start3A_120 = tpu.memref_slice %arg4[%add3A_102, %dma_start3A_119] : memref<2528x128xi32, #tpu.memory_space<hbm>> -> memref<1x128xi32, #tpu.memory_space<hbm>>
            %dma_start3A_121 = arith.constant 0 : i32
            %dma_start3A_122 = tpu.memref_slice %arg4[%add3A_102, %dma_start3A_121] : memref<2528x128xi32, #tpu.memory_space<hbm>> -> memref<1x128xi32, #tpu.memory_space<hbm>>
            tpu.enqueue_dma source(%dma_start3A_122 : memref<1x128xi32, #tpu.memory_space<hbm>>) target(%arg11 : memref<1x128xi32, #tpu.memory_space<vmem>>) target_semaphore(%run_scoped3A_118 : memref<!tpu.dma_semaphore, #tpu.memory_space<semaphore_mem>>)
            %dma_wait3A_123 = arith.constant 0 : i32
            %dma_wait3A_124 = tpu.memref_slice %arg4[%add3A_102, %dma_wait3A_123] : memref<2528x128xi32, #tpu.memory_space<hbm>> -> memref<1x128xi32, #tpu.memory_space<hbm>>
            %dma_wait3A_125 = arith.constant 0 : i32
            %dma_wait3A_126 = tpu.memref_slice %arg4[%add3A_102, %dma_wait3A_125] : memref<2528x128xi32, #tpu.memory_space<hbm>> -> memref<1x128xi32, #tpu.memory_space<hbm>>
            tpu.wait_dma2 semaphore(%run_scoped3A_118 : memref<!tpu.dma_semaphore, #tpu.memory_space<semaphore_mem>>) src(%dma_wait3A_126 : memref<1x128xi32, #tpu.memory_space<hbm>>) dst(%arg11 : memref<1x128xi32, #tpu.memory_space<vmem>>)
            tpu.yield
          }) : () -> ()
          %dma_start3A_103 = arith.constant 0 : i32
          %dma_start3A_104 = arith.constant 0 : i32
          %dma_start3A_105 = tpu.memref_slice %arg11[%dma_start3A_103, %dma_start3A_104] : memref<1x128xi32, #tpu.memory_space<vmem>> -> memref<1x128xi32, #tpu.memory_space<vmem>>
          %dma_start3A_106 = tpu.memref_squeeze %dma_start3A_105 : memref<1x128xi32, #tpu.memory_space<vmem>> -> memref<128xi32, #tpu.memory_space<vmem>>
          %dma_start3A_107 = arith.constant 0 : i32
          %dma_start3A_108 = arith.constant 0 : i32
          %dma_start3A_109 = tpu.memref_slice %arg17[%dma_start3A_107, %dma_start3A_108] : memref<10112x128xf32, #tpu.memory_space<vmem_shared>> -> memref<10112x128xf32, #tpu.memory_space<vmem_shared>>
          tpu.enqueue_indirect_dma source(%arg16 : memref<128x128xf32, #tpu.memory_space<vmem>>) target(%dma_start3A_109 : memref<10112x128xf32, #tpu.memory_space<vmem_shared>>) offsets(%dma_start3A_106 : memref<128xi32, #tpu.memory_space<vmem>>) semaphore(%run_scoped3A_31 : memref<!tpu.dma_semaphore, #tpu.memory_space<semaphore_mem>>) {add = true}
          %mul3A_110 = arith.constant 2 : i32
          %mul3A_111 = arith.muli %mul3A_110, %add3A_90 : i32
          %add3A_112 = arith.constant 3 : i32
          %add3A_113 = arith.addi %mul3A_111, %add3A_112 : i32
          %lt3A = arith.constant 79 : i32
          %lt3A_114 = arith.cmpi slt, %add3A_113, %lt3A : i32
          %convert_element_type3A_115 = arith.extui %lt3A_114 : i1 to i32
          %cond3A_116 = arith.constant 0 : i32
          %cond3A_117 = arith.cmpi ne, %convert_element_type3A_115, %cond3A_116 : i32
          scf.if %cond3A_117 {
            %dma_wait3A_118 = arith.constant 0 : i32
            %dma_wait3A_119 = arith.constant 0 : i32
            %dma_wait3A_120 = tpu.memref_slice %arg13[%dma_wait3A_118, %dma_wait3A_119] : memref<1x128xi32, #tpu.memory_space<vmem>> -> memref<1x128xi32, #tpu.memory_space<vmem>>
            %dma_wait3A_121 = tpu.memref_squeeze %dma_wait3A_120 : memref<1x128xi32, #tpu.memory_space<vmem>> -> memref<128xi32, #tpu.memory_space<vmem>>
            %dma_wait3A_122 = arith.constant 0 : i32
            %dma_wait3A_123 = arith.constant 0 : i32
            %dma_wait3A_124 = tpu.memref_slice %arg17[%dma_wait3A_122, %dma_wait3A_123] : memref<10112x128xf32, #tpu.memory_space<vmem_shared>> -> memref<10112x128xf32, #tpu.memory_space<vmem_shared>>
            tpu.wait_indirect_dma semaphore(%run_scoped3A_32 : memref<!tpu.dma_semaphore, #tpu.memory_space<semaphore_mem>>) src(%arg16 : memref<128x128xf32, #tpu.memory_space<vmem>>) dst(%dma_wait3A_124 : memref<10112x128xf32, #tpu.memory_space<vmem_shared>>)
            %mul3A_125 = arith.constant 2 : i32
            %mul3A_126 = arith.muli %mul3A_125, %add3A_90 : i32
            %add3A_127 = arith.constant 3 : i32
            %add3A_128 = arith.addi %mul3A_126, %add3A_127 : i32
            %add3A_129 = arith.addi %mul3A_17, %add3A_128 : i32
            "tpu.region"() ({
              %run_scoped3A_137 = tpu.sem_alloc : memref<!tpu.dma_semaphore, #tpu.memory_space<semaphore_mem>>
              %dma_start3A_138 = arith.constant 0 : i32
              %dma_start3A_139 = tpu.memref_slice %arg4[%add3A_129, %dma_start3A_138] : memref<2528x128xi32, #tpu.memory_space<hbm>> -> memref<1x128xi32, #tpu.memory_space<hbm>>
              %dma_start3A_140 = arith.constant 0 : i32
              %dma_start3A_141 = tpu.memref_slice %arg4[%add3A_129, %dma_start3A_140] : memref<2528x128xi32, #tpu.memory_space<hbm>> -> memref<1x128xi32, #tpu.memory_space<hbm>>
              tpu.enqueue_dma source(%dma_start3A_141 : memref<1x128xi32, #tpu.memory_space<hbm>>) target(%arg13 : memref<1x128xi32, #tpu.memory_space<vmem>>) target_semaphore(%run_scoped3A_137 : memref<!tpu.dma_semaphore, #tpu.memory_space<semaphore_mem>>)
              %dma_wait3A_142 = arith.constant 0 : i32
              %dma_wait3A_143 = tpu.memref_slice %arg4[%add3A_129, %dma_wait3A_142] : memref<2528x128xi32, #tpu.memory_space<hbm>> -> memref<1x128xi32, #tpu.memory_space<hbm>>
              %dma_wait3A_144 = arith.constant 0 : i32
              %dma_wait3A_145 = tpu.memref_slice %arg4[%add3A_129, %dma_wait3A_144] : memref<2528x128xi32, #tpu.memory_space<hbm>> -> memref<1x128xi32, #tpu.memory_space<hbm>>
              tpu.wait_dma2 semaphore(%run_scoped3A_137 : memref<!tpu.dma_semaphore, #tpu.memory_space<semaphore_mem>>) src(%dma_wait3A_145 : memref<1x128xi32, #tpu.memory_space<hbm>>) dst(%arg13 : memref<1x128xi32, #tpu.memory_space<vmem>>)
              tpu.yield
            }) : () -> ()
            %dma_start3A_130 = arith.constant 0 : i32
            %dma_start3A_131 = arith.constant 0 : i32
            %dma_start3A_132 = tpu.memref_slice %arg13[%dma_start3A_130, %dma_start3A_131] : memref<1x128xi32, #tpu.memory_space<vmem>> -> memref<1x128xi32, #tpu.memory_space<vmem>>
            %dma_start3A_133 = tpu.memref_squeeze %dma_start3A_132 : memref<1x128xi32, #tpu.memory_space<vmem>> -> memref<128xi32, #tpu.memory_space<vmem>>
            %dma_start3A_134 = arith.constant 0 : i32
            %dma_start3A_135 = arith.constant 0 : i32
            %dma_start3A_136 = tpu.memref_slice %arg17[%dma_start3A_134, %dma_start3A_135] : memref<10112x128xf32, #tpu.memory_space<vmem_shared>> -> memref<10112x128xf32, #tpu.memory_space<vmem_shared>>
            tpu.enqueue_indirect_dma source(%arg16 : memref<128x128xf32, #tpu.memory_space<vmem>>) target(%dma_start3A_136 : memref<10112x128xf32, #tpu.memory_space<vmem_shared>>) offsets(%dma_start3A_133 : memref<128xi32, #tpu.memory_space<vmem>>) semaphore(%run_scoped3A_32 : memref<!tpu.dma_semaphore, #tpu.memory_space<semaphore_mem>>) {add = true}
          } else {
          }
        }
        %scan3A_72 = arith.constant 39 : i32
        %dma_wait3A = arith.constant 0 : i32
        %dma_wait3A_73 = arith.constant 0 : i32
        %dma_wait3A_74 = tpu.memref_slice %arg13[%dma_wait3A, %dma_wait3A_73] : memref<1x128xi32, #tpu.memory_space<vmem>> -> memref<1x128xi32, #tpu.memory_space<vmem>>
        %dma_wait3A_75 = tpu.memref_squeeze %dma_wait3A_74 : memref<1x128xi32, #tpu.memory_space<vmem>> -> memref<128xi32, #tpu.memory_space<vmem>>
        %dma_wait3A_76 = arith.constant 0 : i32
        %dma_wait3A_77 = arith.constant 0 : i32
        %dma_wait3A_78 = tpu.memref_slice %arg17[%dma_wait3A_76, %dma_wait3A_77] : memref<10112x128xf32, #tpu.memory_space<vmem_shared>> -> memref<10112x128xf32, #tpu.memory_space<vmem_shared>>
        tpu.wait_indirect_dma semaphore(%run_scoped3A_32 : memref<!tpu.dma_semaphore, #tpu.memory_space<semaphore_mem>>) src(%arg16 : memref<128x128xf32, #tpu.memory_space<vmem>>) dst(%dma_wait3A_78 : memref<10112x128xf32, #tpu.memory_space<vmem_shared>>)
        %dma_wait3A_79 = arith.constant 0 : i32
        %dma_wait3A_80 = arith.constant 0 : i32
        %dma_wait3A_81 = tpu.memref_slice %arg11[%dma_wait3A_79, %dma_wait3A_80] : memref<1x128xi32, #tpu.memory_space<vmem>> -> memref<1x128xi32, #tpu.memory_space<vmem>>
        %dma_wait3A_82 = tpu.memref_squeeze %dma_wait3A_81 : memref<1x128xi32, #tpu.memory_space<vmem>> -> memref<128xi32, #tpu.memory_space<vmem>>
        %dma_wait3A_83 = arith.constant 0 : i32
        %dma_wait3A_84 = arith.constant 0 : i32
        %dma_wait3A_85 = tpu.memref_slice %arg17[%dma_wait3A_83, %dma_wait3A_84] : memref<10112x128xf32, #tpu.memory_space<vmem_shared>> -> memref<10112x128xf32, #tpu.memory_space<vmem_shared>>
        tpu.wait_indirect_dma semaphore(%run_scoped3A_31 : memref<!tpu.dma_semaphore, #tpu.memory_space<semaphore_mem>>) src(%arg16 : memref<128x128xf32, #tpu.memory_space<vmem>>) dst(%dma_wait3A_85 : memref<10112x128xf32, #tpu.memory_space<vmem_shared>>)
      } else {
      }
      tpu.yield
    }) : () -> ()
    %and3A = arith.constant 2 : i32
    %and3A_26 = arith.andi %reduce_max3A_25, %and3A : i32
    %ne3A = arith.constant 0 : i32
    %ne3A_27 = arith.cmpi ne, %and3A_26, %ne3A : i32
    %convert_element_type3A = arith.extui %ne3A_27 : i1 to i32
    %cond3A = arith.constant 0 : i32
    %cond3A_28 = arith.cmpi ne, %convert_element_type3A, %cond3A : i32
    scf.if %cond3A_28 {
      %scan3A_30 = arith.constant 0 : i32
      %scan3A_31 = arith.constant 3 : i32
      %scan3A_32 = arith.addi %scan3A_30, %scan3A_31 : i32
      %scan3A_33 = arith.constant 1 : i32
      scf.for %scan3A_35 = %scan3A_30 to %scan3A_32 step %scan3A_33  : i32 {
        %mul3A_36 = arith.constant 1 : i32
        %mul3A_37 = arith.muli %scan3A_35, %mul3A_36 : i32
        %add3A_38 = arith.constant 0 : i32
        %add3A_39 = arith.addi %add3A_38, %mul3A_37 : i32
        %mul3A_40 = arith.constant 3 : i32
        %mul3A_41 = arith.muli %add3A, %mul3A_40 : i32
        %add3A_42 = arith.addi %mul3A_41, %add3A_39 : i32
        "tpu.region"() ({
          %run_scoped3A_45 = tpu.sem_alloc : memref<!tpu.dma_semaphore, #tpu.memory_space<semaphore_mem>>
          %dma_start3A = arith.constant 0 : i32
          %dma_start3A_46 = tpu.memref_slice %arg5[%add3A_42, %dma_start3A] : memref<96x128xi32, #tpu.memory_space<hbm>> -> memref<1x128xi32, #tpu.memory_space<hbm>>
          %dma_start3A_47 = arith.constant 0 : i32
          %dma_start3A_48 = tpu.memref_slice %arg5[%add3A_42, %dma_start3A_47] : memref<96x128xi32, #tpu.memory_space<hbm>> -> memref<1x128xi32, #tpu.memory_space<hbm>>
          tpu.enqueue_dma source(%dma_start3A_48 : memref<1x128xi32, #tpu.memory_space<hbm>>) target(%arg10 : memref<1x128xi32, #tpu.memory_space<vmem>>) target_semaphore(%run_scoped3A_45 : memref<!tpu.dma_semaphore, #tpu.memory_space<semaphore_mem>>)
          %dma_wait3A = arith.constant 0 : i32
          %dma_wait3A_49 = tpu.memref_slice %arg5[%add3A_42, %dma_wait3A] : memref<96x128xi32, #tpu.memory_space<hbm>> -> memref<1x128xi32, #tpu.memory_space<hbm>>
          %dma_wait3A_50 = arith.constant 0 : i32
          %dma_wait3A_51 = tpu.memref_slice %arg5[%add3A_42, %dma_wait3A_50] : memref<96x128xi32, #tpu.memory_space<hbm>> -> memref<1x128xi32, #tpu.memory_space<hbm>>
          tpu.wait_dma2 semaphore(%run_scoped3A_45 : memref<!tpu.dma_semaphore, #tpu.memory_space<semaphore_mem>>) src(%dma_wait3A_51 : memref<1x128xi32, #tpu.memory_space<hbm>>) dst(%arg10 : memref<1x128xi32, #tpu.memory_space<vmem>>)
          tpu.yield
        }) : () -> ()
        %run_scoped3A = arith.constant 0 : i32
        "tpu.region"() ({
          %run_scoped3A_45 = tpu.sem_alloc : memref<!tpu.dma_semaphore, #tpu.memory_space<semaphore_mem>>
          %dma_start3A = arith.constant 0 : i32
          %dma_start3A_46 = tpu.memref_slice %arg10[%run_scoped3A, %dma_start3A] : memref<1x128xi32, #tpu.memory_space<vmem>> -> memref<1x128xi32, #tpu.memory_space<vmem>>
          %dma_start3A_47 = tpu.memref_squeeze %dma_start3A_46 : memref<1x128xi32, #tpu.memory_space<vmem>> -> memref<128xi32, #tpu.memory_space<vmem>>
          %dma_start3A_48 = arith.constant 0 : i32
          %dma_start3A_49 = arith.constant 0 : i32
          %dma_start3A_50 = tpu.memref_slice %arg6[%dma_start3A_48, %dma_start3A_49] : memref<10000x128xf32, #tpu.memory_space<hbm>> -> memref<10000x128xf32, #tpu.memory_space<hbm>>
          tpu.enqueue_indirect_dma source(%dma_start3A_50 : memref<10000x128xf32, #tpu.memory_space<hbm>>) target(%arg14 : memref<128x128xf32, #tpu.memory_space<vmem>>) offsets(%dma_start3A_47 : memref<128xi32, #tpu.memory_space<vmem>>) semaphore(%run_scoped3A_45 : memref<!tpu.dma_semaphore, #tpu.memory_space<semaphore_mem>>)
          %dma_wait3A = arith.constant 0 : i32
          %dma_wait3A_51 = tpu.memref_slice %arg10[%run_scoped3A, %dma_wait3A] : memref<1x128xi32, #tpu.memory_space<vmem>> -> memref<1x128xi32, #tpu.memory_space<vmem>>
          %dma_wait3A_52 = tpu.memref_squeeze %dma_wait3A_51 : memref<1x128xi32, #tpu.memory_space<vmem>> -> memref<128xi32, #tpu.memory_space<vmem>>
          %dma_wait3A_53 = arith.constant 0 : i32
          %dma_wait3A_54 = arith.constant 0 : i32
          %dma_wait3A_55 = tpu.memref_slice %arg6[%dma_wait3A_53, %dma_wait3A_54] : memref<10000x128xf32, #tpu.memory_space<hbm>> -> memref<10000x128xf32, #tpu.memory_space<hbm>>
          tpu.wait_indirect_dma semaphore(%run_scoped3A_45 : memref<!tpu.dma_semaphore, #tpu.memory_space<semaphore_mem>>) src(%dma_wait3A_55 : memref<10000x128xf32, #tpu.memory_space<hbm>>) dst(%arg14 : memref<128x128xf32, #tpu.memory_space<vmem>>)
          tpu.yield
        }) : () -> ()
        %mul3A_43 = arith.constant 128 : i32
        %mul3A_44 = arith.muli %add3A_42, %mul3A_43 : i32
        "tpu.region"() ({
          %run_scoped3A_45 = tpu.sem_alloc : memref<!tpu.dma_semaphore, #tpu.memory_space<semaphore_mem>>
          %dma_start3A = arith.constant 0 : i32
          %dma_start3A_46 = tpu.memref_slice %arg9[%mul3A_44, %dma_start3A] : memref<12288x128xf32, #tpu.memory_space<hbm>> -> memref<128x128xf32, #tpu.memory_space<hbm>>
          %dma_start3A_47 = arith.constant 0 : i32
          %dma_start3A_48 = tpu.memref_slice %arg9[%mul3A_44, %dma_start3A_47] : memref<12288x128xf32, #tpu.memory_space<hbm>> -> memref<128x128xf32, #tpu.memory_space<hbm>>
          tpu.enqueue_dma source(%arg14 : memref<128x128xf32, #tpu.memory_space<vmem>>) target(%dma_start3A_48 : memref<128x128xf32, #tpu.memory_space<hbm>>) target_semaphore(%run_scoped3A_45 : memref<!tpu.dma_semaphore, #tpu.memory_space<semaphore_mem>>)
          %dma_wait3A = arith.constant 0 : i32
          %dma_wait3A_49 = tpu.memref_slice %arg9[%mul3A_44, %dma_wait3A] : memref<12288x128xf32, #tpu.memory_space<hbm>> -> memref<128x128xf32, #tpu.memory_space<hbm>>
          %dma_wait3A_50 = arith.constant 0 : i32
          %dma_wait3A_51 = tpu.memref_slice %arg9[%mul3A_44, %dma_wait3A_50] : memref<12288x128xf32, #tpu.memory_space<hbm>> -> memref<128x128xf32, #tpu.memory_space<hbm>>
          tpu.wait_dma2 semaphore(%run_scoped3A_45 : memref<!tpu.dma_semaphore, #tpu.memory_space<semaphore_mem>>) src(%arg14 : memref<128x128xf32, #tpu.memory_space<vmem>>) dst(%dma_wait3A_51 : memref<128x128xf32, #tpu.memory_space<hbm>>)
          tpu.yield
        }) : () -> ()
      }
      %scan3A_34 = arith.constant 3 : i32
    } else {
    }
    %barrier3A_29 = arith.constant 0 : index
    tpu.barrier barrier_id(%barrier3A_29)
    "tpu.region"() ({
      %run_scoped3A = tpu.sem_alloc : memref<!tpu.dma_semaphore, #tpu.memory_space<semaphore_mem>>
      %dma_start3A = arith.constant 0 : i32
      %dma_start3A_30 = tpu.memref_slice %arg8[%arg0, %mul3A_2, %dma_start3A] : memref<2x10112x128xf32, #tpu.memory_space<hbm>> -> memref<1x632x128xf32, #tpu.memory_space<hbm>>
      %dma_start3A_31 = tpu.memref_squeeze %dma_start3A_30 : memref<1x632x128xf32, #tpu.memory_space<hbm>> -> memref<632x128xf32, #tpu.memory_space<hbm>>
      %dma_start3A_32 = arith.constant 0 : i32
      %dma_start3A_33 = tpu.memref_slice %arg17[%mul3A_2, %dma_start3A_32] : memref<10112x128xf32, #tpu.memory_space<vmem_shared>> -> memref<632x128xf32, #tpu.memory_space<vmem_shared>>
      tpu.enqueue_dma source(%dma_start3A_33 : memref<632x128xf32, #tpu.memory_space<vmem_shared>>) target(%dma_start3A_31 : memref<632x128xf32, #tpu.memory_space<hbm>>) target_semaphore(%run_scoped3A : memref<!tpu.dma_semaphore, #tpu.memory_space<semaphore_mem>>)
      %dma_wait3A = arith.constant 0 : i32
      %dma_wait3A_34 = tpu.memref_slice %arg8[%arg0, %mul3A_2, %dma_wait3A] : memref<2x10112x128xf32, #tpu.memory_space<hbm>> -> memref<1x632x128xf32, #tpu.memory_space<hbm>>
      %dma_wait3A_35 = tpu.memref_squeeze %dma_wait3A_34 : memref<1x632x128xf32, #tpu.memory_space<hbm>> -> memref<632x128xf32, #tpu.memory_space<hbm>>
      %dma_wait3A_36 = arith.constant 0 : i32
      %dma_wait3A_37 = tpu.memref_slice %arg17[%mul3A_2, %dma_wait3A_36] : memref<10112x128xf32, #tpu.memory_space<vmem_shared>> -> memref<632x128xf32, #tpu.memory_space<vmem_shared>>
      tpu.wait_dma2 semaphore(%run_scoped3A : memref<!tpu.dma_semaphore, #tpu.memory_space<semaphore_mem>>) src(%dma_wait3A_37 : memref<632x128xf32, #tpu.memory_space<vmem_shared>>) dst(%dma_wait3A_35 : memref<632x128xf32, #tpu.memory_space<hbm>>)
      tpu.yield
    }) : () -> ()
    return
  }
}

#map = affine_map<(d0, d1) -> (0, 0)>
#map1 = affine_map<(d0, d1) -> (0)>
#map2 = affine_map<(d0, d1) -> (0, 0, 0)>
module attributes {stable_mosaic.version = 14 : i64} {
  func.func @_sc_pass(%arg0: i32, %arg1: i32, %arg2: memref<10112x128xf32, #tpu.memory_space<hbm>>, %arg3: memref<2528x128xi32, #tpu.memory_space<hbm>>, %arg4: memref<2528x128xi32, #tpu.memory_space<hbm>>, %arg5: memref<96x128xi32, #tpu.memory_space<hbm>>, %arg6: memref<10000x128xf32, #tpu.memory_space<hbm>>, %arg7: memref<16xi32, #tpu.memory_space<hbm>>, %arg8: memref<2x10112x128xf32, #tpu.memory_space<hbm>>, %arg9: memref<12288x128xf32, #tpu.memory_space<hbm>>, %arg10: memref<1x128xi32, #tpu.memory_space<vmem>>, %arg11: memref<1x128xi32, #tpu.memory_space<vmem>>, %arg12: memref<1x128xi32, #tpu.memory_space<vmem>>, %arg13: memref<1x128xi32, #tpu.memory_space<vmem>>, %arg14: memref<128x128xf32, #tpu.memory_space<vmem>>, %arg15: memref<128x128xf32, #tpu.memory_space<vmem>>, %arg16: memref<128x128xf32, #tpu.memory_space<vmem>>, %arg17: memref<10112x128xf32, #tpu.memory_space<vmem_shared>>, %arg18: memref<16xi32, #tpu.memory_space<vmem>>) attributes {dimension_semantics = [#tpu.dimension_semantics<core_parallel>, #tpu.dimension_semantics<subcore_parallel>], iteration_bounds = array<i64: 2, 16>, scalar_prefetch = 0 : i64, scratch_operands = 9 : i64, tpu.core_type = #tpu.core_type<sc_vector_subcore>, window_params = [{transform_indices = #map}, {transform_indices = #map}, {transform_indices = #map}, {transform_indices = #map}, {transform_indices = #map}, {transform_indices = #map1}, {transform_indices = #map2}, {transform_indices = #map}]} {
    %mul3A = arith.constant 2 : i32
    %mul3A_0 = arith.muli %arg1, %mul3A : i32
    %add3A = arith.addi %mul3A_0, %arg0 : i32
    %mul3A_1 = arith.constant 632 : i32
    %mul3A_2 = arith.muli %arg1, %mul3A_1 : i32
    %scan3A = arith.constant 0 : i32
    %scan3A_3 = arith.constant 128 : i32
    %scan3A_4 = arith.addi %scan3A, %scan3A_3 : i32
    %scan3A_5 = arith.constant 1 : i32
    scf.for %scan3A_30 = %scan3A to %scan3A_4 step %scan3A_5  : i32 {
      %mul3A_31 = arith.constant 1 : i32
      %mul3A_32 = arith.muli %scan3A_30, %mul3A_31 : i32
      %add3A_33 = arith.constant 0 : i32
      %add3A_34 = arith.addi %add3A_33, %mul3A_32 : i32
      %scan3A_35 = arith.constant 0 : i32
      %scan3A_36 = arith.constant 8 : i32
      %scan3A_37 = arith.addi %scan3A_35, %scan3A_36 : i32
      %scan3A_38 = arith.constant 1 : i32
      scf.for %scan3A_40 = %scan3A_35 to %scan3A_37 step %scan3A_38  : i32 {
        %mul3A_41 = arith.constant 1 : i32
        %mul3A_42 = arith.muli %scan3A_40, %mul3A_41 : i32
        %add3A_43 = arith.constant 0 : i32
        %add3A_44 = arith.addi %add3A_43, %mul3A_42 : i32
        %broadcast_in_dim3A = arith.constant 0.000000e+00 : f32
        %broadcast_in_dim3A_45 = vector.broadcast %broadcast_in_dim3A : f32 to vector<16xf32>
        %mul3A_46 = arith.constant 16 : i32
        %mul3A_47 = arith.muli %add3A_44, %mul3A_46 : i32
        %swap3A = arith.index_cast %add3A_34 : i32 to index
        %swap3A_48 = arith.index_cast %mul3A_47 : i32 to index
        %swap3A_49 = tpu.vector_load %arg16[%swap3A, %swap3A_48] {strides = array<i32>} : memref<128x128xf32, #tpu.memory_space<vmem>>, vector<16xf32>,
        tpu.vector_store %arg16[%swap3A, %swap3A_48], %broadcast_in_dim3A_45 {strides = array<i32>} : memref<128x128xf32, #tpu.memory_space<vmem>>, vector<16xf32>,
      }
      %scan3A_39 = arith.constant 8 : i32
    }
    %scan3A_6 = arith.constant 128 : i32
    %scan3A_7 = arith.constant 0 : i32
    %scan3A_8 = arith.constant 4 : i32
    %scan3A_9 = arith.addi %scan3A_7, %scan3A_8 : i32
    %scan3A_10 = arith.constant 1 : i32
    scf.for %scan3A_30 = %scan3A_7 to %scan3A_9 step %scan3A_10  : i32 {
      %mul3A_31 = arith.constant 1 : i32
      %mul3A_32 = arith.muli %scan3A_30, %mul3A_31 : i32
      %add3A_33 = arith.constant 0 : i32
      %add3A_34 = arith.addi %add3A_33, %mul3A_32 : i32
      %mul3A_35 = arith.constant 632 : i32
      %mul3A_36 = arith.muli %arg1, %mul3A_35 : i32
      %mul3A_37 = arith.constant 128 : i32
      %mul3A_38 = arith.muli %add3A_34, %mul3A_37 : i32
      %add3A_39 = arith.addi %mul3A_36, %mul3A_38 : i32
      "tpu.region"() ({
        %run_scoped3A = tpu.sem_alloc : memref<!tpu.dma_semaphore, #tpu.memory_space<semaphore_mem>>
        %dma_start3A = arith.constant 0 : i32
        %dma_start3A_40 = tpu.memref_slice %arg17[%add3A_39, %dma_start3A] : memref<10112x128xf32, #tpu.memory_space<vmem_shared>> -> memref<128x128xf32, #tpu.memory_space<vmem_shared>>
        %dma_start3A_41 = arith.constant 0 : i32
        %dma_start3A_42 = tpu.memref_slice %arg17[%add3A_39, %dma_start3A_41] : memref<10112x128xf32, #tpu.memory_space<vmem_shared>> -> memref<128x128xf32, #tpu.memory_space<vmem_shared>>
        tpu.enqueue_dma source(%arg16 : memref<128x128xf32, #tpu.memory_space<vmem>>) target(%dma_start3A_42 : memref<128x128xf32, #tpu.memory_space<vmem_shared>>) target_semaphore(%run_scoped3A : memref<!tpu.dma_semaphore, #tpu.memory_space<semaphore_mem>>)
        %dma_wait3A = arith.constant 0 : i32
        %dma_wait3A_43 = tpu.memref_slice %arg17[%add3A_39, %dma_wait3A] : memref<10112x128xf32, #tpu.memory_space<vmem_shared>> -> memref<128x128xf32, #tpu.memory_space<vmem_shared>>
        %dma_wait3A_44 = arith.constant 0 : i32
        %dma_wait3A_45 = tpu.memref_slice %arg17[%add3A_39, %dma_wait3A_44] : memref<10112x128xf32, #tpu.memory_space<vmem_shared>> -> memref<128x128xf32, #tpu.memory_space<vmem_shared>>
        tpu.wait_dma2 semaphore(%run_scoped3A : memref<!tpu.dma_semaphore, #tpu.memory_space<semaphore_mem>>) src(%arg16 : memref<128x128xf32, #tpu.memory_space<vmem>>) dst(%dma_wait3A_45 : memref<128x128xf32, #tpu.memory_space<vmem_shared>>)
        tpu.yield
      }) : () -> ()
    }
    %scan3A_11 = arith.constant 4 : i32
    %mul3A_12 = arith.constant 632 : i32
    %mul3A_13 = arith.muli %arg1, %mul3A_12 : i32
    %add3A_14 = arith.constant 512 : i32
    %add3A_15 = arith.addi %mul3A_13, %add3A_14 : i32
    "tpu.region"() ({
      %run_scoped3A = tpu.sem_alloc : memref<!tpu.dma_semaphore, #tpu.memory_space<semaphore_mem>>
      %dma_start3A = arith.constant 0 : i32
      %dma_start3A_30 = arith.constant 0 : i32
      %dma_start3A_31 = tpu.memref_slice %arg16[%dma_start3A, %dma_start3A_30] : memref<128x128xf32, #tpu.memory_space<vmem>> -> memref<120x128xf32, #tpu.memory_space<vmem>>
      %dma_start3A_32 = arith.constant 0 : i32
      %dma_start3A_33 = tpu.memref_slice %arg17[%add3A_15, %dma_start3A_32] : memref<10112x128xf32, #tpu.memory_space<vmem_shared>> -> memref<120x128xf32, #tpu.memory_space<vmem_shared>>
      %dma_start3A_34 = arith.constant 0 : i32
      %dma_start3A_35 = tpu.memref_slice %arg17[%add3A_15, %dma_start3A_34] : memref<10112x128xf32, #tpu.memory_space<vmem_shared>> -> memref<120x128xf32, #tpu.memory_space<vmem_shared>>
      %dma_start3A_36 = arith.constant 0 : i32
      %dma_start3A_37 = arith.constant 0 : i32
      %dma_start3A_38 = tpu.memref_slice %arg16[%dma_start3A_36, %dma_start3A_37] : memref<128x128xf32, #tpu.memory_space<vmem>> -> memref<120x128xf32, #tpu.memory_space<vmem>>
      tpu.enqueue_dma source(%dma_start3A_38 : memref<120x128xf32, #tpu.memory_space<vmem>>) target(%dma_start3A_35 : memref<120x128xf32, #tpu.memory_space<vmem_shared>>) target_semaphore(%run_scoped3A : memref<!tpu.dma_semaphore, #tpu.memory_space<semaphore_mem>>)
      %dma_wait3A = arith.constant 0 : i32
      %dma_wait3A_39 = arith.constant 0 : i32
      %dma_wait3A_40 = tpu.memref_slice %arg16[%dma_wait3A, %dma_wait3A_39] : memref<128x128xf32, #tpu.memory_space<vmem>> -> memref<120x128xf32, #tpu.memory_space<vmem>>
      %dma_wait3A_41 = arith.constant 0 : i32
      %dma_wait3A_42 = tpu.memref_slice %arg17[%add3A_15, %dma_wait3A_41] : memref<10112x128xf32, #tpu.memory_space<vmem_shared>> -> memref<120x128xf32, #tpu.memory_space<vmem_shared>>
      %dma_wait3A_43 = arith.constant 0 : i32
      %dma_wait3A_44 = tpu.memref_slice %arg17[%add3A_15, %dma_wait3A_43] : memref<10112x128xf32, #tpu.memory_space<vmem_shared>> -> memref<120x128xf32, #tpu.memory_space<vmem_shared>>
      %dma_wait3A_45 = arith.constant 0 : i32
      %dma_wait3A_46 = arith.constant 0 : i32
      %dma_wait3A_47 = tpu.memref_slice %arg16[%dma_wait3A_45, %dma_wait3A_46] : memref<128x128xf32, #tpu.memory_space<vmem>> -> memref<120x128xf32, #tpu.memory_space<vmem>>
      tpu.wait_dma2 semaphore(%run_scoped3A : memref<!tpu.dma_semaphore, #tpu.memory_space<semaphore_mem>>) src(%dma_wait3A_47 : memref<120x128xf32, #tpu.memory_space<vmem>>) dst(%dma_wait3A_44 : memref<120x128xf32, #tpu.memory_space<vmem_shared>>)
      tpu.yield
    }) : () -> ()
    "tpu.region"() ({
      %run_scoped3A = tpu.sem_alloc : memref<!tpu.dma_semaphore, #tpu.memory_space<semaphore_mem>>
      tpu.enqueue_dma source(%arg7 : memref<16xi32, #tpu.memory_space<hbm>>) target(%arg18 : memref<16xi32, #tpu.memory_space<vmem>>) target_semaphore(%run_scoped3A : memref<!tpu.dma_semaphore, #tpu.memory_space<semaphore_mem>>)
      tpu.wait_dma2 semaphore(%run_scoped3A : memref<!tpu.dma_semaphore, #tpu.memory_space<semaphore_mem>>) src(%arg7 : memref<16xi32, #tpu.memory_space<hbm>>) dst(%arg18 : memref<16xi32, #tpu.memory_space<vmem>>)
      tpu.yield
    }) : () -> ()
    %barrier3A = arith.constant 0 : index
    tpu.barrier barrier_id(%barrier3A)
    %mul3A_16 = arith.constant 79 : i32
    %mul3A_17 = arith.muli %add3A, %mul3A_16 : i32
    %get3A = arith.constant 0 : index
    %get3A_18 = tpu.vector_load %arg18[%get3A] {strides = array<i32>} : memref<16xi32, #tpu.memory_space<vmem>>, vector<16xi32>,
    %reduce_max3A = arith.constant true
    %reduce_max3A_19 = vector.broadcast %reduce_max3A : i1 to vector<16xi1>
    %reduce_max3A_20 = arith.constant -2147483648 : i32
    %reduce_max3A_21 = vector.broadcast %reduce_max3A_20 : i32 to vector<16xi32>
    %reduce_max3A_22 = arith.xori %get3A_18, %reduce_max3A_21 : vector<16xi32>
    %reduce_max3A_23 = tpu.scan <max>, %reduce_max3A_22 masked %reduce_max3A_19 : vector<16xi32>, vector<16xi1> -> vector<16xi32>
    %reduce_max3A_24 = arith.xori %reduce_max3A_23, %reduce_max3A_21 : vector<16xi32>
    %reduce_max3A_25 = vector.extract %reduce_max3A_24[15] : i32 from vector<16xi32>
    "tpu.region"() ({
      %run_scoped3A = tpu.sem_alloc : memref<!tpu.dma_semaphore, #tpu.memory_space<semaphore_mem>>
      %run_scoped3A_30 = tpu.sem_alloc : memref<!tpu.dma_semaphore, #tpu.memory_space<semaphore_mem>>
      %run_scoped3A_31 = tpu.sem_alloc : memref<!tpu.dma_semaphore, #tpu.memory_space<semaphore_mem>>
      %run_scoped3A_32 = tpu.sem_alloc : memref<!tpu.dma_semaphore, #tpu.memory_space<semaphore_mem>>
      %and3A_33 = arith.constant 1 : i32
      %and3A_34 = arith.andi %reduce_max3A_25, %and3A_33 : i32
      %eq3A = arith.constant 0 : i32
      %eq3A_35 = arith.cmpi eq, %and3A_34, %eq3A : i32
      %convert_element_type3A_36 = arith.extui %eq3A_35 : i1 to i32
      %cond3A_37 = arith.constant 0 : i32
      %cond3A_38 = arith.cmpi ne, %convert_element_type3A_36, %cond3A_37 : i32
      scf.if %cond3A_38 {
        %add3A_46 = arith.constant 0 : i32
        %add3A_47 = arith.addi %mul3A_17, %add3A_46 : i32
        "tpu.region"() ({
          %run_scoped3A_88 = tpu.sem_alloc : memref<!tpu.dma_semaphore, #tpu.memory_space<semaphore_mem>>
          %dma_start3A_89 = arith.constant 0 : i32
          %dma_start3A_90 = tpu.memref_slice %arg3[%add3A_47, %dma_start3A_89] : memref<2528x128xi32, #tpu.memory_space<hbm>> -> memref<1x128xi32, #tpu.memory_space<hbm>>
          %dma_start3A_91 = arith.constant 0 : i32
          %dma_start3A_92 = tpu.memref_slice %arg3[%add3A_47, %dma_start3A_91] : memref<2528x128xi32, #tpu.memory_space<hbm>> -> memref<1x128xi32, #tpu.memory_space<hbm>>
          tpu.enqueue_dma source(%dma_start3A_92 : memref<1x128xi32, #tpu.memory_space<hbm>>) target(%arg10 : memref<1x128xi32, #tpu.memory_space<vmem>>) target_semaphore(%run_scoped3A_88 : memref<!tpu.dma_semaphore, #tpu.memory_space<semaphore_mem>>)
          %dma_wait3A_93 = arith.constant 0 : i32
          %dma_wait3A_94 = tpu.memref_slice %arg3[%add3A_47, %dma_wait3A_93] : memref<2528x128xi32, #tpu.memory_space<hbm>> -> memref<1x128xi32, #tpu.memory_space<hbm>>
          %dma_wait3A_95 = arith.constant 0 : i32
          %dma_wait3A_96 = tpu.memref_slice %arg3[%add3A_47, %dma_wait3A_95] : memref<2528x128xi32, #tpu.memory_space<hbm>> -> memref<1x128xi32, #tpu.memory_space<hbm>>
          tpu.wait_dma2 semaphore(%run_scoped3A_88 : memref<!tpu.dma_semaphore, #tpu.memory_space<semaphore_mem>>) src(%dma_wait3A_96 : memref<1x128xi32, #tpu.memory_space<hbm>>) dst(%arg10 : memref<1x128xi32, #tpu.memory_space<vmem>>)
          tpu.yield
        }) : () -> ()
        %add3A_48 = arith.constant 0 : i32
        %add3A_49 = arith.addi %mul3A_17, %add3A_48 : i32
        "tpu.region"() ({
          %run_scoped3A_88 = tpu.sem_alloc : memref<!tpu.dma_semaphore, #tpu.memory_space<semaphore_mem>>
          %dma_start3A_89 = arith.constant 0 : i32
          %dma_start3A_90 = tpu.memref_slice %arg4[%add3A_49, %dma_start3A_89] : memref<2528x128xi32, #tpu.memory_space<hbm>> -> memref<1x128xi32, #tpu.memory_space<hbm>>
          %dma_start3A_91 = arith.constant 0 : i32
          %dma_start3A_92 = tpu.memref_slice %arg4[%add3A_49, %dma_start3A_91] : memref<2528x128xi32, #tpu.memory_space<hbm>> -> memref<1x128xi32, #tpu.memory_space<hbm>>
          tpu.enqueue_dma source(%dma_start3A_92 : memref<1x128xi32, #tpu.memory_space<hbm>>) target(%arg11 : memref<1x128xi32, #tpu.memory_space<vmem>>) target_semaphore(%run_scoped3A_88 : memref<!tpu.dma_semaphore, #tpu.memory_space<semaphore_mem>>)
          %dma_wait3A_93 = arith.constant 0 : i32
          %dma_wait3A_94 = tpu.memref_slice %arg4[%add3A_49, %dma_wait3A_93] : memref<2528x128xi32, #tpu.memory_space<hbm>> -> memref<1x128xi32, #tpu.memory_space<hbm>>
          %dma_wait3A_95 = arith.constant 0 : i32
          %dma_wait3A_96 = tpu.memref_slice %arg4[%add3A_49, %dma_wait3A_95] : memref<2528x128xi32, #tpu.memory_space<hbm>> -> memref<1x128xi32, #tpu.memory_space<hbm>>
          tpu.wait_dma2 semaphore(%run_scoped3A_88 : memref<!tpu.dma_semaphore, #tpu.memory_space<semaphore_mem>>) src(%dma_wait3A_96 : memref<1x128xi32, #tpu.memory_space<hbm>>) dst(%arg11 : memref<1x128xi32, #tpu.memory_space<vmem>>)
          tpu.yield
        }) : () -> ()
        %dma_start3A = arith.constant 0 : i32
        %dma_start3A_50 = arith.constant 0 : i32
        %dma_start3A_51 = tpu.memref_slice %arg10[%dma_start3A, %dma_start3A_50] : memref<1x128xi32, #tpu.memory_space<vmem>> -> memref<1x128xi32, #tpu.memory_space<vmem>>
        %dma_start3A_52 = tpu.memref_squeeze %dma_start3A_51 : memref<1x128xi32, #tpu.memory_space<vmem>> -> memref<128xi32, #tpu.memory_space<vmem>>
        %dma_start3A_53 = arith.constant 0 : i32
        %dma_start3A_54 = arith.constant 0 : i32
        %dma_start3A_55 = tpu.memref_slice %arg2[%dma_start3A_53, %dma_start3A_54] : memref<10112x128xf32, #tpu.memory_space<hbm>> -> memref<10112x128xf32, #tpu.memory_space<hbm>>
        tpu.enqueue_indirect_dma source(%dma_start3A_55 : memref<10112x128xf32, #tpu.memory_space<hbm>>) target(%arg14 : memref<128x128xf32, #tpu.memory_space<vmem>>) offsets(%dma_start3A_52 : memref<128xi32, #tpu.memory_space<vmem>>) semaphore(%run_scoped3A : memref<!tpu.dma_semaphore, #tpu.memory_space<semaphore_mem>>)
        %scan3A_56 = arith.constant 0 : i32
        %scan3A_57 = arith.constant 39 : i32
        %scan3A_58 = arith.addi %scan3A_56, %scan3A_57 : i32
        %scan3A_59 = arith.constant 1 : i32
        scf.for %scan3A_88 = %scan3A_56 to %scan3A_58 step %scan3A_59  : i32 {
          %mul3A_89 = arith.constant 1 : i32
          %mul3A_90 = arith.muli %scan3A_88, %mul3A_89 : i32
          %add3A_91 = arith.constant 0 : i32
          %add3A_92 = arith.addi %add3A_91, %mul3A_90 : i32
          %mul3A_93 = arith.constant 2 : i32
          %mul3A_94 = arith.muli %mul3A_93, %add3A_92 : i32
          %mul3A_95 = arith.constant 2 : i32
          %mul3A_96 = arith.muli %mul3A_95, %add3A_92 : i32
          %add3A_97 = arith.constant 1 : i32
          %add3A_98 = arith.addi %mul3A_96, %add3A_97 : i32
          %dma_wait3A_99 = arith.constant 0 : i32
          %dma_wait3A_100 = arith.constant 0 : i32
          %dma_wait3A_101 = tpu.memref_slice %arg10[%dma_wait3A_99, %dma_wait3A_100] : memref<1x128xi32, #tpu.memory_space<vmem>> -> memref<1x128xi32, #tpu.memory_space<vmem>>
          %dma_wait3A_102 = tpu.memref_squeeze %dma_wait3A_101 : memref<1x128xi32, #tpu.memory_space<vmem>> -> memref<128xi32, #tpu.memory_space<vmem>>
          %dma_wait3A_103 = arith.constant 0 : i32
          %dma_wait3A_104 = arith.constant 0 : i32
          %dma_wait3A_105 = tpu.memref_slice %arg2[%dma_wait3A_103, %dma_wait3A_104] : memref<10112x128xf32, #tpu.memory_space<hbm>> -> memref<10112x128xf32, #tpu.memory_space<hbm>>
          tpu.wait_indirect_dma semaphore(%run_scoped3A : memref<!tpu.dma_semaphore, #tpu.memory_space<semaphore_mem>>) src(%dma_wait3A_105 : memref<10112x128xf32, #tpu.memory_space<hbm>>) dst(%arg14 : memref<128x128xf32, #tpu.memory_space<vmem>>)
          %dma_start3A_106 = arith.constant 0 : i32
          %dma_start3A_107 = arith.constant 0 : i32
          %dma_start3A_108 = tpu.memref_slice %arg11[%dma_start3A_106, %dma_start3A_107] : memref<1x128xi32, #tpu.memory_space<vmem>> -> memref<1x128xi32, #tpu.memory_space<vmem>>
          %dma_start3A_109 = tpu.memref_squeeze %dma_start3A_108 : memref<1x128xi32, #tpu.memory_space<vmem>> -> memref<128xi32, #tpu.memory_space<vmem>>
          %dma_start3A_110 = arith.constant 0 : i32
          %dma_start3A_111 = arith.constant 0 : i32
          %dma_start3A_112 = tpu.memref_slice %arg17[%dma_start3A_110, %dma_start3A_111] : memref<10112x128xf32, #tpu.memory_space<vmem_shared>> -> memref<10112x128xf32, #tpu.memory_space<vmem_shared>>
          tpu.enqueue_indirect_dma source(%arg14 : memref<128x128xf32, #tpu.memory_space<vmem>>) target(%dma_start3A_112 : memref<10112x128xf32, #tpu.memory_space<vmem_shared>>) offsets(%dma_start3A_109 : memref<128xi32, #tpu.memory_space<vmem>>) semaphore(%run_scoped3A_31 : memref<!tpu.dma_semaphore, #tpu.memory_space<semaphore_mem>>) {add = true}
          %gt3A = arith.constant 0 : i32
          %gt3A_113 = arith.cmpi sgt, %add3A_92, %gt3A : i32
          %convert_element_type3A_114 = arith.extui %gt3A_113 : i1 to i32
          %cond3A_115 = arith.constant 0 : i32
          %cond3A_116 = arith.cmpi ne, %convert_element_type3A_114, %cond3A_115 : i32
          scf.if %cond3A_116 {
            %dma_wait3A_160 = arith.constant 0 : i32
            %dma_wait3A_161 = arith.constant 0 : i32
            %dma_wait3A_162 = tpu.memref_slice %arg13[%dma_wait3A_160, %dma_wait3A_161] : memref<1x128xi32, #tpu.memory_space<vmem>> -> memref<1x128xi32, #tpu.memory_space<vmem>>
            %dma_wait3A_163 = tpu.memref_squeeze %dma_wait3A_162 : memref<1x128xi32, #tpu.memory_space<vmem>> -> memref<128xi32, #tpu.memory_space<vmem>>
            %dma_wait3A_164 = arith.constant 0 : i32
            %dma_wait3A_165 = arith.constant 0 : i32
            %dma_wait3A_166 = tpu.memref_slice %arg17[%dma_wait3A_164, %dma_wait3A_165] : memref<10112x128xf32, #tpu.memory_space<vmem_shared>> -> memref<10112x128xf32, #tpu.memory_space<vmem_shared>>
            tpu.wait_indirect_dma semaphore(%run_scoped3A_32 : memref<!tpu.dma_semaphore, #tpu.memory_space<semaphore_mem>>) src(%arg15 : memref<128x128xf32, #tpu.memory_space<vmem>>) dst(%dma_wait3A_166 : memref<10112x128xf32, #tpu.memory_space<vmem_shared>>)
          } else {
          }
          %add3A_117 = arith.addi %mul3A_17, %add3A_98 : i32
          "tpu.region"() ({
            %run_scoped3A_160 = tpu.sem_alloc : memref<!tpu.dma_semaphore, #tpu.memory_space<semaphore_mem>>
            %dma_start3A_161 = arith.constant 0 : i32
            %dma_start3A_162 = tpu.memref_slice %arg3[%add3A_117, %dma_start3A_161] : memref<2528x128xi32, #tpu.memory_space<hbm>> -> memref<1x128xi32, #tpu.memory_space<hbm>>
            %dma_start3A_163 = arith.constant 0 : i32
            %dma_start3A_164 = tpu.memref_slice %arg3[%add3A_117, %dma_start3A_163] : memref<2528x128xi32, #tpu.memory_space<hbm>> -> memref<1x128xi32, #tpu.memory_space<hbm>>
            tpu.enqueue_dma source(%dma_start3A_164 : memref<1x128xi32, #tpu.memory_space<hbm>>) target(%arg12 : memref<1x128xi32, #tpu.memory_space<vmem>>) target_semaphore(%run_scoped3A_160 : memref<!tpu.dma_semaphore, #tpu.memory_space<semaphore_mem>>)
            %dma_wait3A_165 = arith.constant 0 : i32
            %dma_wait3A_166 = tpu.memref_slice %arg3[%add3A_117, %dma_wait3A_165] : memref<2528x128xi32, #tpu.memory_space<hbm>> -> memref<1x128xi32, #tpu.memory_space<hbm>>
            %dma_wait3A_167 = arith.constant 0 : i32
            %dma_wait3A_168 = tpu.memref_slice %arg3[%add3A_117, %dma_wait3A_167] : memref<2528x128xi32, #tpu.memory_space<hbm>> -> memref<1x128xi32, #tpu.memory_space<hbm>>
            tpu.wait_dma2 semaphore(%run_scoped3A_160 : memref<!tpu.dma_semaphore, #tpu.memory_space<semaphore_mem>>) src(%dma_wait3A_168 : memref<1x128xi32, #tpu.memory_space<hbm>>) dst(%arg12 : memref<1x128xi32, #tpu.memory_space<vmem>>)
            tpu.yield
          }) : () -> ()
          %add3A_118 = arith.addi %mul3A_17, %add3A_98 : i32
          "tpu.region"() ({
            %run_scoped3A_160 = tpu.sem_alloc : memref<!tpu.dma_semaphore, #tpu.memory_space<semaphore_mem>>
            %dma_start3A_161 = arith.constant 0 : i32
            %dma_start3A_162 = tpu.memref_slice %arg4[%add3A_118, %dma_start3A_161] : memref<2528x128xi32, #tpu.memory_space<hbm>> -> memref<1x128xi32, #tpu.memory_space<hbm>>
            %dma_start3A_163 = arith.constant 0 : i32
            %dma_start3A_164 = tpu.memref_slice %arg4[%add3A_118, %dma_start3A_163] : memref<2528x128xi32, #tpu.memory_space<hbm>> -> memref<1x128xi32, #tpu.memory_space<hbm>>
            tpu.enqueue_dma source(%dma_start3A_164 : memref<1x128xi32, #tpu.memory_space<hbm>>) target(%arg13 : memref<1x128xi32, #tpu.memory_space<vmem>>) target_semaphore(%run_scoped3A_160 : memref<!tpu.dma_semaphore, #tpu.memory_space<semaphore_mem>>)
            %dma_wait3A_165 = arith.constant 0 : i32
            %dma_wait3A_166 = tpu.memref_slice %arg4[%add3A_118, %dma_wait3A_165] : memref<2528x128xi32, #tpu.memory_space<hbm>> -> memref<1x128xi32, #tpu.memory_space<hbm>>
            %dma_wait3A_167 = arith.constant 0 : i32
            %dma_wait3A_168 = tpu.memref_slice %arg4[%add3A_118, %dma_wait3A_167] : memref<2528x128xi32, #tpu.memory_space<hbm>> -> memref<1x128xi32, #tpu.memory_space<hbm>>
            tpu.wait_dma2 semaphore(%run_scoped3A_160 : memref<!tpu.dma_semaphore, #tpu.memory_space<semaphore_mem>>) src(%dma_wait3A_168 : memref<1x128xi32, #tpu.memory_space<hbm>>) dst(%arg13 : memref<1x128xi32, #tpu.memory_space<vmem>>)
            tpu.yield
          }) : () -> ()
          %dma_start3A_119 = arith.constant 0 : i32
          %dma_start3A_120 = arith.constant 0 : i32
          %dma_start3A_121 = tpu.memref_slice %arg12[%dma_start3A_119, %dma_start3A_120] : memref<1x128xi32, #tpu.memory_space<vmem>> -> memref<1x128xi32, #tpu.memory_space<vmem>>
          %dma_start3A_122 = tpu.memref_squeeze %dma_start3A_121 : memref<1x128xi32, #tpu.memory_space<vmem>> -> memref<128xi32, #tpu.memory_space<vmem>>
          %dma_start3A_123 = arith.constant 0 : i32
          %dma_start3A_124 = arith.constant 0 : i32
          %dma_start3A_125 = tpu.memref_slice %arg2[%dma_start3A_123, %dma_start3A_124] : memref<10112x128xf32, #tpu.memory_space<hbm>> -> memref<10112x128xf32, #tpu.memory_space<hbm>>
          tpu.enqueue_indirect_dma source(%dma_start3A_125 : memref<10112x128xf32, #tpu.memory_space<hbm>>) target(%arg15 : memref<128x128xf32, #tpu.memory_space<vmem>>) offsets(%dma_start3A_122 : memref<128xi32, #tpu.memory_space<vmem>>) semaphore(%run_scoped3A_30 : memref<!tpu.dma_semaphore, #tpu.memory_space<semaphore_mem>>)
          %dma_wait3A_126 = arith.constant 0 : i32
          %dma_wait3A_127 = arith.constant 0 : i32
          %dma_wait3A_128 = tpu.memref_slice %arg12[%dma_wait3A_126, %dma_wait3A_127] : memref<1x128xi32, #tpu.memory_space<vmem>> -> memref<1x128xi32, #tpu.memory_space<vmem>>
          %dma_wait3A_129 = tpu.memref_squeeze %dma_wait3A_128 : memref<1x128xi32, #tpu.memory_space<vmem>> -> memref<128xi32, #tpu.memory_space<vmem>>
          %dma_wait3A_130 = arith.constant 0 : i32
          %dma_wait3A_131 = arith.constant 0 : i32
          %dma_wait3A_132 = tpu.memref_slice %arg2[%dma_wait3A_130, %dma_wait3A_131] : memref<10112x128xf32, #tpu.memory_space<hbm>> -> memref<10112x128xf32, #tpu.memory_space<hbm>>
          tpu.wait_indirect_dma semaphore(%run_scoped3A_30 : memref<!tpu.dma_semaphore, #tpu.memory_space<semaphore_mem>>) src(%dma_wait3A_132 : memref<10112x128xf32, #tpu.memory_space<hbm>>) dst(%arg15 : memref<128x128xf32, #tpu.memory_space<vmem>>)
          %dma_start3A_133 = arith.constant 0 : i32
          %dma_start3A_134 = arith.constant 0 : i32
          %dma_start3A_135 = tpu.memref_slice %arg13[%dma_start3A_133, %dma_start3A_134] : memref<1x128xi32, #tpu.memory_space<vmem>> -> memref<1x128xi32, #tpu.memory_space<vmem>>
          %dma_start3A_136 = tpu.memref_squeeze %dma_start3A_135 : memref<1x128xi32, #tpu.memory_space<vmem>> -> memref<128xi32, #tpu.memory_space<vmem>>
          %dma_start3A_137 = arith.constant 0 : i32
          %dma_start3A_138 = arith.constant 0 : i32
          %dma_start3A_139 = tpu.memref_slice %arg17[%dma_start3A_137, %dma_start3A_138] : memref<10112x128xf32, #tpu.memory_space<vmem_shared>> -> memref<10112x128xf32, #tpu.memory_space<vmem_shared>>
          tpu.enqueue_indirect_dma source(%arg15 : memref<128x128xf32, #tpu.memory_space<vmem>>) target(%dma_start3A_139 : memref<10112x128xf32, #tpu.memory_space<vmem_shared>>) offsets(%dma_start3A_136 : memref<128xi32, #tpu.memory_space<vmem>>) semaphore(%run_scoped3A_32 : memref<!tpu.dma_semaphore, #tpu.memory_space<semaphore_mem>>) {add = true}
          %dma_wait3A_140 = arith.constant 0 : i32
          %dma_wait3A_141 = arith.constant 0 : i32
          %dma_wait3A_142 = tpu.memref_slice %arg11[%dma_wait3A_140, %dma_wait3A_141] : memref<1x128xi32, #tpu.memory_space<vmem>> -> memref<1x128xi32, #tpu.memory_space<vmem>>
          %dma_wait3A_143 = tpu.memref_squeeze %dma_wait3A_142 : memref<1x128xi32, #tpu.memory_space<vmem>> -> memref<128xi32, #tpu.memory_space<vmem>>
          %dma_wait3A_144 = arith.constant 0 : i32
          %dma_wait3A_145 = arith.constant 0 : i32
          %dma_wait3A_146 = tpu.memref_slice %arg17[%dma_wait3A_144, %dma_wait3A_145] : memref<10112x128xf32, #tpu.memory_space<vmem_shared>> -> memref<10112x128xf32, #tpu.memory_space<vmem_shared>>
          tpu.wait_indirect_dma semaphore(%run_scoped3A_31 : memref<!tpu.dma_semaphore, #tpu.memory_space<semaphore_mem>>) src(%arg14 : memref<128x128xf32, #tpu.memory_space<vmem>>) dst(%dma_wait3A_146 : memref<10112x128xf32, #tpu.memory_space<vmem_shared>>)
          %add3A_147 = arith.constant 2 : i32
          %add3A_148 = arith.addi %mul3A_94, %add3A_147 : i32
          %add3A_149 = arith.addi %mul3A_17, %add3A_148 : i32
          "tpu.region"() ({
            %run_scoped3A_160 = tpu.sem_alloc : memref<!tpu.dma_semaphore, #tpu.memory_space<semaphore_mem>>
            %dma_start3A_161 = arith.constant 0 : i32
            %dma_start3A_162 = tpu.memref_slice %arg3[%add3A_149, %dma_start3A_161] : memref<2528x128xi32, #tpu.memory_space<hbm>> -> memref<1x128xi32, #tpu.memory_space<hbm>>
            %dma_start3A_163 = arith.constant 0 : i32
            %dma_start3A_164 = tpu.memref_slice %arg3[%add3A_149, %dma_start3A_163] : memref<2528x128xi32, #tpu.memory_space<hbm>> -> memref<1x128xi32, #tpu.memory_space<hbm>>
            tpu.enqueue_dma source(%dma_start3A_164 : memref<1x128xi32, #tpu.memory_space<hbm>>) target(%arg10 : memref<1x128xi32, #tpu.memory_space<vmem>>) target_semaphore(%run_scoped3A_160 : memref<!tpu.dma_semaphore, #tpu.memory_space<semaphore_mem>>)
            %dma_wait3A_165 = arith.constant 0 : i32
            %dma_wait3A_166 = tpu.memref_slice %arg3[%add3A_149, %dma_wait3A_165] : memref<2528x128xi32, #tpu.memory_space<hbm>> -> memref<1x128xi32, #tpu.memory_space<hbm>>
            %dma_wait3A_167 = arith.constant 0 : i32
            %dma_wait3A_168 = tpu.memref_slice %arg3[%add3A_149, %dma_wait3A_167] : memref<2528x128xi32, #tpu.memory_space<hbm>> -> memref<1x128xi32, #tpu.memory_space<hbm>>
            tpu.wait_dma2 semaphore(%run_scoped3A_160 : memref<!tpu.dma_semaphore, #tpu.memory_space<semaphore_mem>>) src(%dma_wait3A_168 : memref<1x128xi32, #tpu.memory_space<hbm>>) dst(%arg10 : memref<1x128xi32, #tpu.memory_space<vmem>>)
            tpu.yield
          }) : () -> ()
          %add3A_150 = arith.constant 2 : i32
          %add3A_151 = arith.addi %mul3A_94, %add3A_150 : i32
          %add3A_152 = arith.addi %mul3A_17, %add3A_151 : i32
          "tpu.region"() ({
            %run_scoped3A_160 = tpu.sem_alloc : memref<!tpu.dma_semaphore, #tpu.memory_space<semaphore_mem>>
            %dma_start3A_161 = arith.constant 0 : i32
            %dma_start3A_162 = tpu.memref_slice %arg4[%add3A_152, %dma_start3A_161] : memref<2528x128xi32, #tpu.memory_space<hbm>> -> memref<1x128xi32, #tpu.memory_space<hbm>>
            %dma_start3A_163 = arith.constant 0 : i32
            %dma_start3A_164 = tpu.memref_slice %arg4[%add3A_152, %dma_start3A_163] : memref<2528x128xi32, #tpu.memory_space<hbm>> -> memref<1x128xi32, #tpu.memory_space<hbm>>
            tpu.enqueue_dma source(%dma_start3A_164 : memref<1x128xi32, #tpu.memory_space<hbm>>) target(%arg11 : memref<1x128xi32, #tpu.memory_space<vmem>>) target_semaphore(%run_scoped3A_160 : memref<!tpu.dma_semaphore, #tpu.memory_space<semaphore_mem>>)
            %dma_wait3A_165 = arith.constant 0 : i32
            %dma_wait3A_166 = tpu.memref_slice %arg4[%add3A_152, %dma_wait3A_165] : memref<2528x128xi32, #tpu.memory_space<hbm>> -> memref<1x128xi32, #tpu.memory_space<hbm>>
            %dma_wait3A_167 = arith.constant 0 : i32
            %dma_wait3A_168 = tpu.memref_slice %arg4[%add3A_152, %dma_wait3A_167] : memref<2528x128xi32, #tpu.memory_space<hbm>> -> memref<1x128xi32, #tpu.memory_space<hbm>>
            tpu.wait_dma2 semaphore(%run_scoped3A_160 : memref<!tpu.dma_semaphore, #tpu.memory_space<semaphore_mem>>) src(%dma_wait3A_168 : memref<1x128xi32, #tpu.memory_space<hbm>>) dst(%arg11 : memref<1x128xi32, #tpu.memory_space<vmem>>)
            tpu.yield
          }) : () -> ()
          %dma_start3A_153 = arith.constant 0 : i32
          %dma_start3A_154 = arith.constant 0 : i32
          %dma_start3A_155 = tpu.memref_slice %arg10[%dma_start3A_153, %dma_start3A_154] : memref<1x128xi32, #tpu.memory_space<vmem>> -> memref<1x128xi32, #tpu.memory_space<vmem>>
          %dma_start3A_156 = tpu.memref_squeeze %dma_start3A_155 : memref<1x128xi32, #tpu.memory_space<vmem>> -> memref<128xi32, #tpu.memory_space<vmem>>
          %dma_start3A_157 = arith.constant 0 : i32
          %dma_start3A_158 = arith.constant 0 : i32
          %dma_start3A_159 = tpu.memref_slice %arg2[%dma_start3A_157, %dma_start3A_158] : memref<10112x128xf32, #tpu.memory_space<hbm>> -> memref<10112x128xf32, #tpu.memory_space<hbm>>
          tpu.enqueue_indirect_dma source(%dma_start3A_159 : memref<10112x128xf32, #tpu.memory_space<hbm>>) target(%arg14 : memref<128x128xf32, #tpu.memory_space<vmem>>) offsets(%dma_start3A_156 : memref<128xi32, #tpu.memory_space<vmem>>) semaphore(%run_scoped3A : memref<!tpu.dma_semaphore, #tpu.memory_space<semaphore_mem>>)
        }
        %scan3A_60 = arith.constant 39 : i32
        %dma_wait3A = arith.constant 0 : i32
        %dma_wait3A_61 = arith.constant 0 : i32
        %dma_wait3A_62 = tpu.memref_slice %arg10[%dma_wait3A, %dma_wait3A_61] : memref<1x128xi32, #tpu.memory_space<vmem>> -> memref<1x128xi32, #tpu.memory_space<vmem>>
        %dma_wait3A_63 = tpu.memref_squeeze %dma_wait3A_62 : memref<1x128xi32, #tpu.memory_space<vmem>> -> memref<128xi32, #tpu.memory_space<vmem>>
        %dma_wait3A_64 = arith.constant 0 : i32
        %dma_wait3A_65 = arith.constant 0 : i32
        %dma_wait3A_66 = tpu.memref_slice %arg2[%dma_wait3A_64, %dma_wait3A_65] : memref<10112x128xf32, #tpu.memory_space<hbm>> -> memref<10112x128xf32, #tpu.memory_space<hbm>>
        tpu.wait_indirect_dma semaphore(%run_scoped3A : memref<!tpu.dma_semaphore, #tpu.memory_space<semaphore_mem>>) src(%dma_wait3A_66 : memref<10112x128xf32, #tpu.memory_space<hbm>>) dst(%arg14 : memref<128x128xf32, #tpu.memory_space<vmem>>)
        %dma_start3A_67 = arith.constant 0 : i32
        %dma_start3A_68 = arith.constant 0 : i32
        %dma_start3A_69 = tpu.memref_slice %arg11[%dma_start3A_67, %dma_start3A_68] : memref<1x128xi32, #tpu.memory_space<vmem>> -> memref<1x128xi32, #tpu.memory_space<vmem>>
        %dma_start3A_70 = tpu.memref_squeeze %dma_start3A_69 : memref<1x128xi32, #tpu.memory_space<vmem>> -> memref<128xi32, #tpu.memory_space<vmem>>
        %dma_start3A_71 = arith.constant 0 : i32
        %dma_start3A_72 = arith.constant 0 : i32
        %dma_start3A_73 = tpu.memref_slice %arg17[%dma_start3A_71, %dma_start3A_72] : memref<10112x128xf32, #tpu.memory_space<vmem_shared>> -> memref<10112x128xf32, #tpu.memory_space<vmem_shared>>
        tpu.enqueue_indirect_dma source(%arg14 : memref<128x128xf32, #tpu.memory_space<vmem>>) target(%dma_start3A_73 : memref<10112x128xf32, #tpu.memory_space<vmem_shared>>) offsets(%dma_start3A_70 : memref<128xi32, #tpu.memory_space<vmem>>) semaphore(%run_scoped3A_31 : memref<!tpu.dma_semaphore, #tpu.memory_space<semaphore_mem>>) {add = true}
        %dma_wait3A_74 = arith.constant 0 : i32
        %dma_wait3A_75 = arith.constant 0 : i32
        %dma_wait3A_76 = tpu.memref_slice %arg13[%dma_wait3A_74, %dma_wait3A_75] : memref<1x128xi32, #tpu.memory_space<vmem>> -> memref<1x128xi32, #tpu.memory_space<vmem>>
        %dma_wait3A_77 = tpu.memref_squeeze %dma_wait3A_76 : memref<1x128xi32, #tpu.memory_space<vmem>> -> memref<128xi32, #tpu.memory_space<vmem>>
        %dma_wait3A_78 = arith.constant 0 : i32
        %dma_wait3A_79 = arith.constant 0 : i32
        %dma_wait3A_80 = tpu.memref_slice %arg17[%dma_wait3A_78, %dma_wait3A_79] : memref<10112x128xf32, #tpu.memory_space<vmem_shared>> -> memref<10112x128xf32, #tpu.memory_space<vmem_shared>>
        tpu.wait_indirect_dma semaphore(%run_scoped3A_32 : memref<!tpu.dma_semaphore, #tpu.memory_space<semaphore_mem>>) src(%arg15 : memref<128x128xf32, #tpu.memory_space<vmem>>) dst(%dma_wait3A_80 : memref<10112x128xf32, #tpu.memory_space<vmem_shared>>)
        %dma_wait3A_81 = arith.constant 0 : i32
        %dma_wait3A_82 = arith.constant 0 : i32
        %dma_wait3A_83 = tpu.memref_slice %arg11[%dma_wait3A_81, %dma_wait3A_82] : memref<1x128xi32, #tpu.memory_space<vmem>> -> memref<1x128xi32, #tpu.memory_space<vmem>>
        %dma_wait3A_84 = tpu.memref_squeeze %dma_wait3A_83 : memref<1x128xi32, #tpu.memory_space<vmem>> -> memref<128xi32, #tpu.memory_space<vmem>>
        %dma_wait3A_85 = arith.constant 0 : i32
        %dma_wait3A_86 = arith.constant 0 : i32
        %dma_wait3A_87 = tpu.memref_slice %arg17[%dma_wait3A_85, %dma_wait3A_86] : memref<10112x128xf32, #tpu.memory_space<vmem_shared>> -> memref<10112x128xf32, #tpu.memory_space<vmem_shared>>
        tpu.wait_indirect_dma semaphore(%run_scoped3A_31 : memref<!tpu.dma_semaphore, #tpu.memory_space<semaphore_mem>>) src(%arg14 : memref<128x128xf32, #tpu.memory_space<vmem>>) dst(%dma_wait3A_87 : memref<10112x128xf32, #tpu.memory_space<vmem_shared>>)
      } else {
      }
      %and3A_39 = arith.constant 1 : i32
      %and3A_40 = arith.andi %reduce_max3A_25, %and3A_39 : i32
      %eq3A_41 = arith.constant 1 : i32
      %eq3A_42 = arith.cmpi eq, %and3A_40, %eq3A_41 : i32
      %convert_element_type3A_43 = arith.extui %eq3A_42 : i1 to i32
      %cond3A_44 = arith.constant 0 : i32
      %cond3A_45 = arith.cmpi ne, %convert_element_type3A_43, %cond3A_44 : i32
      scf.if %cond3A_45 {
        %scan3A_46 = arith.constant 0 : i32
        %scan3A_47 = arith.constant 128 : i32
        %scan3A_48 = arith.addi %scan3A_46, %scan3A_47 : i32
        %scan3A_49 = arith.constant 1 : i32
        scf.for %scan3A_86 = %scan3A_46 to %scan3A_48 step %scan3A_49  : i32 {
          %mul3A_87 = arith.constant 1 : i32
          %mul3A_88 = arith.muli %scan3A_86, %mul3A_87 : i32
          %add3A_89 = arith.constant 0 : i32
          %add3A_90 = arith.addi %add3A_89, %mul3A_88 : i32
          %scan3A_91 = arith.constant 0 : i32
          %scan3A_92 = arith.constant 8 : i32
          %scan3A_93 = arith.addi %scan3A_91, %scan3A_92 : i32
          %scan3A_94 = arith.constant 1 : i32
          scf.for %scan3A_96 = %scan3A_91 to %scan3A_93 step %scan3A_94  : i32 {
            %mul3A_97 = arith.constant 1 : i32
            %mul3A_98 = arith.muli %scan3A_96, %mul3A_97 : i32
            %add3A_99 = arith.constant 0 : i32
            %add3A_100 = arith.addi %add3A_99, %mul3A_98 : i32
            %broadcast_in_dim3A = arith.constant 1.000000e+00 : f32
            %broadcast_in_dim3A_101 = vector.broadcast %broadcast_in_dim3A : f32 to vector<16xf32>
            %mul3A_102 = arith.constant 16 : i32
            %mul3A_103 = arith.muli %add3A_100, %mul3A_102 : i32
            %swap3A = arith.index_cast %add3A_90 : i32 to index
            %swap3A_104 = arith.index_cast %mul3A_103 : i32 to index
            %swap3A_105 = tpu.vector_load %arg16[%swap3A, %swap3A_104] {strides = array<i32>} : memref<128x128xf32, #tpu.memory_space<vmem>>, vector<16xf32>,
            tpu.vector_store %arg16[%swap3A, %swap3A_104], %broadcast_in_dim3A_101 {strides = array<i32>} : memref<128x128xf32, #tpu.memory_space<vmem>>, vector<16xf32>,
          }
          %scan3A_95 = arith.constant 8 : i32
        }
        %scan3A_50 = arith.constant 128 : i32
        %add3A_51 = arith.constant 0 : i32
        %add3A_52 = arith.addi %mul3A_17, %add3A_51 : i32
        "tpu.region"() ({
          %run_scoped3A_86 = tpu.sem_alloc : memref<!tpu.dma_semaphore, #tpu.memory_space<semaphore_mem>>
          %dma_start3A_87 = arith.constant 0 : i32
          %dma_start3A_88 = tpu.memref_slice %arg4[%add3A_52, %dma_start3A_87] : memref<2528x128xi32, #tpu.memory_space<hbm>> -> memref<1x128xi32, #tpu.memory_space<hbm>>
          %dma_start3A_89 = arith.constant 0 : i32
          %dma_start3A_90 = tpu.memref_slice %arg4[%add3A_52, %dma_start3A_89] : memref<2528x128xi32, #tpu.memory_space<hbm>> -> memref<1x128xi32, #tpu.memory_space<hbm>>
          tpu.enqueue_dma source(%dma_start3A_90 : memref<1x128xi32, #tpu.memory_space<hbm>>) target(%arg11 : memref<1x128xi32, #tpu.memory_space<vmem>>) target_semaphore(%run_scoped3A_86 : memref<!tpu.dma_semaphore, #tpu.memory_space<semaphore_mem>>)
          %dma_wait3A_91 = arith.constant 0 : i32
          %dma_wait3A_92 = tpu.memref_slice %arg4[%add3A_52, %dma_wait3A_91] : memref<2528x128xi32, #tpu.memory_space<hbm>> -> memref<1x128xi32, #tpu.memory_space<hbm>>
          %dma_wait3A_93 = arith.constant 0 : i32
          %dma_wait3A_94 = tpu.memref_slice %arg4[%add3A_52, %dma_wait3A_93] : memref<2528x128xi32, #tpu.memory_space<hbm>> -> memref<1x128xi32, #tpu.memory_space<hbm>>
          tpu.wait_dma2 semaphore(%run_scoped3A_86 : memref<!tpu.dma_semaphore, #tpu.memory_space<semaphore_mem>>) src(%dma_wait3A_94 : memref<1x128xi32, #tpu.memory_space<hbm>>) dst(%arg11 : memref<1x128xi32, #tpu.memory_space<vmem>>)
          tpu.yield
        }) : () -> ()
        %dma_start3A = arith.constant 0 : i32
        %dma_start3A_53 = arith.constant 0 : i32
        %dma_start3A_54 = tpu.memref_slice %arg11[%dma_start3A, %dma_start3A_53] : memref<1x128xi32, #tpu.memory_space<vmem>> -> memref<1x128xi32, #tpu.memory_space<vmem>>
        %dma_start3A_55 = tpu.memref_squeeze %dma_start3A_54 : memref<1x128xi32, #tpu.memory_space<vmem>> -> memref<128xi32, #tpu.memory_space<vmem>>
        %dma_start3A_56 = arith.constant 0 : i32
        %dma_start3A_57 = arith.constant 0 : i32
        %dma_start3A_58 = tpu.memref_slice %arg17[%dma_start3A_56, %dma_start3A_57] : memref<10112x128xf32, #tpu.memory_space<vmem_shared>> -> memref<10112x128xf32, #tpu.memory_space<vmem_shared>>
        tpu.enqueue_indirect_dma source(%arg16 : memref<128x128xf32, #tpu.memory_space<vmem>>) target(%dma_start3A_58 : memref<10112x128xf32, #tpu.memory_space<vmem_shared>>) offsets(%dma_start3A_55 : memref<128xi32, #tpu.memory_space<vmem>>) semaphore(%run_scoped3A_31 : memref<!tpu.dma_semaphore, #tpu.memory_space<semaphore_mem>>) {add = true}
        %add3A_59 = arith.constant 1 : i32
        %add3A_60 = arith.addi %mul3A_17, %add3A_59 : i32
        "tpu.region"() ({
          %run_scoped3A_86 = tpu.sem_alloc : memref<!tpu.dma_semaphore, #tpu.memory_space<semaphore_mem>>
          %dma_start3A_87 = arith.constant 0 : i32
          %dma_start3A_88 = tpu.memref_slice %arg4[%add3A_60, %dma_start3A_87] : memref<2528x128xi32, #tpu.memory_space<hbm>> -> memref<1x128xi32, #tpu.memory_space<hbm>>
          %dma_start3A_89 = arith.constant 0 : i32
          %dma_start3A_90 = tpu.memref_slice %arg4[%add3A_60, %dma_start3A_89] : memref<2528x128xi32, #tpu.memory_space<hbm>> -> memref<1x128xi32, #tpu.memory_space<hbm>>
          tpu.enqueue_dma source(%dma_start3A_90 : memref<1x128xi32, #tpu.memory_space<hbm>>) target(%arg13 : memref<1x128xi32, #tpu.memory_space<vmem>>) target_semaphore(%run_scoped3A_86 : memref<!tpu.dma_semaphore, #tpu.memory_space<semaphore_mem>>)
          %dma_wait3A_91 = arith.constant 0 : i32
          %dma_wait3A_92 = tpu.memref_slice %arg4[%add3A_60, %dma_wait3A_91] : memref<2528x128xi32, #tpu.memory_space<hbm>> -> memref<1x128xi32, #tpu.memory_space<hbm>>
          %dma_wait3A_93 = arith.constant 0 : i32
          %dma_wait3A_94 = tpu.memref_slice %arg4[%add3A_60, %dma_wait3A_93] : memref<2528x128xi32, #tpu.memory_space<hbm>> -> memref<1x128xi32, #tpu.memory_space<hbm>>
          tpu.wait_dma2 semaphore(%run_scoped3A_86 : memref<!tpu.dma_semaphore, #tpu.memory_space<semaphore_mem>>) src(%dma_wait3A_94 : memref<1x128xi32, #tpu.memory_space<hbm>>) dst(%arg13 : memref<1x128xi32, #tpu.memory_space<vmem>>)
          tpu.yield
        }) : () -> ()
        %dma_start3A_61 = arith.constant 0 : i32
        %dma_start3A_62 = arith.constant 0 : i32
        %dma_start3A_63 = tpu.memref_slice %arg13[%dma_start3A_61, %dma_start3A_62] : memref<1x128xi32, #tpu.memory_space<vmem>> -> memref<1x128xi32, #tpu.memory_space<vmem>>
        %dma_start3A_64 = tpu.memref_squeeze %dma_start3A_63 : memref<1x128xi32, #tpu.memory_space<vmem>> -> memref<128xi32, #tpu.memory_space<vmem>>
        %dma_start3A_65 = arith.constant 0 : i32
        %dma_start3A_66 = arith.constant 0 : i32
        %dma_start3A_67 = tpu.memref_slice %arg17[%dma_start3A_65, %dma_start3A_66] : memref<10112x128xf32, #tpu.memory_space<vmem_shared>> -> memref<10112x128xf32, #tpu.memory_space<vmem_shared>>
        tpu.enqueue_indirect_dma source(%arg16 : memref<128x128xf32, #tpu.memory_space<vmem>>) target(%dma_start3A_67 : memref<10112x128xf32, #tpu.memory_space<vmem_shared>>) offsets(%dma_start3A_64 : memref<128xi32, #tpu.memory_space<vmem>>) semaphore(%run_scoped3A_32 : memref<!tpu.dma_semaphore, #tpu.memory_space<semaphore_mem>>) {add = true}
        %scan3A_68 = arith.constant 0 : i32
        %scan3A_69 = arith.constant 39 : i32
        %scan3A_70 = arith.addi %scan3A_68, %scan3A_69 : i32
        %scan3A_71 = arith.constant 1 : i32
        scf.for %scan3A_86 = %scan3A_68 to %scan3A_70 step %scan3A_71  : i32 {
          %mul3A_87 = arith.constant 1 : i32
          %mul3A_88 = arith.muli %scan3A_86, %mul3A_87 : i32
          %add3A_89 = arith.constant 0 : i32
          %add3A_90 = arith.addi %add3A_89, %mul3A_88 : i32
          %dma_wait3A_91 = arith.constant 0 : i32
          %dma_wait3A_92 = arith.constant 0 : i32
          %dma_wait3A_93 = tpu.memref_slice %arg11[%dma_wait3A_91, %dma_wait3A_92] : memref<1x128xi32, #tpu.memory_space<vmem>> -> memref<1x128xi32, #tpu.memory_space<vmem>>
          %dma_wait3A_94 = tpu.memref_squeeze %dma_wait3A_93 : memref<1x128xi32, #tpu.memory_space<vmem>> -> memref<128xi32, #tpu.memory_space<vmem>>
          %dma_wait3A_95 = arith.constant 0 : i32
          %dma_wait3A_96 = arith.constant 0 : i32
          %dma_wait3A_97 = tpu.memref_slice %arg17[%dma_wait3A_95, %dma_wait3A_96] : memref<10112x128xf32, #tpu.memory_space<vmem_shared>> -> memref<10112x128xf32, #tpu.memory_space<vmem_shared>>
          tpu.wait_indirect_dma semaphore(%run_scoped3A_31 : memref<!tpu.dma_semaphore, #tpu.memory_space<semaphore_mem>>) src(%arg16 : memref<128x128xf32, #tpu.memory_space<vmem>>) dst(%dma_wait3A_97 : memref<10112x128xf32, #tpu.memory_space<vmem_shared>>)
          %mul3A_98 = arith.constant 2 : i32
          %mul3A_99 = arith.muli %mul3A_98, %add3A_90 : i32
          %add3A_100 = arith.constant 2 : i32
          %add3A_101 = arith.addi %mul3A_99, %add3A_100 : i32
          %add3A_102 = arith.addi %mul3A_17, %add3A_101 : i32
          "tpu.region"() ({
            %run_scoped3A_118 = tpu.sem_alloc : memref<!tpu.dma_semaphore, #tpu.memory_space<semaphore_mem>>
            %dma_start3A_119 = arith.constant 0 : i32
            %dma_start3A_120 = tpu.memref_slice %arg4[%add3A_102, %dma_start3A_119] : memref<2528x128xi32, #tpu.memory_space<hbm>> -> memref<1x128xi32, #tpu.memory_space<hbm>>
            %dma_start3A_121 = arith.constant 0 : i32
            %dma_start3A_122 = tpu.memref_slice %arg4[%add3A_102, %dma_start3A_121] : memref<2528x128xi32, #tpu.memory_space<hbm>> -> memref<1x128xi32, #tpu.memory_space<hbm>>
            tpu.enqueue_dma source(%dma_start3A_122 : memref<1x128xi32, #tpu.memory_space<hbm>>) target(%arg11 : memref<1x128xi32, #tpu.memory_space<vmem>>) target_semaphore(%run_scoped3A_118 : memref<!tpu.dma_semaphore, #tpu.memory_space<semaphore_mem>>)
            %dma_wait3A_123 = arith.constant 0 : i32
            %dma_wait3A_124 = tpu.memref_slice %arg4[%add3A_102, %dma_wait3A_123] : memref<2528x128xi32, #tpu.memory_space<hbm>> -> memref<1x128xi32, #tpu.memory_space<hbm>>
            %dma_wait3A_125 = arith.constant 0 : i32
            %dma_wait3A_126 = tpu.memref_slice %arg4[%add3A_102, %dma_wait3A_125] : memref<2528x128xi32, #tpu.memory_space<hbm>> -> memref<1x128xi32, #tpu.memory_space<hbm>>
            tpu.wait_dma2 semaphore(%run_scoped3A_118 : memref<!tpu.dma_semaphore, #tpu.memory_space<semaphore_mem>>) src(%dma_wait3A_126 : memref<1x128xi32, #tpu.memory_space<hbm>>) dst(%arg11 : memref<1x128xi32, #tpu.memory_space<vmem>>)
            tpu.yield
          }) : () -> ()
          %dma_start3A_103 = arith.constant 0 : i32
          %dma_start3A_104 = arith.constant 0 : i32
          %dma_start3A_105 = tpu.memref_slice %arg11[%dma_start3A_103, %dma_start3A_104] : memref<1x128xi32, #tpu.memory_space<vmem>> -> memref<1x128xi32, #tpu.memory_space<vmem>>
          %dma_start3A_106 = tpu.memref_squeeze %dma_start3A_105 : memref<1x128xi32, #tpu.memory_space<vmem>> -> memref<128xi32, #tpu.memory_space<vmem>>
          %dma_start3A_107 = arith.constant 0 : i32
          %dma_start3A_108 = arith.constant 0 : i32
          %dma_start3A_109 = tpu.memref_slice %arg17[%dma_start3A_107, %dma_start3A_108] : memref<10112x128xf32, #tpu.memory_space<vmem_shared>> -> memref<10112x128xf32, #tpu.memory_space<vmem_shared>>
          tpu.enqueue_indirect_dma source(%arg16 : memref<128x128xf32, #tpu.memory_space<vmem>>) target(%dma_start3A_109 : memref<10112x128xf32, #tpu.memory_space<vmem_shared>>) offsets(%dma_start3A_106 : memref<128xi32, #tpu.memory_space<vmem>>) semaphore(%run_scoped3A_31 : memref<!tpu.dma_semaphore, #tpu.memory_space<semaphore_mem>>) {add = true}
          %mul3A_110 = arith.constant 2 : i32
          %mul3A_111 = arith.muli %mul3A_110, %add3A_90 : i32
          %add3A_112 = arith.constant 3 : i32
          %add3A_113 = arith.addi %mul3A_111, %add3A_112 : i32
          %lt3A = arith.constant 79 : i32
          %lt3A_114 = arith.cmpi slt, %add3A_113, %lt3A : i32
          %convert_element_type3A_115 = arith.extui %lt3A_114 : i1 to i32
          %cond3A_116 = arith.constant 0 : i32
          %cond3A_117 = arith.cmpi ne, %convert_element_type3A_115, %cond3A_116 : i32
          scf.if %cond3A_117 {
            %dma_wait3A_118 = arith.constant 0 : i32
            %dma_wait3A_119 = arith.constant 0 : i32
            %dma_wait3A_120 = tpu.memref_slice %arg13[%dma_wait3A_118, %dma_wait3A_119] : memref<1x128xi32, #tpu.memory_space<vmem>> -> memref<1x128xi32, #tpu.memory_space<vmem>>
            %dma_wait3A_121 = tpu.memref_squeeze %dma_wait3A_120 : memref<1x128xi32, #tpu.memory_space<vmem>> -> memref<128xi32, #tpu.memory_space<vmem>>
            %dma_wait3A_122 = arith.constant 0 : i32
            %dma_wait3A_123 = arith.constant 0 : i32
            %dma_wait3A_124 = tpu.memref_slice %arg17[%dma_wait3A_122, %dma_wait3A_123] : memref<10112x128xf32, #tpu.memory_space<vmem_shared>> -> memref<10112x128xf32, #tpu.memory_space<vmem_shared>>
            tpu.wait_indirect_dma semaphore(%run_scoped3A_32 : memref<!tpu.dma_semaphore, #tpu.memory_space<semaphore_mem>>) src(%arg16 : memref<128x128xf32, #tpu.memory_space<vmem>>) dst(%dma_wait3A_124 : memref<10112x128xf32, #tpu.memory_space<vmem_shared>>)
            %mul3A_125 = arith.constant 2 : i32
            %mul3A_126 = arith.muli %mul3A_125, %add3A_90 : i32
            %add3A_127 = arith.constant 3 : i32
            %add3A_128 = arith.addi %mul3A_126, %add3A_127 : i32
            %add3A_129 = arith.addi %mul3A_17, %add3A_128 : i32
            "tpu.region"() ({
              %run_scoped3A_137 = tpu.sem_alloc : memref<!tpu.dma_semaphore, #tpu.memory_space<semaphore_mem>>
              %dma_start3A_138 = arith.constant 0 : i32
              %dma_start3A_139 = tpu.memref_slice %arg4[%add3A_129, %dma_start3A_138] : memref<2528x128xi32, #tpu.memory_space<hbm>> -> memref<1x128xi32, #tpu.memory_space<hbm>>
              %dma_start3A_140 = arith.constant 0 : i32
              %dma_start3A_141 = tpu.memref_slice %arg4[%add3A_129, %dma_start3A_140] : memref<2528x128xi32, #tpu.memory_space<hbm>> -> memref<1x128xi32, #tpu.memory_space<hbm>>
              tpu.enqueue_dma source(%dma_start3A_141 : memref<1x128xi32, #tpu.memory_space<hbm>>) target(%arg13 : memref<1x128xi32, #tpu.memory_space<vmem>>) target_semaphore(%run_scoped3A_137 : memref<!tpu.dma_semaphore, #tpu.memory_space<semaphore_mem>>)
              %dma_wait3A_142 = arith.constant 0 : i32
              %dma_wait3A_143 = tpu.memref_slice %arg4[%add3A_129, %dma_wait3A_142] : memref<2528x128xi32, #tpu.memory_space<hbm>> -> memref<1x128xi32, #tpu.memory_space<hbm>>
              %dma_wait3A_144 = arith.constant 0 : i32
              %dma_wait3A_145 = tpu.memref_slice %arg4[%add3A_129, %dma_wait3A_144] : memref<2528x128xi32, #tpu.memory_space<hbm>> -> memref<1x128xi32, #tpu.memory_space<hbm>>
              tpu.wait_dma2 semaphore(%run_scoped3A_137 : memref<!tpu.dma_semaphore, #tpu.memory_space<semaphore_mem>>) src(%dma_wait3A_145 : memref<1x128xi32, #tpu.memory_space<hbm>>) dst(%arg13 : memref<1x128xi32, #tpu.memory_space<vmem>>)
              tpu.yield
            }) : () -> ()
            %dma_start3A_130 = arith.constant 0 : i32
            %dma_start3A_131 = arith.constant 0 : i32
            %dma_start3A_132 = tpu.memref_slice %arg13[%dma_start3A_130, %dma_start3A_131] : memref<1x128xi32, #tpu.memory_space<vmem>> -> memref<1x128xi32, #tpu.memory_space<vmem>>
            %dma_start3A_133 = tpu.memref_squeeze %dma_start3A_132 : memref<1x128xi32, #tpu.memory_space<vmem>> -> memref<128xi32, #tpu.memory_space<vmem>>
            %dma_start3A_134 = arith.constant 0 : i32
            %dma_start3A_135 = arith.constant 0 : i32
            %dma_start3A_136 = tpu.memref_slice %arg17[%dma_start3A_134, %dma_start3A_135] : memref<10112x128xf32, #tpu.memory_space<vmem_shared>> -> memref<10112x128xf32, #tpu.memory_space<vmem_shared>>
            tpu.enqueue_indirect_dma source(%arg16 : memref<128x128xf32, #tpu.memory_space<vmem>>) target(%dma_start3A_136 : memref<10112x128xf32, #tpu.memory_space<vmem_shared>>) offsets(%dma_start3A_133 : memref<128xi32, #tpu.memory_space<vmem>>) semaphore(%run_scoped3A_32 : memref<!tpu.dma_semaphore, #tpu.memory_space<semaphore_mem>>) {add = true}
          } else {
          }
        }
        %scan3A_72 = arith.constant 39 : i32
        %dma_wait3A = arith.constant 0 : i32
        %dma_wait3A_73 = arith.constant 0 : i32
        %dma_wait3A_74 = tpu.memref_slice %arg13[%dma_wait3A, %dma_wait3A_73] : memref<1x128xi32, #tpu.memory_space<vmem>> -> memref<1x128xi32, #tpu.memory_space<vmem>>
        %dma_wait3A_75 = tpu.memref_squeeze %dma_wait3A_74 : memref<1x128xi32, #tpu.memory_space<vmem>> -> memref<128xi32, #tpu.memory_space<vmem>>
        %dma_wait3A_76 = arith.constant 0 : i32
        %dma_wait3A_77 = arith.constant 0 : i32
        %dma_wait3A_78 = tpu.memref_slice %arg17[%dma_wait3A_76, %dma_wait3A_77] : memref<10112x128xf32, #tpu.memory_space<vmem_shared>> -> memref<10112x128xf32, #tpu.memory_space<vmem_shared>>
        tpu.wait_indirect_dma semaphore(%run_scoped3A_32 : memref<!tpu.dma_semaphore, #tpu.memory_space<semaphore_mem>>) src(%arg16 : memref<128x128xf32, #tpu.memory_space<vmem>>) dst(%dma_wait3A_78 : memref<10112x128xf32, #tpu.memory_space<vmem_shared>>)
        %dma_wait3A_79 = arith.constant 0 : i32
        %dma_wait3A_80 = arith.constant 0 : i32
        %dma_wait3A_81 = tpu.memref_slice %arg11[%dma_wait3A_79, %dma_wait3A_80] : memref<1x128xi32, #tpu.memory_space<vmem>> -> memref<1x128xi32, #tpu.memory_space<vmem>>
        %dma_wait3A_82 = tpu.memref_squeeze %dma_wait3A_81 : memref<1x128xi32, #tpu.memory_space<vmem>> -> memref<128xi32, #tpu.memory_space<vmem>>
        %dma_wait3A_83 = arith.constant 0 : i32
        %dma_wait3A_84 = arith.constant 0 : i32
        %dma_wait3A_85 = tpu.memref_slice %arg17[%dma_wait3A_83, %dma_wait3A_84] : memref<10112x128xf32, #tpu.memory_space<vmem_shared>> -> memref<10112x128xf32, #tpu.memory_space<vmem_shared>>
        tpu.wait_indirect_dma semaphore(%run_scoped3A_31 : memref<!tpu.dma_semaphore, #tpu.memory_space<semaphore_mem>>) src(%arg16 : memref<128x128xf32, #tpu.memory_space<vmem>>) dst(%dma_wait3A_85 : memref<10112x128xf32, #tpu.memory_space<vmem_shared>>)
      } else {
      }
      tpu.yield
    }) : () -> ()
    %and3A = arith.constant 2 : i32
    %and3A_26 = arith.andi %reduce_max3A_25, %and3A : i32
    %ne3A = arith.constant 0 : i32
    %ne3A_27 = arith.cmpi ne, %and3A_26, %ne3A : i32
    %convert_element_type3A = arith.extui %ne3A_27 : i1 to i32
    %cond3A = arith.constant 0 : i32
    %cond3A_28 = arith.cmpi ne, %convert_element_type3A, %cond3A : i32
    scf.if %cond3A_28 {
      %scan3A_30 = arith.constant 0 : i32
      %scan3A_31 = arith.constant 3 : i32
      %scan3A_32 = arith.addi %scan3A_30, %scan3A_31 : i32
      %scan3A_33 = arith.constant 1 : i32
      scf.for %scan3A_35 = %scan3A_30 to %scan3A_32 step %scan3A_33  : i32 {
        %mul3A_36 = arith.constant 1 : i32
        %mul3A_37 = arith.muli %scan3A_35, %mul3A_36 : i32
        %add3A_38 = arith.constant 0 : i32
        %add3A_39 = arith.addi %add3A_38, %mul3A_37 : i32
        %mul3A_40 = arith.constant 3 : i32
        %mul3A_41 = arith.muli %add3A, %mul3A_40 : i32
        %add3A_42 = arith.addi %mul3A_41, %add3A_39 : i32
        "tpu.region"() ({
          %run_scoped3A_45 = tpu.sem_alloc : memref<!tpu.dma_semaphore, #tpu.memory_space<semaphore_mem>>
          %dma_start3A = arith.constant 0 : i32
          %dma_start3A_46 = tpu.memref_slice %arg5[%add3A_42, %dma_start3A] : memref<96x128xi32, #tpu.memory_space<hbm>> -> memref<1x128xi32, #tpu.memory_space<hbm>>
          %dma_start3A_47 = arith.constant 0 : i32
          %dma_start3A_48 = tpu.memref_slice %arg5[%add3A_42, %dma_start3A_47] : memref<96x128xi32, #tpu.memory_space<hbm>> -> memref<1x128xi32, #tpu.memory_space<hbm>>
          tpu.enqueue_dma source(%dma_start3A_48 : memref<1x128xi32, #tpu.memory_space<hbm>>) target(%arg10 : memref<1x128xi32, #tpu.memory_space<vmem>>) target_semaphore(%run_scoped3A_45 : memref<!tpu.dma_semaphore, #tpu.memory_space<semaphore_mem>>)
          %dma_wait3A = arith.constant 0 : i32
          %dma_wait3A_49 = tpu.memref_slice %arg5[%add3A_42, %dma_wait3A] : memref<96x128xi32, #tpu.memory_space<hbm>> -> memref<1x128xi32, #tpu.memory_space<hbm>>
          %dma_wait3A_50 = arith.constant 0 : i32
          %dma_wait3A_51 = tpu.memref_slice %arg5[%add3A_42, %dma_wait3A_50] : memref<96x128xi32, #tpu.memory_space<hbm>> -> memref<1x128xi32, #tpu.memory_space<hbm>>
          tpu.wait_dma2 semaphore(%run_scoped3A_45 : memref<!tpu.dma_semaphore, #tpu.memory_space<semaphore_mem>>) src(%dma_wait3A_51 : memref<1x128xi32, #tpu.memory_space<hbm>>) dst(%arg10 : memref<1x128xi32, #tpu.memory_space<vmem>>)
          tpu.yield
        }) : () -> ()
        %run_scoped3A = arith.constant 0 : i32
        "tpu.region"() ({
          %run_scoped3A_45 = tpu.sem_alloc : memref<!tpu.dma_semaphore, #tpu.memory_space<semaphore_mem>>
          %dma_start3A = arith.constant 0 : i32
          %dma_start3A_46 = tpu.memref_slice %arg10[%run_scoped3A, %dma_start3A] : memref<1x128xi32, #tpu.memory_space<vmem>> -> memref<1x128xi32, #tpu.memory_space<vmem>>
          %dma_start3A_47 = tpu.memref_squeeze %dma_start3A_46 : memref<1x128xi32, #tpu.memory_space<vmem>> -> memref<128xi32, #tpu.memory_space<vmem>>
          %dma_start3A_48 = arith.constant 0 : i32
          %dma_start3A_49 = arith.constant 0 : i32
          %dma_start3A_50 = tpu.memref_slice %arg6[%dma_start3A_48, %dma_start3A_49] : memref<10000x128xf32, #tpu.memory_space<hbm>> -> memref<10000x128xf32, #tpu.memory_space<hbm>>
          tpu.enqueue_indirect_dma source(%dma_start3A_50 : memref<10000x128xf32, #tpu.memory_space<hbm>>) target(%arg14 : memref<128x128xf32, #tpu.memory_space<vmem>>) offsets(%dma_start3A_47 : memref<128xi32, #tpu.memory_space<vmem>>) semaphore(%run_scoped3A_45 : memref<!tpu.dma_semaphore, #tpu.memory_space<semaphore_mem>>)
          %dma_wait3A = arith.constant 0 : i32
          %dma_wait3A_51 = tpu.memref_slice %arg10[%run_scoped3A, %dma_wait3A] : memref<1x128xi32, #tpu.memory_space<vmem>> -> memref<1x128xi32, #tpu.memory_space<vmem>>
          %dma_wait3A_52 = tpu.memref_squeeze %dma_wait3A_51 : memref<1x128xi32, #tpu.memory_space<vmem>> -> memref<128xi32, #tpu.memory_space<vmem>>
          %dma_wait3A_53 = arith.constant 0 : i32
          %dma_wait3A_54 = arith.constant 0 : i32
          %dma_wait3A_55 = tpu.memref_slice %arg6[%dma_wait3A_53, %dma_wait3A_54] : memref<10000x128xf32, #tpu.memory_space<hbm>> -> memref<10000x128xf32, #tpu.memory_space<hbm>>
          tpu.wait_indirect_dma semaphore(%run_scoped3A_45 : memref<!tpu.dma_semaphore, #tpu.memory_space<semaphore_mem>>) src(%dma_wait3A_55 : memref<10000x128xf32, #tpu.memory_space<hbm>>) dst(%arg14 : memref<128x128xf32, #tpu.memory_space<vmem>>)
          tpu.yield
        }) : () -> ()
        %mul3A_43 = arith.constant 128 : i32
        %mul3A_44 = arith.muli %add3A_42, %mul3A_43 : i32
        "tpu.region"() ({
          %run_scoped3A_45 = tpu.sem_alloc : memref<!tpu.dma_semaphore, #tpu.memory_space<semaphore_mem>>
          %dma_start3A = arith.constant 0 : i32
          %dma_start3A_46 = tpu.memref_slice %arg9[%mul3A_44, %dma_start3A] : memref<12288x128xf32, #tpu.memory_space<hbm>> -> memref<128x128xf32, #tpu.memory_space<hbm>>
          %dma_start3A_47 = arith.constant 0 : i32
          %dma_start3A_48 = tpu.memref_slice %arg9[%mul3A_44, %dma_start3A_47] : memref<12288x128xf32, #tpu.memory_space<hbm>> -> memref<128x128xf32, #tpu.memory_space<hbm>>
          tpu.enqueue_dma source(%arg14 : memref<128x128xf32, #tpu.memory_space<vmem>>) target(%dma_start3A_48 : memref<128x128xf32, #tpu.memory_space<hbm>>) target_semaphore(%run_scoped3A_45 : memref<!tpu.dma_semaphore, #tpu.memory_space<semaphore_mem>>)
          %dma_wait3A = arith.constant 0 : i32
          %dma_wait3A_49 = tpu.memref_slice %arg9[%mul3A_44, %dma_wait3A] : memref<12288x128xf32, #tpu.memory_space<hbm>> -> memref<128x128xf32, #tpu.memory_space<hbm>>
          %dma_wait3A_50 = arith.constant 0 : i32
          %dma_wait3A_51 = tpu.memref_slice %arg9[%mul3A_44, %dma_wait3A_50] : memref<12288x128xf32, #tpu.memory_space<hbm>> -> memref<128x128xf32, #tpu.memory_space<hbm>>
          tpu.wait_dma2 semaphore(%run_scoped3A_45 : memref<!tpu.dma_semaphore, #tpu.memory_space<semaphore_mem>>) src(%arg14 : memref<128x128xf32, #tpu.memory_space<vmem>>) dst(%dma_wait3A_51 : memref<128x128xf32, #tpu.memory_space<hbm>>)
          tpu.yield
        }) : () -> ()
      }
      %scan3A_34 = arith.constant 3 : i32
    } else {
    }
    %barrier3A_29 = arith.constant 0 : index
    tpu.barrier barrier_id(%barrier3A_29)
    "tpu.region"() ({
      %run_scoped3A = tpu.sem_alloc : memref<!tpu.dma_semaphore, #tpu.memory_space<semaphore_mem>>
      %dma_start3A = arith.constant 0 : i32
      %dma_start3A_30 = tpu.memref_slice %arg8[%arg0, %mul3A_2, %dma_start3A] : memref<2x10112x128xf32, #tpu.memory_space<hbm>> -> memref<1x632x128xf32, #tpu.memory_space<hbm>>
      %dma_start3A_31 = tpu.memref_squeeze %dma_start3A_30 : memref<1x632x128xf32, #tpu.memory_space<hbm>> -> memref<632x128xf32, #tpu.memory_space<hbm>>
      %dma_start3A_32 = arith.constant 0 : i32
      %dma_start3A_33 = tpu.memref_slice %arg17[%mul3A_2, %dma_start3A_32] : memref<10112x128xf32, #tpu.memory_space<vmem_shared>> -> memref<632x128xf32, #tpu.memory_space<vmem_shared>>
      tpu.enqueue_dma source(%dma_start3A_33 : memref<632x128xf32, #tpu.memory_space<vmem_shared>>) target(%dma_start3A_31 : memref<632x128xf32, #tpu.memory_space<hbm>>) target_semaphore(%run_scoped3A : memref<!tpu.dma_semaphore, #tpu.memory_space<semaphore_mem>>)
      %dma_wait3A = arith.constant 0 : i32
      %dma_wait3A_34 = tpu.memref_slice %arg8[%arg0, %mul3A_2, %dma_wait3A] : memref<2x10112x128xf32, #tpu.memory_space<hbm>> -> memref<1x632x128xf32, #tpu.memory_space<hbm>>
      %dma_wait3A_35 = tpu.memref_squeeze %dma_wait3A_34 : memref<1x632x128xf32, #tpu.memory_space<hbm>> -> memref<632x128xf32, #tpu.memory_space<hbm>>
      %dma_wait3A_36 = arith.constant 0 : i32
      %dma_wait3A_37 = tpu.memref_slice %arg17[%mul3A_2, %dma_wait3A_36] : memref<10112x128xf32, #tpu.memory_space<vmem_shared>> -> memref<632x128xf32, #tpu.memory_space<vmem_shared>>
      tpu.wait_dma2 semaphore(%run_scoped3A : memref<!tpu.dma_semaphore, #tpu.memory_space<semaphore_mem>>) src(%dma_wait3A_37 : memref<632x128xf32, #tpu.memory_space<vmem_shared>>) dst(%dma_wait3A_35 : memref<632x128xf32, #tpu.memory_space<hbm>>)
      tpu.yield
    }) : () -> ()
    return
  }
}

#map = affine_map<(d0, d1) -> (0, 0)>
#map1 = affine_map<(d0, d1) -> (0)>
#map2 = affine_map<(d0, d1) -> (0, 0, 0)>
module attributes {stable_mosaic.version = 14 : i64} {
  func.func @_sc_pass(%arg0: i32, %arg1: i32, %arg2: memref<10112x128xf32, #tpu.memory_space<hbm>>, %arg3: memref<2528x128xi32, #tpu.memory_space<hbm>>, %arg4: memref<2528x128xi32, #tpu.memory_space<hbm>>, %arg5: memref<96x128xi32, #tpu.memory_space<hbm>>, %arg6: memref<10000x128xf32, #tpu.memory_space<hbm>>, %arg7: memref<16xi32, #tpu.memory_space<hbm>>, %arg8: memref<2x10112x128xf32, #tpu.memory_space<hbm>>, %arg9: memref<12288x128xf32, #tpu.memory_space<hbm>>, %arg10: memref<1x128xi32, #tpu.memory_space<vmem>>, %arg11: memref<1x128xi32, #tpu.memory_space<vmem>>, %arg12: memref<1x128xi32, #tpu.memory_space<vmem>>, %arg13: memref<1x128xi32, #tpu.memory_space<vmem>>, %arg14: memref<128x128xf32, #tpu.memory_space<vmem>>, %arg15: memref<128x128xf32, #tpu.memory_space<vmem>>, %arg16: memref<128x128xf32, #tpu.memory_space<vmem>>, %arg17: memref<10112x128xf32, #tpu.memory_space<vmem_shared>>, %arg18: memref<16xi32, #tpu.memory_space<vmem>>) attributes {dimension_semantics = [#tpu.dimension_semantics<core_parallel>, #tpu.dimension_semantics<subcore_parallel>], iteration_bounds = array<i64: 2, 16>, scalar_prefetch = 0 : i64, scratch_operands = 9 : i64, tpu.core_type = #tpu.core_type<sc_vector_subcore>, window_params = [{transform_indices = #map}, {transform_indices = #map}, {transform_indices = #map}, {transform_indices = #map}, {transform_indices = #map}, {transform_indices = #map1}, {transform_indices = #map2}, {transform_indices = #map}]} {
    %mul3A = arith.constant 2 : i32
    %mul3A_0 = arith.muli %arg1, %mul3A : i32
    %add3A = arith.addi %mul3A_0, %arg0 : i32
    %mul3A_1 = arith.constant 632 : i32
    %mul3A_2 = arith.muli %arg1, %mul3A_1 : i32
    %scan3A = arith.constant 0 : i32
    %scan3A_3 = arith.constant 128 : i32
    %scan3A_4 = arith.addi %scan3A, %scan3A_3 : i32
    %scan3A_5 = arith.constant 1 : i32
    scf.for %scan3A_30 = %scan3A to %scan3A_4 step %scan3A_5  : i32 {
      %mul3A_31 = arith.constant 1 : i32
      %mul3A_32 = arith.muli %scan3A_30, %mul3A_31 : i32
      %add3A_33 = arith.constant 0 : i32
      %add3A_34 = arith.addi %add3A_33, %mul3A_32 : i32
      %scan3A_35 = arith.constant 0 : i32
      %scan3A_36 = arith.constant 8 : i32
      %scan3A_37 = arith.addi %scan3A_35, %scan3A_36 : i32
      %scan3A_38 = arith.constant 1 : i32
      scf.for %scan3A_40 = %scan3A_35 to %scan3A_37 step %scan3A_38  : i32 {
        %mul3A_41 = arith.constant 1 : i32
        %mul3A_42 = arith.muli %scan3A_40, %mul3A_41 : i32
        %add3A_43 = arith.constant 0 : i32
        %add3A_44 = arith.addi %add3A_43, %mul3A_42 : i32
        %broadcast_in_dim3A = arith.constant 0.000000e+00 : f32
        %broadcast_in_dim3A_45 = vector.broadcast %broadcast_in_dim3A : f32 to vector<16xf32>
        %mul3A_46 = arith.constant 16 : i32
        %mul3A_47 = arith.muli %add3A_44, %mul3A_46 : i32
        %swap3A = arith.index_cast %add3A_34 : i32 to index
        %swap3A_48 = arith.index_cast %mul3A_47 : i32 to index
        %swap3A_49 = tpu.vector_load %arg16[%swap3A, %swap3A_48] {strides = array<i32>} : memref<128x128xf32, #tpu.memory_space<vmem>>, vector<16xf32>,
        tpu.vector_store %arg16[%swap3A, %swap3A_48], %broadcast_in_dim3A_45 {strides = array<i32>} : memref<128x128xf32, #tpu.memory_space<vmem>>, vector<16xf32>,
      }
      %scan3A_39 = arith.constant 8 : i32
    }
    %scan3A_6 = arith.constant 128 : i32
    %scan3A_7 = arith.constant 0 : i32
    %scan3A_8 = arith.constant 4 : i32
    %scan3A_9 = arith.addi %scan3A_7, %scan3A_8 : i32
    %scan3A_10 = arith.constant 1 : i32
    scf.for %scan3A_30 = %scan3A_7 to %scan3A_9 step %scan3A_10  : i32 {
      %mul3A_31 = arith.constant 1 : i32
      %mul3A_32 = arith.muli %scan3A_30, %mul3A_31 : i32
      %add3A_33 = arith.constant 0 : i32
      %add3A_34 = arith.addi %add3A_33, %mul3A_32 : i32
      %mul3A_35 = arith.constant 632 : i32
      %mul3A_36 = arith.muli %arg1, %mul3A_35 : i32
      %mul3A_37 = arith.constant 128 : i32
      %mul3A_38 = arith.muli %add3A_34, %mul3A_37 : i32
      %add3A_39 = arith.addi %mul3A_36, %mul3A_38 : i32
      "tpu.region"() ({
        %run_scoped3A = tpu.sem_alloc : memref<!tpu.dma_semaphore, #tpu.memory_space<semaphore_mem>>
        %dma_start3A = arith.constant 0 : i32
        %dma_start3A_40 = tpu.memref_slice %arg17[%add3A_39, %dma_start3A] : memref<10112x128xf32, #tpu.memory_space<vmem_shared>> -> memref<128x128xf32, #tpu.memory_space<vmem_shared>>
        %dma_start3A_41 = arith.constant 0 : i32
        %dma_start3A_42 = tpu.memref_slice %arg17[%add3A_39, %dma_start3A_41] : memref<10112x128xf32, #tpu.memory_space<vmem_shared>> -> memref<128x128xf32, #tpu.memory_space<vmem_shared>>
        tpu.enqueue_dma source(%arg16 : memref<128x128xf32, #tpu.memory_space<vmem>>) target(%dma_start3A_42 : memref<128x128xf32, #tpu.memory_space<vmem_shared>>) target_semaphore(%run_scoped3A : memref<!tpu.dma_semaphore, #tpu.memory_space<semaphore_mem>>)
        %dma_wait3A = arith.constant 0 : i32
        %dma_wait3A_43 = tpu.memref_slice %arg17[%add3A_39, %dma_wait3A] : memref<10112x128xf32, #tpu.memory_space<vmem_shared>> -> memref<128x128xf32, #tpu.memory_space<vmem_shared>>
        %dma_wait3A_44 = arith.constant 0 : i32
        %dma_wait3A_45 = tpu.memref_slice %arg17[%add3A_39, %dma_wait3A_44] : memref<10112x128xf32, #tpu.memory_space<vmem_shared>> -> memref<128x128xf32, #tpu.memory_space<vmem_shared>>
        tpu.wait_dma2 semaphore(%run_scoped3A : memref<!tpu.dma_semaphore, #tpu.memory_space<semaphore_mem>>) src(%arg16 : memref<128x128xf32, #tpu.memory_space<vmem>>) dst(%dma_wait3A_45 : memref<128x128xf32, #tpu.memory_space<vmem_shared>>)
        tpu.yield
      }) : () -> ()
    }
    %scan3A_11 = arith.constant 4 : i32
    %mul3A_12 = arith.constant 632 : i32
    %mul3A_13 = arith.muli %arg1, %mul3A_12 : i32
    %add3A_14 = arith.constant 512 : i32
    %add3A_15 = arith.addi %mul3A_13, %add3A_14 : i32
    "tpu.region"() ({
      %run_scoped3A = tpu.sem_alloc : memref<!tpu.dma_semaphore, #tpu.memory_space<semaphore_mem>>
      %dma_start3A = arith.constant 0 : i32
      %dma_start3A_30 = arith.constant 0 : i32
      %dma_start3A_31 = tpu.memref_slice %arg16[%dma_start3A, %dma_start3A_30] : memref<128x128xf32, #tpu.memory_space<vmem>> -> memref<120x128xf32, #tpu.memory_space<vmem>>
      %dma_start3A_32 = arith.constant 0 : i32
      %dma_start3A_33 = tpu.memref_slice %arg17[%add3A_15, %dma_start3A_32] : memref<10112x128xf32, #tpu.memory_space<vmem_shared>> -> memref<120x128xf32, #tpu.memory_space<vmem_shared>>
      %dma_start3A_34 = arith.constant 0 : i32
      %dma_start3A_35 = tpu.memref_slice %arg17[%add3A_15, %dma_start3A_34] : memref<10112x128xf32, #tpu.memory_space<vmem_shared>> -> memref<120x128xf32, #tpu.memory_space<vmem_shared>>
      %dma_start3A_36 = arith.constant 0 : i32
      %dma_start3A_37 = arith.constant 0 : i32
      %dma_start3A_38 = tpu.memref_slice %arg16[%dma_start3A_36, %dma_start3A_37] : memref<128x128xf32, #tpu.memory_space<vmem>> -> memref<120x128xf32, #tpu.memory_space<vmem>>
      tpu.enqueue_dma source(%dma_start3A_38 : memref<120x128xf32, #tpu.memory_space<vmem>>) target(%dma_start3A_35 : memref<120x128xf32, #tpu.memory_space<vmem_shared>>) target_semaphore(%run_scoped3A : memref<!tpu.dma_semaphore, #tpu.memory_space<semaphore_mem>>)
      %dma_wait3A = arith.constant 0 : i32
      %dma_wait3A_39 = arith.constant 0 : i32
      %dma_wait3A_40 = tpu.memref_slice %arg16[%dma_wait3A, %dma_wait3A_39] : memref<128x128xf32, #tpu.memory_space<vmem>> -> memref<120x128xf32, #tpu.memory_space<vmem>>
      %dma_wait3A_41 = arith.constant 0 : i32
      %dma_wait3A_42 = tpu.memref_slice %arg17[%add3A_15, %dma_wait3A_41] : memref<10112x128xf32, #tpu.memory_space<vmem_shared>> -> memref<120x128xf32, #tpu.memory_space<vmem_shared>>
      %dma_wait3A_43 = arith.constant 0 : i32
      %dma_wait3A_44 = tpu.memref_slice %arg17[%add3A_15, %dma_wait3A_43] : memref<10112x128xf32, #tpu.memory_space<vmem_shared>> -> memref<120x128xf32, #tpu.memory_space<vmem_shared>>
      %dma_wait3A_45 = arith.constant 0 : i32
      %dma_wait3A_46 = arith.constant 0 : i32
      %dma_wait3A_47 = tpu.memref_slice %arg16[%dma_wait3A_45, %dma_wait3A_46] : memref<128x128xf32, #tpu.memory_space<vmem>> -> memref<120x128xf32, #tpu.memory_space<vmem>>
      tpu.wait_dma2 semaphore(%run_scoped3A : memref<!tpu.dma_semaphore, #tpu.memory_space<semaphore_mem>>) src(%dma_wait3A_47 : memref<120x128xf32, #tpu.memory_space<vmem>>) dst(%dma_wait3A_44 : memref<120x128xf32, #tpu.memory_space<vmem_shared>>)
      tpu.yield
    }) : () -> ()
    "tpu.region"() ({
      %run_scoped3A = tpu.sem_alloc : memref<!tpu.dma_semaphore, #tpu.memory_space<semaphore_mem>>
      tpu.enqueue_dma source(%arg7 : memref<16xi32, #tpu.memory_space<hbm>>) target(%arg18 : memref<16xi32, #tpu.memory_space<vmem>>) target_semaphore(%run_scoped3A : memref<!tpu.dma_semaphore, #tpu.memory_space<semaphore_mem>>)
      tpu.wait_dma2 semaphore(%run_scoped3A : memref<!tpu.dma_semaphore, #tpu.memory_space<semaphore_mem>>) src(%arg7 : memref<16xi32, #tpu.memory_space<hbm>>) dst(%arg18 : memref<16xi32, #tpu.memory_space<vmem>>)
      tpu.yield
    }) : () -> ()
    %barrier3A = arith.constant 0 : index
    tpu.barrier barrier_id(%barrier3A)
    %mul3A_16 = arith.constant 79 : i32
    %mul3A_17 = arith.muli %add3A, %mul3A_16 : i32
    %get3A = arith.constant 0 : index
    %get3A_18 = tpu.vector_load %arg18[%get3A] {strides = array<i32>} : memref<16xi32, #tpu.memory_space<vmem>>, vector<16xi32>,
    %reduce_max3A = arith.constant true
    %reduce_max3A_19 = vector.broadcast %reduce_max3A : i1 to vector<16xi1>
    %reduce_max3A_20 = arith.constant -2147483648 : i32
    %reduce_max3A_21 = vector.broadcast %reduce_max3A_20 : i32 to vector<16xi32>
    %reduce_max3A_22 = arith.xori %get3A_18, %reduce_max3A_21 : vector<16xi32>
    %reduce_max3A_23 = tpu.scan <max>, %reduce_max3A_22 masked %reduce_max3A_19 : vector<16xi32>, vector<16xi1> -> vector<16xi32>
    %reduce_max3A_24 = arith.xori %reduce_max3A_23, %reduce_max3A_21 : vector<16xi32>
    %reduce_max3A_25 = vector.extract %reduce_max3A_24[15] : i32 from vector<16xi32>
    "tpu.region"() ({
      %run_scoped3A = tpu.sem_alloc : memref<!tpu.dma_semaphore, #tpu.memory_space<semaphore_mem>>
      %run_scoped3A_30 = tpu.sem_alloc : memref<!tpu.dma_semaphore, #tpu.memory_space<semaphore_mem>>
      %run_scoped3A_31 = tpu.sem_alloc : memref<!tpu.dma_semaphore, #tpu.memory_space<semaphore_mem>>
      %run_scoped3A_32 = tpu.sem_alloc : memref<!tpu.dma_semaphore, #tpu.memory_space<semaphore_mem>>
      %and3A_33 = arith.constant 1 : i32
      %and3A_34 = arith.andi %reduce_max3A_25, %and3A_33 : i32
      %eq3A = arith.constant 0 : i32
      %eq3A_35 = arith.cmpi eq, %and3A_34, %eq3A : i32
      %convert_element_type3A_36 = arith.extui %eq3A_35 : i1 to i32
      %cond3A_37 = arith.constant 0 : i32
      %cond3A_38 = arith.cmpi ne, %convert_element_type3A_36, %cond3A_37 : i32
      scf.if %cond3A_38 {
        %add3A_46 = arith.constant 0 : i32
        %add3A_47 = arith.addi %mul3A_17, %add3A_46 : i32
        "tpu.region"() ({
          %run_scoped3A_88 = tpu.sem_alloc : memref<!tpu.dma_semaphore, #tpu.memory_space<semaphore_mem>>
          %dma_start3A_89 = arith.constant 0 : i32
          %dma_start3A_90 = tpu.memref_slice %arg3[%add3A_47, %dma_start3A_89] : memref<2528x128xi32, #tpu.memory_space<hbm>> -> memref<1x128xi32, #tpu.memory_space<hbm>>
          %dma_start3A_91 = arith.constant 0 : i32
          %dma_start3A_92 = tpu.memref_slice %arg3[%add3A_47, %dma_start3A_91] : memref<2528x128xi32, #tpu.memory_space<hbm>> -> memref<1x128xi32, #tpu.memory_space<hbm>>
          tpu.enqueue_dma source(%dma_start3A_92 : memref<1x128xi32, #tpu.memory_space<hbm>>) target(%arg10 : memref<1x128xi32, #tpu.memory_space<vmem>>) target_semaphore(%run_scoped3A_88 : memref<!tpu.dma_semaphore, #tpu.memory_space<semaphore_mem>>)
          %dma_wait3A_93 = arith.constant 0 : i32
          %dma_wait3A_94 = tpu.memref_slice %arg3[%add3A_47, %dma_wait3A_93] : memref<2528x128xi32, #tpu.memory_space<hbm>> -> memref<1x128xi32, #tpu.memory_space<hbm>>
          %dma_wait3A_95 = arith.constant 0 : i32
          %dma_wait3A_96 = tpu.memref_slice %arg3[%add3A_47, %dma_wait3A_95] : memref<2528x128xi32, #tpu.memory_space<hbm>> -> memref<1x128xi32, #tpu.memory_space<hbm>>
          tpu.wait_dma2 semaphore(%run_scoped3A_88 : memref<!tpu.dma_semaphore, #tpu.memory_space<semaphore_mem>>) src(%dma_wait3A_96 : memref<1x128xi32, #tpu.memory_space<hbm>>) dst(%arg10 : memref<1x128xi32, #tpu.memory_space<vmem>>)
          tpu.yield
        }) : () -> ()
        %add3A_48 = arith.constant 0 : i32
        %add3A_49 = arith.addi %mul3A_17, %add3A_48 : i32
        "tpu.region"() ({
          %run_scoped3A_88 = tpu.sem_alloc : memref<!tpu.dma_semaphore, #tpu.memory_space<semaphore_mem>>
          %dma_start3A_89 = arith.constant 0 : i32
          %dma_start3A_90 = tpu.memref_slice %arg4[%add3A_49, %dma_start3A_89] : memref<2528x128xi32, #tpu.memory_space<hbm>> -> memref<1x128xi32, #tpu.memory_space<hbm>>
          %dma_start3A_91 = arith.constant 0 : i32
          %dma_start3A_92 = tpu.memref_slice %arg4[%add3A_49, %dma_start3A_91] : memref<2528x128xi32, #tpu.memory_space<hbm>> -> memref<1x128xi32, #tpu.memory_space<hbm>>
          tpu.enqueue_dma source(%dma_start3A_92 : memref<1x128xi32, #tpu.memory_space<hbm>>) target(%arg11 : memref<1x128xi32, #tpu.memory_space<vmem>>) target_semaphore(%run_scoped3A_88 : memref<!tpu.dma_semaphore, #tpu.memory_space<semaphore_mem>>)
          %dma_wait3A_93 = arith.constant 0 : i32
          %dma_wait3A_94 = tpu.memref_slice %arg4[%add3A_49, %dma_wait3A_93] : memref<2528x128xi32, #tpu.memory_space<hbm>> -> memref<1x128xi32, #tpu.memory_space<hbm>>
          %dma_wait3A_95 = arith.constant 0 : i32
          %dma_wait3A_96 = tpu.memref_slice %arg4[%add3A_49, %dma_wait3A_95] : memref<2528x128xi32, #tpu.memory_space<hbm>> -> memref<1x128xi32, #tpu.memory_space<hbm>>
          tpu.wait_dma2 semaphore(%run_scoped3A_88 : memref<!tpu.dma_semaphore, #tpu.memory_space<semaphore_mem>>) src(%dma_wait3A_96 : memref<1x128xi32, #tpu.memory_space<hbm>>) dst(%arg11 : memref<1x128xi32, #tpu.memory_space<vmem>>)
          tpu.yield
        }) : () -> ()
        %dma_start3A = arith.constant 0 : i32
        %dma_start3A_50 = arith.constant 0 : i32
        %dma_start3A_51 = tpu.memref_slice %arg10[%dma_start3A, %dma_start3A_50] : memref<1x128xi32, #tpu.memory_space<vmem>> -> memref<1x128xi32, #tpu.memory_space<vmem>>
        %dma_start3A_52 = tpu.memref_squeeze %dma_start3A_51 : memref<1x128xi32, #tpu.memory_space<vmem>> -> memref<128xi32, #tpu.memory_space<vmem>>
        %dma_start3A_53 = arith.constant 0 : i32
        %dma_start3A_54 = arith.constant 0 : i32
        %dma_start3A_55 = tpu.memref_slice %arg2[%dma_start3A_53, %dma_start3A_54] : memref<10112x128xf32, #tpu.memory_space<hbm>> -> memref<10112x128xf32, #tpu.memory_space<hbm>>
        tpu.enqueue_indirect_dma source(%dma_start3A_55 : memref<10112x128xf32, #tpu.memory_space<hbm>>) target(%arg14 : memref<128x128xf32, #tpu.memory_space<vmem>>) offsets(%dma_start3A_52 : memref<128xi32, #tpu.memory_space<vmem>>) semaphore(%run_scoped3A : memref<!tpu.dma_semaphore, #tpu.memory_space<semaphore_mem>>)
        %scan3A_56 = arith.constant 0 : i32
        %scan3A_57 = arith.constant 39 : i32
        %scan3A_58 = arith.addi %scan3A_56, %scan3A_57 : i32
        %scan3A_59 = arith.constant 1 : i32
        scf.for %scan3A_88 = %scan3A_56 to %scan3A_58 step %scan3A_59  : i32 {
          %mul3A_89 = arith.constant 1 : i32
          %mul3A_90 = arith.muli %scan3A_88, %mul3A_89 : i32
          %add3A_91 = arith.constant 0 : i32
          %add3A_92 = arith.addi %add3A_91, %mul3A_90 : i32
          %mul3A_93 = arith.constant 2 : i32
          %mul3A_94 = arith.muli %mul3A_93, %add3A_92 : i32
          %mul3A_95 = arith.constant 2 : i32
          %mul3A_96 = arith.muli %mul3A_95, %add3A_92 : i32
          %add3A_97 = arith.constant 1 : i32
          %add3A_98 = arith.addi %mul3A_96, %add3A_97 : i32
          %dma_wait3A_99 = arith.constant 0 : i32
          %dma_wait3A_100 = arith.constant 0 : i32
          %dma_wait3A_101 = tpu.memref_slice %arg10[%dma_wait3A_99, %dma_wait3A_100] : memref<1x128xi32, #tpu.memory_space<vmem>> -> memref<1x128xi32, #tpu.memory_space<vmem>>
          %dma_wait3A_102 = tpu.memref_squeeze %dma_wait3A_101 : memref<1x128xi32, #tpu.memory_space<vmem>> -> memref<128xi32, #tpu.memory_space<vmem>>
          %dma_wait3A_103 = arith.constant 0 : i32
          %dma_wait3A_104 = arith.constant 0 : i32
          %dma_wait3A_105 = tpu.memref_slice %arg2[%dma_wait3A_103, %dma_wait3A_104] : memref<10112x128xf32, #tpu.memory_space<hbm>> -> memref<10112x128xf32, #tpu.memory_space<hbm>>
          tpu.wait_indirect_dma semaphore(%run_scoped3A : memref<!tpu.dma_semaphore, #tpu.memory_space<semaphore_mem>>) src(%dma_wait3A_105 : memref<10112x128xf32, #tpu.memory_space<hbm>>) dst(%arg14 : memref<128x128xf32, #tpu.memory_space<vmem>>)
          %dma_start3A_106 = arith.constant 0 : i32
          %dma_start3A_107 = arith.constant 0 : i32
          %dma_start3A_108 = tpu.memref_slice %arg11[%dma_start3A_106, %dma_start3A_107] : memref<1x128xi32, #tpu.memory_space<vmem>> -> memref<1x128xi32, #tpu.memory_space<vmem>>
          %dma_start3A_109 = tpu.memref_squeeze %dma_start3A_108 : memref<1x128xi32, #tpu.memory_space<vmem>> -> memref<128xi32, #tpu.memory_space<vmem>>
          %dma_start3A_110 = arith.constant 0 : i32
          %dma_start3A_111 = arith.constant 0 : i32
          %dma_start3A_112 = tpu.memref_slice %arg17[%dma_start3A_110, %dma_start3A_111] : memref<10112x128xf32, #tpu.memory_space<vmem_shared>> -> memref<10112x128xf32, #tpu.memory_space<vmem_shared>>
          tpu.enqueue_indirect_dma source(%arg14 : memref<128x128xf32, #tpu.memory_space<vmem>>) target(%dma_start3A_112 : memref<10112x128xf32, #tpu.memory_space<vmem_shared>>) offsets(%dma_start3A_109 : memref<128xi32, #tpu.memory_space<vmem>>) semaphore(%run_scoped3A_31 : memref<!tpu.dma_semaphore, #tpu.memory_space<semaphore_mem>>) {add = true}
          %gt3A = arith.constant 0 : i32
          %gt3A_113 = arith.cmpi sgt, %add3A_92, %gt3A : i32
          %convert_element_type3A_114 = arith.extui %gt3A_113 : i1 to i32
          %cond3A_115 = arith.constant 0 : i32
          %cond3A_116 = arith.cmpi ne, %convert_element_type3A_114, %cond3A_115 : i32
          scf.if %cond3A_116 {
            %dma_wait3A_160 = arith.constant 0 : i32
            %dma_wait3A_161 = arith.constant 0 : i32
            %dma_wait3A_162 = tpu.memref_slice %arg13[%dma_wait3A_160, %dma_wait3A_161] : memref<1x128xi32, #tpu.memory_space<vmem>> -> memref<1x128xi32, #tpu.memory_space<vmem>>
            %dma_wait3A_163 = tpu.memref_squeeze %dma_wait3A_162 : memref<1x128xi32, #tpu.memory_space<vmem>> -> memref<128xi32, #tpu.memory_space<vmem>>
            %dma_wait3A_164 = arith.constant 0 : i32
            %dma_wait3A_165 = arith.constant 0 : i32
            %dma_wait3A_166 = tpu.memref_slice %arg17[%dma_wait3A_164, %dma_wait3A_165] : memref<10112x128xf32, #tpu.memory_space<vmem_shared>> -> memref<10112x128xf32, #tpu.memory_space<vmem_shared>>
            tpu.wait_indirect_dma semaphore(%run_scoped3A_32 : memref<!tpu.dma_semaphore, #tpu.memory_space<semaphore_mem>>) src(%arg15 : memref<128x128xf32, #tpu.memory_space<vmem>>) dst(%dma_wait3A_166 : memref<10112x128xf32, #tpu.memory_space<vmem_shared>>)
          } else {
          }
          %add3A_117 = arith.addi %mul3A_17, %add3A_98 : i32
          "tpu.region"() ({
            %run_scoped3A_160 = tpu.sem_alloc : memref<!tpu.dma_semaphore, #tpu.memory_space<semaphore_mem>>
            %dma_start3A_161 = arith.constant 0 : i32
            %dma_start3A_162 = tpu.memref_slice %arg3[%add3A_117, %dma_start3A_161] : memref<2528x128xi32, #tpu.memory_space<hbm>> -> memref<1x128xi32, #tpu.memory_space<hbm>>
            %dma_start3A_163 = arith.constant 0 : i32
            %dma_start3A_164 = tpu.memref_slice %arg3[%add3A_117, %dma_start3A_163] : memref<2528x128xi32, #tpu.memory_space<hbm>> -> memref<1x128xi32, #tpu.memory_space<hbm>>
            tpu.enqueue_dma source(%dma_start3A_164 : memref<1x128xi32, #tpu.memory_space<hbm>>) target(%arg12 : memref<1x128xi32, #tpu.memory_space<vmem>>) target_semaphore(%run_scoped3A_160 : memref<!tpu.dma_semaphore, #tpu.memory_space<semaphore_mem>>)
            %dma_wait3A_165 = arith.constant 0 : i32
            %dma_wait3A_166 = tpu.memref_slice %arg3[%add3A_117, %dma_wait3A_165] : memref<2528x128xi32, #tpu.memory_space<hbm>> -> memref<1x128xi32, #tpu.memory_space<hbm>>
            %dma_wait3A_167 = arith.constant 0 : i32
            %dma_wait3A_168 = tpu.memref_slice %arg3[%add3A_117, %dma_wait3A_167] : memref<2528x128xi32, #tpu.memory_space<hbm>> -> memref<1x128xi32, #tpu.memory_space<hbm>>
            tpu.wait_dma2 semaphore(%run_scoped3A_160 : memref<!tpu.dma_semaphore, #tpu.memory_space<semaphore_mem>>) src(%dma_wait3A_168 : memref<1x128xi32, #tpu.memory_space<hbm>>) dst(%arg12 : memref<1x128xi32, #tpu.memory_space<vmem>>)
            tpu.yield
          }) : () -> ()
          %add3A_118 = arith.addi %mul3A_17, %add3A_98 : i32
          "tpu.region"() ({
            %run_scoped3A_160 = tpu.sem_alloc : memref<!tpu.dma_semaphore, #tpu.memory_space<semaphore_mem>>
            %dma_start3A_161 = arith.constant 0 : i32
            %dma_start3A_162 = tpu.memref_slice %arg4[%add3A_118, %dma_start3A_161] : memref<2528x128xi32, #tpu.memory_space<hbm>> -> memref<1x128xi32, #tpu.memory_space<hbm>>
            %dma_start3A_163 = arith.constant 0 : i32
            %dma_start3A_164 = tpu.memref_slice %arg4[%add3A_118, %dma_start3A_163] : memref<2528x128xi32, #tpu.memory_space<hbm>> -> memref<1x128xi32, #tpu.memory_space<hbm>>
            tpu.enqueue_dma source(%dma_start3A_164 : memref<1x128xi32, #tpu.memory_space<hbm>>) target(%arg13 : memref<1x128xi32, #tpu.memory_space<vmem>>) target_semaphore(%run_scoped3A_160 : memref<!tpu.dma_semaphore, #tpu.memory_space<semaphore_mem>>)
            %dma_wait3A_165 = arith.constant 0 : i32
            %dma_wait3A_166 = tpu.memref_slice %arg4[%add3A_118, %dma_wait3A_165] : memref<2528x128xi32, #tpu.memory_space<hbm>> -> memref<1x128xi32, #tpu.memory_space<hbm>>
            %dma_wait3A_167 = arith.constant 0 : i32
            %dma_wait3A_168 = tpu.memref_slice %arg4[%add3A_118, %dma_wait3A_167] : memref<2528x128xi32, #tpu.memory_space<hbm>> -> memref<1x128xi32, #tpu.memory_space<hbm>>
            tpu.wait_dma2 semaphore(%run_scoped3A_160 : memref<!tpu.dma_semaphore, #tpu.memory_space<semaphore_mem>>) src(%dma_wait3A_168 : memref<1x128xi32, #tpu.memory_space<hbm>>) dst(%arg13 : memref<1x128xi32, #tpu.memory_space<vmem>>)
            tpu.yield
          }) : () -> ()
          %dma_start3A_119 = arith.constant 0 : i32
          %dma_start3A_120 = arith.constant 0 : i32
          %dma_start3A_121 = tpu.memref_slice %arg12[%dma_start3A_119, %dma_start3A_120] : memref<1x128xi32, #tpu.memory_space<vmem>> -> memref<1x128xi32, #tpu.memory_space<vmem>>
          %dma_start3A_122 = tpu.memref_squeeze %dma_start3A_121 : memref<1x128xi32, #tpu.memory_space<vmem>> -> memref<128xi32, #tpu.memory_space<vmem>>
          %dma_start3A_123 = arith.constant 0 : i32
          %dma_start3A_124 = arith.constant 0 : i32
          %dma_start3A_125 = tpu.memref_slice %arg2[%dma_start3A_123, %dma_start3A_124] : memref<10112x128xf32, #tpu.memory_space<hbm>> -> memref<10112x128xf32, #tpu.memory_space<hbm>>
          tpu.enqueue_indirect_dma source(%dma_start3A_125 : memref<10112x128xf32, #tpu.memory_space<hbm>>) target(%arg15 : memref<128x128xf32, #tpu.memory_space<vmem>>) offsets(%dma_start3A_122 : memref<128xi32, #tpu.memory_space<vmem>>) semaphore(%run_scoped3A_30 : memref<!tpu.dma_semaphore, #tpu.memory_space<semaphore_mem>>)
          %dma_wait3A_126 = arith.constant 0 : i32
          %dma_wait3A_127 = arith.constant 0 : i32
          %dma_wait3A_128 = tpu.memref_slice %arg12[%dma_wait3A_126, %dma_wait3A_127] : memref<1x128xi32, #tpu.memory_space<vmem>> -> memref<1x128xi32, #tpu.memory_space<vmem>>
          %dma_wait3A_129 = tpu.memref_squeeze %dma_wait3A_128 : memref<1x128xi32, #tpu.memory_space<vmem>> -> memref<128xi32, #tpu.memory_space<vmem>>
          %dma_wait3A_130 = arith.constant 0 : i32
          %dma_wait3A_131 = arith.constant 0 : i32
          %dma_wait3A_132 = tpu.memref_slice %arg2[%dma_wait3A_130, %dma_wait3A_131] : memref<10112x128xf32, #tpu.memory_space<hbm>> -> memref<10112x128xf32, #tpu.memory_space<hbm>>
          tpu.wait_indirect_dma semaphore(%run_scoped3A_30 : memref<!tpu.dma_semaphore, #tpu.memory_space<semaphore_mem>>) src(%dma_wait3A_132 : memref<10112x128xf32, #tpu.memory_space<hbm>>) dst(%arg15 : memref<128x128xf32, #tpu.memory_space<vmem>>)
          %dma_start3A_133 = arith.constant 0 : i32
          %dma_start3A_134 = arith.constant 0 : i32
          %dma_start3A_135 = tpu.memref_slice %arg13[%dma_start3A_133, %dma_start3A_134] : memref<1x128xi32, #tpu.memory_space<vmem>> -> memref<1x128xi32, #tpu.memory_space<vmem>>
          %dma_start3A_136 = tpu.memref_squeeze %dma_start3A_135 : memref<1x128xi32, #tpu.memory_space<vmem>> -> memref<128xi32, #tpu.memory_space<vmem>>
          %dma_start3A_137 = arith.constant 0 : i32
          %dma_start3A_138 = arith.constant 0 : i32
          %dma_start3A_139 = tpu.memref_slice %arg17[%dma_start3A_137, %dma_start3A_138] : memref<10112x128xf32, #tpu.memory_space<vmem_shared>> -> memref<10112x128xf32, #tpu.memory_space<vmem_shared>>
          tpu.enqueue_indirect_dma source(%arg15 : memref<128x128xf32, #tpu.memory_space<vmem>>) target(%dma_start3A_139 : memref<10112x128xf32, #tpu.memory_space<vmem_shared>>) offsets(%dma_start3A_136 : memref<128xi32, #tpu.memory_space<vmem>>) semaphore(%run_scoped3A_32 : memref<!tpu.dma_semaphore, #tpu.memory_space<semaphore_mem>>) {add = true}
          %dma_wait3A_140 = arith.constant 0 : i32
          %dma_wait3A_141 = arith.constant 0 : i32
          %dma_wait3A_142 = tpu.memref_slice %arg11[%dma_wait3A_140, %dma_wait3A_141] : memref<1x128xi32, #tpu.memory_space<vmem>> -> memref<1x128xi32, #tpu.memory_space<vmem>>
          %dma_wait3A_143 = tpu.memref_squeeze %dma_wait3A_142 : memref<1x128xi32, #tpu.memory_space<vmem>> -> memref<128xi32, #tpu.memory_space<vmem>>
          %dma_wait3A_144 = arith.constant 0 : i32
          %dma_wait3A_145 = arith.constant 0 : i32
          %dma_wait3A_146 = tpu.memref_slice %arg17[%dma_wait3A_144, %dma_wait3A_145] : memref<10112x128xf32, #tpu.memory_space<vmem_shared>> -> memref<10112x128xf32, #tpu.memory_space<vmem_shared>>
          tpu.wait_indirect_dma semaphore(%run_scoped3A_31 : memref<!tpu.dma_semaphore, #tpu.memory_space<semaphore_mem>>) src(%arg14 : memref<128x128xf32, #tpu.memory_space<vmem>>) dst(%dma_wait3A_146 : memref<10112x128xf32, #tpu.memory_space<vmem_shared>>)
          %add3A_147 = arith.constant 2 : i32
          %add3A_148 = arith.addi %mul3A_94, %add3A_147 : i32
          %add3A_149 = arith.addi %mul3A_17, %add3A_148 : i32
          "tpu.region"() ({
            %run_scoped3A_160 = tpu.sem_alloc : memref<!tpu.dma_semaphore, #tpu.memory_space<semaphore_mem>>
            %dma_start3A_161 = arith.constant 0 : i32
            %dma_start3A_162 = tpu.memref_slice %arg3[%add3A_149, %dma_start3A_161] : memref<2528x128xi32, #tpu.memory_space<hbm>> -> memref<1x128xi32, #tpu.memory_space<hbm>>
            %dma_start3A_163 = arith.constant 0 : i32
            %dma_start3A_164 = tpu.memref_slice %arg3[%add3A_149, %dma_start3A_163] : memref<2528x128xi32, #tpu.memory_space<hbm>> -> memref<1x128xi32, #tpu.memory_space<hbm>>
            tpu.enqueue_dma source(%dma_start3A_164 : memref<1x128xi32, #tpu.memory_space<hbm>>) target(%arg10 : memref<1x128xi32, #tpu.memory_space<vmem>>) target_semaphore(%run_scoped3A_160 : memref<!tpu.dma_semaphore, #tpu.memory_space<semaphore_mem>>)
            %dma_wait3A_165 = arith.constant 0 : i32
            %dma_wait3A_166 = tpu.memref_slice %arg3[%add3A_149, %dma_wait3A_165] : memref<2528x128xi32, #tpu.memory_space<hbm>> -> memref<1x128xi32, #tpu.memory_space<hbm>>
            %dma_wait3A_167 = arith.constant 0 : i32
            %dma_wait3A_168 = tpu.memref_slice %arg3[%add3A_149, %dma_wait3A_167] : memref<2528x128xi32, #tpu.memory_space<hbm>> -> memref<1x128xi32, #tpu.memory_space<hbm>>
            tpu.wait_dma2 semaphore(%run_scoped3A_160 : memref<!tpu.dma_semaphore, #tpu.memory_space<semaphore_mem>>) src(%dma_wait3A_168 : memref<1x128xi32, #tpu.memory_space<hbm>>) dst(%arg10 : memref<1x128xi32, #tpu.memory_space<vmem>>)
            tpu.yield
          }) : () -> ()
          %add3A_150 = arith.constant 2 : i32
          %add3A_151 = arith.addi %mul3A_94, %add3A_150 : i32
          %add3A_152 = arith.addi %mul3A_17, %add3A_151 : i32
          "tpu.region"() ({
            %run_scoped3A_160 = tpu.sem_alloc : memref<!tpu.dma_semaphore, #tpu.memory_space<semaphore_mem>>
            %dma_start3A_161 = arith.constant 0 : i32
            %dma_start3A_162 = tpu.memref_slice %arg4[%add3A_152, %dma_start3A_161] : memref<2528x128xi32, #tpu.memory_space<hbm>> -> memref<1x128xi32, #tpu.memory_space<hbm>>
            %dma_start3A_163 = arith.constant 0 : i32
            %dma_start3A_164 = tpu.memref_slice %arg4[%add3A_152, %dma_start3A_163] : memref<2528x128xi32, #tpu.memory_space<hbm>> -> memref<1x128xi32, #tpu.memory_space<hbm>>
            tpu.enqueue_dma source(%dma_start3A_164 : memref<1x128xi32, #tpu.memory_space<hbm>>) target(%arg11 : memref<1x128xi32, #tpu.memory_space<vmem>>) target_semaphore(%run_scoped3A_160 : memref<!tpu.dma_semaphore, #tpu.memory_space<semaphore_mem>>)
            %dma_wait3A_165 = arith.constant 0 : i32
            %dma_wait3A_166 = tpu.memref_slice %arg4[%add3A_152, %dma_wait3A_165] : memref<2528x128xi32, #tpu.memory_space<hbm>> -> memref<1x128xi32, #tpu.memory_space<hbm>>
            %dma_wait3A_167 = arith.constant 0 : i32
            %dma_wait3A_168 = tpu.memref_slice %arg4[%add3A_152, %dma_wait3A_167] : memref<2528x128xi32, #tpu.memory_space<hbm>> -> memref<1x128xi32, #tpu.memory_space<hbm>>
            tpu.wait_dma2 semaphore(%run_scoped3A_160 : memref<!tpu.dma_semaphore, #tpu.memory_space<semaphore_mem>>) src(%dma_wait3A_168 : memref<1x128xi32, #tpu.memory_space<hbm>>) dst(%arg11 : memref<1x128xi32, #tpu.memory_space<vmem>>)
            tpu.yield
          }) : () -> ()
          %dma_start3A_153 = arith.constant 0 : i32
          %dma_start3A_154 = arith.constant 0 : i32
          %dma_start3A_155 = tpu.memref_slice %arg10[%dma_start3A_153, %dma_start3A_154] : memref<1x128xi32, #tpu.memory_space<vmem>> -> memref<1x128xi32, #tpu.memory_space<vmem>>
          %dma_start3A_156 = tpu.memref_squeeze %dma_start3A_155 : memref<1x128xi32, #tpu.memory_space<vmem>> -> memref<128xi32, #tpu.memory_space<vmem>>
          %dma_start3A_157 = arith.constant 0 : i32
          %dma_start3A_158 = arith.constant 0 : i32
          %dma_start3A_159 = tpu.memref_slice %arg2[%dma_start3A_157, %dma_start3A_158] : memref<10112x128xf32, #tpu.memory_space<hbm>> -> memref<10112x128xf32, #tpu.memory_space<hbm>>
          tpu.enqueue_indirect_dma source(%dma_start3A_159 : memref<10112x128xf32, #tpu.memory_space<hbm>>) target(%arg14 : memref<128x128xf32, #tpu.memory_space<vmem>>) offsets(%dma_start3A_156 : memref<128xi32, #tpu.memory_space<vmem>>) semaphore(%run_scoped3A : memref<!tpu.dma_semaphore, #tpu.memory_space<semaphore_mem>>)
        }
        %scan3A_60 = arith.constant 39 : i32
        %dma_wait3A = arith.constant 0 : i32
        %dma_wait3A_61 = arith.constant 0 : i32
        %dma_wait3A_62 = tpu.memref_slice %arg10[%dma_wait3A, %dma_wait3A_61] : memref<1x128xi32, #tpu.memory_space<vmem>> -> memref<1x128xi32, #tpu.memory_space<vmem>>
        %dma_wait3A_63 = tpu.memref_squeeze %dma_wait3A_62 : memref<1x128xi32, #tpu.memory_space<vmem>> -> memref<128xi32, #tpu.memory_space<vmem>>
        %dma_wait3A_64 = arith.constant 0 : i32
        %dma_wait3A_65 = arith.constant 0 : i32
        %dma_wait3A_66 = tpu.memref_slice %arg2[%dma_wait3A_64, %dma_wait3A_65] : memref<10112x128xf32, #tpu.memory_space<hbm>> -> memref<10112x128xf32, #tpu.memory_space<hbm>>
        tpu.wait_indirect_dma semaphore(%run_scoped3A : memref<!tpu.dma_semaphore, #tpu.memory_space<semaphore_mem>>) src(%dma_wait3A_66 : memref<10112x128xf32, #tpu.memory_space<hbm>>) dst(%arg14 : memref<128x128xf32, #tpu.memory_space<vmem>>)
        %dma_start3A_67 = arith.constant 0 : i32
        %dma_start3A_68 = arith.constant 0 : i32
        %dma_start3A_69 = tpu.memref_slice %arg11[%dma_start3A_67, %dma_start3A_68] : memref<1x128xi32, #tpu.memory_space<vmem>> -> memref<1x128xi32, #tpu.memory_space<vmem>>
        %dma_start3A_70 = tpu.memref_squeeze %dma_start3A_69 : memref<1x128xi32, #tpu.memory_space<vmem>> -> memref<128xi32, #tpu.memory_space<vmem>>
        %dma_start3A_71 = arith.constant 0 : i32
        %dma_start3A_72 = arith.constant 0 : i32
        %dma_start3A_73 = tpu.memref_slice %arg17[%dma_start3A_71, %dma_start3A_72] : memref<10112x128xf32, #tpu.memory_space<vmem_shared>> -> memref<10112x128xf32, #tpu.memory_space<vmem_shared>>
        tpu.enqueue_indirect_dma source(%arg14 : memref<128x128xf32, #tpu.memory_space<vmem>>) target(%dma_start3A_73 : memref<10112x128xf32, #tpu.memory_space<vmem_shared>>) offsets(%dma_start3A_70 : memref<128xi32, #tpu.memory_space<vmem>>) semaphore(%run_scoped3A_31 : memref<!tpu.dma_semaphore, #tpu.memory_space<semaphore_mem>>) {add = true}
        %dma_wait3A_74 = arith.constant 0 : i32
        %dma_wait3A_75 = arith.constant 0 : i32
        %dma_wait3A_76 = tpu.memref_slice %arg13[%dma_wait3A_74, %dma_wait3A_75] : memref<1x128xi32, #tpu.memory_space<vmem>> -> memref<1x128xi32, #tpu.memory_space<vmem>>
        %dma_wait3A_77 = tpu.memref_squeeze %dma_wait3A_76 : memref<1x128xi32, #tpu.memory_space<vmem>> -> memref<128xi32, #tpu.memory_space<vmem>>
        %dma_wait3A_78 = arith.constant 0 : i32
        %dma_wait3A_79 = arith.constant 0 : i32
        %dma_wait3A_80 = tpu.memref_slice %arg17[%dma_wait3A_78, %dma_wait3A_79] : memref<10112x128xf32, #tpu.memory_space<vmem_shared>> -> memref<10112x128xf32, #tpu.memory_space<vmem_shared>>
        tpu.wait_indirect_dma semaphore(%run_scoped3A_32 : memref<!tpu.dma_semaphore, #tpu.memory_space<semaphore_mem>>) src(%arg15 : memref<128x128xf32, #tpu.memory_space<vmem>>) dst(%dma_wait3A_80 : memref<10112x128xf32, #tpu.memory_space<vmem_shared>>)
        %dma_wait3A_81 = arith.constant 0 : i32
        %dma_wait3A_82 = arith.constant 0 : i32
        %dma_wait3A_83 = tpu.memref_slice %arg11[%dma_wait3A_81, %dma_wait3A_82] : memref<1x128xi32, #tpu.memory_space<vmem>> -> memref<1x128xi32, #tpu.memory_space<vmem>>
        %dma_wait3A_84 = tpu.memref_squeeze %dma_wait3A_83 : memref<1x128xi32, #tpu.memory_space<vmem>> -> memref<128xi32, #tpu.memory_space<vmem>>
        %dma_wait3A_85 = arith.constant 0 : i32
        %dma_wait3A_86 = arith.constant 0 : i32
        %dma_wait3A_87 = tpu.memref_slice %arg17[%dma_wait3A_85, %dma_wait3A_86] : memref<10112x128xf32, #tpu.memory_space<vmem_shared>> -> memref<10112x128xf32, #tpu.memory_space<vmem_shared>>
        tpu.wait_indirect_dma semaphore(%run_scoped3A_31 : memref<!tpu.dma_semaphore, #tpu.memory_space<semaphore_mem>>) src(%arg14 : memref<128x128xf32, #tpu.memory_space<vmem>>) dst(%dma_wait3A_87 : memref<10112x128xf32, #tpu.memory_space<vmem_shared>>)
      } else {
      }
      %and3A_39 = arith.constant 1 : i32
      %and3A_40 = arith.andi %reduce_max3A_25, %and3A_39 : i32
      %eq3A_41 = arith.constant 1 : i32
      %eq3A_42 = arith.cmpi eq, %and3A_40, %eq3A_41 : i32
      %convert_element_type3A_43 = arith.extui %eq3A_42 : i1 to i32
      %cond3A_44 = arith.constant 0 : i32
      %cond3A_45 = arith.cmpi ne, %convert_element_type3A_43, %cond3A_44 : i32
      scf.if %cond3A_45 {
        %scan3A_46 = arith.constant 0 : i32
        %scan3A_47 = arith.constant 128 : i32
        %scan3A_48 = arith.addi %scan3A_46, %scan3A_47 : i32
        %scan3A_49 = arith.constant 1 : i32
        scf.for %scan3A_86 = %scan3A_46 to %scan3A_48 step %scan3A_49  : i32 {
          %mul3A_87 = arith.constant 1 : i32
          %mul3A_88 = arith.muli %scan3A_86, %mul3A_87 : i32
          %add3A_89 = arith.constant 0 : i32
          %add3A_90 = arith.addi %add3A_89, %mul3A_88 : i32
          %scan3A_91 = arith.constant 0 : i32
          %scan3A_92 = arith.constant 8 : i32
          %scan3A_93 = arith.addi %scan3A_91, %scan3A_92 : i32
          %scan3A_94 = arith.constant 1 : i32
          scf.for %scan3A_96 = %scan3A_91 to %scan3A_93 step %scan3A_94  : i32 {
            %mul3A_97 = arith.constant 1 : i32
            %mul3A_98 = arith.muli %scan3A_96, %mul3A_97 : i32
            %add3A_99 = arith.constant 0 : i32
            %add3A_100 = arith.addi %add3A_99, %mul3A_98 : i32
            %broadcast_in_dim3A = arith.constant 1.000000e+00 : f32
            %broadcast_in_dim3A_101 = vector.broadcast %broadcast_in_dim3A : f32 to vector<16xf32>
            %mul3A_102 = arith.constant 16 : i32
            %mul3A_103 = arith.muli %add3A_100, %mul3A_102 : i32
            %swap3A = arith.index_cast %add3A_90 : i32 to index
            %swap3A_104 = arith.index_cast %mul3A_103 : i32 to index
            %swap3A_105 = tpu.vector_load %arg16[%swap3A, %swap3A_104] {strides = array<i32>} : memref<128x128xf32, #tpu.memory_space<vmem>>, vector<16xf32>,
            tpu.vector_store %arg16[%swap3A, %swap3A_104], %broadcast_in_dim3A_101 {strides = array<i32>} : memref<128x128xf32, #tpu.memory_space<vmem>>, vector<16xf32>,
          }
          %scan3A_95 = arith.constant 8 : i32
        }
        %scan3A_50 = arith.constant 128 : i32
        %add3A_51 = arith.constant 0 : i32
        %add3A_52 = arith.addi %mul3A_17, %add3A_51 : i32
        "tpu.region"() ({
          %run_scoped3A_86 = tpu.sem_alloc : memref<!tpu.dma_semaphore, #tpu.memory_space<semaphore_mem>>
          %dma_start3A_87 = arith.constant 0 : i32
          %dma_start3A_88 = tpu.memref_slice %arg4[%add3A_52, %dma_start3A_87] : memref<2528x128xi32, #tpu.memory_space<hbm>> -> memref<1x128xi32, #tpu.memory_space<hbm>>
          %dma_start3A_89 = arith.constant 0 : i32
          %dma_start3A_90 = tpu.memref_slice %arg4[%add3A_52, %dma_start3A_89] : memref<2528x128xi32, #tpu.memory_space<hbm>> -> memref<1x128xi32, #tpu.memory_space<hbm>>
          tpu.enqueue_dma source(%dma_start3A_90 : memref<1x128xi32, #tpu.memory_space<hbm>>) target(%arg11 : memref<1x128xi32, #tpu.memory_space<vmem>>) target_semaphore(%run_scoped3A_86 : memref<!tpu.dma_semaphore, #tpu.memory_space<semaphore_mem>>)
          %dma_wait3A_91 = arith.constant 0 : i32
          %dma_wait3A_92 = tpu.memref_slice %arg4[%add3A_52, %dma_wait3A_91] : memref<2528x128xi32, #tpu.memory_space<hbm>> -> memref<1x128xi32, #tpu.memory_space<hbm>>
          %dma_wait3A_93 = arith.constant 0 : i32
          %dma_wait3A_94 = tpu.memref_slice %arg4[%add3A_52, %dma_wait3A_93] : memref<2528x128xi32, #tpu.memory_space<hbm>> -> memref<1x128xi32, #tpu.memory_space<hbm>>
          tpu.wait_dma2 semaphore(%run_scoped3A_86 : memref<!tpu.dma_semaphore, #tpu.memory_space<semaphore_mem>>) src(%dma_wait3A_94 : memref<1x128xi32, #tpu.memory_space<hbm>>) dst(%arg11 : memref<1x128xi32, #tpu.memory_space<vmem>>)
          tpu.yield
        }) : () -> ()
        %dma_start3A = arith.constant 0 : i32
        %dma_start3A_53 = arith.constant 0 : i32
        %dma_start3A_54 = tpu.memref_slice %arg11[%dma_start3A, %dma_start3A_53] : memref<1x128xi32, #tpu.memory_space<vmem>> -> memref<1x128xi32, #tpu.memory_space<vmem>>
        %dma_start3A_55 = tpu.memref_squeeze %dma_start3A_54 : memref<1x128xi32, #tpu.memory_space<vmem>> -> memref<128xi32, #tpu.memory_space<vmem>>
        %dma_start3A_56 = arith.constant 0 : i32
        %dma_start3A_57 = arith.constant 0 : i32
        %dma_start3A_58 = tpu.memref_slice %arg17[%dma_start3A_56, %dma_start3A_57] : memref<10112x128xf32, #tpu.memory_space<vmem_shared>> -> memref<10112x128xf32, #tpu.memory_space<vmem_shared>>
        tpu.enqueue_indirect_dma source(%arg16 : memref<128x128xf32, #tpu.memory_space<vmem>>) target(%dma_start3A_58 : memref<10112x128xf32, #tpu.memory_space<vmem_shared>>) offsets(%dma_start3A_55 : memref<128xi32, #tpu.memory_space<vmem>>) semaphore(%run_scoped3A_31 : memref<!tpu.dma_semaphore, #tpu.memory_space<semaphore_mem>>) {add = true}
        %add3A_59 = arith.constant 1 : i32
        %add3A_60 = arith.addi %mul3A_17, %add3A_59 : i32
        "tpu.region"() ({
          %run_scoped3A_86 = tpu.sem_alloc : memref<!tpu.dma_semaphore, #tpu.memory_space<semaphore_mem>>
          %dma_start3A_87 = arith.constant 0 : i32
          %dma_start3A_88 = tpu.memref_slice %arg4[%add3A_60, %dma_start3A_87] : memref<2528x128xi32, #tpu.memory_space<hbm>> -> memref<1x128xi32, #tpu.memory_space<hbm>>
          %dma_start3A_89 = arith.constant 0 : i32
          %dma_start3A_90 = tpu.memref_slice %arg4[%add3A_60, %dma_start3A_89] : memref<2528x128xi32, #tpu.memory_space<hbm>> -> memref<1x128xi32, #tpu.memory_space<hbm>>
          tpu.enqueue_dma source(%dma_start3A_90 : memref<1x128xi32, #tpu.memory_space<hbm>>) target(%arg13 : memref<1x128xi32, #tpu.memory_space<vmem>>) target_semaphore(%run_scoped3A_86 : memref<!tpu.dma_semaphore, #tpu.memory_space<semaphore_mem>>)
          %dma_wait3A_91 = arith.constant 0 : i32
          %dma_wait3A_92 = tpu.memref_slice %arg4[%add3A_60, %dma_wait3A_91] : memref<2528x128xi32, #tpu.memory_space<hbm>> -> memref<1x128xi32, #tpu.memory_space<hbm>>
          %dma_wait3A_93 = arith.constant 0 : i32
          %dma_wait3A_94 = tpu.memref_slice %arg4[%add3A_60, %dma_wait3A_93] : memref<2528x128xi32, #tpu.memory_space<hbm>> -> memref<1x128xi32, #tpu.memory_space<hbm>>
          tpu.wait_dma2 semaphore(%run_scoped3A_86 : memref<!tpu.dma_semaphore, #tpu.memory_space<semaphore_mem>>) src(%dma_wait3A_94 : memref<1x128xi32, #tpu.memory_space<hbm>>) dst(%arg13 : memref<1x128xi32, #tpu.memory_space<vmem>>)
          tpu.yield
        }) : () -> ()
        %dma_start3A_61 = arith.constant 0 : i32
        %dma_start3A_62 = arith.constant 0 : i32
        %dma_start3A_63 = tpu.memref_slice %arg13[%dma_start3A_61, %dma_start3A_62] : memref<1x128xi32, #tpu.memory_space<vmem>> -> memref<1x128xi32, #tpu.memory_space<vmem>>
        %dma_start3A_64 = tpu.memref_squeeze %dma_start3A_63 : memref<1x128xi32, #tpu.memory_space<vmem>> -> memref<128xi32, #tpu.memory_space<vmem>>
        %dma_start3A_65 = arith.constant 0 : i32
        %dma_start3A_66 = arith.constant 0 : i32
        %dma_start3A_67 = tpu.memref_slice %arg17[%dma_start3A_65, %dma_start3A_66] : memref<10112x128xf32, #tpu.memory_space<vmem_shared>> -> memref<10112x128xf32, #tpu.memory_space<vmem_shared>>
        tpu.enqueue_indirect_dma source(%arg16 : memref<128x128xf32, #tpu.memory_space<vmem>>) target(%dma_start3A_67 : memref<10112x128xf32, #tpu.memory_space<vmem_shared>>) offsets(%dma_start3A_64 : memref<128xi32, #tpu.memory_space<vmem>>) semaphore(%run_scoped3A_32 : memref<!tpu.dma_semaphore, #tpu.memory_space<semaphore_mem>>) {add = true}
        %scan3A_68 = arith.constant 0 : i32
        %scan3A_69 = arith.constant 39 : i32
        %scan3A_70 = arith.addi %scan3A_68, %scan3A_69 : i32
        %scan3A_71 = arith.constant 1 : i32
        scf.for %scan3A_86 = %scan3A_68 to %scan3A_70 step %scan3A_71  : i32 {
          %mul3A_87 = arith.constant 1 : i32
          %mul3A_88 = arith.muli %scan3A_86, %mul3A_87 : i32
          %add3A_89 = arith.constant 0 : i32
          %add3A_90 = arith.addi %add3A_89, %mul3A_88 : i32
          %dma_wait3A_91 = arith.constant 0 : i32
          %dma_wait3A_92 = arith.constant 0 : i32
          %dma_wait3A_93 = tpu.memref_slice %arg11[%dma_wait3A_91, %dma_wait3A_92] : memref<1x128xi32, #tpu.memory_space<vmem>> -> memref<1x128xi32, #tpu.memory_space<vmem>>
          %dma_wait3A_94 = tpu.memref_squeeze %dma_wait3A_93 : memref<1x128xi32, #tpu.memory_space<vmem>> -> memref<128xi32, #tpu.memory_space<vmem>>
          %dma_wait3A_95 = arith.constant 0 : i32
          %dma_wait3A_96 = arith.constant 0 : i32
          %dma_wait3A_97 = tpu.memref_slice %arg17[%dma_wait3A_95, %dma_wait3A_96] : memref<10112x128xf32, #tpu.memory_space<vmem_shared>> -> memref<10112x128xf32, #tpu.memory_space<vmem_shared>>
          tpu.wait_indirect_dma semaphore(%run_scoped3A_31 : memref<!tpu.dma_semaphore, #tpu.memory_space<semaphore_mem>>) src(%arg16 : memref<128x128xf32, #tpu.memory_space<vmem>>) dst(%dma_wait3A_97 : memref<10112x128xf32, #tpu.memory_space<vmem_shared>>)
          %mul3A_98 = arith.constant 2 : i32
          %mul3A_99 = arith.muli %mul3A_98, %add3A_90 : i32
          %add3A_100 = arith.constant 2 : i32
          %add3A_101 = arith.addi %mul3A_99, %add3A_100 : i32
          %add3A_102 = arith.addi %mul3A_17, %add3A_101 : i32
          "tpu.region"() ({
            %run_scoped3A_118 = tpu.sem_alloc : memref<!tpu.dma_semaphore, #tpu.memory_space<semaphore_mem>>
            %dma_start3A_119 = arith.constant 0 : i32
            %dma_start3A_120 = tpu.memref_slice %arg4[%add3A_102, %dma_start3A_119] : memref<2528x128xi32, #tpu.memory_space<hbm>> -> memref<1x128xi32, #tpu.memory_space<hbm>>
            %dma_start3A_121 = arith.constant 0 : i32
            %dma_start3A_122 = tpu.memref_slice %arg4[%add3A_102, %dma_start3A_121] : memref<2528x128xi32, #tpu.memory_space<hbm>> -> memref<1x128xi32, #tpu.memory_space<hbm>>
            tpu.enqueue_dma source(%dma_start3A_122 : memref<1x128xi32, #tpu.memory_space<hbm>>) target(%arg11 : memref<1x128xi32, #tpu.memory_space<vmem>>) target_semaphore(%run_scoped3A_118 : memref<!tpu.dma_semaphore, #tpu.memory_space<semaphore_mem>>)
            %dma_wait3A_123 = arith.constant 0 : i32
            %dma_wait3A_124 = tpu.memref_slice %arg4[%add3A_102, %dma_wait3A_123] : memref<2528x128xi32, #tpu.memory_space<hbm>> -> memref<1x128xi32, #tpu.memory_space<hbm>>
            %dma_wait3A_125 = arith.constant 0 : i32
            %dma_wait3A_126 = tpu.memref_slice %arg4[%add3A_102, %dma_wait3A_125] : memref<2528x128xi32, #tpu.memory_space<hbm>> -> memref<1x128xi32, #tpu.memory_space<hbm>>
            tpu.wait_dma2 semaphore(%run_scoped3A_118 : memref<!tpu.dma_semaphore, #tpu.memory_space<semaphore_mem>>) src(%dma_wait3A_126 : memref<1x128xi32, #tpu.memory_space<hbm>>) dst(%arg11 : memref<1x128xi32, #tpu.memory_space<vmem>>)
            tpu.yield
          }) : () -> ()
          %dma_start3A_103 = arith.constant 0 : i32
          %dma_start3A_104 = arith.constant 0 : i32
          %dma_start3A_105 = tpu.memref_slice %arg11[%dma_start3A_103, %dma_start3A_104] : memref<1x128xi32, #tpu.memory_space<vmem>> -> memref<1x128xi32, #tpu.memory_space<vmem>>
          %dma_start3A_106 = tpu.memref_squeeze %dma_start3A_105 : memref<1x128xi32, #tpu.memory_space<vmem>> -> memref<128xi32, #tpu.memory_space<vmem>>
          %dma_start3A_107 = arith.constant 0 : i32
          %dma_start3A_108 = arith.constant 0 : i32
          %dma_start3A_109 = tpu.memref_slice %arg17[%dma_start3A_107, %dma_start3A_108] : memref<10112x128xf32, #tpu.memory_space<vmem_shared>> -> memref<10112x128xf32, #tpu.memory_space<vmem_shared>>
          tpu.enqueue_indirect_dma source(%arg16 : memref<128x128xf32, #tpu.memory_space<vmem>>) target(%dma_start3A_109 : memref<10112x128xf32, #tpu.memory_space<vmem_shared>>) offsets(%dma_start3A_106 : memref<128xi32, #tpu.memory_space<vmem>>) semaphore(%run_scoped3A_31 : memref<!tpu.dma_semaphore, #tpu.memory_space<semaphore_mem>>) {add = true}
          %mul3A_110 = arith.constant 2 : i32
          %mul3A_111 = arith.muli %mul3A_110, %add3A_90 : i32
          %add3A_112 = arith.constant 3 : i32
          %add3A_113 = arith.addi %mul3A_111, %add3A_112 : i32
          %lt3A = arith.constant 79 : i32
          %lt3A_114 = arith.cmpi slt, %add3A_113, %lt3A : i32
          %convert_element_type3A_115 = arith.extui %lt3A_114 : i1 to i32
          %cond3A_116 = arith.constant 0 : i32
          %cond3A_117 = arith.cmpi ne, %convert_element_type3A_115, %cond3A_116 : i32
          scf.if %cond3A_117 {
            %dma_wait3A_118 = arith.constant 0 : i32
            %dma_wait3A_119 = arith.constant 0 : i32
            %dma_wait3A_120 = tpu.memref_slice %arg13[%dma_wait3A_118, %dma_wait3A_119] : memref<1x128xi32, #tpu.memory_space<vmem>> -> memref<1x128xi32, #tpu.memory_space<vmem>>
            %dma_wait3A_121 = tpu.memref_squeeze %dma_wait3A_120 : memref<1x128xi32, #tpu.memory_space<vmem>> -> memref<128xi32, #tpu.memory_space<vmem>>
            %dma_wait3A_122 = arith.constant 0 : i32
            %dma_wait3A_123 = arith.constant 0 : i32
            %dma_wait3A_124 = tpu.memref_slice %arg17[%dma_wait3A_122, %dma_wait3A_123] : memref<10112x128xf32, #tpu.memory_space<vmem_shared>> -> memref<10112x128xf32, #tpu.memory_space<vmem_shared>>
            tpu.wait_indirect_dma semaphore(%run_scoped3A_32 : memref<!tpu.dma_semaphore, #tpu.memory_space<semaphore_mem>>) src(%arg16 : memref<128x128xf32, #tpu.memory_space<vmem>>) dst(%dma_wait3A_124 : memref<10112x128xf32, #tpu.memory_space<vmem_shared>>)
            %mul3A_125 = arith.constant 2 : i32
            %mul3A_126 = arith.muli %mul3A_125, %add3A_90 : i32
            %add3A_127 = arith.constant 3 : i32
            %add3A_128 = arith.addi %mul3A_126, %add3A_127 : i32
            %add3A_129 = arith.addi %mul3A_17, %add3A_128 : i32
            "tpu.region"() ({
              %run_scoped3A_137 = tpu.sem_alloc : memref<!tpu.dma_semaphore, #tpu.memory_space<semaphore_mem>>
              %dma_start3A_138 = arith.constant 0 : i32
              %dma_start3A_139 = tpu.memref_slice %arg4[%add3A_129, %dma_start3A_138] : memref<2528x128xi32, #tpu.memory_space<hbm>> -> memref<1x128xi32, #tpu.memory_space<hbm>>
              %dma_start3A_140 = arith.constant 0 : i32
              %dma_start3A_141 = tpu.memref_slice %arg4[%add3A_129, %dma_start3A_140] : memref<2528x128xi32, #tpu.memory_space<hbm>> -> memref<1x128xi32, #tpu.memory_space<hbm>>
              tpu.enqueue_dma source(%dma_start3A_141 : memref<1x128xi32, #tpu.memory_space<hbm>>) target(%arg13 : memref<1x128xi32, #tpu.memory_space<vmem>>) target_semaphore(%run_scoped3A_137 : memref<!tpu.dma_semaphore, #tpu.memory_space<semaphore_mem>>)
              %dma_wait3A_142 = arith.constant 0 : i32
              %dma_wait3A_143 = tpu.memref_slice %arg4[%add3A_129, %dma_wait3A_142] : memref<2528x128xi32, #tpu.memory_space<hbm>> -> memref<1x128xi32, #tpu.memory_space<hbm>>
              %dma_wait3A_144 = arith.constant 0 : i32
              %dma_wait3A_145 = tpu.memref_slice %arg4[%add3A_129, %dma_wait3A_144] : memref<2528x128xi32, #tpu.memory_space<hbm>> -> memref<1x128xi32, #tpu.memory_space<hbm>>
              tpu.wait_dma2 semaphore(%run_scoped3A_137 : memref<!tpu.dma_semaphore, #tpu.memory_space<semaphore_mem>>) src(%dma_wait3A_145 : memref<1x128xi32, #tpu.memory_space<hbm>>) dst(%arg13 : memref<1x128xi32, #tpu.memory_space<vmem>>)
              tpu.yield
            }) : () -> ()
            %dma_start3A_130 = arith.constant 0 : i32
            %dma_start3A_131 = arith.constant 0 : i32
            %dma_start3A_132 = tpu.memref_slice %arg13[%dma_start3A_130, %dma_start3A_131] : memref<1x128xi32, #tpu.memory_space<vmem>> -> memref<1x128xi32, #tpu.memory_space<vmem>>
            %dma_start3A_133 = tpu.memref_squeeze %dma_start3A_132 : memref<1x128xi32, #tpu.memory_space<vmem>> -> memref<128xi32, #tpu.memory_space<vmem>>
            %dma_start3A_134 = arith.constant 0 : i32
            %dma_start3A_135 = arith.constant 0 : i32
            %dma_start3A_136 = tpu.memref_slice %arg17[%dma_start3A_134, %dma_start3A_135] : memref<10112x128xf32, #tpu.memory_space<vmem_shared>> -> memref<10112x128xf32, #tpu.memory_space<vmem_shared>>
            tpu.enqueue_indirect_dma source(%arg16 : memref<128x128xf32, #tpu.memory_space<vmem>>) target(%dma_start3A_136 : memref<10112x128xf32, #tpu.memory_space<vmem_shared>>) offsets(%dma_start3A_133 : memref<128xi32, #tpu.memory_space<vmem>>) semaphore(%run_scoped3A_32 : memref<!tpu.dma_semaphore, #tpu.memory_space<semaphore_mem>>) {add = true}
          } else {
          }
        }
        %scan3A_72 = arith.constant 39 : i32
        %dma_wait3A = arith.constant 0 : i32
        %dma_wait3A_73 = arith.constant 0 : i32
        %dma_wait3A_74 = tpu.memref_slice %arg13[%dma_wait3A, %dma_wait3A_73] : memref<1x128xi32, #tpu.memory_space<vmem>> -> memref<1x128xi32, #tpu.memory_space<vmem>>
        %dma_wait3A_75 = tpu.memref_squeeze %dma_wait3A_74 : memref<1x128xi32, #tpu.memory_space<vmem>> -> memref<128xi32, #tpu.memory_space<vmem>>
        %dma_wait3A_76 = arith.constant 0 : i32
        %dma_wait3A_77 = arith.constant 0 : i32
        %dma_wait3A_78 = tpu.memref_slice %arg17[%dma_wait3A_76, %dma_wait3A_77] : memref<10112x128xf32, #tpu.memory_space<vmem_shared>> -> memref<10112x128xf32, #tpu.memory_space<vmem_shared>>
        tpu.wait_indirect_dma semaphore(%run_scoped3A_32 : memref<!tpu.dma_semaphore, #tpu.memory_space<semaphore_mem>>) src(%arg16 : memref<128x128xf32, #tpu.memory_space<vmem>>) dst(%dma_wait3A_78 : memref<10112x128xf32, #tpu.memory_space<vmem_shared>>)
        %dma_wait3A_79 = arith.constant 0 : i32
        %dma_wait3A_80 = arith.constant 0 : i32
        %dma_wait3A_81 = tpu.memref_slice %arg11[%dma_wait3A_79, %dma_wait3A_80] : memref<1x128xi32, #tpu.memory_space<vmem>> -> memref<1x128xi32, #tpu.memory_space<vmem>>
        %dma_wait3A_82 = tpu.memref_squeeze %dma_wait3A_81 : memref<1x128xi32, #tpu.memory_space<vmem>> -> memref<128xi32, #tpu.memory_space<vmem>>
        %dma_wait3A_83 = arith.constant 0 : i32
        %dma_wait3A_84 = arith.constant 0 : i32
        %dma_wait3A_85 = tpu.memref_slice %arg17[%dma_wait3A_83, %dma_wait3A_84] : memref<10112x128xf32, #tpu.memory_space<vmem_shared>> -> memref<10112x128xf32, #tpu.memory_space<vmem_shared>>
        tpu.wait_indirect_dma semaphore(%run_scoped3A_31 : memref<!tpu.dma_semaphore, #tpu.memory_space<semaphore_mem>>) src(%arg16 : memref<128x128xf32, #tpu.memory_space<vmem>>) dst(%dma_wait3A_85 : memref<10112x128xf32, #tpu.memory_space<vmem_shared>>)
      } else {
      }
      tpu.yield
    }) : () -> ()
    %and3A = arith.constant 2 : i32
    %and3A_26 = arith.andi %reduce_max3A_25, %and3A : i32
    %ne3A = arith.constant 0 : i32
    %ne3A_27 = arith.cmpi ne, %and3A_26, %ne3A : i32
    %convert_element_type3A = arith.extui %ne3A_27 : i1 to i32
    %cond3A = arith.constant 0 : i32
    %cond3A_28 = arith.cmpi ne, %convert_element_type3A, %cond3A : i32
    scf.if %cond3A_28 {
      %scan3A_30 = arith.constant 0 : i32
      %scan3A_31 = arith.constant 3 : i32
      %scan3A_32 = arith.addi %scan3A_30, %scan3A_31 : i32
      %scan3A_33 = arith.constant 1 : i32
      scf.for %scan3A_35 = %scan3A_30 to %scan3A_32 step %scan3A_33  : i32 {
        %mul3A_36 = arith.constant 1 : i32
        %mul3A_37 = arith.muli %scan3A_35, %mul3A_36 : i32
        %add3A_38 = arith.constant 0 : i32
        %add3A_39 = arith.addi %add3A_38, %mul3A_37 : i32
        %mul3A_40 = arith.constant 3 : i32
        %mul3A_41 = arith.muli %add3A, %mul3A_40 : i32
        %add3A_42 = arith.addi %mul3A_41, %add3A_39 : i32
        "tpu.region"() ({
          %run_scoped3A_45 = tpu.sem_alloc : memref<!tpu.dma_semaphore, #tpu.memory_space<semaphore_mem>>
          %dma_start3A = arith.constant 0 : i32
          %dma_start3A_46 = tpu.memref_slice %arg5[%add3A_42, %dma_start3A] : memref<96x128xi32, #tpu.memory_space<hbm>> -> memref<1x128xi32, #tpu.memory_space<hbm>>
          %dma_start3A_47 = arith.constant 0 : i32
          %dma_start3A_48 = tpu.memref_slice %arg5[%add3A_42, %dma_start3A_47] : memref<96x128xi32, #tpu.memory_space<hbm>> -> memref<1x128xi32, #tpu.memory_space<hbm>>
          tpu.enqueue_dma source(%dma_start3A_48 : memref<1x128xi32, #tpu.memory_space<hbm>>) target(%arg10 : memref<1x128xi32, #tpu.memory_space<vmem>>) target_semaphore(%run_scoped3A_45 : memref<!tpu.dma_semaphore, #tpu.memory_space<semaphore_mem>>)
          %dma_wait3A = arith.constant 0 : i32
          %dma_wait3A_49 = tpu.memref_slice %arg5[%add3A_42, %dma_wait3A] : memref<96x128xi32, #tpu.memory_space<hbm>> -> memref<1x128xi32, #tpu.memory_space<hbm>>
          %dma_wait3A_50 = arith.constant 0 : i32
          %dma_wait3A_51 = tpu.memref_slice %arg5[%add3A_42, %dma_wait3A_50] : memref<96x128xi32, #tpu.memory_space<hbm>> -> memref<1x128xi32, #tpu.memory_space<hbm>>
          tpu.wait_dma2 semaphore(%run_scoped3A_45 : memref<!tpu.dma_semaphore, #tpu.memory_space<semaphore_mem>>) src(%dma_wait3A_51 : memref<1x128xi32, #tpu.memory_space<hbm>>) dst(%arg10 : memref<1x128xi32, #tpu.memory_space<vmem>>)
          tpu.yield
        }) : () -> ()
        %run_scoped3A = arith.constant 0 : i32
        "tpu.region"() ({
          %run_scoped3A_45 = tpu.sem_alloc : memref<!tpu.dma_semaphore, #tpu.memory_space<semaphore_mem>>
          %dma_start3A = arith.constant 0 : i32
          %dma_start3A_46 = tpu.memref_slice %arg10[%run_scoped3A, %dma_start3A] : memref<1x128xi32, #tpu.memory_space<vmem>> -> memref<1x128xi32, #tpu.memory_space<vmem>>
          %dma_start3A_47 = tpu.memref_squeeze %dma_start3A_46 : memref<1x128xi32, #tpu.memory_space<vmem>> -> memref<128xi32, #tpu.memory_space<vmem>>
          %dma_start3A_48 = arith.constant 0 : i32
          %dma_start3A_49 = arith.constant 0 : i32
          %dma_start3A_50 = tpu.memref_slice %arg6[%dma_start3A_48, %dma_start3A_49] : memref<10000x128xf32, #tpu.memory_space<hbm>> -> memref<10000x128xf32, #tpu.memory_space<hbm>>
          tpu.enqueue_indirect_dma source(%dma_start3A_50 : memref<10000x128xf32, #tpu.memory_space<hbm>>) target(%arg14 : memref<128x128xf32, #tpu.memory_space<vmem>>) offsets(%dma_start3A_47 : memref<128xi32, #tpu.memory_space<vmem>>) semaphore(%run_scoped3A_45 : memref<!tpu.dma_semaphore, #tpu.memory_space<semaphore_mem>>)
          %dma_wait3A = arith.constant 0 : i32
          %dma_wait3A_51 = tpu.memref_slice %arg10[%run_scoped3A, %dma_wait3A] : memref<1x128xi32, #tpu.memory_space<vmem>> -> memref<1x128xi32, #tpu.memory_space<vmem>>
          %dma_wait3A_52 = tpu.memref_squeeze %dma_wait3A_51 : memref<1x128xi32, #tpu.memory_space<vmem>> -> memref<128xi32, #tpu.memory_space<vmem>>
          %dma_wait3A_53 = arith.constant 0 : i32
          %dma_wait3A_54 = arith.constant 0 : i32
          %dma_wait3A_55 = tpu.memref_slice %arg6[%dma_wait3A_53, %dma_wait3A_54] : memref<10000x128xf32, #tpu.memory_space<hbm>> -> memref<10000x128xf32, #tpu.memory_space<hbm>>
          tpu.wait_indirect_dma semaphore(%run_scoped3A_45 : memref<!tpu.dma_semaphore, #tpu.memory_space<semaphore_mem>>) src(%dma_wait3A_55 : memref<10000x128xf32, #tpu.memory_space<hbm>>) dst(%arg14 : memref<128x128xf32, #tpu.memory_space<vmem>>)
          tpu.yield
        }) : () -> ()
        %mul3A_43 = arith.constant 128 : i32
        %mul3A_44 = arith.muli %add3A_42, %mul3A_43 : i32
        "tpu.region"() ({
          %run_scoped3A_45 = tpu.sem_alloc : memref<!tpu.dma_semaphore, #tpu.memory_space<semaphore_mem>>
          %dma_start3A = arith.constant 0 : i32
          %dma_start3A_46 = tpu.memref_slice %arg9[%mul3A_44, %dma_start3A] : memref<12288x128xf32, #tpu.memory_space<hbm>> -> memref<128x128xf32, #tpu.memory_space<hbm>>
          %dma_start3A_47 = arith.constant 0 : i32
          %dma_start3A_48 = tpu.memref_slice %arg9[%mul3A_44, %dma_start3A_47] : memref<12288x128xf32, #tpu.memory_space<hbm>> -> memref<128x128xf32, #tpu.memory_space<hbm>>
          tpu.enqueue_dma source(%arg14 : memref<128x128xf32, #tpu.memory_space<vmem>>) target(%dma_start3A_48 : memref<128x128xf32, #tpu.memory_space<hbm>>) target_semaphore(%run_scoped3A_45 : memref<!tpu.dma_semaphore, #tpu.memory_space<semaphore_mem>>)
          %dma_wait3A = arith.constant 0 : i32
          %dma_wait3A_49 = tpu.memref_slice %arg9[%mul3A_44, %dma_wait3A] : memref<12288x128xf32, #tpu.memory_space<hbm>> -> memref<128x128xf32, #tpu.memory_space<hbm>>
          %dma_wait3A_50 = arith.constant 0 : i32
          %dma_wait3A_51 = tpu.memref_slice %arg9[%mul3A_44, %dma_wait3A_50] : memref<12288x128xf32, #tpu.memory_space<hbm>> -> memref<128x128xf32, #tpu.memory_space<hbm>>
          tpu.wait_dma2 semaphore(%run_scoped3A_45 : memref<!tpu.dma_semaphore, #tpu.memory_space<semaphore_mem>>) src(%arg14 : memref<128x128xf32, #tpu.memory_space<vmem>>) dst(%dma_wait3A_51 : memref<128x128xf32, #tpu.memory_space<hbm>>)
          tpu.yield
        }) : () -> ()
      }
      %scan3A_34 = arith.constant 3 : i32
    } else {
    }
    %barrier3A_29 = arith.constant 0 : index
    tpu.barrier barrier_id(%barrier3A_29)
    "tpu.region"() ({
      %run_scoped3A = tpu.sem_alloc : memref<!tpu.dma_semaphore, #tpu.memory_space<semaphore_mem>>
      %dma_start3A = arith.constant 0 : i32
      %dma_start3A_30 = tpu.memref_slice %arg8[%arg0, %mul3A_2, %dma_start3A] : memref<2x10112x128xf32, #tpu.memory_space<hbm>> -> memref<1x632x128xf32, #tpu.memory_space<hbm>>
      %dma_start3A_31 = tpu.memref_squeeze %dma_start3A_30 : memref<1x632x128xf32, #tpu.memory_space<hbm>> -> memref<632x128xf32, #tpu.memory_space<hbm>>
      %dma_start3A_32 = arith.constant 0 : i32
      %dma_start3A_33 = tpu.memref_slice %arg17[%mul3A_2, %dma_start3A_32] : memref<10112x128xf32, #tpu.memory_space<vmem_shared>> -> memref<632x128xf32, #tpu.memory_space<vmem_shared>>
      tpu.enqueue_dma source(%dma_start3A_33 : memref<632x128xf32, #tpu.memory_space<vmem_shared>>) target(%dma_start3A_31 : memref<632x128xf32, #tpu.memory_space<hbm>>) target_semaphore(%run_scoped3A : memref<!tpu.dma_semaphore, #tpu.memory_space<semaphore_mem>>)
      %dma_wait3A = arith.constant 0 : i32
      %dma_wait3A_34 = tpu.memref_slice %arg8[%arg0, %mul3A_2, %dma_wait3A] : memref<2x10112x128xf32, #tpu.memory_space<hbm>> -> memref<1x632x128xf32, #tpu.memory_space<hbm>>
      %dma_wait3A_35 = tpu.memref_squeeze %dma_wait3A_34 : memref<1x632x128xf32, #tpu.memory_space<hbm>> -> memref<632x128xf32, #tpu.memory_space<hbm>>
      %dma_wait3A_36 = arith.constant 0 : i32
      %dma_wait3A_37 = tpu.memref_slice %arg17[%mul3A_2, %dma_wait3A_36] : memref<10112x128xf32, #tpu.memory_space<vmem_shared>> -> memref<632x128xf32, #tpu.memory_space<vmem_shared>>
      tpu.wait_dma2 semaphore(%run_scoped3A : memref<!tpu.dma_semaphore, #tpu.memory_space<semaphore_mem>>) src(%dma_wait3A_37 : memref<632x128xf32, #tpu.memory_space<vmem_shared>>) dst(%dma_wait3A_35 : memref<632x128xf32, #tpu.memory_space<hbm>>)
      tpu.yield
    }) : () -> ()
    return
  }
}

module attributes {stable_mosaic.version = 14 : i64} {
  func.func @_tc_scale0_body(%arg0: memref<12288x128xf32, #tpu.memory_space<vmem>>, %arg1: memref<2x10112x128xf32, #tpu.memory_space<vmem>>, %arg2: memref<10112x128xf32, #tpu.memory_space<vmem>>) attributes {dimension_semantics = [], scalar_prefetch = 0 : i64, scratch_operands = 0 : i64, tpu.core_type = #tpu.core_type<tc>} {
    %get3A = arith.constant 0 : index
    %get3A_0 = arith.constant 0 : index
    %get3A_1 = vector.load %arg0[%get3A, %get3A_0] : memref<12288x128xf32, #tpu.memory_space<vmem>>, vector<10112x128xf32>
    %get3A_2 = arith.constant 0 : index
    %get3A_3 = arith.constant 0 : index
    %get3A_4 = arith.constant 0 : index
    %get3A_5 = vector.load %arg1[%get3A_2, %get3A_3, %get3A_4] : memref<2x10112x128xf32, #tpu.memory_space<vmem>>, vector<1x10112x1xf32>
    %get3A_6 = vector.shape_cast %get3A_5 : vector<1x10112x1xf32> to vector<10112x1xf32>
    %get3A_7 = arith.constant 1 : index
    %get3A_8 = arith.constant 0 : index
    %get3A_9 = arith.constant 0 : index
    %get3A_10 = vector.load %arg1[%get3A_7, %get3A_8, %get3A_9] : memref<2x10112x128xf32, #tpu.memory_space<vmem>>, vector<1x10112x1xf32>
    %get3A_11 = vector.shape_cast %get3A_10 : vector<1x10112x1xf32> to vector<10112x1xf32>
    %add3A = arith.addf %get3A_6, %get3A_11 : vector<10112x1xf32>
    %max3A = arith.constant 1.000000e+00 : f32
    %max3A_12 = vector.broadcast %max3A : f32 to vector<10112x1xf32>
    %max3A_13 = arith.maximumf %add3A, %max3A_12 : vector<10112x1xf32>
    %rsqrt3A = math.rsqrt %max3A_13 : vector<10112x1xf32>
    %mul3A = vector.broadcast %rsqrt3A : vector<10112x1xf32> to vector<10112x128xf32>
    %mul3A_14 = arith.mulf %get3A_1, %mul3A : vector<10112x128xf32>
    %swap3A = arith.constant 0 : index
    %swap3A_15 = arith.constant 0 : index
    %swap3A_16 = vector.load %arg2[%swap3A, %swap3A_15] : memref<10112x128xf32, #tpu.memory_space<vmem>>, vector<10112x128xf32>
    tpu.vector_store %arg2[%swap3A, %swap3A_15], %mul3A_14 {strides = array<i32>} : memref<10112x128xf32, #tpu.memory_space<vmem>>, vector<10112x128xf32>,
    return
  }
}

module attributes {stable_mosaic.version = 14 : i64} {
  func.func @_tc_layer1_body(%arg0: memref<2x10112x128xf32, #tpu.memory_space<vmem>>, %arg1: memref<2x10112x128xf32, #tpu.memory_space<vmem>>, %arg2: memref<2x10112x128xf32, #tpu.memory_space<vmem>>, %arg3: memref<128x128xf32, #tpu.memory_space<vmem>>, %arg4: memref<128xf32, #tpu.memory_space<vmem>>, %arg5: memref<10112x128xf32, #tpu.memory_space<vmem>>) attributes {dimension_semantics = [], scalar_prefetch = 0 : i64, scratch_operands = 0 : i64, tpu.core_type = #tpu.core_type<tc>} {
    %get3A = arith.constant 0 : index
    %get3A_0 = arith.constant 0 : index
    %get3A_1 = arith.constant 0 : index
    %get3A_2 = vector.load %arg0[%get3A, %get3A_0, %get3A_1] : memref<2x10112x128xf32, #tpu.memory_space<vmem>>, vector<1x10112x128xf32>
    %get3A_3 = vector.shape_cast %get3A_2 : vector<1x10112x128xf32> to vector<10112x128xf32>
    %get3A_4 = arith.constant 1 : index
    %get3A_5 = arith.constant 0 : index
    %get3A_6 = arith.constant 0 : index
    %get3A_7 = vector.load %arg0[%get3A_4, %get3A_5, %get3A_6] : memref<2x10112x128xf32, #tpu.memory_space<vmem>>, vector<1x10112x128xf32>
    %get3A_8 = vector.shape_cast %get3A_7 : vector<1x10112x128xf32> to vector<10112x128xf32>
    %add3A = arith.addf %get3A_3, %get3A_8 : vector<10112x128xf32>
    %get3A_9 = arith.constant 0 : index
    %get3A_10 = arith.constant 0 : index
    %get3A_11 = arith.constant 0 : index
    %get3A_12 = vector.load %arg1[%get3A_9, %get3A_10, %get3A_11] : memref<2x10112x128xf32, #tpu.memory_space<vmem>>, vector<1x10112x1xf32>
    %get3A_13 = vector.shape_cast %get3A_12 : vector<1x10112x1xf32> to vector<10112x1xf32>
    %get3A_14 = arith.constant 1 : index
    %get3A_15 = arith.constant 0 : index
    %get3A_16 = arith.constant 0 : index
    %get3A_17 = vector.load %arg1[%get3A_14, %get3A_15, %get3A_16] : memref<2x10112x128xf32, #tpu.memory_space<vmem>>, vector<1x10112x1xf32>
    %get3A_18 = vector.shape_cast %get3A_17 : vector<1x10112x1xf32> to vector<10112x1xf32>
    %add3A_19 = arith.addf %get3A_13, %get3A_18 : vector<10112x1xf32>
    %max3A = arith.constant 1.000000e+00 : f32
    %max3A_20 = vector.broadcast %max3A : f32 to vector<10112x1xf32>
    %max3A_21 = arith.maximumf %add3A_19, %max3A_20 : vector<10112x1xf32>
    %rsqrt3A = math.rsqrt %max3A_21 : vector<10112x1xf32>
    %mul3A = vector.broadcast %rsqrt3A : vector<10112x1xf32> to vector<10112x128xf32>
    %mul3A_22 = arith.mulf %add3A, %mul3A : vector<10112x128xf32>
    %get3A_23 = arith.constant 0 : index
    %get3A_24 = arith.constant 0 : index
    %get3A_25 = vector.load %arg3[%get3A_23, %get3A_24] : memref<128x128xf32, #tpu.memory_space<vmem>>, vector<128x128xf32>
    %dot_general3A = arith.constant dense<0.000000e+00> : vector<10112x128xf32>
    %dot_general3A_26 = tpu.matmul %mul3A_22, %get3A_25, %dot_general3A {dimension_numbers = #tpu.dot_dimension_numbers<[1], [0], [0], [1], [0, 0, 1, 1], [], []>, transpose_lhs_hint = false} : vector<10112x128xf32>, vector<128x128xf32>, vector<10112x128xf32> -> vector<10112x128xf32>
    %get3A_27 = arith.constant 0 : index
    %get3A_28 = vector.load %arg4[%get3A_27] : memref<128xf32, #tpu.memory_space<vmem>>, vector<128xf32>
    %broadcast_in_dim3A = vector.shape_cast %get3A_28 : vector<128xf32> to vector<1x128xf32>
    %add3A_29 = vector.broadcast %broadcast_in_dim3A : vector<1x128xf32> to vector<10112x128xf32>
    %add3A_30 = arith.addf %dot_general3A_26, %add3A_29 : vector<10112x128xf32>
    %max3A_31 = arith.constant 0.000000e+00 : f32
    %max3A_32 = vector.broadcast %max3A_31 : f32 to vector<10112x128xf32>
    %max3A_33 = arith.maximumf %add3A_30, %max3A_32 : vector<10112x128xf32>
    %get3A_34 = arith.constant 0 : index
    %get3A_35 = arith.constant 0 : index
    %get3A_36 = arith.constant 0 : index
    %get3A_37 = vector.load %arg2[%get3A_34, %get3A_35, %get3A_36] : memref<2x10112x128xf32, #tpu.memory_space<vmem>>, vector<1x10112x1xf32>
    %get3A_38 = vector.shape_cast %get3A_37 : vector<1x10112x1xf32> to vector<10112x1xf32>
    %get3A_39 = arith.constant 1 : index
    %get3A_40 = arith.constant 0 : index
    %get3A_41 = arith.constant 0 : index
    %get3A_42 = vector.load %arg2[%get3A_39, %get3A_40, %get3A_41] : memref<2x10112x128xf32, #tpu.memory_space<vmem>>, vector<1x10112x1xf32>
    %get3A_43 = vector.shape_cast %get3A_42 : vector<1x10112x1xf32> to vector<10112x1xf32>
    %add3A_44 = arith.addf %get3A_38, %get3A_43 : vector<10112x1xf32>
    %max3A_45 = arith.constant 1.000000e+00 : f32
    %max3A_46 = vector.broadcast %max3A_45 : f32 to vector<10112x1xf32>
    %max3A_47 = arith.maximumf %add3A_44, %max3A_46 : vector<10112x1xf32>
    %rsqrt3A_48 = math.rsqrt %max3A_47 : vector<10112x1xf32>
    %mul3A_49 = vector.broadcast %rsqrt3A_48 : vector<10112x1xf32> to vector<10112x128xf32>
    %mul3A_50 = arith.mulf %max3A_33, %mul3A_49 : vector<10112x128xf32>
    %swap3A = arith.constant 0 : index
    %swap3A_51 = arith.constant 0 : index
    %swap3A_52 = vector.load %arg5[%swap3A, %swap3A_51] : memref<10112x128xf32, #tpu.memory_space<vmem>>, vector<10112x128xf32>
    tpu.vector_store %arg5[%swap3A, %swap3A_51], %mul3A_50 {strides = array<i32>} : memref<10112x128xf32, #tpu.memory_space<vmem>>, vector<10112x128xf32>,
    return
  }
}

module attributes {stable_mosaic.version = 14 : i64} {
  func.func @_tc_layer2_body(%arg0: memref<2x10112x128xf32, #tpu.memory_space<vmem>>, %arg1: memref<2x10112x128xf32, #tpu.memory_space<vmem>>, %arg2: memref<128x128xf32, #tpu.memory_space<vmem>>, %arg3: memref<128xf32, #tpu.memory_space<vmem>>, %arg4: memref<10112x128xf32, #tpu.memory_space<vmem>>) attributes {dimension_semantics = [], scalar_prefetch = 0 : i64, scratch_operands = 0 : i64, tpu.core_type = #tpu.core_type<tc>} {
    %get3A = arith.constant 0 : index
    %get3A_0 = arith.constant 0 : index
    %get3A_1 = arith.constant 0 : index
    %get3A_2 = vector.load %arg0[%get3A, %get3A_0, %get3A_1] : memref<2x10112x128xf32, #tpu.memory_space<vmem>>, vector<1x10112x128xf32>
    %get3A_3 = vector.shape_cast %get3A_2 : vector<1x10112x128xf32> to vector<10112x128xf32>
    %get3A_4 = arith.constant 1 : index
    %get3A_5 = arith.constant 0 : index
    %get3A_6 = arith.constant 0 : index
    %get3A_7 = vector.load %arg0[%get3A_4, %get3A_5, %get3A_6] : memref<2x10112x128xf32, #tpu.memory_space<vmem>>, vector<1x10112x128xf32>
    %get3A_8 = vector.shape_cast %get3A_7 : vector<1x10112x128xf32> to vector<10112x128xf32>
    %add3A = arith.addf %get3A_3, %get3A_8 : vector<10112x128xf32>
    %get3A_9 = arith.constant 0 : index
    %get3A_10 = arith.constant 0 : index
    %get3A_11 = arith.constant 0 : index
    %get3A_12 = vector.load %arg1[%get3A_9, %get3A_10, %get3A_11] : memref<2x10112x128xf32, #tpu.memory_space<vmem>>, vector<1x10112x1xf32>
    %get3A_13 = vector.shape_cast %get3A_12 : vector<1x10112x1xf32> to vector<10112x1xf32>
    %get3A_14 = arith.constant 1 : index
    %get3A_15 = arith.constant 0 : index
    %get3A_16 = arith.constant 0 : index
    %get3A_17 = vector.load %arg1[%get3A_14, %get3A_15, %get3A_16] : memref<2x10112x128xf32, #tpu.memory_space<vmem>>, vector<1x10112x1xf32>
    %get3A_18 = vector.shape_cast %get3A_17 : vector<1x10112x1xf32> to vector<10112x1xf32>
    %add3A_19 = arith.addf %get3A_13, %get3A_18 : vector<10112x1xf32>
    %max3A = arith.constant 1.000000e+00 : f32
    %max3A_20 = vector.broadcast %max3A : f32 to vector<10112x1xf32>
    %max3A_21 = arith.maximumf %add3A_19, %max3A_20 : vector<10112x1xf32>
    %rsqrt3A = math.rsqrt %max3A_21 : vector<10112x1xf32>
    %mul3A = vector.broadcast %rsqrt3A : vector<10112x1xf32> to vector<10112x128xf32>
    %mul3A_22 = arith.mulf %add3A, %mul3A : vector<10112x128xf32>
    %get3A_23 = arith.constant 0 : index
    %get3A_24 = arith.constant 0 : index
    %get3A_25 = vector.load %arg2[%get3A_23, %get3A_24] : memref<128x128xf32, #tpu.memory_space<vmem>>, vector<128x128xf32>
    %dot_general3A = arith.constant dense<0.000000e+00> : vector<10112x128xf32>
    %dot_general3A_26 = tpu.matmul %mul3A_22, %get3A_25, %dot_general3A {dimension_numbers = #tpu.dot_dimension_numbers<[1], [0], [0], [1], [0, 0, 1, 1], [], []>, transpose_lhs_hint = false} : vector<10112x128xf32>, vector<128x128xf32>, vector<10112x128xf32> -> vector<10112x128xf32>
    %get3A_27 = arith.constant 0 : index
    %get3A_28 = vector.load %arg3[%get3A_27] : memref<128xf32, #tpu.memory_space<vmem>>, vector<128xf32>
    %broadcast_in_dim3A = vector.shape_cast %get3A_28 : vector<128xf32> to vector<1x128xf32>
    %add3A_29 = vector.broadcast %broadcast_in_dim3A : vector<1x128xf32> to vector<10112x128xf32>
    %add3A_30 = arith.addf %dot_general3A_26, %add3A_29 : vector<10112x128xf32>
    %swap3A = arith.constant 0 : index
    %swap3A_31 = arith.constant 0 : index
    %swap3A_32 = vector.load %arg4[%swap3A, %swap3A_31] : memref<10112x128xf32, #tpu.memory_space<vmem>>, vector<10112x128xf32>
    tpu.vector_store %arg4[%swap3A, %swap3A_31], %add3A_30 {strides = array<i32>} : memref<10112x128xf32, #tpu.memory_space<vmem>>, vector<10112x128xf32>,
    return
  }
}

</mosaic_0001>

<sc_bundles>
// kernel: kernel.12.cloned.1.call-start
scs
__scs_entry_jumppad:
0x0: {  	(pc) =	sbr.rel $0x88, $3  }
0x1: {  	(tag) =	ssettag $0x0;
	lr =	simm.s32 $0x1  }
0x2: {  	[smem:$0x3F9A] =	sst lr;
	_ =	strace $0xD0000000  }
0x3: {  	_ = 	snop  }
0x4: {  	_ = 	snop  }
0x5: {  	_ = 	snop  }
0x6: {  	_ = 	snop  }
0x7: {  	_ = 	snop  }
__scs_overlays_trampoline_lowered:
0x8: {  	[smem:$0x3FA9] =	sst s0  }
0x9: {  	[smem:$0x3FAA] =	sst s1  }
0xa: {  	[smem:$0x3FAB] =	sst s2  }
0xb: {  	[smem:$0x3FAC] =	sst s3  }
0xc: {  	[smem:$0x3FAD] =	sst s4  }
0xd: {  	[smem:$0x3FAE] =	sst s5  }
0xe: {  	[smem:$0x3FAF] =	sst s6  }
0xf: {  	[smem:$0x3FB0] =	sst s7  }
0x10: {  	[smem:$0x3FB1] =	sst s8  }
0x11: {  	[smem:$0x3FB2] =	sst s9;
	s0 =	simm.s32 @!p0 $0x0  }
0x12: {  	s1 =	sld [smem:$0x3F98];
	s0 =	simm.s32 @p0 $0x1  }
0x13: {  	[smem:$0x3FB3] =	sst s0;
	s0 =	simm.s32 @!p1 $0x0  }
0x14: {  	s2 =	sld [smem:$0x3F97];
	s0 =	simm.s32 @p1 $0x1  }
0x15: {  	[smem:$0x3FB4] =	sst s0;
	s0 =	simm.s32 @!p2 $0x0  }
0x16: {  	s3 =	sld [smem:$0x3FDB];
	s0 =	simm.s32 @p2 $0x1  }
0x17: {  	s4 =	simm.s32 $0x1BF5;
	[smem:$0x3FB6] =	sst s0  }
0x18: {  	s0 =	sld [smem:$0x3F99];
	_ =	swait.ge [sflag:s4], $0x0  }
0x19: {  	s7 =	sld [smem:$0x3F9A]  }
0x1a: {  	s8 =	sadd.s32 $0xFFFFE003, lr  }
0x1b: {  	s9 =	sadd.s32 $0xFFFFFEF7, lr;
	s5 =	simm.s32 $0xFFFFFFFF;
	p2 =	slt.u32 s8, $0xFFFFF086  }
0x1c: {  	p1 =	slt.u32 s9, $0xF7A;
	s5 =	simm.s32 @!p2 $0x0  }
0x1d: {  	s5 =	simm.s32 @p1 $0x1;
	p0 =	seq.s32 s7, s2  }
0x1e: {  	s7 =	smul.u32 @!p0 $0xF7A, s2;
	p2 =	seq.s32 @!p0 s5, $0x0  }
0x1f: {  	s9 =	smul.u32 $0xF7A, s1;
	s8 =	simm.s32 @!p0 $0x1BF5;
	p2 =	por !p2, p0  }
0x20: {  	[sflag:s8] =	ssyncset.s32 @!p0 $0xFFFFF086;
	s6 =	sadd.s32 @!p0 s3, s7;
	s7 =	simm.s32 @!p0 $0x108  }
0x21: {  	s3 =	sadd.s32 s3, s9;
	s6 =	sadd.s32 @!p0 $0x88, s6;
	s7 =	simm.s32 @p2 $0x1082  }
0x22: {  	[simem:s7], [sflag:s8] =	dma.local @!p0 [hbm:s6], $0xF7A  }
0x23: {  	s9 =	sor.u32 $0xD0000000, s2;
	s6 =	simm.s32 $0x108;
	_ =	swait.ge @!p0 [sflag:s8], $0x0  }
0x24: {  	s3 =	sadd.s32 $0x88, s3;
	s6 =	simm.s32 @!p1 $0x1082;
	[sflag:s4] =	ssyncset.s32 $0xFFFFF086  }
0x25: {  	[simem:s6], [sflag:s4] =	dma.local [hbm:s3], $0xF7A  }
0x26: {  	[smem:$0x3F9A] =	sst s1;
	(tag) =	ssettag s2;
	_ =	strace s9  }
0x27: {  	s1 =	sld [smem:$0x3FAA]  }
0x28: {  	s2 =	sld [smem:$0x3FAB]  }
0x29: {  	s4 =	sld [smem:$0x3FAD]  }
0x2a: {  	p0 =	seq.s32 s5, $0x0;
	s5 =	sld [smem:$0x3FAE]  }
0x2b: {  	s6 =	sld [smem:$0x3FAF]  }
0x2c: {  	s7 =	sld [smem:$0x3FB0]  }
0x2d: {  	s3 =	simm.s32 $0x108;
	s8 =	sld [smem:$0x3FB1]  }
0x2e: {  	s3 =	simm.s32 @!p0 $0x1082;
	s9 =	sld [smem:$0x3FB2]  }
0x2f: {  	lr =	sadd.s32 s0, s3;
	s0 =	sld [smem:$0x3FA9]  }
0x30: {  	s3 =	sld [smem:$0x3FAC]  }
0x31: {  	[smem:$0x3FB5] =	sst s10  }
0x32: {  	s10 =	sld [smem:$0x3FB3];
	_ =	sdelay $0x3  }
0x33: {  	p0 =	seq.s32 s10, $0x1;
	s10 =	sld [smem:$0x3FB5];
	_ =	sdelay $0x3  }
0x34: {  	[smem:$0x3FB5] =	sst s10  }
0x35: {  	s10 =	sld [smem:$0x3FB4];
	_ =	sdelay $0x3  }
0x36: {  	p1 =	seq.s32 s10, $0x1;
	s10 =	sld [smem:$0x3FB5];
	_ =	sdelay $0x3  }
0x37: {  	[smem:$0x3FB5] =	sst s10  }
0x38: {  	s10 =	sld [smem:$0x3FB6]  }
0x39: {  	_ = 	snop;
	(pc) =	sbr.ind lr, $3  }
0x3a: {  	_ = 	snop  }
0x3b: {  	_ = 	snop  }
0x3c: {  	p2 =	seq.s32 s10, $0x1;
	s10 =	sld [smem:$0x3FB5]  }
0x3d: {  	_ =	shalt  }
0x3e: {  	_ =	shalt  }
0x3f: {  	_ =	shalt  }
0x40: {  	_ =	shalt  }
0x41: {  	_ =	shalt  }
0x42: {  	_ =	shalt  }
0x43: {  	_ =	shalt  }
0x44: {  	_ =	shalt  }
0x45: {  	_ =	shalt  }
0x46: {  	_ =	shalt  }
0x47: {  	_ =	shalt  }
0x48: {  	_ =	shalt  }
0x49: {  	_ =	shalt  }
0x4a: {  	_ =	shalt  }
0x4b: {  	_ =	shalt  }
0x4c: {  	_ =	shalt  }
0x4d: {  	_ =	shalt  }
0x4e: {  	_ =	shalt  }
0x4f: {  	_ =	shalt  }
0x50: {  	_ =	shalt  }
0x51: {  	_ =	shalt  }
0x52: {  	_ =	shalt  }
0x53: {  	_ =	shalt  }
0x54: {  	_ =	shalt  }
0x55: {  	_ =	shalt  }
0x56: {  	_ =	shalt  }
0x57: {  	_ =	shalt  }
0x58: {  	_ =	shalt  }
0x59: {  	_ =	shalt  }
0x5a: {  	_ =	shalt  }
0x5b: {  	_ =	shalt  }
0x5c: {  	_ =	shalt  }
0x5d: {  	_ =	shalt  }
0x5e: {  	_ =	shalt  }
0x5f: {  	_ =	shalt  }
0x60: {  	_ =	shalt  }
0x61: {  	_ =	shalt  }
0x62: {  	_ =	shalt  }
0x63: {  	_ =	shalt  }
0x64: {  	_ =	shalt  }
0x65: {  	_ =	shalt  }
0x66: {  	_ =	shalt  }
0x67: {  	_ =	shalt  }
0x68: {  	_ =	shalt  }
0x69: {  	_ =	shalt  }
0x6a: {  	_ =	shalt  }
0x6b: {  	_ =	shalt  }
0x6c: {  	_ =	shalt  }
0x6d: {  	_ =	shalt  }
0x6e: {  	_ =	shalt  }
0x6f: {  	_ =	shalt  }
0x70: {  	_ =	shalt  }
0x71: {  	_ =	shalt  }
0x72: {  	_ =	shalt  }
0x73: {  	_ =	shalt  }
0x74: {  	_ =	shalt  }
0x75: {  	_ =	shalt  }
0x76: {  	_ =	shalt  }
0x77: {  	_ =	shalt  }
0x78: {  	_ =	shalt  }
0x79: {  	_ =	shalt  }
0x7a: {  	_ =	shalt  }
0x7b: {  	_ =	shalt  }
0x7c: {  	_ =	shalt  }
0x7d: {  	_ =	shalt  }
0x7e: {  	_ =	shalt  }
0x7f: {  	_ =	shalt  }
0x80: {  	_ =	shalt  }
0x81: {  	_ =	shalt  }
0x82: {  	_ =	shalt  }
0x83: {  	_ =	shalt  }
0x84: {  	_ =	shalt  }
0x85: {  	_ =	shalt  }
0x86: {  	_ =	shalt  }
0x87: {  	_ =	shalt  }
.Lfunc_end0:
.L_simem_size_0:
called_computation.1_lowered:
.L_overlay_start_0:
0x88: {  	s2 =	sld [smem:$0x3FD9]  }
0x89: {  	s3 =	sld [smem:$0x3FFE];
	_ =	sdelay $0x1  }
0x8a: {  	s1 =	srdreg.scid  }
0x8b: {  	s0 =	sand.u32 $0x1, s1  }
0x8c: {  	s17 =	sshll.u32 s0, $0xA;
	s2 =	sadd.s32 s3, s2  }
0x8d: {  	s2 =	sadd.s32 s2, s17  }
0x8e: {  	[smem:$0x3FC1] =	sst s2  }
0x8f: {  	_ = 	snop  }
0x90: {  	s18 =	sld [smem:$0x3FC7]  }
0x91: {  	s4 =	sld [smem:$0x3FD0];
	(tm) =	ssettm $0x1  }
0x92: {  	s19 =	sld [smem:$0x3FFB];
	_ =	sdelay $0x3  }
0x93: {  	_ =	strace s19  }
0x94: {  	s2 =	sld [smem:$0x3FFC];
	_ =	sdelay $0x3  }
0x95: {  	_ =	strace s2  }
0x96: {  	s2 =	sld [smem:$0x3FFD];
	_ =	sdelay $0x3  }
0x97: {  	_ =	strace s2  }
0x98: {  	_ =	strace $0x8FFFFFFF  }
0x99: {  	s20 =	sld [smem:$0x3FDB];
	_ =	sdelay $0x1  }
0x9a: {  	s5 =	simm.s32 $_scs_section_size  }
0x9b: {  	s6 =	simm.s32 $_size__tile_overlayer_lowered;
	s7 =	simm.s32 $_tile_overlayer_lowered  }
0x9c: {  	s8 =	simm.s32 $0x1BFF;
	s21 =	sshll.u32 s7, $0x1;
	s5 =	sadd.s32 s5, s20  }
0x9d: {  	s22 =	simm.s32 $0x0;
	s6 =	sshll.u32 s6, $0x1;
	s7 =	sadd.s32 s21, s5  }
0x9e: {  	[timem:s22], [sflag:s8] =	dma.local [hbm:s7], s6  }
0x9f: {  	_ =	swait.ge [sflag:s8], s6  }
0xa0: {  	s6 =	ssub.s32 $0x0, s6;
	[sflag:s8] =	ssyncset.done $0x0  }
0xa1: {  	[sflag:s8] =	ssyncadd.s32 s6;
	_ =	sdelay $0x1  }
0xa2: {  	s23 =	simm.s32 $0x1B8B  }
0xa3: {  	_ =	swait.ge [sflag:s23], $0x1  }
0xa4: {  	[sflag:s23] =	ssyncset.done $0x0  }
0xa5: {  	[sflag:s23] =	ssyncadd.s32 $0xFFFFFFFF  }
0xa6: {  	s6 =	sld [smem:$0x0]  }
0xa7: {  	s7 =	sand.u32 $0xFFFFFFFE, s1  }
0xa8: {  	p0 =	sne.s32 s1, s7  }
0xa9: {  	s7 =	sshll.u32 @p0 s7, $0xE  }
0xaa: {  	s7 =	sadd.s32 @p0 $0x11B8D, s7;
	s8 =	sshll.u32 @p0 s6, $0x11  }
0xab: {  	s7 =	sor.u32 @p0 s8, s7  }
0xac: {  	[sflag:s7] =	ssyncadd.remote.s32 @p0 $0x1;
	_ =	sdelay $0x1  }
0xad: {  	s7 =	simm.s32 @p0 $0x1B8D  }
0xae: {  	_ =	swait.eq @p0 [sflag:s7], $0x1  }
0xaf: {  	[sflag:s7] =	ssyncadd.s32 @p0 $0xFFFFFFFF  }
0xb0: {  	s8 =	sshll.u32 @!p0 s1, $0xE  }
0xb1: {  	s8 =	sor.u32 @!p0 $0x4000, s8;
	s7 =	simm.s32 @!p0 $0x1B8D  }
0xb2: {  	s6 =	sshll.u32 @!p0 s6, $0x11;
	s8 =	sadd.s32 @!p0 $0x11B8D, s8;
	_ =	swait.eq @!p0 [sflag:s7], $0x1  }
0xb3: {  	s6 =	sor.u32 @!p0 s6, s8;
	[sflag:s7] =	ssyncadd.s32 @!p0 $0xFFFFFFFF  }
0xb4: {  	s25 =	simm.s32 $0x1B8E;
	s24 =	sld [smem:$0x3FFE];
	[sflag:s6] =	ssyncadd.remote.s32 @!p0 $0x1  }
0xb5: {  	s26 =	simm.s32 $execute0_lowered;
	[smem:$0x3FD2] =	sst s25  }
0xb6: {  	s7 =	sshll.u32 s26, $0x1;
	_ =	strace $0x80000049;
	[dreg:$0x1] =	wrdreg $0xFFFFFFFF  }
0xb7: {  	s28 =	simm.s32 $_size_execute0_lowered;
	s5 =	sadd.s32 s5, s7;
	[dreg:$0x0] =	wrdreg $0x0  }
0xb8: {  	s7 =	sshll.u32 s28, $0x1;
	[dreg:$0x2] =	wrdreg s5  }
0xb9: {  	[dreg:$0x3] =	wrdreg s7  }
0xba: {  	[dreg:$0x4] =	wrdreg $0xC0  }
0xbb: {  	_ =	task [dreg:s22], $0x5FFFF  }
0xbc: {  	[dreg:$0x1] =	wrdreg $0xFFFFFFFF  }
0xbd: {  	[dreg:$0x0] =	wrdreg $0x60  }
0xbe: {  	[dreg:$0x2] =	wrdreg s24  }
0xbf: {  	[dreg:$0x3] =	wrdreg s4  }
0xc0: {  	[dreg:$0x4] =	wrdreg s18  }
0xc1: {  	[dreg:$0x5] =	wrdreg $0xC2000  }
0xc2: {  	[dreg:$0x6] =	wrdreg $0x9  }
0xc3: {  	_ =	task.clear_ibuf [dreg:s22], $0x7FFFF;
	_ =	strace $0x90000049  }
0xc4: {  	s29 =	simm.s32 $0x9;
	_ =	strace $0x8000004B  }
0xc5: {  	_ =	swait.ge [sflag:s29], $0x1  }
0xc6: {  	[sflag:s29] =	ssyncadd.s32 $0xFFFFFFFF  }
0xc7: {  	_ =	strace $0x9000004B  }
0xc8: {  	_ =	sfence  }
0xc9: {  	s30 =	sld [smem:$0x0];
	_ =	sdelay $0x2  }
0xca: {  	s31 =	sshll.u32 s1, $0xD;
	s1 =	sshrl.u32 s1, $0x2  }
0xcb: {  	s4 =	sand.u32 $0x4000, s31;
	s1 =	sadd.s32 s1, s30  }
0xcc: {  	s0 =	sor.u32 s4, s0;
	s1 =	sshll.u32 s1, $0x11  }
0xcd: {  	s0 =	sor.u32 s1, s0  }
0xce: {  	s0 =	sadd.s32 $0x8F2B, s0  }
0xcf: {  	[sflag:s0] =	ssyncadd.remote.s32 $0x1  }
0xd0: {  	_ =	sfence.sel $0xFFFF  }
0xd1: {  	[dreg:$0x0] =	wrdreg $0xFFFFFFFF;
	(pc) =	sbr.abs _section_cstart, $3  }
0xd2: {  	[dreg:$0x1] =	wrdreg $0xFFFFFFFF  }
0xd3: {  	_ =	task.clear_ibuf [dreg:s22], $0x2FFFF;
	_ =	strace $0x9FFFFFFF  }
0xd4: {  	(tm) =	ssettm $0x7FFFFFFF  }
0xd5: {  	_ =	shalt  }
tec
execute0_lowered:
.L_overlay_start_1:
0x0: {  	(tag) =	ssettag $0x1  }
0x1: {  	s4 =	rddreg [dreg:$0x0]  }
0x2: {  	s0 =	rddreg [dreg:$0x1]  }
0x3: {  	s1 =	rddreg [dreg:$0x2]  }
0x4: {  	s2 =	rddreg [dreg:$0x3]  }
0x5: {  	s3 =	simm.s32 $0x0;
	s5 =	srdreg.scid;
	s18 =	stileid.u32  }
0x6: {  	s29 =	simm.s32 $0x8200;
	s30 =	simm.s32 $0x1;
	s9 =	smul.u32 $0x13C00, s18  }
0x7: {  	s6 =	sand.u32 $0x1, s5;
	s10 =	sshll.u32 s18, $0x1;
	s25 =	smul.u32 $0x4F000, s18  }
0x8: {  	s31 =	simm.s32 $0x5;
	s7 =	smul.u32 $0x13C000, s6;
	s10 =	sor.u32 s6, s10  }
0x9: {  	[smem:$0x7FF] =	sst s3;
	s5 =	sadd.s32 $0xD400, s4;
	s12 =	smul.u32 $0x2780, s10  }
0xa: {  	s8 =	sadd.s32 $0x2E00, s4;
	s11 =	sadd.s32 $0xB3C00, s4;
	s14 =	smul.u32 $0x380, s10  }
0xb: {  	_ =	strace $0x8000004A;
	s26 =	ssub.s32 $0x2, s6;
	s22 =	smul.u32 $0x30, s10  }
0xc: {  	[dreg:$0x5] =	wrdreg s11;
	s13 =	sshrl.u32 s26, $0x1;
	s23 =	smul.u32 $0x3, s10  }
0xd: {  	s7 =	sadd.s32 s9, s7;
	s13 =	ssub.s32 s26, s13;
	s26 =	smul.u32 $0x4F0, s10  }
0xe: {  	s16 =	sshrl.u32 s25, $0x2;
	s10 =	smul.u32 $0x1800, s10;
	s7 =	sshrl.u32 s7, $0x3  }
0xf: {  	s17 =	sand.u32 $0x7FC00, s12;
	s19 =	sand.u32 $0x380, s14;
	s20 =	sshrl.u32 s12, $0x3  }
0x10: {  	s13 =	smax.u32 s13, $0x1;
	s12 =	sadd.s32 $0x2, s23;
	s15 =	sadd.s32 s7, s4  }
0x11: {  	s4 =	sadd.s32 $0xB3E00, s4;
	s7 =	sadd.s32 s16, s2;
	s9 =	sor.u32 s19, s17  }
0x12: {  	s11 =	sadd.s32 s0, s20;
	[dreg:$0x9] =	wrdreg s13;
	s17 =	sadd.s32 $0x1, s23  }
0x13: {  	s20 =	sshll.u32 s12, $0x4;
	s16 =	smul.u32 $0x9E, s18;
	s13 =	sadd.s32 s0, s26  }
0x14: {  	s23 =	sshll.u32 s12, $0xB;
	s12 =	simm.s32 $0x2;
	s21 =	sadd.s32 $0x10000, s7  }
0x15: {  	s9 =	sshrl.u32 s9, $0x3;
	s11 =	sadd.s32 $0x10, s11;
	[dreg:$0x6] =	wrdreg s21  }
0x16: {  	s24 =	sadd.s32 $0xE3E00, s15;
	s25 =	sadd.s32 $0x4000, s7;
	[dreg:$0x7] =	wrdreg s11  }
0x17: {  	s19 =	sshll.u32 s17, $0x4;
	s10 =	sadd.s32 s4, s10;
	[dreg:$0x8] =	wrdreg s24  }
0x18: {  	s26 =	sadd.s32 $0x4E0, s13;
	s28 =	sadd.s32 $0xC000, s7;
	[dreg:$0xa] =	wrdreg s25  }
0x19: {  	s9 =	sadd.s32 s0, s9;
	s11 =	sadd.s32 s8, s22;
	[dreg:$0xe] =	wrdreg s10  }
0x1a: {  	s14 =	sadd.s32 s8, s19;
	s8 =	sadd.s32 s8, s20;
	[dreg:$0x11] =	wrdreg s26  }
0x1b: {  	s21 =	smul.u32 $0x4F, s6;
	s22 =	sshll.u32 s17, $0xB;
	[dreg:$0xb] =	wrdreg s11  }
0x1c: {  	s25 =	smul.u32 $0x9E0, s18;
	s20 =	sadd.s32 $0x10, s13;
	[dreg:$0xc] =	wrdreg s14  }
0x1d: {  	s6 =	smul.u32 $0x4F0, s6;
	s26 =	sadd.s32 $0x8000, s7;
	[dreg:$0xd] =	wrdreg s8  }
0x1e: {  	s10 =	sadd.s32 s4, s22;
	s4 =	sadd.s32 s4, s23;
	s22 =	simm.s32 $0x4  }
0x1f: {  	s11 =	simm.s32 $0x4200;
	[dreg:$0xf] =	wrdreg s10;
	s8 =	sadd.s32 s21, s16  }
.Ltmp0:
0x20: {  	[dreg:$0x10] =	wrdreg s4;
	s21 =	sadd.s32 $0x20, s13;
	(pc) =	sbr.rel .LBB2_1-.Ltmp0, $4  }
0x21: {  	s10 =	simm.s32 $0x3;
	s13 =	simm.s32 $0x0;
	s24 =	sshll.u32 s8, $0x4  }
0x22: {  	s8 =	simm.s32 $0x100;
	s4 =	sadd.s32 s0, s24;
	s0 =	sadd.s32 s25, s0  }
0x23: {  	s23 =	sadd.s32 s6, s0;
	s24 =	sadd.s32 $0x40, s4;
	s25 =	sadd.s32 $0x30, s4  }
0x24: {  	v0 =	vimm.f32 $0.0e+00;
	v1 =	vimm.f32 $1.000000000e+00;
	s0 =	simm.s32 $0x80;
	s4 =	simm.s32 $0x180;
	s6 =	simm.s32 $0x200  }
.LBB2_11:
0x25: {  	[spmem:s2] =	stream.indirect.scatter.add.f32 [tilespmem:s29], [sflag:$0x4], $0x80, s4, s0, $0xb8;
	[tilespmem:$0x1FE80] =	vst v63  }
0x26: {  	_ =	swait.ge [sflag:s10], $0x4000  }
0x27: {  	[sflag:s10] =	ssyncset.done $0x0  }
0x28: {  	s15 =	rddreg [dreg:$0x11];
	[sflag:s10] =	ssyncadd.s32 $0xFFFFC000  }
0x29: {  	[tilespmem:s0], [sflag:$0x5] =	stream.linear.gather [hbm4b:s15+s3], $0x80, $0x38;
	[tilespmem:$0x1FE80] =	vst v63  }
0x2a: {  	_ =	swait.ge [sflag:s31], $0x80  }
0x2b: {  	[sflag:s31] =	ssyncset.done $0x0  }
0x2c: {  	[sflag:s31] =	ssyncadd.s32 $0xFFFFFF80  }
0x2d: {  	[spmem:s2] =	stream.indirect.scatter.add.f32 [tilespmem:s29], [sflag:$0x3], $0x80, s0, s0, $0xb8;
	[tilespmem:$0x1FE80] =	vst v63  }
0x2e: {  	_ =	swait.ge [sflag:s22], $0x4000  }
0x2f: {  	[sflag:s22] =	ssyncset.done $0x0  }
0x30: {  	[sflag:s22] =	ssyncadd.s32 $0xFFFFC000  }
0x31: {  	_ =	swait.ge [sflag:s10], $0x4000  }
0x32: {  	[sflag:s10] =	ssyncset.done $0x0  }
0x33: {  	[sflag:s10] =	ssyncadd.s32 $0xFFFFC000  }
.LBB2_12:
0x34: {  	s14 =	sand.u32 $0x2, s14  }
0x35: {  	p0 =	seq.s32 s14, $0x0  }
0x36: {  	s15 =	rddreg [dreg:$0xb];
	s14 =	simm.s32 @!p0 $0x0  }
0x37: {  	[tilespmem:s14], [sflag:$0x1] =	stream.linear.gather @!p0 [hbm4b:s15+s14], $0x80, $0x38;
	[tilespmem:$0x1FE80] =	vst v63  }
0x38: {  	s15 =	simm.s32 @!p0 $0x1  }
0x39: {  	_ =	swait.ge @!p0 [sflag:s15], $0x80  }
0x3a: {  	[sflag:s15] =	ssyncset.done @!p0 $0x0  }
0x3b: {  	s16 =	simm.s32 @!p0 $0x80;
	s17 =	simm.s32 @!p0 $0x200;
	[sflag:s15] =	ssyncadd.s32 @!p0 $0xFFFFFF80  }
0x3c: {  	[tilespmem:s17], [sflag:$0x1] =	stream.indirect.gather @!p0 [hbm4b:s1+s16], $0x80, s14, s16, $0xb8;
	[tilespmem:$0x1FE80] =	vst v63  }
0x3d: {  	_ =	swait.ge @!p0 [sflag:s15], $0x4000  }
0x3e: {  	[sflag:s15] =	ssyncset.done @!p0 $0x0  }
0x3f: {  	s19 =	rddreg [dreg:$0xe];
	[sflag:s15] =	ssyncadd.s32 @!p0 $0xFFFFC000  }
0x40: {  	[hbm4b:s19+s14] =	stream.linear.scatter @!p0 [tilespmem:s17], [sflag:$0x1], $0x4000, $0x38;
	[tilespmem:$0x1FE80] =	vst v63  }
0x41: {  	_ =	swait.ge @!p0 [sflag:s15], $0x4000  }
0x42: {  	[sflag:s15] =	ssyncset.done @!p0 $0x0  }
0x43: {  	s19 =	rddreg [dreg:$0xc];
	[sflag:s15] =	ssyncadd.s32 @!p0 $0xFFFFC000  }
0x44: {  	[tilespmem:s14], [sflag:$0x1] =	stream.linear.gather @!p0 [hbm4b:s19+s14], $0x80, $0x38;
	[tilespmem:$0x1FE80] =	vst v63  }
0x45: {  	_ =	swait.ge @!p0 [sflag:s15], $0x80  }
0x46: {  	[sflag:s15] =	ssyncset.done @!p0 $0x0  }
0x47: {  	[sflag:s15] =	ssyncadd.s32 @!p0 $0xFFFFFF80  }
0x48: {  	[tilespmem:s17], [sflag:$0x1] =	stream.indirect.gather @!p0 [hbm4b:s1+s16], $0x80, s14, s16, $0xb8;
	[tilespmem:$0x1FE80] =	vst v63  }
0x49: {  	_ =	swait.ge @!p0 [sflag:s15], $0x4000  }
0x4a: {  	[sflag:s15] =	ssyncset.done @!p0 $0x0  }
0x4b: {  	s19 =	rddreg [dreg:$0xf];
	[sflag:s15] =	ssyncadd.s32 @!p0 $0xFFFFC000  }
0x4c: {  	[hbm4b:s19+s14] =	stream.linear.scatter @!p0 [tilespmem:s17], [sflag:$0x1], $0x4000, $0x38;
	[tilespmem:$0x1FE80] =	vst v63  }
0x4d: {  	_ =	swait.ge @!p0 [sflag:s15], $0x4000  }
0x4e: {  	[sflag:s15] =	ssyncset.done @!p0 $0x0  }
0x4f: {  	s19 =	rddreg [dreg:$0xd];
	[sflag:s15] =	ssyncadd.s32 @!p0 $0xFFFFC000  }
0x50: {  	[tilespmem:s14], [sflag:$0x1] =	stream.linear.gather @!p0 [hbm4b:s19+s14], $0x80, $0x38;
	[tilespmem:$0x1FE80] =	vst v63  }
0x51: {  	_ =	swait.ge @!p0 [sflag:s15], $0x80  }
0x52: {  	[sflag:s15] =	ssyncset.done @!p0 $0x0  }
0x53: {  	[sflag:s15] =	ssyncadd.s32 @!p0 $0xFFFFFF80  }
0x54: {  	[tilespmem:s17], [sflag:$0x1] =	stream.indirect.gather @!p0 [hbm4b:s1+s16], $0x80, s14, s16, $0xb8;
	[tilespmem:$0x1FE80] =	vst v63  }
0x55: {  	_ =	swait.ge @!p0 [sflag:s15], $0x4000  }
0x56: {  	[sflag:s15] =	ssyncset.done @!p0 $0x0  }
0x57: {  	s16 =	rddreg [dreg:$0x10];
	[sflag:s15] =	ssyncadd.s32 @!p0 $0xFFFFC000  }
0x58: {  	[hbm4b:s16+s14] =	stream.linear.scatter @!p0 [tilespmem:s17], [sflag:$0x1], $0x4000, $0x38;
	[tilespmem:$0x1FE80] =	vst v63  }
0x59: {  	_ =	swait.ge @!p0 [sflag:s15], $0x4000  }
0x5a: {  	[sflag:s15] =	ssyncset.done @!p0 $0x0  }
0x5b: {  	[sflag:s15] =	ssyncadd.s32 @!p0 $0xFFFFC000  }
0x5c: {  	s15 =	sshll.u32 s18, $0x6;
	[bflag:$0x0] =	sbarrier.arrive $0xFFFF  }
0x5d: {  	s16 =	sshrl.u32 s7, $0x3;
	s14 =	sor.u32 $0x1C01, s15;
	s17 =	rddreg [dreg:$0x8]  }
0x5e: {  	[hbm:s17], [sflag:s14] =	dma.local [spmem:s16], $0x2780  }
0x5f: {  	_ =	swait.ge [sflag:s30], $0x2780  }
0x60: {  	s13 =	sadd.s32 $0x1, s13;
	s19 =	rddreg [dreg:$0x9]  }
0x61: {  	p0 =	sne.s32 s13, s19  }
.Ltmp1:
0x62: {  	_ = 	snop;
	(pc) =	sbr.rel @!p0 .LBB2_13-.Ltmp1, $3  }
0x63: {  	_ =	sdelay $0x1  }
0x64: {  	[sflag:s30] =	ssyncset.done $0x0  }
0x65: {  	[sflag:s30] =	ssyncadd.s32 $0xFFFFD880  }
.LBB2_1:
0x66: {  	s14 =	simm.s32 $0x0;
	s15 =	simm.s32 $0x200  }
.LBB2_2:
0x67: {  	p0 =	sne.s32 s15, $0xFE00;
	[tilespmem:s14+$0x8270] =	vst v0  }
0x68: {  	[tilespmem:s14+$0x8200] =	vst v0  }
0x69: {  	[tilespmem:s14+$0x8210] =	vst v0  }
.Ltmp2:
0x6a: {  	[tilespmem:s14+$0x8220] =	vst v0;
	(pc) =	sbr.rel @p0 .LBB2_2-.Ltmp2, $4  }
0x6b: {  	[tilespmem:s14+$0x8230] =	vst v0  }
0x6c: {  	[tilespmem:s14+$0x8240] =	vst v0  }
0x6d: {  	[tilespmem:s14+$0x8250] =	vst v0  }
0x6e: {  	[tilespmem:s14+$0x8260] =	vst v0;
	s14 =	sshra.s32 s15, $0x2;
	s15 =	sadd.s32 $0x200, s15  }
0x6f: {  	[tilespmem:s14+$0x8270] =	vst v0  }
0x70: {  	[tilespmem:s14+$0x8200] =	vst v0  }
0x71: {  	[tilespmem:s14+$0x8210] =	vst v0  }
0x72: {  	[tilespmem:s14+$0x8220] =	vst v0  }
0x73: {  	[tilespmem:s14+$0x8230] =	vst v0  }
0x74: {  	[tilespmem:s14+$0x8240] =	vst v0  }
0x75: {  	[tilespmem:s14+$0x8250] =	vst v0  }
0x76: {  	[tilespmem:s14+$0x8260] =	vst v0  }
0x77: {  	[spmem:s7] =	stream.linear.scatter [tilespmem:s29], [sflag:$0x1], $0x4000, $0x38;
	[tilespmem:$0x1FE80] =	vst v63  }
0x78: {  	_ =	swait.ge [sflag:s30], $0x4000  }
0x79: {  	[sflag:s30] =	ssyncset.done $0x0  }
0x7a: {  	s16 =	rddreg [dreg:$0xa];
	[sflag:s30] =	ssyncadd.s32 $0xFFFFC000  }
0x7b: {  	[spmem:s16] =	stream.linear.scatter [tilespmem:s29], [sflag:$0x1], $0x4000, $0x38;
	[tilespmem:$0x1FE80] =	vst v63  }
0x7c: {  	_ =	swait.ge [sflag:s30], $0x4000  }
0x7d: {  	[sflag:s30] =	ssyncset.done $0x0  }
0x7e: {  	[sflag:s30] =	ssyncadd.s32 $0xFFFFC000  }
0x7f: {  	[spmem:s26] =	stream.linear.scatter [tilespmem:s29], [sflag:$0x1], $0x4000, $0x38;
	[tilespmem:$0x1FE80] =	vst v63  }
0x80: {  	_ =	swait.ge [sflag:s30], $0x4000  }
0x81: {  	[sflag:s30] =	ssyncset.done $0x0  }
0x82: {  	[sflag:s30] =	ssyncadd.s32 $0xFFFFC000  }
0x83: {  	[spmem:s28] =	stream.linear.scatter [tilespmem:s29], [sflag:$0x1], $0x4000, $0x38;
	[tilespmem:$0x1FE80] =	vst v63  }
0x84: {  	_ =	swait.ge [sflag:s30], $0x4000  }
0x85: {  	[sflag:s30] =	ssyncset.done $0x0  }
0x86: {  	s17 =	rddreg [dreg:$0x6];
	[sflag:s30] =	ssyncadd.s32 $0xFFFFC000  }
0x87: {  	[spmem:s17] =	stream.linear.scatter [tilespmem:s29], [sflag:$0x1], $0x3C00, $0x38;
	[tilespmem:$0x1FE80] =	vst v63  }
0x88: {  	_ =	swait.ge [sflag:s30], $0x3C00  }
0x89: {  	[sflag:s30] =	ssyncset.done $0x0  }
0x8a: {  	s15 =	simm.s32 $0x1FE00;
	s19 =	rddreg [dreg:$0x5];
	[sflag:s30] =	ssyncadd.s32 $0xFFFFC400  }
0x8b: {  	[tilespmem:s15], [sflag:$0x1] =	stream.linear.gather [hbm4b:s19+s3], $0x80, $0x38;
	[tilespmem:$0x1FE80] =	vst v63  }
0x8c: {  	_ =	swait.ge [sflag:s30], $0x80  }
0x8d: {  	[sflag:s30] =	ssyncset.done $0x0  }
0x8e: {  	[sflag:s30] =	ssyncadd.s32 $0xFFFFFF80  }
0x8f: {  	[bflag:$0x0] =	sbarrier.arrive $0xFFFF  }
0x90: {  	v2 =	vld [tilespmem:$0x1FE00];
	_ =	sdelay $0x4  }
0x91: {  	v2 =	vxor.u32 $0x80000000, v2  }
0x92: {  	(xrf0) =	vmax.scan.msk.u32 $0xffff, v2;
	_ =	sdelay $0x5  }
0x93: {  	v2, _, _ =	vpop (xrf0)  }
0x94: {  	(v2sf) =	vpush v2, $0xF;
	_ =	sdelay $0xe  }
0x95: {  	s14 =	spop (v2sf)  }
0x96: {  	s15 =	sand.u32 $0x1, s14  }
0x97: {  	p0 =	seq.s32 s15, $0x1  }
.Ltmp3:
0x98: {  	_ = 	snop;
	(pc) =	sbr.rel @p0 .LBB2_7-.Ltmp3, $1  }
0x99: {  	_ =	sdelay $0x3  }
0x9a: {  	s16 =	simm.s32 $0x0  }
0x9b: {  	[tilespmem:s16], [sflag:$0x5] =	stream.linear.gather [hbm4b:s9+s16], $0x80, $0x38;
	[tilespmem:$0x1FE80] =	vst v63  }
0x9c: {  	_ =	swait.ge [sflag:s31], $0x80  }
0x9d: {  	[sflag:s31] =	ssyncset.done $0x0  }
0x9e: {  	[sflag:s31] =	ssyncadd.s32 $0xFFFFFF80  }
0x9f: {  	[tilespmem:s0], [sflag:$0x5] =	stream.linear.gather [hbm4b:s9+s16], $0x80, $0x38;
	[tilespmem:$0x1FE80] =	vst v63  }
0xa0: {  	_ =	swait.ge [sflag:s31], $0x80  }
0xa1: {  	[sflag:s31] =	ssyncset.done $0x0  }
0xa2: {  	[sflag:s31] =	ssyncadd.s32 $0xFFFFFF80  }
0xa3: {  	[tilespmem:s6], [sflag:$0x1] =	stream.indirect.gather [hbm4b:s5+s0], $0x80, s16, s0, $0xb8;
	[tilespmem:$0x1FE80] =	vst v63  }
0xa4: {  	_ =	swait.ge [sflag:s30], $0x4000  }
0xa5: {  	[sflag:s30] =	ssyncset.done $0x0  }
0xa6: {  	[sflag:s30] =	ssyncadd.s32 $0xFFFFC000  }
0xa7: {  	[spmem:s2] =	stream.indirect.scatter.add.f32 [tilespmem:s6], [sflag:$0x3], $0x80, s0, s0, $0xb8;
	[tilespmem:$0x1FE80] =	vst v63  }
0xa8: {  	_ = 	snop  }
0xa9: {  	[tilespmem:s8], [sflag:$0x5] =	stream.linear.gather [hbm4b:s20+s16], $0x80, $0x38;
	[tilespmem:$0x1FE80] =	vst v63  }
0xaa: {  	_ =	swait.ge [sflag:s31], $0x80  }
0xab: {  	[sflag:s31] =	ssyncset.done $0x0  }
0xac: {  	[sflag:s31] =	ssyncadd.s32 $0xFFFFFF80  }
0xad: {  	[tilespmem:s4], [sflag:$0x5] =	stream.linear.gather [hbm4b:s20+s16], $0x80, $0x38;
	[tilespmem:$0x1FE80] =	vst v63  }
0xae: {  	_ =	swait.ge [sflag:s31], $0x80  }
0xaf: {  	[sflag:s31] =	ssyncset.done $0x0  }
0xb0: {  	[sflag:s31] =	ssyncadd.s32 $0xFFFFFF80  }
0xb1: {  	[tilespmem:s11], [sflag:$0x2] =	stream.indirect.gather [hbm4b:s5+s0], $0x80, s8, s0, $0xb8;
	[tilespmem:$0x1FE80] =	vst v63  }
0xb2: {  	_ =	swait.ge [sflag:s12], $0x4000  }
0xb3: {  	[sflag:s12] =	ssyncset.done $0x0  }
0xb4: {  	[sflag:s12] =	ssyncadd.s32 $0xFFFFC000  }
0xb5: {  	[spmem:s2] =	stream.indirect.scatter.add.f32 [tilespmem:s11], [sflag:$0x4], $0x80, s4, s0, $0xb8;
	[tilespmem:$0x1FE80] =	vst v63  }
0xb6: {  	_ =	swait.ge [sflag:s10], $0x4000  }
0xb7: {  	[sflag:s10] =	ssyncset.done $0x0  }
0xb8: {  	[sflag:s10] =	ssyncadd.s32 $0xFFFFC000  }
0xb9: {  	[tilespmem:s16], [sflag:$0x5] =	stream.linear.gather [hbm4b:s21+s16], $0x80, $0x38;
	[tilespmem:$0x1FE80] =	vst v63  }
0xba: {  	_ =	swait.ge [sflag:s31], $0x80  }
0xbb: {  	[sflag:s31] =	ssyncset.done $0x0  }
0xbc: {  	[sflag:s31] =	ssyncadd.s32 $0xFFFFFF80  }
0xbd: {  	[tilespmem:s0], [sflag:$0x5] =	stream.linear.gather [hbm4b:s21+s16], $0x80, $0x38;
	[tilespmem:$0x1FE80] =	vst v63  }
0xbe: {  	_ =	swait.ge [sflag:s31], $0x80  }
0xbf: {  	[sflag:s31] =	ssyncset.done $0x0  }
0xc0: {  	[sflag:s31] =	ssyncadd.s32 $0xFFFFFF80  }
0xc1: {  	[tilespmem:s6], [sflag:$0x1] =	stream.indirect.gather [hbm4b:s5+s0], $0x80, s16, s0, $0xb8;
	[tilespmem:$0x1FE80] =	vst v63  }
0xc2: {  	_ =	swait.ge [sflag:s30], $0x4000  }
0xc3: {  	[sflag:s30] =	ssyncset.done $0x0  }
0xc4: {  	[sflag:s30] =	ssyncadd.s32 $0xFFFFC000  }
0xc5: {  	[spmem:s2] =	stream.indirect.scatter.add.f32 [tilespmem:s6], [sflag:$0x3], $0x80, s0, s0, $0xb8;
	[tilespmem:$0x1FE80] =	vst v63  }
0xc6: {  	_ =	swait.ge [sflag:s22], $0x4000  }
0xc7: {  	[sflag:s22] =	ssyncset.done $0x0  }
0xc8: {  	s18 =	sadd.s32 $0x0, s25;
	[sflag:s22] =	ssyncadd.s32 $0xFFFFC000  }
0xc9: {  	[tilespmem:s8], [sflag:$0x5] =	stream.linear.gather [hbm4b:s18+s3], $0x80, $0x38;
	[tilespmem:$0x1FE80] =	vst v63  }
0xca: {  	_ =	swait.ge [sflag:s31], $0x80  }
0xcb: {  	[sflag:s31] =	ssyncset.done $0x0  }
0xcc: {  	[sflag:s31] =	ssyncadd.s32 $0xFFFFFF80  }
0xcd: {  	[tilespmem:s4], [sflag:$0x5] =	stream.linear.gather [hbm4b:s18+s3], $0x80, $0x38;
	[tilespmem:$0x1FE80] =	vst v63  }
0xce: {  	_ =	swait.ge [sflag:s31], $0x80  }
0xcf: {  	[sflag:s31] =	ssyncset.done $0x0  }
0xd0: {  	[sflag:s31] =	ssyncadd.s32 $0xFFFFFF80  }
0xd1: {  	[tilespmem:s11], [sflag:$0x2] =	stream.indirect.gather [hbm4b:s5+s0], $0x80, s8, s0, $0xb8;
	[tilespmem:$0x1FE80] =	vst v63  }
0xd2: {  	_ =	swait.ge [sflag:s12], $0x4000  }
0xd3: {  	[sflag:s12] =	ssyncset.done $0x0  }
0xd4: {  	[sflag:s12] =	ssyncadd.s32 $0xFFFFC000  }
0xd5: {  	[spmem:s2] =	stream.indirect.scatter.add.f32 [tilespmem:s11], [sflag:$0x4], $0x80, s4, s0, $0xb8;
	[tilespmem:$0x1FE80] =	vst v63  }
0xd6: {  	_ =	swait.ge [sflag:s10], $0x4000  }
0xd7: {  	[sflag:s10] =	ssyncset.done $0x0  }
0xd8: {  	s19 =	sadd.s32 $0x0, s24;
	[sflag:s10] =	ssyncadd.s32 $0xFFFFC000  }
0xd9: {  	[tilespmem:s3], [sflag:$0x5] =	stream.linear.gather [hbm4b:s19+s3], $0x80, $0x38;
	[tilespmem:$0x1FE80] =	vst v63  }
0xda: {  	_ =	swait.ge [sflag:s31], $0x80  }
0xdb: {  	[sflag:s31] =	ssyncset.done $0x0  }
0xdc: {  	[sflag:s31] =	ssyncadd.s32 $0xFFFFFF80  }
0xdd: {  	[tilespmem:s0], [sflag:$0x5] =	stream.linear.gather [hbm4b:s19+s3], $0x80, $0x38;
	[tilespmem:$0x1FE80] =	vst v63  }
0xde: {  	_ =	swait.ge [sflag:s31], $0x80  }
0xdf: {  	[sflag:s31] =	ssyncset.done $0x0  }
0xe0: {  	s16 =	simm.s32 $0x20;
	[sflag:s31] =	ssyncadd.s32 $0xFFFFFF80  }
.LBB2_5:
0xe1: {  	[tilespmem:s6], [sflag:$0x1] =	stream.indirect.gather [hbm4b:s5+s0], $0x80, s3, s0, $0xb8;
	[tilespmem:$0x1FE80] =	vst v63  }
0xe2: {  	s17 =	smov.u32 s16  }
0xe3: {  	p0 =	sne.s32 s16, $0x4A0;
	s16 =	sadd.s32 $0x20, s16;
	_ =	swait.ge [sflag:s30], $0x4000  }
0xe4: {  	[sflag:s30] =	ssyncset.done $0x0  }
0xe5: {  	[sflag:s30] =	ssyncadd.s32 $0xFFFFC000  }
0xe6: {  	[spmem:s2] =	stream.indirect.scatter.add.f32 [tilespmem:s6], [sflag:$0x3], $0x80, s0, s0, $0xb8;
	[tilespmem:$0x1FE80] =	vst v63  }
0xe7: {  	_ =	swait.ge [sflag:s22], $0x4000  }
0xe8: {  	[sflag:s22] =	ssyncset.done $0x0  }
0xe9: {  	s18 =	sadd.s32 s17, s25;
	[sflag:s22] =	ssyncadd.s32 $0xFFFFC000  }
0xea: {  	[tilespmem:s8], [sflag:$0x5] =	stream.linear.gather [hbm4b:s18+s3], $0x80, $0x38;
	[tilespmem:$0x1FE80] =	vst v63  }
0xeb: {  	_ =	swait.ge [sflag:s31], $0x80  }
0xec: {  	[sflag:s31] =	ssyncset.done $0x0  }
0xed: {  	[sflag:s31] =	ssyncadd.s32 $0xFFFFFF80  }
0xee: {  	[tilespmem:s4], [sflag:$0x5] =	stream.linear.gather [hbm4b:s18+s3], $0x80, $0x38;
	[tilespmem:$0x1FE80] =	vst v63  }
0xef: {  	_ =	swait.ge [sflag:s31], $0x80  }
0xf0: {  	[sflag:s31] =	ssyncset.done $0x0  }
0xf1: {  	[sflag:s31] =	ssyncadd.s32 $0xFFFFFF80  }
0xf2: {  	[tilespmem:s11], [sflag:$0x2] =	stream.indirect.gather [hbm4b:s5+s0], $0x80, s8, s0, $0xb8;
	[tilespmem:$0x1FE80] =	vst v63  }
0xf3: {  	_ =	swait.ge [sflag:s12], $0x4000  }
0xf4: {  	[sflag:s12] =	ssyncset.done $0x0  }
0xf5: {  	[sflag:s12] =	ssyncadd.s32 $0xFFFFC000  }
0xf6: {  	[spmem:s2] =	stream.indirect.scatter.add.f32 [tilespmem:s11], [sflag:$0x4], $0x80, s4, s0, $0xb8;
	[tilespmem:$0x1FE80] =	vst v63  }
0xf7: {  	_ =	swait.ge [sflag:s10], $0x4000  }
0xf8: {  	[sflag:s10] =	ssyncset.done $0x0  }
0xf9: {  	s17 =	sadd.s32 s17, s24;
	[sflag:s10] =	ssyncadd.s32 $0xFFFFC000  }
0xfa: {  	[tilespmem:s3], [sflag:$0x5] =	stream.linear.gather [hbm4b:s17+s3], $0x80, $0x38;
	[tilespmem:$0x1FE80] =	vst v63  }
0xfb: {  	_ =	swait.ge [sflag:s31], $0x80  }
0xfc: {  	[sflag:s31] =	ssyncset.done $0x0  }
.Ltmp4:
0xfd: {  	[sflag:s31] =	ssyncadd.s32 $0xFFFFFF80;
	(pc) =	sbr.rel @p0 .LBB2_5-.Ltmp4, $4  }
0xfe: {  	[tilespmem:s0], [sflag:$0x5] =	stream.linear.gather [hbm4b:s17+s3], $0x80, $0x38;
	[tilespmem:$0x1FE80] =	vst v63  }
0xff: {  	_ =	swait.ge [sflag:s31], $0x80  }
0x100: {  	[sflag:s31] =	ssyncset.done $0x0  }
0x101: {  	[sflag:s31] =	ssyncadd.s32 $0xFFFFFF80  }
0x102: {  	[tilespmem:s6], [sflag:$0x1] =	stream.indirect.gather [hbm4b:s5+s0], $0x80, s3, s0, $0xb8;
	[tilespmem:$0x1FE80] =	vst v63  }
0x103: {  	_ =	swait.ge [sflag:s30], $0x4000  }
0x104: {  	[sflag:s30] =	ssyncset.done $0x0  }
0x105: {  	[sflag:s30] =	ssyncadd.s32 $0xFFFFC000  }
0x106: {  	[spmem:s2] =	stream.indirect.scatter.add.f32 [tilespmem:s6], [sflag:$0x3], $0x80, s0, s0, $0xb8;
	[tilespmem:$0x1FE80] =	vst v63  }
0x107: {  	p0 =	seq.s32 s15, $0x0;
	_ =	swait.ge [sflag:s22], $0x4000  }
.Ltmp5:
0x108: {  	[sflag:s22] =	ssyncset.done $0x0;
	(pc) =	sbr.rel @p0 .LBB2_12-.Ltmp5, $4  }
0x109: {  	[sflag:s22] =	ssyncadd.s32 $0xFFFFC000  }
0x10a: {  	_ =	swait.ge [sflag:s10], $0x4000  }
0x10b: {  	[sflag:s10] =	ssyncset.done $0x0  }
0x10c: {  	s18 =	stileid.u32;
	[sflag:s10] =	ssyncadd.s32 $0xFFFFC000  }
.LBB2_7:
0x10d: {  	s15 =	simm.s32 $0x0;
	s16 =	simm.s32 $0x200  }
.LBB2_8:
0x10e: {  	p0 =	sne.s32 s16, $0xFE00;
	[tilespmem:s15+$0x8270] =	vst v1  }
0x10f: {  	[tilespmem:s15+$0x8200] =	vst v1  }
0x110: {  	[tilespmem:s15+$0x8210] =	vst v1  }
.Ltmp6:
0x111: {  	[tilespmem:s15+$0x8220] =	vst v1;
	(pc) =	sbr.rel @p0 .LBB2_8-.Ltmp6, $4  }
0x112: {  	[tilespmem:s15+$0x8230] =	vst v1  }
0x113: {  	[tilespmem:s15+$0x8240] =	vst v1  }
0x114: {  	[tilespmem:s15+$0x8250] =	vst v1  }
0x115: {  	[tilespmem:s15+$0x8260] =	vst v1;
	s15 =	sshra.s32 s16, $0x2;
	s16 =	sadd.s32 $0x200, s16  }
0x116: {  	[tilespmem:s15+$0x8270] =	vst v1  }
0x117: {  	[tilespmem:s15+$0x8200] =	vst v1  }
0x118: {  	[tilespmem:s15+$0x8210] =	vst v1  }
0x119: {  	[tilespmem:s15+$0x8220] =	vst v1  }
0x11a: {  	[tilespmem:s15+$0x8230] =	vst v1  }
0x11b: {  	[tilespmem:s15+$0x8240] =	vst v1  }
0x11c: {  	[tilespmem:s15+$0x8250] =	vst v1  }
0x11d: {  	[tilespmem:s15+$0x8260] =	vst v1  }
0x11e: {  	[tilespmem:s0], [sflag:$0x5] =	stream.linear.gather [hbm4b:s9+s3], $0x80, $0x38;
	[tilespmem:$0x1FE80] =	vst v63  }
0x11f: {  	_ =	swait.ge [sflag:s31], $0x80  }
0x120: {  	[sflag:s31] =	ssyncset.done $0x0  }
0x121: {  	[sflag:s31] =	ssyncadd.s32 $0xFFFFFF80  }
0x122: {  	[spmem:s2] =	stream.indirect.scatter.add.f32 [tilespmem:s29], [sflag:$0x3], $0x80, s0, s0, $0xb8;
	[tilespmem:$0x1FE80] =	vst v63  }
0x123: {  	s17 =	rddreg [dreg:$0x7]  }
0x124: {  	[tilespmem:s4], [sflag:$0x5] =	stream.linear.gather [hbm4b:s17+s3], $0x80, $0x38;
	[tilespmem:$0x1FE80] =	vst v63  }
0x125: {  	_ =	swait.ge [sflag:s31], $0x80  }
0x126: {  	[sflag:s31] =	ssyncset.done $0x0  }
0x127: {  	[sflag:s31] =	ssyncadd.s32 $0xFFFFFF80  }
0x128: {  	[spmem:s2] =	stream.indirect.scatter.add.f32 [tilespmem:s29], [sflag:$0x4], $0x80, s4, s0, $0xb8;
	[tilespmem:$0x1FE80] =	vst v63  }
0x129: {  	_ =	swait.ge [sflag:s10], $0x4000  }
0x12a: {  	s19 =	sadd.s32 $0xFFFFFB40, s23;
	[sflag:s10] =	ssyncset.done $0x0  }
0x12b: {  	s16 =	sadd.s32 $0x4E0, s19;
	[sflag:s10] =	ssyncadd.s32 $0xFFFFC000  }
0x12c: {  	[tilespmem:s0], [sflag:$0x5] =	stream.linear.gather [hbm4b:s16+s3], $0x80, $0x38;
	[tilespmem:$0x1FE80] =	vst v63  }
0x12d: {  	_ =	swait.ge [sflag:s31], $0x80  }
0x12e: {  	[sflag:s31] =	ssyncset.done $0x0  }
0x12f: {  	[sflag:s31] =	ssyncadd.s32 $0xFFFFFF80  }
0x130: {  	[spmem:s2] =	stream.indirect.scatter.add.f32 [tilespmem:s29], [sflag:$0x3], $0x80, s0, s0, $0xb8;
	[tilespmem:$0x1FE80] =	vst v63  }
0x131: {  	_ =	swait.ge [sflag:s22], $0x4000  }
0x132: {  	[sflag:s22] =	ssyncset.done $0x0  }
0x133: {  	s15 =	sadd.s32 $0x4F0, s19;
	[sflag:s22] =	ssyncadd.s32 $0xFFFFC000  }
0x134: {  	[tilespmem:s4], [sflag:$0x5] =	stream.linear.gather [hbm4b:s15+s3], $0x80, $0x38;
	[tilespmem:$0x1FE80] =	vst v63  }
0x135: {  	_ =	swait.ge [sflag:s31], $0x80  }
0x136: {  	[sflag:s31] =	ssyncset.done $0x0  }
0x137: {  	s15 =	simm.s32 $0xFFFFFB60;
	[sflag:s31] =	ssyncadd.s32 $0xFFFFFF80  }
.LBB2_10:
0x138: {  	[spmem:s2] =	stream.indirect.scatter.add.f32 [tilespmem:s29], [sflag:$0x4], $0x80, s4, s0, $0xb8;
	[tilespmem:$0x1FE80] =	vst v63  }
0x139: {  	s16 =	smov.u32 s15  }
0x13a: {  	p0 =	sne.s32 s15, $0xFFFFFFE0;
	s15 =	sadd.s32 $0x20, s15;
	_ =	swait.ge [sflag:s10], $0x4000  }
0x13b: {  	s16 =	sadd.s32 s16, s23;
	[sflag:s10] =	ssyncset.done $0x0  }
0x13c: {  	s17 =	sadd.s32 $0x4E0, s16;
	[sflag:s10] =	ssyncadd.s32 $0xFFFFC000  }
0x13d: {  	[tilespmem:s0], [sflag:$0x5] =	stream.linear.gather [hbm4b:s17+s3], $0x80, $0x38;
	[tilespmem:$0x1FE80] =	vst v63  }
0x13e: {  	_ =	swait.ge [sflag:s31], $0x80  }
0x13f: {  	[sflag:s31] =	ssyncset.done $0x0  }
0x140: {  	[sflag:s31] =	ssyncadd.s32 $0xFFFFFF80  }
0x141: {  	[spmem:s2] =	stream.indirect.scatter.add.f32 [tilespmem:s29], [sflag:$0x3], $0x80, s0, s0, $0xb8;
	[tilespmem:$0x1FE80] =	vst v63  }
0x142: {  	_ =	swait.ge [sflag:s22], $0x4000  }
0x143: {  	[sflag:s22] =	ssyncset.done $0x0  }
.Ltmp7:
0x144: {  	s16 =	sadd.s32 $0x4F0, s16;
	[sflag:s22] =	ssyncadd.s32 $0xFFFFC000;
	(pc) =	sbr.rel @p0 .LBB2_10-.Ltmp7, $4  }
0x145: {  	[tilespmem:s4], [sflag:$0x5] =	stream.linear.gather [hbm4b:s16+s3], $0x80, $0x38;
	[tilespmem:$0x1FE80] =	vst v63  }
0x146: {  	_ =	swait.ge [sflag:s31], $0x80  }
0x147: {  	[sflag:s31] =	ssyncset.done $0x0  }
0x148: {  	[sflag:s31] =	ssyncadd.s32 $0xFFFFFF80  }
.Ltmp8:
0x149: {  	_ = 	snop;
	(pc) =	sbr.rel .LBB2_11-.Ltmp8, $1  }
0x14a: {  	_ =	sdelay $0x3  }
.LBB2_13:
0x14b: {  	_ =	sfence.sel $0x180000  }
0x14c: {  	[bflag:$0x0] =	sbarrier.arrive $0xFFFF  }
0x14d: {  	_ =	strace $0x9000004A  }
0x14e: {  	[bflag:$0x2] =	sbarrier.arrive $0xFFFF  }
0x14f: {  	p0 =	sne.s32 s18, $0x0;
	s0 =	rddreg [dreg:$0x4]  }
0x150: {  	s0 =	sadd.s32 @!p0 $0x100000, s0  }
0x151: {  	[sflag:s0] =	ssyncadd.tile.s32 @!p0 $0x1;
	_ =	shalt  }
.Lfunc_end2:
_tile_overlayer_lowered:
.L_overlay_start_2:
0x152: {  	(tag) =	ssettag $0x2  }
0x153: {  	s0 =	rddreg [dreg:$0x0];
	s2 =	stileid.u32  }
0x154: {  	s1 =	rddreg [dreg:$0x1];
	p0 =	sne.s32 s2, $0x0  }
0x155: {  	s3 =	rddreg [dreg:$0x2];
	[bflag:$0x3] =	sbarrier.arrive $0xFFFF;
	s2 =	simm.s32 @!p0 $0x1C01  }
0x156: {  	[timem:s3], [sflag:s2] =	dma.local @!p0 [hbm:s0], s1  }
0x157: {  	s0 =	simm.s32 @!p0 $0x1  }
0x158: {  	_ =	swait.ge @!p0 [sflag:s0], s1  }
0x159: {  	s1 =	ssub.s32 @!p0 $0x0, s1;
	[sflag:s0] =	ssyncset.done @!p0 $0x0  }
0x15a: {  	[sflag:s0] =	ssyncadd.s32 @!p0 s1  }
0x15b: {  	[bflag:$0x3] =	sbarrier.arrive $0xFFFF  }
0x15c: {  	_ =	shalt  }

// kernel: kernel.15.cloned.1.call-start
scs
__scs_entry_jumppad:
0x0: {  	(pc) =	sbr.rel $0x88, $3  }
0x1: {  	(tag) =	ssettag $0x0;
	lr =	simm.s32 $0x1  }
0x2: {  	[smem:$0x3F9A] =	sst lr;
	_ =	strace $0xD0000000  }
0x3: {  	_ = 	snop  }
0x4: {  	_ = 	snop  }
0x5: {  	_ = 	snop  }
0x6: {  	_ = 	snop  }
0x7: {  	_ = 	snop  }
__scs_overlays_trampoline_lowered:
0x8: {  	[smem:$0x3FA9] =	sst s0  }
0x9: {  	[smem:$0x3FAA] =	sst s1  }
0xa: {  	[smem:$0x3FAB] =	sst s2  }
0xb: {  	[smem:$0x3FAC] =	sst s3  }
0xc: {  	[smem:$0x3FAD] =	sst s4  }
0xd: {  	[smem:$0x3FAE] =	sst s5  }
0xe: {  	[smem:$0x3FAF] =	sst s6  }
0xf: {  	[smem:$0x3FB0] =	sst s7  }
0x10: {  	[smem:$0x3FB1] =	sst s8  }
0x11: {  	[smem:$0x3FB2] =	sst s9;
	s0 =	simm.s32 @!p0 $0x0  }
0x12: {  	s1 =	sld [smem:$0x3F98];
	s0 =	simm.s32 @p0 $0x1  }
0x13: {  	[smem:$0x3FB3] =	sst s0;
	s0 =	simm.s32 @!p1 $0x0  }
0x14: {  	s2 =	sld [smem:$0x3F97];
	s0 =	simm.s32 @p1 $0x1  }
0x15: {  	[smem:$0x3FB4] =	sst s0;
	s0 =	simm.s32 @!p2 $0x0  }
0x16: {  	s3 =	sld [smem:$0x3FDB];
	s0 =	simm.s32 @p2 $0x1  }
0x17: {  	s4 =	simm.s32 $0x1BF5;
	[smem:$0x3FB6] =	sst s0  }
0x18: {  	s0 =	sld [smem:$0x3F99];
	_ =	swait.ge [sflag:s4], $0x0  }
0x19: {  	s7 =	sld [smem:$0x3F9A]  }
0x1a: {  	s8 =	sadd.s32 $0xFFFFE003, lr  }
0x1b: {  	s9 =	sadd.s32 $0xFFFFFEF7, lr;
	s5 =	simm.s32 $0xFFFFFFFF;
	p2 =	slt.u32 s8, $0xFFFFF086  }
0x1c: {  	p1 =	slt.u32 s9, $0xF7A;
	s5 =	simm.s32 @!p2 $0x0  }
0x1d: {  	s5 =	simm.s32 @p1 $0x1;
	p0 =	seq.s32 s7, s2  }
0x1e: {  	s7 =	smul.u32 @!p0 $0xF7A, s2;
	p2 =	seq.s32 @!p0 s5, $0x0  }
0x1f: {  	s9 =	smul.u32 $0xF7A, s1;
	s8 =	simm.s32 @!p0 $0x1BF5;
	p2 =	por !p2, p0  }
0x20: {  	[sflag:s8] =	ssyncset.s32 @!p0 $0xFFFFF086;
	s6 =	sadd.s32 @!p0 s3, s7;
	s7 =	simm.s32 @!p0 $0x108  }
0x21: {  	s3 =	sadd.s32 s3, s9;
	s6 =	sadd.s32 @!p0 $0x88, s6;
	s7 =	simm.s32 @p2 $0x1082  }
0x22: {  	[simem:s7], [sflag:s8] =	dma.local @!p0 [hbm:s6], $0xF7A  }
0x23: {  	s9 =	sor.u32 $0xD0000000, s2;
	s6 =	simm.s32 $0x108;
	_ =	swait.ge @!p0 [sflag:s8], $0x0  }
0x24: {  	s3 =	sadd.s32 $0x88, s3;
	s6 =	simm.s32 @!p1 $0x1082;
	[sflag:s4] =	ssyncset.s32 $0xFFFFF086  }
0x25: {  	[simem:s6], [sflag:s4] =	dma.local [hbm:s3], $0xF7A  }
0x26: {  	[smem:$0x3F9A] =	sst s1;
	(tag) =	ssettag s2;
	_ =	strace s9  }
0x27: {  	s1 =	sld [smem:$0x3FAA]  }
0x28: {  	s2 =	sld [smem:$0x3FAB]  }
0x29: {  	s4 =	sld [smem:$0x3FAD]  }
0x2a: {  	p0 =	seq.s32 s5, $0x0;
	s5 =	sld [smem:$0x3FAE]  }
0x2b: {  	s6 =	sld [smem:$0x3FAF]  }
0x2c: {  	s7 =	sld [smem:$0x3FB0]  }
0x2d: {  	s3 =	simm.s32 $0x108;
	s8 =	sld [smem:$0x3FB1]  }
0x2e: {  	s3 =	simm.s32 @!p0 $0x1082;
	s9 =	sld [smem:$0x3FB2]  }
0x2f: {  	lr =	sadd.s32 s0, s3;
	s0 =	sld [smem:$0x3FA9]  }
0x30: {  	s3 =	sld [smem:$0x3FAC]  }
0x31: {  	[smem:$0x3FB5] =	sst s10  }
0x32: {  	s10 =	sld [smem:$0x3FB3];
	_ =	sdelay $0x3  }
0x33: {  	p0 =	seq.s32 s10, $0x1;
	s10 =	sld [smem:$0x3FB5];
	_ =	sdelay $0x3  }
0x34: {  	[smem:$0x3FB5] =	sst s10  }
0x35: {  	s10 =	sld [smem:$0x3FB4];
	_ =	sdelay $0x3  }
0x36: {  	p1 =	seq.s32 s10, $0x1;
	s10 =	sld [smem:$0x3FB5];
	_ =	sdelay $0x3  }
0x37: {  	[smem:$0x3FB5] =	sst s10  }
0x38: {  	s10 =	sld [smem:$0x3FB6]  }
0x39: {  	_ = 	snop;
	(pc) =	sbr.ind lr, $3  }
0x3a: {  	_ = 	snop  }
0x3b: {  	_ = 	snop  }
0x3c: {  	p2 =	seq.s32 s10, $0x1;
	s10 =	sld [smem:$0x3FB5]  }
0x3d: {  	_ =	shalt  }
0x3e: {  	_ =	shalt  }
0x3f: {  	_ =	shalt  }
0x40: {  	_ =	shalt  }
0x41: {  	_ =	shalt  }
0x42: {  	_ =	shalt  }
0x43: {  	_ =	shalt  }
0x44: {  	_ =	shalt  }
0x45: {  	_ =	shalt  }
0x46: {  	_ =	shalt  }
0x47: {  	_ =	shalt  }
0x48: {  	_ =	shalt  }
0x49: {  	_ =	shalt  }
0x4a: {  	_ =	shalt  }
0x4b: {  	_ =	shalt  }
0x4c: {  	_ =	shalt  }
0x4d: {  	_ =	shalt  }
0x4e: {  	_ =	shalt  }
0x4f: {  	_ =	shalt  }
0x50: {  	_ =	shalt  }
0x51: {  	_ =	shalt  }
0x52: {  	_ =	shalt  }
0x53: {  	_ =	shalt  }
0x54: {  	_ =	shalt  }
0x55: {  	_ =	shalt  }
0x56: {  	_ =	shalt  }
0x57: {  	_ =	shalt  }
0x58: {  	_ =	shalt  }
0x59: {  	_ =	shalt  }
0x5a: {  	_ =	shalt  }
0x5b: {  	_ =	shalt  }
0x5c: {  	_ =	shalt  }
0x5d: {  	_ =	shalt  }
0x5e: {  	_ =	shalt  }
0x5f: {  	_ =	shalt  }
0x60: {  	_ =	shalt  }
0x61: {  	_ =	shalt  }
0x62: {  	_ =	shalt  }
0x63: {  	_ =	shalt  }
0x64: {  	_ =	shalt  }
0x65: {  	_ =	shalt  }
0x66: {  	_ =	shalt  }
0x67: {  	_ =	shalt  }
0x68: {  	_ =	shalt  }
0x69: {  	_ =	shalt  }
0x6a: {  	_ =	shalt  }
0x6b: {  	_ =	shalt  }
0x6c: {  	_ =	shalt  }
0x6d: {  	_ =	shalt  }
0x6e: {  	_ =	shalt  }
0x6f: {  	_ =	shalt  }
0x70: {  	_ =	shalt  }
0x71: {  	_ =	shalt  }
0x72: {  	_ =	shalt  }
0x73: {  	_ =	shalt  }
0x74: {  	_ =	shalt  }
0x75: {  	_ =	shalt  }
0x76: {  	_ =	shalt  }
0x77: {  	_ =	shalt  }
0x78: {  	_ =	shalt  }
0x79: {  	_ =	shalt  }
0x7a: {  	_ =	shalt  }
0x7b: {  	_ =	shalt  }
0x7c: {  	_ =	shalt  }
0x7d: {  	_ =	shalt  }
0x7e: {  	_ =	shalt  }
0x7f: {  	_ =	shalt  }
0x80: {  	_ =	shalt  }
0x81: {  	_ =	shalt  }
0x82: {  	_ =	shalt  }
0x83: {  	_ =	shalt  }
0x84: {  	_ =	shalt  }
0x85: {  	_ =	shalt  }
0x86: {  	_ =	shalt  }
0x87: {  	_ =	shalt  }
.Lfunc_end0:
.L_simem_size_0:
called_computation.2_lowered:
.L_overlay_start_0:
0x88: {  	s2 =	sld [smem:$0x3FD9]  }
0x89: {  	s3 =	sld [smem:$0x3FFE];
	_ =	sdelay $0x1  }
0x8a: {  	s1 =	srdreg.scid  }
0x8b: {  	s0 =	sand.u32 $0x1, s1  }
0x8c: {  	s17 =	sshll.u32 s0, $0xA;
	s2 =	sadd.s32 s3, s2  }
0x8d: {  	s2 =	sadd.s32 s2, s17  }
0x8e: {  	[smem:$0x3FC1] =	sst s2  }
0x8f: {  	_ = 	snop  }
0x90: {  	s18 =	sld [smem:$0x3FC7]  }
0x91: {  	s4 =	sld [smem:$0x3FD0];
	(tm) =	ssettm $0x1  }
0x92: {  	s19 =	sld [smem:$0x3FFB];
	_ =	sdelay $0x3  }
0x93: {  	_ =	strace s19  }
0x94: {  	s2 =	sld [smem:$0x3FFC];
	_ =	sdelay $0x3  }
0x95: {  	_ =	strace s2  }
0x96: {  	s2 =	sld [smem:$0x3FFD];
	_ =	sdelay $0x3  }
0x97: {  	_ =	strace s2  }
0x98: {  	_ =	strace $0x8FFFFFFF  }
0x99: {  	s20 =	sld [smem:$0x3FDB];
	_ =	sdelay $0x1  }
0x9a: {  	s5 =	simm.s32 $_scs_section_size  }
0x9b: {  	s6 =	simm.s32 $_size__tile_overlayer_lowered;
	s7 =	simm.s32 $_tile_overlayer_lowered  }
0x9c: {  	s8 =	simm.s32 $0x1BFF;
	s21 =	sshll.u32 s7, $0x1;
	s5 =	sadd.s32 s5, s20  }
0x9d: {  	s22 =	simm.s32 $0x0;
	s6 =	sshll.u32 s6, $0x1;
	s7 =	sadd.s32 s21, s5  }
0x9e: {  	[timem:s22], [sflag:s8] =	dma.local [hbm:s7], s6  }
0x9f: {  	_ =	swait.ge [sflag:s8], s6  }
0xa0: {  	s6 =	ssub.s32 $0x0, s6;
	[sflag:s8] =	ssyncset.done $0x0  }
0xa1: {  	[sflag:s8] =	ssyncadd.s32 s6;
	_ =	sdelay $0x1  }
0xa2: {  	s23 =	simm.s32 $0x1B8B  }
0xa3: {  	_ =	swait.ge [sflag:s23], $0x1  }
0xa4: {  	[sflag:s23] =	ssyncset.done $0x0  }
0xa5: {  	[sflag:s23] =	ssyncadd.s32 $0xFFFFFFFF  }
0xa6: {  	s6 =	sld [smem:$0x0]  }
0xa7: {  	s7 =	sand.u32 $0xFFFFFFFE, s1  }
0xa8: {  	p0 =	sne.s32 s1, s7  }
0xa9: {  	s7 =	sshll.u32 @p0 s7, $0xE  }
0xaa: {  	s7 =	sadd.s32 @p0 $0x11B8D, s7;
	s8 =	sshll.u32 @p0 s6, $0x11  }
0xab: {  	s7 =	sor.u32 @p0 s8, s7  }
0xac: {  	[sflag:s7] =	ssyncadd.remote.s32 @p0 $0x1;
	_ =	sdelay $0x1  }
0xad: {  	s7 =	simm.s32 @p0 $0x1B8D  }
0xae: {  	_ =	swait.eq @p0 [sflag:s7], $0x1  }
0xaf: {  	[sflag:s7] =	ssyncadd.s32 @p0 $0xFFFFFFFF  }
0xb0: {  	s8 =	sshll.u32 @!p0 s1, $0xE  }
0xb1: {  	s8 =	sor.u32 @!p0 $0x4000, s8;
	s7 =	simm.s32 @!p0 $0x1B8D  }
0xb2: {  	s6 =	sshll.u32 @!p0 s6, $0x11;
	s8 =	sadd.s32 @!p0 $0x11B8D, s8;
	_ =	swait.eq @!p0 [sflag:s7], $0x1  }
0xb3: {  	s6 =	sor.u32 @!p0 s6, s8;
	[sflag:s7] =	ssyncadd.s32 @!p0 $0xFFFFFFFF  }
0xb4: {  	s25 =	simm.s32 $0x1B8E;
	s24 =	sld [smem:$0x3FFE];
	[sflag:s6] =	ssyncadd.remote.s32 @!p0 $0x1  }
0xb5: {  	s26 =	simm.s32 $execute0_lowered;
	[smem:$0x3FD2] =	sst s25  }
0xb6: {  	s7 =	sshll.u32 s26, $0x1;
	_ =	strace $0x8000004C;
	[dreg:$0x1] =	wrdreg $0xFFFFFFFF  }
0xb7: {  	s28 =	simm.s32 $_size_execute0_lowered;
	s5 =	sadd.s32 s5, s7;
	[dreg:$0x0] =	wrdreg $0x0  }
0xb8: {  	s7 =	sshll.u32 s28, $0x1;
	[dreg:$0x2] =	wrdreg s5  }
0xb9: {  	[dreg:$0x3] =	wrdreg s7  }
0xba: {  	[dreg:$0x4] =	wrdreg $0xC0  }
0xbb: {  	_ =	task [dreg:s22], $0x5FFFF  }
0xbc: {  	[dreg:$0x1] =	wrdreg $0xFFFFFFFF  }
0xbd: {  	[dreg:$0x0] =	wrdreg $0x60  }
0xbe: {  	[dreg:$0x2] =	wrdreg s24  }
0xbf: {  	[dreg:$0x3] =	wrdreg s4  }
0xc0: {  	[dreg:$0x4] =	wrdreg s18  }
0xc1: {  	[dreg:$0x5] =	wrdreg $0xC2000  }
0xc2: {  	[dreg:$0x6] =	wrdreg $0xA  }
0xc3: {  	_ =	task.clear_ibuf [dreg:s22], $0x7FFFF;
	_ =	strace $0x9000004C  }
0xc4: {  	s29 =	simm.s32 $0xA;
	_ =	strace $0x8000004E  }
0xc5: {  	_ =	swait.ge [sflag:s29], $0x1  }
0xc6: {  	[sflag:s29] =	ssyncadd.s32 $0xFFFFFFFF  }
0xc7: {  	_ =	strace $0x9000004E  }
0xc8: {  	_ =	sfence  }
0xc9: {  	s30 =	sld [smem:$0x0];
	_ =	sdelay $0x2  }
0xca: {  	s31 =	sshll.u32 s1, $0xD;
	s1 =	sshrl.u32 s1, $0x2  }
0xcb: {  	s4 =	sand.u32 $0x4000, s31;
	s1 =	sadd.s32 s1, s30  }
0xcc: {  	s0 =	sor.u32 s4, s0;
	s1 =	sshll.u32 s1, $0x11  }
0xcd: {  	s0 =	sor.u32 s1, s0  }
0xce: {  	s0 =	sadd.s32 $0x8F2B, s0  }
0xcf: {  	[sflag:s0] =	ssyncadd.remote.s32 $0x1  }
0xd0: {  	_ =	sfence.sel $0xFFFF  }
0xd1: {  	[dreg:$0x0] =	wrdreg $0xFFFFFFFF;
	(pc) =	sbr.abs _section_cstart, $3  }
0xd2: {  	[dreg:$0x1] =	wrdreg $0xFFFFFFFF  }
0xd3: {  	_ =	task.clear_ibuf [dreg:s22], $0x2FFFF;
	_ =	strace $0x9FFFFFFF  }
0xd4: {  	(tm) =	ssettm $0x7FFFFFFF  }
0xd5: {  	_ =	shalt  }
tec
execute0_lowered:
.L_overlay_start_1:
0x0: {  	(tag) =	ssettag $0x1  }
0x1: {  	s30 =	stileid.u32  }
0x2: {  	s0 =	srdreg.scid;
	s4 =	smul.u32 $0x13C00, s30  }
0x3: {  	s2 =	sand.u32 $0x1, s0;
	s1 =	sshll.u32 s30, $0x1;
	s20 =	smul.u32 $0x9E, s30  }
0x4: {  	s3 =	smul.u32 $0x13C000, s2;
	s5 =	sor.u32 s2, s1  }
0x5: {  	s7 =	smul.u32 $0x2780, s5  }
0x6: {  	s6 =	rddreg [dreg:$0x1];
	s29 =	simm.s32 $0x4;
	s8 =	smul.u32 $0x380, s5  }
0x7: {  	s0 =	rddreg [dreg:$0x0];
	s1 =	simm.s32 $0x0;
	s25 =	smul.u32 $0x4F0, s5  }
0x8: {  	s9 =	sadd.s32 $0x3400, s0;
	s10 =	sadd.s32 $0x2E00, s0;
	s28 =	smul.u32 $0x3, s5  }
0x9: {  	s23 =	ssub.s32 $0x2, s2;
	s12 =	sadd.s32 $0x132E00, s0;
	s16 =	smul.u32 $0x30, s5  }
0xa: {  	[smem:$0x7FF] =	sst s1;
	s13 =	sshrl.u32 s23, $0x1;
	s5 =	smul.u32 $0x1800, s5  }
0xb: {  	s4 =	sadd.s32 s4, s3;
	s11 =	sand.u32 $0x7FC00, s7;
	s8 =	sand.u32 $0x380, s8  }
0xc: {  	s7 =	sshrl.u32 s7, $0x3;
	s14 =	sadd.s32 $0x10, s25;
	s31 =	sadd.s32 $0x20, s25  }
0xd: {  	s19 =	sadd.s32 $0x1, s28;
	s16 =	sadd.s32 s10, s16;
	s5 =	sadd.s32 s12, s5  }
0xe: {  	s8 =	sor.u32 s8, s11;
	s11 =	ssub.s32 s23, s13;
	[dreg:$0xa] =	wrdreg s16  }
0xf: {  	s7 =	sadd.s32 s6, s7;
	s15 =	sadd.s32 s9, s14;
	[dreg:$0xb] =	wrdreg s5  }
0x10: {  	s14 =	sadd.s32 s6, s14;
	s17 =	sadd.s32 s9, s31;
	[dreg:$0x6] =	wrdreg s15  }
0x11: {  	s18 =	sadd.s32 s6, s31;
	s22 =	sshll.u32 s19, $0xB;
	[dreg:$0x7] =	wrdreg s14  }
0x12: {  	s13 =	sadd.s32 $0x2, s28;
	s31 =	smul.u32 $0x9E0, s30;
	[dreg:$0x8] =	wrdreg s17  }
0x13: {  	s24 =	sshrl.u32 s8, $0x3;
	[dreg:$0x9] =	wrdreg s18;
	s8 =	sadd.s32 s6, s25  }
0x14: {  	s17 =	sshll.u32 s19, $0x4;
	s18 =	smul.u32 $0x4F, s2;
	s5 =	sadd.s32 s12, s22  }
0x15: {  	s25 =	sshll.u32 s13, $0xB;
	s2 =	smul.u32 $0x4F0, s2;
	s19 =	rddreg [dreg:$0x2]  }
0x16: {  	s22 =	sadd.s32 $0x34C00, s0;
	s26 =	sadd.s32 s9, s24;
	[dreg:$0xd] =	wrdreg s5  }
0x17: {  	s3 =	sadd.s32 s6, s24;
	s21 =	sadd.s32 s10, s17;
	[dreg:$0x5] =	wrdreg s26  }
0x18: {  	s24 =	sshll.u32 s13, $0x4;
	[dreg:$0xc] =	wrdreg s21;
	s23 =	sadd.s32 s18, s20  }
0x19: {  	s5 =	sadd.s32 s10, s24;
	s20 =	rddreg [dreg:$0x3];
	s10 =	smul.u32 $0x4F000, s30  }
0x1a: {  	s18 =	sadd.s32 $0x10, s7;
	s7 =	simm.s32 $0x80;
	s15 =	sshll.u32 s23, $0x4  }
0x1b: {  	[dreg:$0xe] =	wrdreg s5;
	s5 =	sadd.s32 s12, s25;
	s12 =	sshrl.u32 s4, $0x3  }
0x1c: {  	s25 =	smax.u32 s11, $0x1;
	s4 =	simm.s32 $0x8200;
	s11 =	simm.s32 $0x2  }
0x1d: {  	s26 =	sadd.s32 $0x40, s15;
	[dreg:$0xf] =	wrdreg s5;
	s28 =	sadd.s32 $0x30, s15  }
0x1e: {  	s13 =	sshrl.u32 s10, $0x2;
	s5 =	simm.s32 $0x1;
	s10 =	simm.s32 $0x4200  }
0x1f: {  	s14 =	sadd.s32 s26, s6;
	s15 =	sadd.s32 s26, s9;
	s16 =	sadd.s32 s28, s9  }
0x20: {  	s17 =	sadd.s32 s28, s6;
	_ =	strace $0x8000004D;
	[dreg:$0x11] =	wrdreg s18  }
0x21: {  	s9 =	sadd.s32 s31, s6;
	s24 =	sadd.s32 s13, s20;
	[dreg:$0x13] =	wrdreg s25  }
0x22: {  	s26 =	sadd.s32 $0x4E0, s8;
	s6 =	simm.s32 $0x180;
	s25 =	simm.s32 $0x3  }
0x23: {  	s8 =	simm.s32 $0x200;
	s21 =	sadd.s32 s2, s9;
	s2 =	sadd.s32 s12, s0  }
.Ltmp0:
0x24: {  	s0 =	sadd.s32 $0xD200, s0;
	[dreg:$0x14] =	wrdreg s26;
	(pc) =	sbr.rel .LBB2_1-.Ltmp0, $4  }
0x25: {  	s28 =	sadd.s32 $0x10000, s24;
	s31 =	sadd.s32 $0x4000, s24;
	[dreg:$0x10] =	wrdreg s0  }
0x26: {  	s18 =	sadd.s32 $0x8000, s24;
	s9 =	simm.s32 $0x100;
	[dreg:$0x15] =	wrdreg s28  }
0x27: {  	s12 =	simm.s32 $0x0;
	s23 =	sadd.s32 $0x162E00, s2;
	[dreg:$0x16] =	wrdreg s31  }
0x28: {  	v0 =	vimm.f32 $0.0e+00;
	v1 =	vimm.f32 $1.000000000e+00;
	s2 =	sadd.s32 $0xC000, s24;
	s0 =	simm.s32 $0x5;
	[dreg:$0x12] =	wrdreg s23  }
.LBB2_11:
0x29: {  	[spmem:s20] =	stream.indirect.scatter.add.f32 [tilespmem:s4], [sflag:$0x4], $0x80, s6, s7, $0xb8;
	[tilespmem:$0x1FE80] =	vst v63  }
0x2a: {  	_ =	swait.ge [sflag:s25], $0x4000  }
0x2b: {  	[sflag:s25] =	ssyncset.done $0x0  }
0x2c: {  	s23 =	rddreg [dreg:$0x14];
	[sflag:s25] =	ssyncadd.s32 $0xFFFFC000  }
0x2d: {  	[tilespmem:s7], [sflag:$0x5] =	stream.linear.gather [hbm4b:s23+s1], $0x80, $0x38;
	[tilespmem:$0x1FE80] =	vst v63  }
0x2e: {  	_ =	swait.ge [sflag:s0], $0x80  }
0x2f: {  	[sflag:s0] =	ssyncset.done $0x0  }
0x30: {  	[sflag:s0] =	ssyncadd.s32 $0xFFFFFF80  }
0x31: {  	[spmem:s20] =	stream.indirect.scatter.add.f32 [tilespmem:s4], [sflag:$0x3], $0x80, s7, s7, $0xb8;
	[tilespmem:$0x1FE80] =	vst v63  }
0x32: {  	_ =	swait.ge [sflag:s29], $0x4000  }
0x33: {  	[sflag:s29] =	ssyncset.done $0x0  }
0x34: {  	[sflag:s29] =	ssyncadd.s32 $0xFFFFC000  }
0x35: {  	_ =	swait.ge [sflag:s25], $0x4000  }
0x36: {  	[sflag:s25] =	ssyncset.done $0x0  }
0x37: {  	[sflag:s25] =	ssyncadd.s32 $0xFFFFC000  }
.LBB2_12:
0x38: {  	s13 =	sand.u32 $0x2, s13  }
0x39: {  	p0 =	seq.s32 s13, $0x0  }
0x3a: {  	s23 =	rddreg [dreg:$0xa];
	s13 =	simm.s32 @!p0 $0x0  }
0x3b: {  	[tilespmem:s13], [sflag:$0x1] =	stream.linear.gather @!p0 [hbm4b:s23+s13], $0x80, $0x38;
	[tilespmem:$0x1FE80] =	vst v63  }
0x3c: {  	s23 =	simm.s32 @!p0 $0x1  }
0x3d: {  	_ =	swait.ge @!p0 [sflag:s23], $0x80  }
0x3e: {  	[sflag:s23] =	ssyncset.done @!p0 $0x0  }
0x3f: {  	s26 =	simm.s32 @!p0 $0x80;
	s28 =	simm.s32 @!p0 $0x200;
	[sflag:s23] =	ssyncadd.s32 @!p0 $0xFFFFFF80  }
0x40: {  	[tilespmem:s28], [sflag:$0x1] =	stream.indirect.gather @!p0 [hbm4b:s19+s26], $0x80, s13, s26, $0xb8;
	[tilespmem:$0x1FE80] =	vst v63  }
0x41: {  	_ =	swait.ge @!p0 [sflag:s23], $0x4000  }
0x42: {  	[sflag:s23] =	ssyncset.done @!p0 $0x0  }
0x43: {  	s31 =	rddreg [dreg:$0xb];
	[sflag:s23] =	ssyncadd.s32 @!p0 $0xFFFFC000  }
0x44: {  	[hbm4b:s31+s13] =	stream.linear.scatter @!p0 [tilespmem:s28], [sflag:$0x1], $0x4000, $0x38;
	[tilespmem:$0x1FE80] =	vst v63  }
0x45: {  	_ =	swait.ge @!p0 [sflag:s23], $0x4000  }
0x46: {  	[sflag:s23] =	ssyncset.done @!p0 $0x0  }
0x47: {  	s31 =	rddreg [dreg:$0xc];
	[sflag:s23] =	ssyncadd.s32 @!p0 $0xFFFFC000  }
0x48: {  	[tilespmem:s13], [sflag:$0x1] =	stream.linear.gather @!p0 [hbm4b:s31+s13], $0x80, $0x38;
	[tilespmem:$0x1FE80] =	vst v63  }
0x49: {  	_ =	swait.ge @!p0 [sflag:s23], $0x80  }
0x4a: {  	[sflag:s23] =	ssyncset.done @!p0 $0x0  }
0x4b: {  	[sflag:s23] =	ssyncadd.s32 @!p0 $0xFFFFFF80  }
0x4c: {  	[tilespmem:s28], [sflag:$0x1] =	stream.indirect.gather @!p0 [hbm4b:s19+s26], $0x80, s13, s26, $0xb8;
	[tilespmem:$0x1FE80] =	vst v63  }
0x4d: {  	_ =	swait.ge @!p0 [sflag:s23], $0x4000  }
0x4e: {  	[sflag:s23] =	ssyncset.done @!p0 $0x0  }
0x4f: {  	s31 =	rddreg [dreg:$0xd];
	[sflag:s23] =	ssyncadd.s32 @!p0 $0xFFFFC000  }
0x50: {  	[hbm4b:s31+s13] =	stream.linear.scatter @!p0 [tilespmem:s28], [sflag:$0x1], $0x4000, $0x38;
	[tilespmem:$0x1FE80] =	vst v63  }
0x51: {  	_ =	swait.ge @!p0 [sflag:s23], $0x4000  }
0x52: {  	[sflag:s23] =	ssyncset.done @!p0 $0x0  }
0x53: {  	s31 =	rddreg [dreg:$0xe];
	[sflag:s23] =	ssyncadd.s32 @!p0 $0xFFFFC000  }
0x54: {  	[tilespmem:s13], [sflag:$0x1] =	stream.linear.gather @!p0 [hbm4b:s31+s13], $0x80, $0x38;
	[tilespmem:$0x1FE80] =	vst v63  }
0x55: {  	_ =	swait.ge @!p0 [sflag:s23], $0x80  }
0x56: {  	[sflag:s23] =	ssyncset.done @!p0 $0x0  }
0x57: {  	[sflag:s23] =	ssyncadd.s32 @!p0 $0xFFFFFF80  }
0x58: {  	[tilespmem:s28], [sflag:$0x1] =	stream.indirect.gather @!p0 [hbm4b:s19+s26], $0x80, s13, s26, $0xb8;
	[tilespmem:$0x1FE80] =	vst v63  }
0x59: {  	_ =	swait.ge @!p0 [sflag:s23], $0x4000  }
0x5a: {  	[sflag:s23] =	ssyncset.done @!p0 $0x0  }
0x5b: {  	s26 =	rddreg [dreg:$0xf];
	[sflag:s23] =	ssyncadd.s32 @!p0 $0xFFFFC000  }
0x5c: {  	[hbm4b:s26+s13] =	stream.linear.scatter @!p0 [tilespmem:s28], [sflag:$0x1], $0x4000, $0x38;
	[tilespmem:$0x1FE80] =	vst v63  }
0x5d: {  	_ =	swait.ge @!p0 [sflag:s23], $0x4000  }
0x5e: {  	[sflag:s23] =	ssyncset.done @!p0 $0x0  }
0x5f: {  	[sflag:s23] =	ssyncadd.s32 @!p0 $0xFFFFC000  }
0x60: {  	s23 =	sshll.u32 s30, $0x6;
	[bflag:$0x0] =	sbarrier.arrive $0xFFFF  }
0x61: {  	s26 =	sshrl.u32 s24, $0x3;
	s13 =	sor.u32 $0x1C01, s23;
	s28 =	rddreg [dreg:$0x12]  }
0x62: {  	[hbm:s28], [sflag:s13] =	dma.local [spmem:s26], $0x2780  }
0x63: {  	_ =	swait.ge [sflag:s5], $0x2780  }
0x64: {  	s12 =	sadd.s32 $0x1, s12;
	s31 =	rddreg [dreg:$0x13]  }
0x65: {  	p0 =	sne.s32 s12, s31  }
.Ltmp1:
0x66: {  	_ = 	snop;
	(pc) =	sbr.rel @!p0 .LBB2_13-.Ltmp1, $3  }
0x67: {  	_ =	sdelay $0x1  }
0x68: {  	[sflag:s5] =	ssyncset.done $0x0  }
0x69: {  	[sflag:s5] =	ssyncadd.s32 $0xFFFFD880  }
.LBB2_1:
0x6a: {  	s13 =	simm.s32 $0x0;
	s23 =	simm.s32 $0x200  }
.LBB2_2:
0x6b: {  	p0 =	sne.s32 s23, $0xFE00;
	[tilespmem:s13+$0x8270] =	vst v0  }
0x6c: {  	[tilespmem:s13+$0x8200] =	vst v0  }
0x6d: {  	[tilespmem:s13+$0x8210] =	vst v0  }
.Ltmp2:
0x6e: {  	[tilespmem:s13+$0x8220] =	vst v0;
	(pc) =	sbr.rel @p0 .LBB2_2-.Ltmp2, $4  }
0x6f: {  	[tilespmem:s13+$0x8230] =	vst v0  }
0x70: {  	[tilespmem:s13+$0x8240] =	vst v0  }
0x71: {  	[tilespmem:s13+$0x8250] =	vst v0  }
0x72: {  	[tilespmem:s13+$0x8260] =	vst v0;
	s13 =	sshra.s32 s23, $0x2;
	s23 =	sadd.s32 $0x200, s23  }
0x73: {  	[tilespmem:s13+$0x8270] =	vst v0  }
0x74: {  	[tilespmem:s13+$0x8200] =	vst v0  }
0x75: {  	[tilespmem:s13+$0x8210] =	vst v0  }
0x76: {  	[tilespmem:s13+$0x8220] =	vst v0  }
0x77: {  	[tilespmem:s13+$0x8230] =	vst v0  }
0x78: {  	[tilespmem:s13+$0x8240] =	vst v0  }
0x79: {  	[tilespmem:s13+$0x8250] =	vst v0  }
0x7a: {  	[tilespmem:s13+$0x8260] =	vst v0  }
0x7b: {  	[spmem:s24] =	stream.linear.scatter [tilespmem:s4], [sflag:$0x1], $0x4000, $0x38;
	[tilespmem:$0x1FE80] =	vst v63  }
0x7c: {  	_ =	swait.ge [sflag:s5], $0x4000  }
0x7d: {  	[sflag:s5] =	ssyncset.done $0x0  }
0x7e: {  	s26 =	rddreg [dreg:$0x16];
	[sflag:s5] =	ssyncadd.s32 $0xFFFFC000  }
0x7f: {  	[spmem:s26] =	stream.linear.scatter [tilespmem:s4], [sflag:$0x1], $0x4000, $0x38;
	[tilespmem:$0x1FE80] =	vst v63  }
0x80: {  	_ =	swait.ge [sflag:s5], $0x4000  }
0x81: {  	[sflag:s5] =	ssyncset.done $0x0  }
0x82: {  	[sflag:s5] =	ssyncadd.s32 $0xFFFFC000  }
0x83: {  	[spmem:s18] =	stream.linear.scatter [tilespmem:s4], [sflag:$0x1], $0x4000, $0x38;
	[tilespmem:$0x1FE80] =	vst v63  }
0x84: {  	_ =	swait.ge [sflag:s5], $0x4000  }
0x85: {  	[sflag:s5] =	ssyncset.done $0x0  }
0x86: {  	[sflag:s5] =	ssyncadd.s32 $0xFFFFC000  }
0x87: {  	[spmem:s2] =	stream.linear.scatter [tilespmem:s4], [sflag:$0x1], $0x4000, $0x38;
	[tilespmem:$0x1FE80] =	vst v63  }
0x88: {  	_ =	swait.ge [sflag:s5], $0x4000  }
0x89: {  	[sflag:s5] =	ssyncset.done $0x0  }
0x8a: {  	s28 =	rddreg [dreg:$0x15];
	[sflag:s5] =	ssyncadd.s32 $0xFFFFC000  }
0x8b: {  	[spmem:s28] =	stream.linear.scatter [tilespmem:s4], [sflag:$0x1], $0x3C00, $0x38;
	[tilespmem:$0x1FE80] =	vst v63  }
0x8c: {  	_ =	swait.ge [sflag:s5], $0x3C00  }
0x8d: {  	[sflag:s5] =	ssyncset.done $0x0  }
0x8e: {  	s23 =	simm.s32 $0x1FE00;
	s31 =	rddreg [dreg:$0x10];
	[sflag:s5] =	ssyncadd.s32 $0xFFFFC400  }
0x8f: {  	[tilespmem:s23], [sflag:$0x1] =	stream.linear.gather [hbm4b:s31+s1], $0x80, $0x38;
	[tilespmem:$0x1FE80] =	vst v63  }
0x90: {  	_ =	swait.ge [sflag:s5], $0x80  }
0x91: {  	[sflag:s5] =	ssyncset.done $0x0  }
0x92: {  	[sflag:s5] =	ssyncadd.s32 $0xFFFFFF80  }
0x93: {  	[bflag:$0x0] =	sbarrier.arrive $0xFFFF  }
0x94: {  	v2 =	vld [tilespmem:$0x1FE00];
	_ =	sdelay $0x4  }
0x95: {  	v2 =	vxor.u32 $0x80000000, v2  }
0x96: {  	(xrf0) =	vmax.scan.msk.u32 $0xffff, v2;
	_ =	sdelay $0x5  }
0x97: {  	v2, _, _ =	vpop (xrf0)  }
0x98: {  	(v2sf) =	vpush v2, $0xF;
	_ =	sdelay $0xe  }
0x99: {  	s13 =	spop (v2sf)  }
0x9a: {  	s23 =	sand.u32 $0x1, s13  }
0x9b: {  	p0 =	seq.s32 s23, $0x1  }
.Ltmp3:
0x9c: {  	_ = 	snop;
	(pc) =	sbr.rel @p0 .LBB2_7-.Ltmp3, $1  }
0x9d: {  	_ =	sdelay $0x3  }
0x9e: {  	s26 =	simm.s32 $0x0;
	s28 =	rddreg [dreg:$0x5]  }
0x9f: {  	[tilespmem:s26], [sflag:$0x5] =	stream.linear.gather [hbm4b:s28+s26], $0x80, $0x38;
	[tilespmem:$0x1FE80] =	vst v63  }
0xa0: {  	_ =	swait.ge [sflag:s0], $0x80  }
0xa1: {  	[sflag:s0] =	ssyncset.done $0x0  }
0xa2: {  	[sflag:s0] =	ssyncadd.s32 $0xFFFFFF80  }
0xa3: {  	[tilespmem:s7], [sflag:$0x5] =	stream.linear.gather [hbm4b:s3+s26], $0x80, $0x38;
	[tilespmem:$0x1FE80] =	vst v63  }
0xa4: {  	_ =	swait.ge [sflag:s0], $0x80  }
0xa5: {  	[sflag:s0] =	ssyncset.done $0x0  }
0xa6: {  	[sflag:s0] =	ssyncadd.s32 $0xFFFFFF80  }
0xa7: {  	[tilespmem:s8], [sflag:$0x1] =	stream.indirect.gather [hbm4b:s22+s7], $0x80, s26, s7, $0xb8;
	[tilespmem:$0x1FE80] =	vst v63  }
0xa8: {  	_ =	swait.ge [sflag:s5], $0x4000  }
0xa9: {  	[sflag:s5] =	ssyncset.done $0x0  }
0xaa: {  	[sflag:s5] =	ssyncadd.s32 $0xFFFFC000  }
0xab: {  	[spmem:s20] =	stream.indirect.scatter.add.f32 [tilespmem:s8], [sflag:$0x3], $0x80, s7, s7, $0xb8;
	[tilespmem:$0x1FE80] =	vst v63  }
0xac: {  	s31 =	rddreg [dreg:$0x6]  }
0xad: {  	[tilespmem:s9], [sflag:$0x5] =	stream.linear.gather [hbm4b:s31+s26], $0x80, $0x38;
	[tilespmem:$0x1FE80] =	vst v63  }
0xae: {  	_ =	swait.ge [sflag:s0], $0x80  }
0xaf: {  	[sflag:s0] =	ssyncset.done $0x0  }
0xb0: {  	s30 =	rddreg [dreg:$0x7];
	[sflag:s0] =	ssyncadd.s32 $0xFFFFFF80  }
0xb1: {  	[tilespmem:s6], [sflag:$0x5] =	stream.linear.gather [hbm4b:s30+s26], $0x80, $0x38;
	[tilespmem:$0x1FE80] =	vst v63  }
0xb2: {  	_ =	swait.ge [sflag:s0], $0x80  }
0xb3: {  	[sflag:s0] =	ssyncset.done $0x0  }
0xb4: {  	[sflag:s0] =	ssyncadd.s32 $0xFFFFFF80  }
0xb5: {  	[tilespmem:s10], [sflag:$0x2] =	stream.indirect.gather [hbm4b:s22+s7], $0x80, s9, s7, $0xb8;
	[tilespmem:$0x1FE80] =	vst v63  }
0xb6: {  	_ =	swait.ge [sflag:s11], $0x4000  }
0xb7: {  	[sflag:s11] =	ssyncset.done $0x0  }
0xb8: {  	[sflag:s11] =	ssyncadd.s32 $0xFFFFC000  }
0xb9: {  	[spmem:s20] =	stream.indirect.scatter.add.f32 [tilespmem:s10], [sflag:$0x4], $0x80, s6, s7, $0xb8;
	[tilespmem:$0x1FE80] =	vst v63  }
0xba: {  	_ =	swait.ge [sflag:s25], $0x4000  }
0xbb: {  	[sflag:s25] =	ssyncset.done $0x0  }
0xbc: {  	s31 =	rddreg [dreg:$0x8];
	[sflag:s25] =	ssyncadd.s32 $0xFFFFC000  }
0xbd: {  	[tilespmem:s26], [sflag:$0x5] =	stream.linear.gather [hbm4b:s31+s26], $0x80, $0x38;
	[tilespmem:$0x1FE80] =	vst v63  }
0xbe: {  	_ =	swait.ge [sflag:s0], $0x80  }
0xbf: {  	[sflag:s0] =	ssyncset.done $0x0  }
0xc0: {  	s30 =	rddreg [dreg:$0x9];
	[sflag:s0] =	ssyncadd.s32 $0xFFFFFF80  }
0xc1: {  	[tilespmem:s7], [sflag:$0x5] =	stream.linear.gather [hbm4b:s30+s26], $0x80, $0x38;
	[tilespmem:$0x1FE80] =	vst v63  }
0xc2: {  	_ =	swait.ge [sflag:s0], $0x80  }
0xc3: {  	[sflag:s0] =	ssyncset.done $0x0  }
0xc4: {  	[sflag:s0] =	ssyncadd.s32 $0xFFFFFF80  }
0xc5: {  	[tilespmem:s8], [sflag:$0x1] =	stream.indirect.gather [hbm4b:s22+s7], $0x80, s26, s7, $0xb8;
	[tilespmem:$0x1FE80] =	vst v63  }
0xc6: {  	_ =	swait.ge [sflag:s5], $0x4000  }
0xc7: {  	[sflag:s5] =	ssyncset.done $0x0  }
0xc8: {  	[sflag:s5] =	ssyncadd.s32 $0xFFFFC000  }
0xc9: {  	[spmem:s20] =	stream.indirect.scatter.add.f32 [tilespmem:s8], [sflag:$0x3], $0x80, s7, s7, $0xb8;
	[tilespmem:$0x1FE80] =	vst v63  }
0xca: {  	_ =	swait.ge [sflag:s29], $0x4000  }
0xcb: {  	[sflag:s29] =	ssyncset.done $0x0  }
0xcc: {  	s31 =	sadd.s32 $0x0, s16;
	[sflag:s29] =	ssyncadd.s32 $0xFFFFC000  }
0xcd: {  	[tilespmem:s9], [sflag:$0x5] =	stream.linear.gather [hbm4b:s31+s1], $0x80, $0x38;
	[tilespmem:$0x1FE80] =	vst v63  }
0xce: {  	_ =	swait.ge [sflag:s0], $0x80  }
0xcf: {  	[sflag:s0] =	ssyncset.done $0x0  }
0xd0: {  	s28 =	sadd.s32 $0x0, s17;
	[sflag:s0] =	ssyncadd.s32 $0xFFFFFF80  }
0xd1: {  	[tilespmem:s6], [sflag:$0x5] =	stream.linear.gather [hbm4b:s28+s1], $0x80, $0x38;
	[tilespmem:$0x1FE80] =	vst v63  }
0xd2: {  	_ =	swait.ge [sflag:s0], $0x80  }
0xd3: {  	[sflag:s0] =	ssyncset.done $0x0  }
0xd4: {  	[sflag:s0] =	ssyncadd.s32 $0xFFFFFF80  }
0xd5: {  	[tilespmem:s10], [sflag:$0x2] =	stream.indirect.gather [hbm4b:s22+s7], $0x80, s9, s7, $0xb8;
	[tilespmem:$0x1FE80] =	vst v63  }
0xd6: {  	_ =	swait.ge [sflag:s11], $0x4000  }
0xd7: {  	[sflag:s11] =	ssyncset.done $0x0  }
0xd8: {  	[sflag:s11] =	ssyncadd.s32 $0xFFFFC000  }
0xd9: {  	[spmem:s20] =	stream.indirect.scatter.add.f32 [tilespmem:s10], [sflag:$0x4], $0x80, s6, s7, $0xb8;
	[tilespmem:$0x1FE80] =	vst v63  }
0xda: {  	_ =	swait.ge [sflag:s25], $0x4000  }
0xdb: {  	[sflag:s25] =	ssyncset.done $0x0  }
0xdc: {  	s30 =	sadd.s32 $0x0, s15;
	[sflag:s25] =	ssyncadd.s32 $0xFFFFC000  }
0xdd: {  	[tilespmem:s1], [sflag:$0x5] =	stream.linear.gather [hbm4b:s30+s1], $0x80, $0x38;
	[tilespmem:$0x1FE80] =	vst v63  }
0xde: {  	_ =	swait.ge [sflag:s0], $0x80  }
0xdf: {  	[sflag:s0] =	ssyncset.done $0x0  }
0xe0: {  	s31 =	sadd.s32 $0x0, s14;
	[sflag:s0] =	ssyncadd.s32 $0xFFFFFF80  }
0xe1: {  	[tilespmem:s7], [sflag:$0x5] =	stream.linear.gather [hbm4b:s31+s1], $0x80, $0x38;
	[tilespmem:$0x1FE80] =	vst v63  }
0xe2: {  	_ =	swait.ge [sflag:s0], $0x80  }
0xe3: {  	[sflag:s0] =	ssyncset.done $0x0  }
0xe4: {  	s26 =	simm.s32 $0x20;
	[sflag:s0] =	ssyncadd.s32 $0xFFFFFF80  }
.LBB2_5:
0xe5: {  	[tilespmem:s8], [sflag:$0x1] =	stream.indirect.gather [hbm4b:s22+s7], $0x80, s1, s7, $0xb8;
	[tilespmem:$0x1FE80] =	vst v63  }
0xe6: {  	s28 =	smov.u32 s26  }
0xe7: {  	p0 =	sne.s32 s26, $0x4A0;
	s26 =	sadd.s32 $0x20, s26;
	_ =	swait.ge [sflag:s5], $0x4000  }
0xe8: {  	[sflag:s5] =	ssyncset.done $0x0  }
0xe9: {  	[sflag:s5] =	ssyncadd.s32 $0xFFFFC000  }
0xea: {  	[spmem:s20] =	stream.indirect.scatter.add.f32 [tilespmem:s8], [sflag:$0x3], $0x80, s7, s7, $0xb8;
	[tilespmem:$0x1FE80] =	vst v63  }
0xeb: {  	_ =	swait.ge [sflag:s29], $0x4000  }
0xec: {  	[sflag:s29] =	ssyncset.done $0x0  }
0xed: {  	s30 =	sadd.s32 s28, s16;
	[sflag:s29] =	ssyncadd.s32 $0xFFFFC000  }
0xee: {  	[tilespmem:s9], [sflag:$0x5] =	stream.linear.gather [hbm4b:s30+s1], $0x80, $0x38;
	[tilespmem:$0x1FE80] =	vst v63  }
0xef: {  	_ =	swait.ge [sflag:s0], $0x80  }
0xf0: {  	[sflag:s0] =	ssyncset.done $0x0  }
0xf1: {  	s30 =	sadd.s32 s28, s17;
	[sflag:s0] =	ssyncadd.s32 $0xFFFFFF80  }
0xf2: {  	[tilespmem:s6], [sflag:$0x5] =	stream.linear.gather [hbm4b:s30+s1], $0x80, $0x38;
	[tilespmem:$0x1FE80] =	vst v63  }
0xf3: {  	_ =	swait.ge [sflag:s0], $0x80  }
0xf4: {  	[sflag:s0] =	ssyncset.done $0x0  }
0xf5: {  	[sflag:s0] =	ssyncadd.s32 $0xFFFFFF80  }
0xf6: {  	[tilespmem:s10], [sflag:$0x2] =	stream.indirect.gather [hbm4b:s22+s7], $0x80, s9, s7, $0xb8;
	[tilespmem:$0x1FE80] =	vst v63  }
0xf7: {  	_ =	swait.ge [sflag:s11], $0x4000  }
0xf8: {  	[sflag:s11] =	ssyncset.done $0x0  }
0xf9: {  	[sflag:s11] =	ssyncadd.s32 $0xFFFFC000  }
0xfa: {  	[spmem:s20] =	stream.indirect.scatter.add.f32 [tilespmem:s10], [sflag:$0x4], $0x80, s6, s7, $0xb8;
	[tilespmem:$0x1FE80] =	vst v63  }
0xfb: {  	_ =	swait.ge [sflag:s25], $0x4000  }
0xfc: {  	[sflag:s25] =	ssyncset.done $0x0  }
0xfd: {  	s30 =	sadd.s32 s28, s15;
	[sflag:s25] =	ssyncadd.s32 $0xFFFFC000  }
0xfe: {  	[tilespmem:s1], [sflag:$0x5] =	stream.linear.gather [hbm4b:s30+s1], $0x80, $0x38;
	[tilespmem:$0x1FE80] =	vst v63  }
0xff: {  	_ =	swait.ge [sflag:s0], $0x80  }
0x100: {  	[sflag:s0] =	ssyncset.done $0x0  }
.Ltmp4:
0x101: {  	s28 =	sadd.s32 s28, s14;
	[sflag:s0] =	ssyncadd.s32 $0xFFFFFF80;
	(pc) =	sbr.rel @p0 .LBB2_5-.Ltmp4, $4  }
0x102: {  	[tilespmem:s7], [sflag:$0x5] =	stream.linear.gather [hbm4b:s28+s1], $0x80, $0x38;
	[tilespmem:$0x1FE80] =	vst v63  }
0x103: {  	_ =	swait.ge [sflag:s0], $0x80  }
0x104: {  	[sflag:s0] =	ssyncset.done $0x0  }
0x105: {  	[sflag:s0] =	ssyncadd.s32 $0xFFFFFF80  }
0x106: {  	[tilespmem:s8], [sflag:$0x1] =	stream.indirect.gather [hbm4b:s22+s7], $0x80, s1, s7, $0xb8;
	[tilespmem:$0x1FE80] =	vst v63  }
0x107: {  	_ =	swait.ge [sflag:s5], $0x4000  }
0x108: {  	[sflag:s5] =	ssyncset.done $0x0  }
0x109: {  	[sflag:s5] =	ssyncadd.s32 $0xFFFFC000  }
0x10a: {  	[spmem:s20] =	stream.indirect.scatter.add.f32 [tilespmem:s8], [sflag:$0x3], $0x80, s7, s7, $0xb8;
	[tilespmem:$0x1FE80] =	vst v63  }
0x10b: {  	p0 =	seq.s32 s23, $0x0;
	_ =	swait.ge [sflag:s29], $0x4000  }
.Ltmp5:
0x10c: {  	[sflag:s29] =	ssyncset.done $0x0;
	(pc) =	sbr.rel @p0 .LBB2_12-.Ltmp5, $4  }
0x10d: {  	[sflag:s29] =	ssyncadd.s32 $0xFFFFC000  }
0x10e: {  	_ =	swait.ge [sflag:s25], $0x4000  }
0x10f: {  	[sflag:s25] =	ssyncset.done $0x0  }
0x110: {  	s30 =	stileid.u32;
	[sflag:s25] =	ssyncadd.s32 $0xFFFFC000  }
.LBB2_7:
0x111: {  	s23 =	simm.s32 $0x0;
	s26 =	simm.s32 $0x200  }
.LBB2_8:
0x112: {  	p0 =	sne.s32 s26, $0xFE00;
	[tilespmem:s23+$0x8270] =	vst v1  }
0x113: {  	[tilespmem:s23+$0x8200] =	vst v1  }
0x114: {  	[tilespmem:s23+$0x8210] =	vst v1  }
.Ltmp6:
0x115: {  	[tilespmem:s23+$0x8220] =	vst v1;
	(pc) =	sbr.rel @p0 .LBB2_8-.Ltmp6, $4  }
0x116: {  	[tilespmem:s23+$0x8230] =	vst v1  }
0x117: {  	[tilespmem:s23+$0x8240] =	vst v1  }
0x118: {  	[tilespmem:s23+$0x8250] =	vst v1  }
0x119: {  	[tilespmem:s23+$0x8260] =	vst v1;
	s23 =	sshra.s32 s26, $0x2;
	s26 =	sadd.s32 $0x200, s26  }
0x11a: {  	[tilespmem:s23+$0x8270] =	vst v1  }
0x11b: {  	[tilespmem:s23+$0x8200] =	vst v1  }
0x11c: {  	[tilespmem:s23+$0x8210] =	vst v1  }
0x11d: {  	[tilespmem:s23+$0x8220] =	vst v1  }
0x11e: {  	[tilespmem:s23+$0x8230] =	vst v1  }
0x11f: {  	[tilespmem:s23+$0x8240] =	vst v1  }
0x120: {  	[tilespmem:s23+$0x8250] =	vst v1  }
0x121: {  	[tilespmem:s23+$0x8260] =	vst v1  }
0x122: {  	[tilespmem:s7], [sflag:$0x5] =	stream.linear.gather [hbm4b:s3+s1], $0x80, $0x38;
	[tilespmem:$0x1FE80] =	vst v63  }
0x123: {  	_ =	swait.ge [sflag:s0], $0x80  }
0x124: {  	[sflag:s0] =	ssyncset.done $0x0  }
0x125: {  	[sflag:s0] =	ssyncadd.s32 $0xFFFFFF80  }
0x126: {  	[spmem:s20] =	stream.indirect.scatter.add.f32 [tilespmem:s4], [sflag:$0x3], $0x80, s7, s7, $0xb8;
	[tilespmem:$0x1FE80] =	vst v63  }
0x127: {  	s28 =	rddreg [dreg:$0x11]  }
0x128: {  	[tilespmem:s6], [sflag:$0x5] =	stream.linear.gather [hbm4b:s28+s1], $0x80, $0x38;
	[tilespmem:$0x1FE80] =	vst v63  }
0x129: {  	_ =	swait.ge [sflag:s0], $0x80  }
0x12a: {  	[sflag:s0] =	ssyncset.done $0x0  }
0x12b: {  	[sflag:s0] =	ssyncadd.s32 $0xFFFFFF80  }
0x12c: {  	[spmem:s20] =	stream.indirect.scatter.add.f32 [tilespmem:s4], [sflag:$0x4], $0x80, s6, s7, $0xb8;
	[tilespmem:$0x1FE80] =	vst v63  }
0x12d: {  	_ =	swait.ge [sflag:s25], $0x4000  }
0x12e: {  	s31 =	sadd.s32 $0xFFFFFB40, s21;
	[sflag:s25] =	ssyncset.done $0x0  }
0x12f: {  	s26 =	sadd.s32 $0x4E0, s31;
	[sflag:s25] =	ssyncadd.s32 $0xFFFFC000  }
0x130: {  	[tilespmem:s7], [sflag:$0x5] =	stream.linear.gather [hbm4b:s26+s1], $0x80, $0x38;
	[tilespmem:$0x1FE80] =	vst v63  }
0x131: {  	_ =	swait.ge [sflag:s0], $0x80  }
0x132: {  	[sflag:s0] =	ssyncset.done $0x0  }
0x133: {  	[sflag:s0] =	ssyncadd.s32 $0xFFFFFF80  }
0x134: {  	[spmem:s20] =	stream.indirect.scatter.add.f32 [tilespmem:s4], [sflag:$0x3], $0x80, s7, s7, $0xb8;
	[tilespmem:$0x1FE80] =	vst v63  }
0x135: {  	_ =	swait.ge [sflag:s29], $0x4000  }
0x136: {  	[sflag:s29] =	ssyncset.done $0x0  }
0x137: {  	s23 =	sadd.s32 $0x4F0, s31;
	[sflag:s29] =	ssyncadd.s32 $0xFFFFC000  }
0x138: {  	[tilespmem:s6], [sflag:$0x5] =	stream.linear.gather [hbm4b:s23+s1], $0x80, $0x38;
	[tilespmem:$0x1FE80] =	vst v63  }
0x139: {  	_ =	swait.ge [sflag:s0], $0x80  }
0x13a: {  	[sflag:s0] =	ssyncset.done $0x0  }
0x13b: {  	s23 =	simm.s32 $0xFFFFFB60;
	[sflag:s0] =	ssyncadd.s32 $0xFFFFFF80  }
.LBB2_10:
0x13c: {  	[spmem:s20] =	stream.indirect.scatter.add.f32 [tilespmem:s4], [sflag:$0x4], $0x80, s6, s7, $0xb8;
	[tilespmem:$0x1FE80] =	vst v63  }
0x13d: {  	s26 =	smov.u32 s23  }
0x13e: {  	p0 =	sne.s32 s23, $0xFFFFFFE0;
	s23 =	sadd.s32 $0x20, s23;
	_ =	swait.ge [sflag:s25], $0x4000  }
0x13f: {  	s26 =	sadd.s32 s26, s21;
	[sflag:s25] =	ssyncset.done $0x0  }
0x140: {  	s28 =	sadd.s32 $0x4E0, s26;
	[sflag:s25] =	ssyncadd.s32 $0xFFFFC000  }
0x141: {  	[tilespmem:s7], [sflag:$0x5] =	stream.linear.gather [hbm4b:s28+s1], $0x80, $0x38;
	[tilespmem:$0x1FE80] =	vst v63  }
0x142: {  	_ =	swait.ge [sflag:s0], $0x80  }
0x143: {  	[sflag:s0] =	ssyncset.done $0x0  }
0x144: {  	[sflag:s0] =	ssyncadd.s32 $0xFFFFFF80  }
0x145: {  	[spmem:s20] =	stream.indirect.scatter.add.f32 [tilespmem:s4], [sflag:$0x3], $0x80, s7, s7, $0xb8;
	[tilespmem:$0x1FE80] =	vst v63  }
0x146: {  	_ =	swait.ge [sflag:s29], $0x4000  }
0x147: {  	[sflag:s29] =	ssyncset.done $0x0  }
.Ltmp7:
0x148: {  	s26 =	sadd.s32 $0x4F0, s26;
	[sflag:s29] =	ssyncadd.s32 $0xFFFFC000;
	(pc) =	sbr.rel @p0 .LBB2_10-.Ltmp7, $4  }
0x149: {  	[tilespmem:s6], [sflag:$0x5] =	stream.linear.gather [hbm4b:s26+s1], $0x80, $0x38;
	[tilespmem:$0x1FE80] =	vst v63  }
0x14a: {  	_ =	swait.ge [sflag:s0], $0x80  }
0x14b: {  	[sflag:s0] =	ssyncset.done $0x0  }
0x14c: {  	[sflag:s0] =	ssyncadd.s32 $0xFFFFFF80  }
.Ltmp8:
0x14d: {  	_ = 	snop;
	(pc) =	sbr.rel .LBB2_11-.Ltmp8, $1  }
0x14e: {  	_ =	sdelay $0x3  }
.LBB2_13:
0x14f: {  	_ =	sfence.sel $0x180000  }
0x150: {  	[bflag:$0x0] =	sbarrier.arrive $0xFFFF  }
0x151: {  	_ =	strace $0x9000004D  }
0x152: {  	[bflag:$0x2] =	sbarrier.arrive $0xFFFF  }
0x153: {  	p0 =	sne.s32 s30, $0x0;
	s0 =	rddreg [dreg:$0x4]  }
0x154: {  	s0 =	sadd.s32 @!p0 $0x100000, s0  }
0x155: {  	[sflag:s0] =	ssyncadd.tile.s32 @!p0 $0x1;
	_ =	shalt  }
.Lfunc_end2:
_tile_overlayer_lowered:
.L_overlay_start_2:
0x156: {  	(tag) =	ssettag $0x2  }
0x157: {  	s0 =	rddreg [dreg:$0x0];
	s2 =	stileid.u32  }
0x158: {  	s1 =	rddreg [dreg:$0x1];
	p0 =	sne.s32 s2, $0x0  }
0x159: {  	s3 =	rddreg [dreg:$0x2];
	[bflag:$0x3] =	sbarrier.arrive $0xFFFF;
	s2 =	simm.s32 @!p0 $0x1C01  }
0x15a: {  	[timem:s3], [sflag:s2] =	dma.local @!p0 [hbm:s0], s1  }
0x15b: {  	s0 =	simm.s32 @!p0 $0x1  }
0x15c: {  	_ =	swait.ge @!p0 [sflag:s0], s1  }
0x15d: {  	s1 =	ssub.s32 @!p0 $0x0, s1;
	[sflag:s0] =	ssyncset.done @!p0 $0x0  }
0x15e: {  	[sflag:s0] =	ssyncadd.s32 @!p0 s1  }
0x15f: {  	[bflag:$0x3] =	sbarrier.arrive $0xFFFF  }
0x160: {  	_ =	shalt  }

// kernel: kernel.18.cloned.1.call-start
scs
__scs_entry_jumppad:
0x0: {  	(pc) =	sbr.rel $0x88, $3  }
0x1: {  	(tag) =	ssettag $0x0;
	lr =	simm.s32 $0x1  }
0x2: {  	[smem:$0x3F9A] =	sst lr;
	_ =	strace $0xD0000000  }
0x3: {  	_ = 	snop  }
0x4: {  	_ = 	snop  }
0x5: {  	_ = 	snop  }
0x6: {  	_ = 	snop  }
0x7: {  	_ = 	snop  }
__scs_overlays_trampoline_lowered:
0x8: {  	[smem:$0x3FA9] =	sst s0  }
0x9: {  	[smem:$0x3FAA] =	sst s1  }
0xa: {  	[smem:$0x3FAB] =	sst s2  }
0xb: {  	[smem:$0x3FAC] =	sst s3  }
0xc: {  	[smem:$0x3FAD] =	sst s4  }
0xd: {  	[smem:$0x3FAE] =	sst s5  }
0xe: {  	[smem:$0x3FAF] =	sst s6  }
0xf: {  	[smem:$0x3FB0] =	sst s7  }
0x10: {  	[smem:$0x3FB1] =	sst s8  }
0x11: {  	[smem:$0x3FB2] =	sst s9;
	s0 =	simm.s32 @!p0 $0x0  }
0x12: {  	s1 =	sld [smem:$0x3F98];
	s0 =	simm.s32 @p0 $0x1  }
0x13: {  	[smem:$0x3FB3] =	sst s0;
	s0 =	simm.s32 @!p1 $0x0  }
0x14: {  	s2 =	sld [smem:$0x3F97];
	s0 =	simm.s32 @p1 $0x1  }
0x15: {  	[smem:$0x3FB4] =	sst s0;
	s0 =	simm.s32 @!p2 $0x0  }
0x16: {  	s3 =	sld [smem:$0x3FDB];
	s0 =	simm.s32 @p2 $0x1  }
0x17: {  	s4 =	simm.s32 $0x1BF5;
	[smem:$0x3FB6] =	sst s0  }
0x18: {  	s0 =	sld [smem:$0x3F99];
	_ =	swait.ge [sflag:s4], $0x0  }
0x19: {  	s7 =	sld [smem:$0x3F9A]  }
0x1a: {  	s8 =	sadd.s32 $0xFFFFE003, lr  }
0x1b: {  	s9 =	sadd.s32 $0xFFFFFEF7, lr;
	s5 =	simm.s32 $0xFFFFFFFF;
	p2 =	slt.u32 s8, $0xFFFFF086  }
0x1c: {  	p1 =	slt.u32 s9, $0xF7A;
	s5 =	simm.s32 @!p2 $0x0  }
0x1d: {  	s5 =	simm.s32 @p1 $0x1;
	p0 =	seq.s32 s7, s2  }
0x1e: {  	s7 =	smul.u32 @!p0 $0xF7A, s2;
	p2 =	seq.s32 @!p0 s5, $0x0  }
0x1f: {  	s9 =	smul.u32 $0xF7A, s1;
	s8 =	simm.s32 @!p0 $0x1BF5;
	p2 =	por !p2, p0  }
0x20: {  	[sflag:s8] =	ssyncset.s32 @!p0 $0xFFFFF086;
	s6 =	sadd.s32 @!p0 s3, s7;
	s7 =	simm.s32 @!p0 $0x108  }
0x21: {  	s3 =	sadd.s32 s3, s9;
	s6 =	sadd.s32 @!p0 $0x88, s6;
	s7 =	simm.s32 @p2 $0x1082  }
0x22: {  	[simem:s7], [sflag:s8] =	dma.local @!p0 [hbm:s6], $0xF7A  }
0x23: {  	s9 =	sor.u32 $0xD0000000, s2;
	s6 =	simm.s32 $0x108;
	_ =	swait.ge @!p0 [sflag:s8], $0x0  }
0x24: {  	s3 =	sadd.s32 $0x88, s3;
	s6 =	simm.s32 @!p1 $0x1082;
	[sflag:s4] =	ssyncset.s32 $0xFFFFF086  }
0x25: {  	[simem:s6], [sflag:s4] =	dma.local [hbm:s3], $0xF7A  }
0x26: {  	[smem:$0x3F9A] =	sst s1;
	(tag) =	ssettag s2;
	_ =	strace s9  }
0x27: {  	s1 =	sld [smem:$0x3FAA]  }
0x28: {  	s2 =	sld [smem:$0x3FAB]  }
0x29: {  	s4 =	sld [smem:$0x3FAD]  }
0x2a: {  	p0 =	seq.s32 s5, $0x0;
	s5 =	sld [smem:$0x3FAE]  }
0x2b: {  	s6 =	sld [smem:$0x3FAF]  }
0x2c: {  	s7 =	sld [smem:$0x3FB0]  }
0x2d: {  	s3 =	simm.s32 $0x108;
	s8 =	sld [smem:$0x3FB1]  }
0x2e: {  	s3 =	simm.s32 @!p0 $0x1082;
	s9 =	sld [smem:$0x3FB2]  }
0x2f: {  	lr =	sadd.s32 s0, s3;
	s0 =	sld [smem:$0x3FA9]  }
0x30: {  	s3 =	sld [smem:$0x3FAC]  }
0x31: {  	[smem:$0x3FB5] =	sst s10  }
0x32: {  	s10 =	sld [smem:$0x3FB3];
	_ =	sdelay $0x3  }
0x33: {  	p0 =	seq.s32 s10, $0x1;
	s10 =	sld [smem:$0x3FB5];
	_ =	sdelay $0x3  }
0x34: {  	[smem:$0x3FB5] =	sst s10  }
0x35: {  	s10 =	sld [smem:$0x3FB4];
	_ =	sdelay $0x3  }
0x36: {  	p1 =	seq.s32 s10, $0x1;
	s10 =	sld [smem:$0x3FB5];
	_ =	sdelay $0x3  }
0x37: {  	[smem:$0x3FB5] =	sst s10  }
0x38: {  	s10 =	sld [smem:$0x3FB6]  }
0x39: {  	_ = 	snop;
	(pc) =	sbr.ind lr, $3  }
0x3a: {  	_ = 	snop  }
0x3b: {  	_ = 	snop  }
0x3c: {  	p2 =	seq.s32 s10, $0x1;
	s10 =	sld [smem:$0x3FB5]  }
0x3d: {  	_ =	shalt  }
0x3e: {  	_ =	shalt  }
0x3f: {  	_ =	shalt  }
0x40: {  	_ =	shalt  }
0x41: {  	_ =	shalt  }
0x42: {  	_ =	shalt  }
0x43: {  	_ =	shalt  }
0x44: {  	_ =	shalt  }
0x45: {  	_ =	shalt  }
0x46: {  	_ =	shalt  }
0x47: {  	_ =	shalt  }
0x48: {  	_ =	shalt  }
0x49: {  	_ =	shalt  }
0x4a: {  	_ =	shalt  }
0x4b: {  	_ =	shalt  }
0x4c: {  	_ =	shalt  }
0x4d: {  	_ =	shalt  }
0x4e: {  	_ =	shalt  }
0x4f: {  	_ =	shalt  }
0x50: {  	_ =	shalt  }
0x51: {  	_ =	shalt  }
0x52: {  	_ =	shalt  }
0x53: {  	_ =	shalt  }
0x54: {  	_ =	shalt  }
0x55: {  	_ =	shalt  }
0x56: {  	_ =	shalt  }
0x57: {  	_ =	shalt  }
0x58: {  	_ =	shalt  }
0x59: {  	_ =	shalt  }
0x5a: {  	_ =	shalt  }
0x5b: {  	_ =	shalt  }
0x5c: {  	_ =	shalt  }
0x5d: {  	_ =	shalt  }
0x5e: {  	_ =	shalt  }
0x5f: {  	_ =	shalt  }
0x60: {  	_ =	shalt  }
0x61: {  	_ =	shalt  }
0x62: {  	_ =	shalt  }
0x63: {  	_ =	shalt  }
0x64: {  	_ =	shalt  }
0x65: {  	_ =	shalt  }
0x66: {  	_ =	shalt  }
0x67: {  	_ =	shalt  }
0x68: {  	_ =	shalt  }
0x69: {  	_ =	shalt  }
0x6a: {  	_ =	shalt  }
0x6b: {  	_ =	shalt  }
0x6c: {  	_ =	shalt  }
0x6d: {  	_ =	shalt  }
0x6e: {  	_ =	shalt  }
0x6f: {  	_ =	shalt  }
0x70: {  	_ =	shalt  }
0x71: {  	_ =	shalt  }
0x72: {  	_ =	shalt  }
0x73: {  	_ =	shalt  }
0x74: {  	_ =	shalt  }
0x75: {  	_ =	shalt  }
0x76: {  	_ =	shalt  }
0x77: {  	_ =	shalt  }
0x78: {  	_ =	shalt  }
0x79: {  	_ =	shalt  }
0x7a: {  	_ =	shalt  }
0x7b: {  	_ =	shalt  }
0x7c: {  	_ =	shalt  }
0x7d: {  	_ =	shalt  }
0x7e: {  	_ =	shalt  }
0x7f: {  	_ =	shalt  }
0x80: {  	_ =	shalt  }
0x81: {  	_ =	shalt  }
0x82: {  	_ =	shalt  }
0x83: {  	_ =	shalt  }
0x84: {  	_ =	shalt  }
0x85: {  	_ =	shalt  }
0x86: {  	_ =	shalt  }
0x87: {  	_ =	shalt  }
.Lfunc_end0:
.L_simem_size_0:
called_computation.3_lowered:
.L_overlay_start_0:
0x88: {  	s2 =	sld [smem:$0x3FD9]  }
0x89: {  	s3 =	sld [smem:$0x3FFE];
	_ =	sdelay $0x1  }
0x8a: {  	s1 =	srdreg.scid  }
0x8b: {  	s0 =	sand.u32 $0x1, s1  }
0x8c: {  	s17 =	sshll.u32 s0, $0xA;
	s2 =	sadd.s32 s3, s2  }
0x8d: {  	s2 =	sadd.s32 s2, s17  }
0x8e: {  	[smem:$0x3FC1] =	sst s2  }
0x8f: {  	_ = 	snop  }
0x90: {  	s2 =	sld [smem:$0x3FC7]  }
0x91: {  	s18 =	sld [smem:$0x3FD0];
	(tm) =	ssettm $0x1  }
0x92: {  	s4 =	sld [smem:$0x3FFB];
	_ =	sdelay $0x3  }
0x93: {  	_ =	strace s4  }
0x94: {  	s4 =	sld [smem:$0x3FFC];
	_ =	sdelay $0x3  }
0x95: {  	_ =	strace s4  }
0x96: {  	s4 =	sld [smem:$0x3FFD];
	_ =	sdelay $0x3  }
0x97: {  	_ =	strace s4  }
0x98: {  	_ =	strace $0x8FFFFFFF  }
0x99: {  	s19 =	sld [smem:$0x3FDB];
	_ =	sdelay $0x1  }
0x9a: {  	s5 =	simm.s32 $_scs_section_size  }
0x9b: {  	s6 =	simm.s32 $_size__tile_overlayer_lowered;
	s7 =	simm.s32 $_tile_overlayer_lowered  }
0x9c: {  	s22 =	simm.s32 $0x1BFF;
	s21 =	sshll.u32 s7, $0x1;
	s4 =	sadd.s32 s5, s19  }
0x9d: {  	s8 =	simm.s32 $0x0;
	s20 =	sshll.u32 s6, $0x1;
	s6 =	sadd.s32 s21, s4  }
0x9e: {  	[timem:s8], [sflag:s22] =	dma.local [hbm:s6], s20  }
0x9f: {  	_ =	swait.ge [sflag:s22], s20  }
0xa0: {  	s5 =	ssub.s32 $0x0, s20;
	[sflag:s22] =	ssyncset.done $0x0  }
0xa1: {  	[sflag:s22] =	ssyncadd.s32 s5;
	_ =	sdelay $0x1  }
0xa2: {  	s23 =	simm.s32 $0x1B8B  }
0xa3: {  	_ =	swait.ge [sflag:s23], $0x1  }
0xa4: {  	[sflag:s23] =	ssyncset.done $0x0  }
0xa5: {  	s25 =	simm.s32 $0x1B8E;
	s24 =	sld [smem:$0x3FFE];
	[sflag:s23] =	ssyncadd.s32 $0xFFFFFFFF  }
0xa6: {  	s26 =	simm.s32 $execute0_lowered;
	[smem:$0x3FD2] =	sst s25  }
0xa7: {  	s6 =	sshll.u32 s26, $0x1;
	_ =	strace $0x8000004F;
	[dreg:$0x1] =	wrdreg $0xFFFFFFFF  }
0xa8: {  	s28 =	simm.s32 $_size_execute0_lowered;
	s4 =	sadd.s32 s4, s6;
	[dreg:$0x0] =	wrdreg $0x0  }
0xa9: {  	s6 =	sshll.u32 s28, $0x1;
	[dreg:$0x2] =	wrdreg s4  }
0xaa: {  	[dreg:$0x3] =	wrdreg s6  }
0xab: {  	[dreg:$0x4] =	wrdreg $0xC0  }
0xac: {  	_ =	task [dreg:s8], $0x5FFFF  }
0xad: {  	[dreg:$0x1] =	wrdreg $0xFFFFFFFF  }
0xae: {  	[dreg:$0x0] =	wrdreg $0x60  }
0xaf: {  	[dreg:$0x2] =	wrdreg s24  }
0xb0: {  	[dreg:$0x3] =	wrdreg s18  }
0xb1: {  	[dreg:$0x4] =	wrdreg s2  }
0xb2: {  	[dreg:$0x5] =	wrdreg $0xC2000  }
0xb3: {  	[dreg:$0x6] =	wrdreg $0x9  }
0xb4: {  	_ =	task.clear_ibuf [dreg:s8], $0x7FFFF;
	_ =	strace $0x9000004F  }
0xb5: {  	s29 =	simm.s32 $0x9;
	_ =	strace $0x80000051  }
0xb6: {  	_ =	swait.ge [sflag:s29], $0x1  }
0xb7: {  	[sflag:s29] =	ssyncadd.s32 $0xFFFFFFFF  }
0xb8: {  	_ =	strace $0x90000051  }
0xb9: {  	_ =	sfence  }
0xba: {  	s30 =	sld [smem:$0x0];
	_ =	sdelay $0x2  }
0xbb: {  	s31 =	sshll.u32 s1, $0xD;
	s1 =	sshrl.u32 s1, $0x2  }
0xbc: {  	s3 =	sand.u32 $0x4000, s31;
	s1 =	sadd.s32 s1, s30  }
0xbd: {  	s0 =	sor.u32 s3, s0;
	s1 =	sshll.u32 s1, $0x11  }
0xbe: {  	s0 =	sor.u32 s1, s0  }
0xbf: {  	s0 =	sadd.s32 $0x8F2B, s0  }
0xc0: {  	[sflag:s0] =	ssyncadd.remote.s32 $0x1  }
0xc1: {  	_ =	sfence.sel $0xFFFF  }
0xc2: {  	[dreg:$0x0] =	wrdreg $0xFFFFFFFF;
	(pc) =	sbr.abs _section_cstart, $3  }
0xc3: {  	[dreg:$0x1] =	wrdreg $0xFFFFFFFF  }
0xc4: {  	_ =	task.clear_ibuf [dreg:s8], $0x2FFFF;
	_ =	strace $0x9FFFFFFF  }
0xc5: {  	(tm) =	ssettm $0x7FFFFFFF  }
tec
execute0_lowered:
.L_overlay_start_1:
0x0: {  	(tag) =	ssettag $0x1  }
0x1: {  	s30 =	stileid.u32  }
0x2: {  	s0 =	srdreg.scid;
	s4 =	smul.u32 $0x13C00, s30  }
0x3: {  	s2 =	sand.u32 $0x1, s0;
	s1 =	sshll.u32 s30, $0x1;
	s20 =	smul.u32 $0x9E, s30  }
0x4: {  	s3 =	smul.u32 $0x13C000, s2;
	s5 =	sor.u32 s2, s1  }
0x5: {  	s7 =	smul.u32 $0x2780, s5  }
0x6: {  	s6 =	rddreg [dreg:$0x1];
	s29 =	simm.s32 $0x4;
	s8 =	smul.u32 $0x380, s5  }
0x7: {  	s0 =	rddreg [dreg:$0x0];
	s1 =	simm.s32 $0x0;
	s25 =	smul.u32 $0x4F0, s5  }
0x8: {  	s9 =	sadd.s32 $0x3400, s0;
	s10 =	sadd.s32 $0x2E00, s0;
	s28 =	smul.u32 $0x3, s5  }
0x9: {  	s23 =	ssub.s32 $0x2, s2;
	s12 =	sadd.s32 $0x34C00, s0;
	s16 =	smul.u32 $0x30, s5  }
0xa: {  	[smem:$0x7FF] =	sst s1;
	s13 =	sshrl.u32 s23, $0x1;
	s5 =	smul.u32 $0x1800, s5  }
0xb: {  	s4 =	sadd.s32 s4, s3;
	s11 =	sand.u32 $0x7FC00, s7;
	s8 =	sand.u32 $0x380, s8  }
0xc: {  	s7 =	sshrl.u32 s7, $0x3;
	s14 =	sadd.s32 $0x10, s25;
	s31 =	sadd.s32 $0x20, s25  }
0xd: {  	s19 =	sadd.s32 $0x1, s28;
	s16 =	sadd.s32 s10, s16;
	s5 =	sadd.s32 s12, s5  }
0xe: {  	s8 =	sor.u32 s8, s11;
	s11 =	ssub.s32 s23, s13;
	[dreg:$0xa] =	wrdreg s16  }
0xf: {  	s7 =	sadd.s32 s6, s7;
	s15 =	sadd.s32 s9, s14;
	[dreg:$0xb] =	wrdreg s5  }
0x10: {  	s14 =	sadd.s32 s6, s14;
	s17 =	sadd.s32 s9, s31;
	[dreg:$0x6] =	wrdreg s15  }
0x11: {  	s18 =	sadd.s32 s6, s31;
	s22 =	sshll.u32 s19, $0xB;
	[dreg:$0x7] =	wrdreg s14  }
0x12: {  	s13 =	sadd.s32 $0x2, s28;
	s31 =	smul.u32 $0x9E0, s30;
	[dreg:$0x8] =	wrdreg s17  }
0x13: {  	s24 =	sshrl.u32 s8, $0x3;
	[dreg:$0x9] =	wrdreg s18;
	s8 =	sadd.s32 s6, s25  }
0x14: {  	s17 =	sshll.u32 s19, $0x4;
	s18 =	smul.u32 $0x4F, s2;
	s5 =	sadd.s32 s12, s22  }
0x15: {  	s25 =	sshll.u32 s13, $0xB;
	s2 =	smul.u32 $0x4F0, s2;
	s19 =	rddreg [dreg:$0x2]  }
0x16: {  	s22 =	sadd.s32 $0xD400, s0;
	s26 =	sadd.s32 s9, s24;
	[dreg:$0xd] =	wrdreg s5  }
0x17: {  	s3 =	sadd.s32 s6, s24;
	s21 =	sadd.s32 s10, s17;
	[dreg:$0x5] =	wrdreg s26  }
0x18: {  	s24 =	sshll.u32 s13, $0x4;
	[dreg:$0xc] =	wrdreg s21;
	s23 =	sadd.s32 s18, s20  }
0x19: {  	s5 =	sadd.s32 s10, s24;
	s20 =	rddreg [dreg:$0x3];
	s10 =	smul.u32 $0x4F000, s30  }
0x1a: {  	s18 =	sadd.s32 $0x10, s7;
	s7 =	simm.s32 $0x80;
	s15 =	sshll.u32 s23, $0x4  }
0x1b: {  	[dreg:$0xe] =	wrdreg s5;
	s5 =	sadd.s32 s12, s25;
	s12 =	sshrl.u32 s4, $0x3  }
0x1c: {  	s25 =	smax.u32 s11, $0x1;
	s4 =	simm.s32 $0x8200;
	s11 =	simm.s32 $0x2  }
0x1d: {  	s26 =	sadd.s32 $0x40, s15;
	[dreg:$0xf] =	wrdreg s5;
	s28 =	sadd.s32 $0x30, s15  }
0x1e: {  	s13 =	sshrl.u32 s10, $0x2;
	s5 =	simm.s32 $0x1;
	s10 =	simm.s32 $0x4200  }
0x1f: {  	s14 =	sadd.s32 s26, s6;
	s15 =	sadd.s32 s26, s9;
	s16 =	sadd.s32 s28, s9  }
0x20: {  	s17 =	sadd.s32 s28, s6;
	_ =	strace $0x80000050;
	[dreg:$0x11] =	wrdreg s18  }
0x21: {  	s9 =	sadd.s32 s31, s6;
	s24 =	sadd.s32 s13, s20;
	[dreg:$0x13] =	wrdreg s25  }
0x22: {  	s26 =	sadd.s32 $0x4E0, s8;
	s6 =	simm.s32 $0x180;
	s25 =	simm.s32 $0x3  }
0x23: {  	s8 =	simm.s32 $0x200;
	s21 =	sadd.s32 s2, s9;
	s2 =	sadd.s32 s12, s0  }
.Ltmp0:
0x24: {  	s0 =	sadd.s32 $0xD200, s0;
	[dreg:$0x14] =	wrdreg s26;
	(pc) =	sbr.rel .LBB2_1-.Ltmp0, $4  }
0x25: {  	s28 =	sadd.s32 $0x10000, s24;
	s31 =	sadd.s32 $0x4000, s24;
	[dreg:$0x10] =	wrdreg s0  }
0x26: {  	s18 =	sadd.s32 $0x8000, s24;
	s9 =	simm.s32 $0x100;
	[dreg:$0x15] =	wrdreg s28  }
0x27: {  	s12 =	simm.s32 $0x0;
	s23 =	sadd.s32 $0x64C00, s2;
	[dreg:$0x16] =	wrdreg s31  }
0x28: {  	v0 =	vimm.f32 $0.0e+00;
	v1 =	vimm.f32 $1.000000000e+00;
	s2 =	sadd.s32 $0xC000, s24;
	s0 =	simm.s32 $0x5;
	[dreg:$0x12] =	wrdreg s23  }
.LBB2_11:
0x29: {  	[spmem:s20] =	stream.indirect.scatter.add.f32 [tilespmem:s4], [sflag:$0x4], $0x80, s6, s7, $0xb8;
	[tilespmem:$0x1FE80] =	vst v63  }
0x2a: {  	_ =	swait.ge [sflag:s25], $0x4000  }
0x2b: {  	[sflag:s25] =	ssyncset.done $0x0  }
0x2c: {  	s23 =	rddreg [dreg:$0x14];
	[sflag:s25] =	ssyncadd.s32 $0xFFFFC000  }
0x2d: {  	[tilespmem:s7], [sflag:$0x5] =	stream.linear.gather [hbm4b:s23+s1], $0x80, $0x38;
	[tilespmem:$0x1FE80] =	vst v63  }
0x2e: {  	_ =	swait.ge [sflag:s0], $0x80  }
0x2f: {  	[sflag:s0] =	ssyncset.done $0x0  }
0x30: {  	[sflag:s0] =	ssyncadd.s32 $0xFFFFFF80  }
0x31: {  	[spmem:s20] =	stream.indirect.scatter.add.f32 [tilespmem:s4], [sflag:$0x3], $0x80, s7, s7, $0xb8;
	[tilespmem:$0x1FE80] =	vst v63  }
0x32: {  	_ =	swait.ge [sflag:s29], $0x4000  }
0x33: {  	[sflag:s29] =	ssyncset.done $0x0  }
0x34: {  	[sflag:s29] =	ssyncadd.s32 $0xFFFFC000  }
0x35: {  	_ =	swait.ge [sflag:s25], $0x4000  }
0x36: {  	[sflag:s25] =	ssyncset.done $0x0  }
0x37: {  	[sflag:s25] =	ssyncadd.s32 $0xFFFFC000  }
.LBB2_12:
0x38: {  	s13 =	sand.u32 $0x2, s13  }
0x39: {  	p0 =	seq.s32 s13, $0x0  }
0x3a: {  	s23 =	rddreg [dreg:$0xa];
	s13 =	simm.s32 @!p0 $0x0  }
0x3b: {  	[tilespmem:s13], [sflag:$0x1] =	stream.linear.gather @!p0 [hbm4b:s23+s13], $0x80, $0x38;
	[tilespmem:$0x1FE80] =	vst v63  }
0x3c: {  	s23 =	simm.s32 @!p0 $0x1  }
0x3d: {  	_ =	swait.ge @!p0 [sflag:s23], $0x80  }
0x3e: {  	[sflag:s23] =	ssyncset.done @!p0 $0x0  }
0x3f: {  	s26 =	simm.s32 @!p0 $0x80;
	s28 =	simm.s32 @!p0 $0x200;
	[sflag:s23] =	ssyncadd.s32 @!p0 $0xFFFFFF80  }
0x40: {  	[tilespmem:s28], [sflag:$0x1] =	stream.indirect.gather @!p0 [hbm4b:s19+s26], $0x80, s13, s26, $0xb8;
	[tilespmem:$0x1FE80] =	vst v63  }
0x41: {  	_ =	swait.ge @!p0 [sflag:s23], $0x4000  }
0x42: {  	[sflag:s23] =	ssyncset.done @!p0 $0x0  }
0x43: {  	s31 =	rddreg [dreg:$0xb];
	[sflag:s23] =	ssyncadd.s32 @!p0 $0xFFFFC000  }
0x44: {  	[hbm4b:s31+s13] =	stream.linear.scatter @!p0 [tilespmem:s28], [sflag:$0x1], $0x4000, $0x38;
	[tilespmem:$0x1FE80] =	vst v63  }
0x45: {  	_ =	swait.ge @!p0 [sflag:s23], $0x4000  }
0x46: {  	[sflag:s23] =	ssyncset.done @!p0 $0x0  }
0x47: {  	s31 =	rddreg [dreg:$0xc];
	[sflag:s23] =	ssyncadd.s32 @!p0 $0xFFFFC000  }
0x48: {  	[tilespmem:s13], [sflag:$0x1] =	stream.linear.gather @!p0 [hbm4b:s31+s13], $0x80, $0x38;
	[tilespmem:$0x1FE80] =	vst v63  }
0x49: {  	_ =	swait.ge @!p0 [sflag:s23], $0x80  }
0x4a: {  	[sflag:s23] =	ssyncset.done @!p0 $0x0  }
0x4b: {  	[sflag:s23] =	ssyncadd.s32 @!p0 $0xFFFFFF80  }
0x4c: {  	[tilespmem:s28], [sflag:$0x1] =	stream.indirect.gather @!p0 [hbm4b:s19+s26], $0x80, s13, s26, $0xb8;
	[tilespmem:$0x1FE80] =	vst v63  }
0x4d: {  	_ =	swait.ge @!p0 [sflag:s23], $0x4000  }
0x4e: {  	[sflag:s23] =	ssyncset.done @!p0 $0x0  }
0x4f: {  	s31 =	rddreg [dreg:$0xd];
	[sflag:s23] =	ssyncadd.s32 @!p0 $0xFFFFC000  }
0x50: {  	[hbm4b:s31+s13] =	stream.linear.scatter @!p0 [tilespmem:s28], [sflag:$0x1], $0x4000, $0x38;
	[tilespmem:$0x1FE80] =	vst v63  }
0x51: {  	_ =	swait.ge @!p0 [sflag:s23], $0x4000  }
0x52: {  	[sflag:s23] =	ssyncset.done @!p0 $0x0  }
0x53: {  	s31 =	rddreg [dreg:$0xe];
	[sflag:s23] =	ssyncadd.s32 @!p0 $0xFFFFC000  }
0x54: {  	[tilespmem:s13], [sflag:$0x1] =	stream.linear.gather @!p0 [hbm4b:s31+s13], $0x80, $0x38;
	[tilespmem:$0x1FE80] =	vst v63  }
0x55: {  	_ =	swait.ge @!p0 [sflag:s23], $0x80  }
0x56: {  	[sflag:s23] =	ssyncset.done @!p0 $0x0  }
0x57: {  	[sflag:s23] =	ssyncadd.s32 @!p0 $0xFFFFFF80  }
0x58: {  	[tilespmem:s28], [sflag:$0x1] =	stream.indirect.gather @!p0 [hbm4b:s19+s26], $0x80, s13, s26, $0xb8;
	[tilespmem:$0x1FE80] =	vst v63  }
0x59: {  	_ =	swait.ge @!p0 [sflag:s23], $0x4000  }
0x5a: {  	[sflag:s23] =	ssyncset.done @!p0 $0x0  }
0x5b: {  	s26 =	rddreg [dreg:$0xf];
	[sflag:s23] =	ssyncadd.s32 @!p0 $0xFFFFC000  }
0x5c: {  	[hbm4b:s26+s13] =	stream.linear.scatter @!p0 [tilespmem:s28], [sflag:$0x1], $0x4000, $0x38;
	[tilespmem:$0x1FE80] =	vst v63  }
0x5d: {  	_ =	swait.ge @!p0 [sflag:s23], $0x4000  }
0x5e: {  	[sflag:s23] =	ssyncset.done @!p0 $0x0  }
0x5f: {  	[sflag:s23] =	ssyncadd.s32 @!p0 $0xFFFFC000  }
0x60: {  	s23 =	sshll.u32 s30, $0x6;
	[bflag:$0x0] =	sbarrier.arrive $0xFFFF  }
0x61: {  	s26 =	sshrl.u32 s24, $0x3;
	s13 =	sor.u32 $0x1C01, s23;
	s28 =	rddreg [dreg:$0x12]  }
0x62: {  	[hbm:s28], [sflag:s13] =	dma.local [spmem:s26], $0x2780  }
0x63: {  	_ =	swait.ge [sflag:s5], $0x2780  }
0x64: {  	s12 =	sadd.s32 $0x1, s12;
	s31 =	rddreg [dreg:$0x13]  }
0x65: {  	p0 =	sne.s32 s12, s31  }
.Ltmp1:
0x66: {  	_ = 	snop;
	(pc) =	sbr.rel @!p0 .LBB2_13-.Ltmp1, $3  }
0x67: {  	_ =	sdelay $0x1  }
0x68: {  	[sflag:s5] =	ssyncset.done $0x0  }
0x69: {  	[sflag:s5] =	ssyncadd.s32 $0xFFFFD880  }
.LBB2_1:
0x6a: {  	s13 =	simm.s32 $0x0;
	s23 =	simm.s32 $0x200  }
.LBB2_2:
0x6b: {  	p0 =	sne.s32 s23, $0xFE00;
	[tilespmem:s13+$0x8270] =	vst v0  }
0x6c: {  	[tilespmem:s13+$0x8200] =	vst v0  }
0x6d: {  	[tilespmem:s13+$0x8210] =	vst v0  }
.Ltmp2:
0x6e: {  	[tilespmem:s13+$0x8220] =	vst v0;
	(pc) =	sbr.rel @p0 .LBB2_2-.Ltmp2, $4  }
0x6f: {  	[tilespmem:s13+$0x8230] =	vst v0  }
0x70: {  	[tilespmem:s13+$0x8240] =	vst v0  }
0x71: {  	[tilespmem:s13+$0x8250] =	vst v0  }
0x72: {  	[tilespmem:s13+$0x8260] =	vst v0;
	s13 =	sshra.s32 s23, $0x2;
	s23 =	sadd.s32 $0x200, s23  }
0x73: {  	[tilespmem:s13+$0x8270] =	vst v0  }
0x74: {  	[tilespmem:s13+$0x8200] =	vst v0  }
0x75: {  	[tilespmem:s13+$0x8210] =	vst v0  }
0x76: {  	[tilespmem:s13+$0x8220] =	vst v0  }
0x77: {  	[tilespmem:s13+$0x8230] =	vst v0  }
0x78: {  	[tilespmem:s13+$0x8240] =	vst v0  }
0x79: {  	[tilespmem:s13+$0x8250] =	vst v0  }
0x7a: {  	[tilespmem:s13+$0x8260] =	vst v0  }
0x7b: {  	[spmem:s24] =	stream.linear.scatter [tilespmem:s4], [sflag:$0x1], $0x4000, $0x38;
	[tilespmem:$0x1FE80] =	vst v63  }
0x7c: {  	_ =	swait.ge [sflag:s5], $0x4000  }
0x7d: {  	[sflag:s5] =	ssyncset.done $0x0  }
0x7e: {  	s26 =	rddreg [dreg:$0x16];
	[sflag:s5] =	ssyncadd.s32 $0xFFFFC000  }
0x7f: {  	[spmem:s26] =	stream.linear.scatter [tilespmem:s4], [sflag:$0x1], $0x4000, $0x38;
	[tilespmem:$0x1FE80] =	vst v63  }
0x80: {  	_ =	swait.ge [sflag:s5], $0x4000  }
0x81: {  	[sflag:s5] =	ssyncset.done $0x0  }
0x82: {  	[sflag:s5] =	ssyncadd.s32 $0xFFFFC000  }
0x83: {  	[spmem:s18] =	stream.linear.scatter [tilespmem:s4], [sflag:$0x1], $0x4000, $0x38;
	[tilespmem:$0x1FE80] =	vst v63  }
0x84: {  	_ =	swait.ge [sflag:s5], $0x4000  }
0x85: {  	[sflag:s5] =	ssyncset.done $0x0  }
0x86: {  	[sflag:s5] =	ssyncadd.s32 $0xFFFFC000  }
0x87: {  	[spmem:s2] =	stream.linear.scatter [tilespmem:s4], [sflag:$0x1], $0x4000, $0x38;
	[tilespmem:$0x1FE80] =	vst v63  }
0x88: {  	_ =	swait.ge [sflag:s5], $0x4000  }
0x89: {  	[sflag:s5] =	ssyncset.done $0x0  }
0x8a: {  	s28 =	rddreg [dreg:$0x15];
	[sflag:s5] =	ssyncadd.s32 $0xFFFFC000  }
0x8b: {  	[spmem:s28] =	stream.linear.scatter [tilespmem:s4], [sflag:$0x1], $0x3C00, $0x38;
	[tilespmem:$0x1FE80] =	vst v63  }
0x8c: {  	_ =	swait.ge [sflag:s5], $0x3C00  }
0x8d: {  	[sflag:s5] =	ssyncset.done $0x0  }
0x8e: {  	s23 =	simm.s32 $0x1FE00;
	s31 =	rddreg [dreg:$0x10];
	[sflag:s5] =	ssyncadd.s32 $0xFFFFC400  }
0x8f: {  	[tilespmem:s23], [sflag:$0x1] =	stream.linear.gather [hbm4b:s31+s1], $0x80, $0x38;
	[tilespmem:$0x1FE80] =	vst v63  }
0x90: {  	_ =	swait.ge [sflag:s5], $0x80  }
0x91: {  	[sflag:s5] =	ssyncset.done $0x0  }
0x92: {  	[sflag:s5] =	ssyncadd.s32 $0xFFFFFF80  }
0x93: {  	[bflag:$0x0] =	sbarrier.arrive $0xFFFF  }
0x94: {  	v2 =	vld [tilespmem:$0x1FE00];
	_ =	sdelay $0x4  }
0x95: {  	v2 =	vxor.u32 $0x80000000, v2  }
0x96: {  	(xrf0) =	vmax.scan.msk.u32 $0xffff, v2;
	_ =	sdelay $0x5  }
0x97: {  	v2, _, _ =	vpop (xrf0)  }
0x98: {  	(v2sf) =	vpush v2, $0xF;
	_ =	sdelay $0xe  }
0x99: {  	s13 =	spop (v2sf)  }
0x9a: {  	s23 =	sand.u32 $0x1, s13  }
0x9b: {  	p0 =	seq.s32 s23, $0x1  }
.Ltmp3:
0x9c: {  	_ = 	snop;
	(pc) =	sbr.rel @p0 .LBB2_7-.Ltmp3, $1  }
0x9d: {  	_ =	sdelay $0x3  }
0x9e: {  	s26 =	simm.s32 $0x0;
	s28 =	rddreg [dreg:$0x5]  }
0x9f: {  	[tilespmem:s26], [sflag:$0x5] =	stream.linear.gather [hbm4b:s28+s26], $0x80, $0x38;
	[tilespmem:$0x1FE80] =	vst v63  }
0xa0: {  	_ =	swait.ge [sflag:s0], $0x80  }
0xa1: {  	[sflag:s0] =	ssyncset.done $0x0  }
0xa2: {  	[sflag:s0] =	ssyncadd.s32 $0xFFFFFF80  }
0xa3: {  	[tilespmem:s7], [sflag:$0x5] =	stream.linear.gather [hbm4b:s3+s26], $0x80, $0x38;
	[tilespmem:$0x1FE80] =	vst v63  }
0xa4: {  	_ =	swait.ge [sflag:s0], $0x80  }
0xa5: {  	[sflag:s0] =	ssyncset.done $0x0  }
0xa6: {  	[sflag:s0] =	ssyncadd.s32 $0xFFFFFF80  }
0xa7: {  	[tilespmem:s8], [sflag:$0x1] =	stream.indirect.gather [hbm4b:s22+s7], $0x80, s26, s7, $0xb8;
	[tilespmem:$0x1FE80] =	vst v63  }
0xa8: {  	_ =	swait.ge [sflag:s5], $0x4000  }
0xa9: {  	[sflag:s5] =	ssyncset.done $0x0  }
0xaa: {  	[sflag:s5] =	ssyncadd.s32 $0xFFFFC000  }
0xab: {  	[spmem:s20] =	stream.indirect.scatter.add.f32 [tilespmem:s8], [sflag:$0x3], $0x80, s7, s7, $0xb8;
	[tilespmem:$0x1FE80] =	vst v63  }
0xac: {  	s31 =	rddreg [dreg:$0x6]  }
0xad: {  	[tilespmem:s9], [sflag:$0x5] =	stream.linear.gather [hbm4b:s31+s26], $0x80, $0x38;
	[tilespmem:$0x1FE80] =	vst v63  }
0xae: {  	_ =	swait.ge [sflag:s0], $0x80  }
0xaf: {  	[sflag:s0] =	ssyncset.done $0x0  }
0xb0: {  	s30 =	rddreg [dreg:$0x7];
	[sflag:s0] =	ssyncadd.s32 $0xFFFFFF80  }
0xb1: {  	[tilespmem:s6], [sflag:$0x5] =	stream.linear.gather [hbm4b:s30+s26], $0x80, $0x38;
	[tilespmem:$0x1FE80] =	vst v63  }
0xb2: {  	_ =	swait.ge [sflag:s0], $0x80  }
0xb3: {  	[sflag:s0] =	ssyncset.done $0x0  }
0xb4: {  	[sflag:s0] =	ssyncadd.s32 $0xFFFFFF80  }
0xb5: {  	[tilespmem:s10], [sflag:$0x2] =	stream.indirect.gather [hbm4b:s22+s7], $0x80, s9, s7, $0xb8;
	[tilespmem:$0x1FE80] =	vst v63  }
0xb6: {  	_ =	swait.ge [sflag:s11], $0x4000  }
0xb7: {  	[sflag:s11] =	ssyncset.done $0x0  }
0xb8: {  	[sflag:s11] =	ssyncadd.s32 $0xFFFFC000  }
0xb9: {  	[spmem:s20] =	stream.indirect.scatter.add.f32 [tilespmem:s10], [sflag:$0x4], $0x80, s6, s7, $0xb8;
	[tilespmem:$0x1FE80] =	vst v63  }
0xba: {  	_ =	swait.ge [sflag:s25], $0x4000  }
0xbb: {  	[sflag:s25] =	ssyncset.done $0x0  }
0xbc: {  	s31 =	rddreg [dreg:$0x8];
	[sflag:s25] =	ssyncadd.s32 $0xFFFFC000  }
0xbd: {  	[tilespmem:s26], [sflag:$0x5] =	stream.linear.gather [hbm4b:s31+s26], $0x80, $0x38;
	[tilespmem:$0x1FE80] =	vst v63  }
0xbe: {  	_ =	swait.ge [sflag:s0], $0x80  }
0xbf: {  	[sflag:s0] =	ssyncset.done $0x0  }
0xc0: {  	s30 =	rddreg [dreg:$0x9];
	[sflag:s0] =	ssyncadd.s32 $0xFFFFFF80  }
0xc1: {  	[tilespmem:s7], [sflag:$0x5] =	stream.linear.gather [hbm4b:s30+s26], $0x80, $0x38;
	[tilespmem:$0x1FE80] =	vst v63  }
0xc2: {  	_ =	swait.ge [sflag:s0], $0x80  }
0xc3: {  	[sflag:s0] =	ssyncset.done $0x0  }
0xc4: {  	[sflag:s0] =	ssyncadd.s32 $0xFFFFFF80  }
0xc5: {  	[tilespmem:s8], [sflag:$0x1] =	stream.indirect.gather [hbm4b:s22+s7], $0x80, s26, s7, $0xb8;
	[tilespmem:$0x1FE80] =	vst v63  }
0xc6: {  	_ =	swait.ge [sflag:s5], $0x4000  }
0xc7: {  	[sflag:s5] =	ssyncset.done $0x0  }
0xc8: {  	[sflag:s5] =	ssyncadd.s32 $0xFFFFC000  }
0xc9: {  	[spmem:s20] =	stream.indirect.scatter.add.f32 [tilespmem:s8], [sflag:$0x3], $0x80, s7, s7, $0xb8;
	[tilespmem:$0x1FE80] =	vst v63  }
0xca: {  	_ =	swait.ge [sflag:s29], $0x4000  }
0xcb: {  	[sflag:s29] =	ssyncset.done $0x0  }
0xcc: {  	s31 =	sadd.s32 $0x0, s16;
	[sflag:s29] =	ssyncadd.s32 $0xFFFFC000  }
0xcd: {  	[tilespmem:s9], [sflag:$0x5] =	stream.linear.gather [hbm4b:s31+s1], $0x80, $0x38;
	[tilespmem:$0x1FE80] =	vst v63  }
0xce: {  	_ =	swait.ge [sflag:s0], $0x80  }
0xcf: {  	[sflag:s0] =	ssyncset.done $0x0  }
0xd0: {  	s28 =	sadd.s32 $0x0, s17;
	[sflag:s0] =	ssyncadd.s32 $0xFFFFFF80  }
0xd1: {  	[tilespmem:s6], [sflag:$0x5] =	stream.linear.gather [hbm4b:s28+s1], $0x80, $0x38;
	[tilespmem:$0x1FE80] =	vst v63  }
0xd2: {  	_ =	swait.ge [sflag:s0], $0x80  }
0xd3: {  	[sflag:s0] =	ssyncset.done $0x0  }
0xd4: {  	[sflag:s0] =	ssyncadd.s32 $0xFFFFFF80  }
0xd5: {  	[tilespmem:s10], [sflag:$0x2] =	stream.indirect.gather [hbm4b:s22+s7], $0x80, s9, s7, $0xb8;
	[tilespmem:$0x1FE80] =	vst v63  }
0xd6: {  	_ =	swait.ge [sflag:s11], $0x4000  }
0xd7: {  	[sflag:s11] =	ssyncset.done $0x0  }
0xd8: {  	[sflag:s11] =	ssyncadd.s32 $0xFFFFC000  }
0xd9: {  	[spmem:s20] =	stream.indirect.scatter.add.f32 [tilespmem:s10], [sflag:$0x4], $0x80, s6, s7, $0xb8;
	[tilespmem:$0x1FE80] =	vst v63  }
0xda: {  	_ =	swait.ge [sflag:s25], $0x4000  }
0xdb: {  	[sflag:s25] =	ssyncset.done $0x0  }
0xdc: {  	s30 =	sadd.s32 $0x0, s15;
	[sflag:s25] =	ssyncadd.s32 $0xFFFFC000  }
0xdd: {  	[tilespmem:s1], [sflag:$0x5] =	stream.linear.gather [hbm4b:s30+s1], $0x80, $0x38;
	[tilespmem:$0x1FE80] =	vst v63  }
0xde: {  	_ =	swait.ge [sflag:s0], $0x80  }
0xdf: {  	[sflag:s0] =	ssyncset.done $0x0  }
0xe0: {  	s31 =	sadd.s32 $0x0, s14;
	[sflag:s0] =	ssyncadd.s32 $0xFFFFFF80  }
0xe1: {  	[tilespmem:s7], [sflag:$0x5] =	stream.linear.gather [hbm4b:s31+s1], $0x80, $0x38;
	[tilespmem:$0x1FE80] =	vst v63  }
0xe2: {  	_ =	swait.ge [sflag:s0], $0x80  }
0xe3: {  	[sflag:s0] =	ssyncset.done $0x0  }
0xe4: {  	s26 =	simm.s32 $0x20;
	[sflag:s0] =	ssyncadd.s32 $0xFFFFFF80  }
.LBB2_5:
0xe5: {  	[tilespmem:s8], [sflag:$0x1] =	stream.indirect.gather [hbm4b:s22+s7], $0x80, s1, s7, $0xb8;
	[tilespmem:$0x1FE80] =	vst v63  }
0xe6: {  	s28 =	smov.u32 s26  }
0xe7: {  	p0 =	sne.s32 s26, $0x4A0;
	s26 =	sadd.s32 $0x20, s26;
	_ =	swait.ge [sflag:s5], $0x4000  }
0xe8: {  	[sflag:s5] =	ssyncset.done $0x0  }
0xe9: {  	[sflag:s5] =	ssyncadd.s32 $0xFFFFC000  }
0xea: {  	[spmem:s20] =	stream.indirect.scatter.add.f32 [tilespmem:s8], [sflag:$0x3], $0x80, s7, s7, $0xb8;
	[tilespmem:$0x1FE80] =	vst v63  }
0xeb: {  	_ =	swait.ge [sflag:s29], $0x4000  }
0xec: {  	[sflag:s29] =	ssyncset.done $0x0  }
0xed: {  	s30 =	sadd.s32 s28, s16;
	[sflag:s29] =	ssyncadd.s32 $0xFFFFC000  }
0xee: {  	[tilespmem:s9], [sflag:$0x5] =	stream.linear.gather [hbm4b:s30+s1], $0x80, $0x38;
	[tilespmem:$0x1FE80] =	vst v63  }
0xef: {  	_ =	swait.ge [sflag:s0], $0x80  }
0xf0: {  	[sflag:s0] =	ssyncset.done $0x0  }
0xf1: {  	s30 =	sadd.s32 s28, s17;
	[sflag:s0] =	ssyncadd.s32 $0xFFFFFF80  }
0xf2: {  	[tilespmem:s6], [sflag:$0x5] =	stream.linear.gather [hbm4b:s30+s1], $0x80, $0x38;
	[tilespmem:$0x1FE80] =	vst v63  }
0xf3: {  	_ =	swait.ge [sflag:s0], $0x80  }
0xf4: {  	[sflag:s0] =	ssyncset.done $0x0  }
0xf5: {  	[sflag:s0] =	ssyncadd.s32 $0xFFFFFF80  }
0xf6: {  	[tilespmem:s10], [sflag:$0x2] =	stream.indirect.gather [hbm4b:s22+s7], $0x80, s9, s7, $0xb8;
	[tilespmem:$0x1FE80] =	vst v63  }
0xf7: {  	_ =	swait.ge [sflag:s11], $0x4000  }
0xf8: {  	[sflag:s11] =	ssyncset.done $0x0  }
0xf9: {  	[sflag:s11] =	ssyncadd.s32 $0xFFFFC000  }
0xfa: {  	[spmem:s20] =	stream.indirect.scatter.add.f32 [tilespmem:s10], [sflag:$0x4], $0x80, s6, s7, $0xb8;
	[tilespmem:$0x1FE80] =	vst v63  }
0xfb: {  	_ =	swait.ge [sflag:s25], $0x4000  }
0xfc: {  	[sflag:s25] =	ssyncset.done $0x0  }
0xfd: {  	s30 =	sadd.s32 s28, s15;
	[sflag:s25] =	ssyncadd.s32 $0xFFFFC000  }
0xfe: {  	[tilespmem:s1], [sflag:$0x5] =	stream.linear.gather [hbm4b:s30+s1], $0x80, $0x38;
	[tilespmem:$0x1FE80] =	vst v63  }
0xff: {  	_ =	swait.ge [sflag:s0], $0x80  }
0x100: {  	[sflag:s0] =	ssyncset.done $0x0  }
.Ltmp4:
0x101: {  	s28 =	sadd.s32 s28, s14;
	[sflag:s0] =	ssyncadd.s32 $0xFFFFFF80;
	(pc) =	sbr.rel @p0 .LBB2_5-.Ltmp4, $4  }
0x102: {  	[tilespmem:s7], [sflag:$0x5] =	stream.linear.gather [hbm4b:s28+s1], $0x80, $0x38;
	[tilespmem:$0x1FE80] =	vst v63  }
0x103: {  	_ =	swait.ge [sflag:s0], $0x80  }
0x104: {  	[sflag:s0] =	ssyncset.done $0x0  }
0x105: {  	[sflag:s0] =	ssyncadd.s32 $0xFFFFFF80  }
0x106: {  	[tilespmem:s8], [sflag:$0x1] =	stream.indirect.gather [hbm4b:s22+s7], $0x80, s1, s7, $0xb8;
	[tilespmem:$0x1FE80] =	vst v63  }
0x107: {  	_ =	swait.ge [sflag:s5], $0x4000  }
0x108: {  	[sflag:s5] =	ssyncset.done $0x0  }
0x109: {  	[sflag:s5] =	ssyncadd.s32 $0xFFFFC000  }
0x10a: {  	[spmem:s20] =	stream.indirect.scatter.add.f32 [tilespmem:s8], [sflag:$0x3], $0x80, s7, s7, $0xb8;
	[tilespmem:$0x1FE80] =	vst v63  }
0x10b: {  	p0 =	seq.s32 s23, $0x0;
	_ =	swait.ge [sflag:s29], $0x4000  }
.Ltmp5:
0x10c: {  	[sflag:s29] =	ssyncset.done $0x0;
	(pc) =	sbr.rel @p0 .LBB2_12-.Ltmp5, $4  }
0x10d: {  	[sflag:s29] =	ssyncadd.s32 $0xFFFFC000  }
0x10e: {  	_ =	swait.ge [sflag:s25], $0x4000  }
0x10f: {  	[sflag:s25] =	ssyncset.done $0x0  }
0x110: {  	s30 =	stileid.u32;
	[sflag:s25] =	ssyncadd.s32 $0xFFFFC000  }
.LBB2_7:
0x111: {  	s23 =	simm.s32 $0x0;
	s26 =	simm.s32 $0x200  }
.LBB2_8:
0x112: {  	p0 =	sne.s32 s26, $0xFE00;
	[tilespmem:s23+$0x8270] =	vst v1  }
0x113: {  	[tilespmem:s23+$0x8200] =	vst v1  }
0x114: {  	[tilespmem:s23+$0x8210] =	vst v1  }
.Ltmp6:
0x115: {  	[tilespmem:s23+$0x8220] =	vst v1;
	(pc) =	sbr.rel @p0 .LBB2_8-.Ltmp6, $4  }
0x116: {  	[tilespmem:s23+$0x8230] =	vst v1  }
0x117: {  	[tilespmem:s23+$0x8240] =	vst v1  }
0x118: {  	[tilespmem:s23+$0x8250] =	vst v1  }
0x119: {  	[tilespmem:s23+$0x8260] =	vst v1;
	s23 =	sshra.s32 s26, $0x2;
	s26 =	sadd.s32 $0x200, s26  }
0x11a: {  	[tilespmem:s23+$0x8270] =	vst v1  }
0x11b: {  	[tilespmem:s23+$0x8200] =	vst v1  }
0x11c: {  	[tilespmem:s23+$0x8210] =	vst v1  }
0x11d: {  	[tilespmem:s23+$0x8220] =	vst v1  }
0x11e: {  	[tilespmem:s23+$0x8230] =	vst v1  }
0x11f: {  	[tilespmem:s23+$0x8240] =	vst v1  }
0x120: {  	[tilespmem:s23+$0x8250] =	vst v1  }
0x121: {  	[tilespmem:s23+$0x8260] =	vst v1  }
0x122: {  	[tilespmem:s7], [sflag:$0x5] =	stream.linear.gather [hbm4b:s3+s1], $0x80, $0x38;
	[tilespmem:$0x1FE80] =	vst v63  }
0x123: {  	_ =	swait.ge [sflag:s0], $0x80  }
0x124: {  	[sflag:s0] =	ssyncset.done $0x0  }
0x125: {  	[sflag:s0] =	ssyncadd.s32 $0xFFFFFF80  }
0x126: {  	[spmem:s20] =	stream.indirect.scatter.add.f32 [tilespmem:s4], [sflag:$0x3], $0x80, s7, s7, $0xb8;
	[tilespmem:$0x1FE80] =	vst v63  }
0x127: {  	s28 =	rddreg [dreg:$0x11]  }
0x128: {  	[tilespmem:s6], [sflag:$0x5] =	stream.linear.gather [hbm4b:s28+s1], $0x80, $0x38;
	[tilespmem:$0x1FE80] =	vst v63  }
0x129: {  	_ =	swait.ge [sflag:s0], $0x80  }
0x12a: {  	[sflag:s0] =	ssyncset.done $0x0  }
0x12b: {  	[sflag:s0] =	ssyncadd.s32 $0xFFFFFF80  }
0x12c: {  	[spmem:s20] =	stream.indirect.scatter.add.f32 [tilespmem:s4], [sflag:$0x4], $0x80, s6, s7, $0xb8;
	[tilespmem:$0x1FE80] =	vst v63  }
0x12d: {  	_ =	swait.ge [sflag:s25], $0x4000  }
0x12e: {  	s31 =	sadd.s32 $0xFFFFFB40, s21;
	[sflag:s25] =	ssyncset.done $0x0  }
0x12f: {  	s26 =	sadd.s32 $0x4E0, s31;
	[sflag:s25] =	ssyncadd.s32 $0xFFFFC000  }
0x130: {  	[tilespmem:s7], [sflag:$0x5] =	stream.linear.gather [hbm4b:s26+s1], $0x80, $0x38;
	[tilespmem:$0x1FE80] =	vst v63  }
0x131: {  	_ =	swait.ge [sflag:s0], $0x80  }
0x132: {  	[sflag:s0] =	ssyncset.done $0x0  }
0x133: {  	[sflag:s0] =	ssyncadd.s32 $0xFFFFFF80  }
0x134: {  	[spmem:s20] =	stream.indirect.scatter.add.f32 [tilespmem:s4], [sflag:$0x3], $0x80, s7, s7, $0xb8;
	[tilespmem:$0x1FE80] =	vst v63  }
0x135: {  	_ =	swait.ge [sflag:s29], $0x4000  }
0x136: {  	[sflag:s29] =	ssyncset.done $0x0  }
0x137: {  	s23 =	sadd.s32 $0x4F0, s31;
	[sflag:s29] =	ssyncadd.s32 $0xFFFFC000  }
0x138: {  	[tilespmem:s6], [sflag:$0x5] =	stream.linear.gather [hbm4b:s23+s1], $0x80, $0x38;
	[tilespmem:$0x1FE80] =	vst v63  }
0x139: {  	_ =	swait.ge [sflag:s0], $0x80  }
0x13a: {  	[sflag:s0] =	ssyncset.done $0x0  }
0x13b: {  	s23 =	simm.s32 $0xFFFFFB60;
	[sflag:s0] =	ssyncadd.s32 $0xFFFFFF80  }
.LBB2_10:
0x13c: {  	[spmem:s20] =	stream.indirect.scatter.add.f32 [tilespmem:s4], [sflag:$0x4], $0x80, s6, s7, $0xb8;
	[tilespmem:$0x1FE80] =	vst v63  }
0x13d: {  	s26 =	smov.u32 s23  }
0x13e: {  	p0 =	sne.s32 s23, $0xFFFFFFE0;
	s23 =	sadd.s32 $0x20, s23;
	_ =	swait.ge [sflag:s25], $0x4000  }
0x13f: {  	s26 =	sadd.s32 s26, s21;
	[sflag:s25] =	ssyncset.done $0x0  }
0x140: {  	s28 =	sadd.s32 $0x4E0, s26;
	[sflag:s25] =	ssyncadd.s32 $0xFFFFC000  }
0x141: {  	[tilespmem:s7], [sflag:$0x5] =	stream.linear.gather [hbm4b:s28+s1], $0x80, $0x38;
	[tilespmem:$0x1FE80] =	vst v63  }
0x142: {  	_ =	swait.ge [sflag:s0], $0x80  }
0x143: {  	[sflag:s0] =	ssyncset.done $0x0  }
0x144: {  	[sflag:s0] =	ssyncadd.s32 $0xFFFFFF80  }
0x145: {  	[spmem:s20] =	stream.indirect.scatter.add.f32 [tilespmem:s4], [sflag:$0x3], $0x80, s7, s7, $0xb8;
	[tilespmem:$0x1FE80] =	vst v63  }
0x146: {  	_ =	swait.ge [sflag:s29], $0x4000  }
0x147: {  	[sflag:s29] =	ssyncset.done $0x0  }
.Ltmp7:
0x148: {  	s26 =	sadd.s32 $0x4F0, s26;
	[sflag:s29] =	ssyncadd.s32 $0xFFFFC000;
	(pc) =	sbr.rel @p0 .LBB2_10-.Ltmp7, $4  }
0x149: {  	[tilespmem:s6], [sflag:$0x5] =	stream.linear.gather [hbm4b:s26+s1], $0x80, $0x38;
	[tilespmem:$0x1FE80] =	vst v63  }
0x14a: {  	_ =	swait.ge [sflag:s0], $0x80  }
0x14b: {  	[sflag:s0] =	ssyncset.done $0x0  }
0x14c: {  	[sflag:s0] =	ssyncadd.s32 $0xFFFFFF80  }
.Ltmp8:
0x14d: {  	_ = 	snop;
	(pc) =	sbr.rel .LBB2_11-.Ltmp8, $1  }
0x14e: {  	_ =	sdelay $0x3  }
.LBB2_13:
0x14f: {  	_ =	sfence.sel $0x180000  }
0x150: {  	[bflag:$0x0] =	sbarrier.arrive $0xFFFF  }
0x151: {  	_ =	strace $0x90000050  }
0x152: {  	[bflag:$0x2] =	sbarrier.arrive $0xFFFF  }
0x153: {  	p0 =	sne.s32 s30, $0x0;
	s0 =	rddreg [dreg:$0x4]  }
0x154: {  	s0 =	sadd.s32 @!p0 $0x100000, s0  }
0x155: {  	[sflag:s0] =	ssyncadd.tile.s32 @!p0 $0x1;
	_ =	shalt  }
.Lfunc_end2:
_tile_overlayer_lowered:
.L_overlay_start_2:
0x156: {  	(tag) =	ssettag $0x2  }
0x157: {  	s0 =	rddreg [dreg:$0x0];
	s2 =	stileid.u32  }
0x158: {  	s1 =	rddreg [dreg:$0x1];
	p0 =	sne.s32 s2, $0x0  }
0x159: {  	s3 =	rddreg [dreg:$0x2];
	[bflag:$0x3] =	sbarrier.arrive $0xFFFF;
	s2 =	simm.s32 @!p0 $0x1C01  }
0x15a: {  	[timem:s3], [sflag:s2] =	dma.local @!p0 [hbm:s0], s1  }
0x15b: {  	s0 =	simm.s32 @!p0 $0x1  }
0x15c: {  	_ =	swait.ge @!p0 [sflag:s0], s1  }
0x15d: {  	s1 =	ssub.s32 @!p0 $0x0, s1;
	[sflag:s0] =	ssyncset.done @!p0 $0x0  }
0x15e: {  	[sflag:s0] =	ssyncadd.s32 @!p0 s1  }
0x15f: {  	[bflag:$0x3] =	sbarrier.arrive $0xFFFF  }
0x160: {  	_ =	shalt  }

// kernel: kernel.9.cloned.1.call-start
scs
__scs_entry_jumppad:
0x0: {  	(pc) =	sbr.rel $0x88, $3  }
0x1: {  	(tag) =	ssettag $0x0;
	lr =	simm.s32 $0x1  }
0x2: {  	[smem:$0x3F9A] =	sst lr;
	_ =	strace $0xD0000000  }
0x3: {  	_ = 	snop  }
0x4: {  	_ = 	snop  }
0x5: {  	_ = 	snop  }
0x6: {  	_ = 	snop  }
0x7: {  	_ = 	snop  }
__scs_overlays_trampoline_lowered:
0x8: {  	[smem:$0x3FA9] =	sst s0  }
0x9: {  	[smem:$0x3FAA] =	sst s1  }
0xa: {  	[smem:$0x3FAB] =	sst s2  }
0xb: {  	[smem:$0x3FAC] =	sst s3  }
0xc: {  	[smem:$0x3FAD] =	sst s4  }
0xd: {  	[smem:$0x3FAE] =	sst s5  }
0xe: {  	[smem:$0x3FAF] =	sst s6  }
0xf: {  	[smem:$0x3FB0] =	sst s7  }
0x10: {  	[smem:$0x3FB1] =	sst s8  }
0x11: {  	[smem:$0x3FB2] =	sst s9;
	s0 =	simm.s32 @!p0 $0x0  }
0x12: {  	s1 =	sld [smem:$0x3F98];
	s0 =	simm.s32 @p0 $0x1  }
0x13: {  	[smem:$0x3FB3] =	sst s0;
	s0 =	simm.s32 @!p1 $0x0  }
0x14: {  	s2 =	sld [smem:$0x3F97];
	s0 =	simm.s32 @p1 $0x1  }
0x15: {  	[smem:$0x3FB4] =	sst s0;
	s0 =	simm.s32 @!p2 $0x0  }
0x16: {  	s3 =	sld [smem:$0x3FDB];
	s0 =	simm.s32 @p2 $0x1  }
0x17: {  	s4 =	simm.s32 $0x1BF5;
	[smem:$0x3FB6] =	sst s0  }
0x18: {  	s0 =	sld [smem:$0x3F99];
	_ =	swait.ge [sflag:s4], $0x0  }
0x19: {  	s7 =	sld [smem:$0x3F9A]  }
0x1a: {  	s8 =	sadd.s32 $0xFFFFE003, lr  }
0x1b: {  	s9 =	sadd.s32 $0xFFFFFEF7, lr;
	s5 =	simm.s32 $0xFFFFFFFF;
	p2 =	slt.u32 s8, $0xFFFFF086  }
0x1c: {  	p1 =	slt.u32 s9, $0xF7A;
	s5 =	simm.s32 @!p2 $0x0  }
0x1d: {  	s5 =	simm.s32 @p1 $0x1;
	p0 =	seq.s32 s7, s2  }
0x1e: {  	s7 =	smul.u32 @!p0 $0xF7A, s2;
	p2 =	seq.s32 @!p0 s5, $0x0  }
0x1f: {  	s9 =	smul.u32 $0xF7A, s1;
	s8 =	simm.s32 @!p0 $0x1BF5;
	p2 =	por !p2, p0  }
0x20: {  	[sflag:s8] =	ssyncset.s32 @!p0 $0xFFFFF086;
	s6 =	sadd.s32 @!p0 s3, s7;
	s7 =	simm.s32 @!p0 $0x108  }
0x21: {  	s3 =	sadd.s32 s3, s9;
	s6 =	sadd.s32 @!p0 $0x88, s6;
	s7 =	simm.s32 @p2 $0x1082  }
0x22: {  	[simem:s7], [sflag:s8] =	dma.local @!p0 [hbm:s6], $0xF7A  }
0x23: {  	s9 =	sor.u32 $0xD0000000, s2;
	s6 =	simm.s32 $0x108;
	_ =	swait.ge @!p0 [sflag:s8], $0x0  }
0x24: {  	s3 =	sadd.s32 $0x88, s3;
	s6 =	simm.s32 @!p1 $0x1082;
	[sflag:s4] =	ssyncset.s32 $0xFFFFF086  }
0x25: {  	[simem:s6], [sflag:s4] =	dma.local [hbm:s3], $0xF7A  }
0x26: {  	[smem:$0x3F9A] =	sst s1;
	(tag) =	ssettag s2;
	_ =	strace s9  }
0x27: {  	s1 =	sld [smem:$0x3FAA]  }
0x28: {  	s2 =	sld [smem:$0x3FAB]  }
0x29: {  	s4 =	sld [smem:$0x3FAD]  }
0x2a: {  	p0 =	seq.s32 s5, $0x0;
	s5 =	sld [smem:$0x3FAE]  }
0x2b: {  	s6 =	sld [smem:$0x3FAF]  }
0x2c: {  	s7 =	sld [smem:$0x3FB0]  }
0x2d: {  	s3 =	simm.s32 $0x108;
	s8 =	sld [smem:$0x3FB1]  }
0x2e: {  	s3 =	simm.s32 @!p0 $0x1082;
	s9 =	sld [smem:$0x3FB2]  }
0x2f: {  	lr =	sadd.s32 s0, s3;
	s0 =	sld [smem:$0x3FA9]  }
0x30: {  	s3 =	sld [smem:$0x3FAC]  }
0x31: {  	[smem:$0x3FB5] =	sst s10  }
0x32: {  	s10 =	sld [smem:$0x3FB3];
	_ =	sdelay $0x3  }
0x33: {  	p0 =	seq.s32 s10, $0x1;
	s10 =	sld [smem:$0x3FB5];
	_ =	sdelay $0x3  }
0x34: {  	[smem:$0x3FB5] =	sst s10  }
0x35: {  	s10 =	sld [smem:$0x3FB4];
	_ =	sdelay $0x3  }
0x36: {  	p1 =	seq.s32 s10, $0x1;
	s10 =	sld [smem:$0x3FB5];
	_ =	sdelay $0x3  }
0x37: {  	[smem:$0x3FB5] =	sst s10  }
0x38: {  	s10 =	sld [smem:$0x3FB6]  }
0x39: {  	_ = 	snop;
	(pc) =	sbr.ind lr, $3  }
0x3a: {  	_ = 	snop  }
0x3b: {  	_ = 	snop  }
0x3c: {  	p2 =	seq.s32 s10, $0x1;
	s10 =	sld [smem:$0x3FB5]  }
0x3d: {  	_ =	shalt  }
0x3e: {  	_ =	shalt  }
0x3f: {  	_ =	shalt  }
0x40: {  	_ =	shalt  }
0x41: {  	_ =	shalt  }
0x42: {  	_ =	shalt  }
0x43: {  	_ =	shalt  }
0x44: {  	_ =	shalt  }
0x45: {  	_ =	shalt  }
0x46: {  	_ =	shalt  }
0x47: {  	_ =	shalt  }
0x48: {  	_ =	shalt  }
0x49: {  	_ =	shalt  }
0x4a: {  	_ =	shalt  }
0x4b: {  	_ =	shalt  }
0x4c: {  	_ =	shalt  }
0x4d: {  	_ =	shalt  }
0x4e: {  	_ =	shalt  }
0x4f: {  	_ =	shalt  }
0x50: {  	_ =	shalt  }
0x51: {  	_ =	shalt  }
0x52: {  	_ =	shalt  }
0x53: {  	_ =	shalt  }
0x54: {  	_ =	shalt  }
0x55: {  	_ =	shalt  }
0x56: {  	_ =	shalt  }
0x57: {  	_ =	shalt  }
0x58: {  	_ =	shalt  }
0x59: {  	_ =	shalt  }
0x5a: {  	_ =	shalt  }
0x5b: {  	_ =	shalt  }
0x5c: {  	_ =	shalt  }
0x5d: {  	_ =	shalt  }
0x5e: {  	_ =	shalt  }
0x5f: {  	_ =	shalt  }
0x60: {  	_ =	shalt  }
0x61: {  	_ =	shalt  }
0x62: {  	_ =	shalt  }
0x63: {  	_ =	shalt  }
0x64: {  	_ =	shalt  }
0x65: {  	_ =	shalt  }
0x66: {  	_ =	shalt  }
0x67: {  	_ =	shalt  }
0x68: {  	_ =	shalt  }
0x69: {  	_ =	shalt  }
0x6a: {  	_ =	shalt  }
0x6b: {  	_ =	shalt  }
0x6c: {  	_ =	shalt  }
0x6d: {  	_ =	shalt  }
0x6e: {  	_ =	shalt  }
0x6f: {  	_ =	shalt  }
0x70: {  	_ =	shalt  }
0x71: {  	_ =	shalt  }
0x72: {  	_ =	shalt  }
0x73: {  	_ =	shalt  }
0x74: {  	_ =	shalt  }
0x75: {  	_ =	shalt  }
0x76: {  	_ =	shalt  }
0x77: {  	_ =	shalt  }
0x78: {  	_ =	shalt  }
0x79: {  	_ =	shalt  }
0x7a: {  	_ =	shalt  }
0x7b: {  	_ =	shalt  }
0x7c: {  	_ =	shalt  }
0x7d: {  	_ =	shalt  }
0x7e: {  	_ =	shalt  }
0x7f: {  	_ =	shalt  }
0x80: {  	_ =	shalt  }
0x81: {  	_ =	shalt  }
0x82: {  	_ =	shalt  }
0x83: {  	_ =	shalt  }
0x84: {  	_ =	shalt  }
0x85: {  	_ =	shalt  }
0x86: {  	_ =	shalt  }
0x87: {  	_ =	shalt  }
.Lfunc_end0:
.L_simem_size_0:
called_computation_lowered:
.L_overlay_start_0:
0x88: {  	s2 =	sld [smem:$0x3FD9]  }
0x89: {  	s3 =	sld [smem:$0x3FFE];
	_ =	sdelay $0x1  }
0x8a: {  	s1 =	srdreg.scid  }
0x8b: {  	s0 =	sand.u32 $0x1, s1  }
0x8c: {  	s17 =	sshll.u32 s0, $0xA;
	s2 =	sadd.s32 s3, s2  }
0x8d: {  	s2 =	sadd.s32 s2, s17  }
0x8e: {  	[smem:$0x3FC1] =	sst s2  }
0x8f: {  	_ = 	snop  }
0x90: {  	s2 =	sld [smem:$0x3FC7];
	(tm) =	ssettm $0x1  }
0x91: {  	s18 =	sld [smem:$0x3FFB];
	_ =	sdelay $0x3  }
0x92: {  	_ =	strace s18  }
0x93: {  	s3 =	sld [smem:$0x3FFC];
	_ =	sdelay $0x3  }
0x94: {  	_ =	strace s3  }
0x95: {  	s3 =	sld [smem:$0x3FFD];
	_ =	sdelay $0x3  }
0x96: {  	_ =	strace s3  }
0x97: {  	_ =	strace $0x8FFFFFFF  }
0x98: {  	s19 =	sld [smem:$0x3FDB];
	_ =	sdelay $0x1  }
0x99: {  	s4 =	simm.s32 $_scs_section_size  }
0x9a: {  	s5 =	simm.s32 $_size__tile_overlayer_lowered;
	s6 =	simm.s32 $_tile_overlayer_lowered  }
0x9b: {  	s22 =	simm.s32 $0x1BFF;
	s21 =	sshll.u32 s6, $0x1;
	s3 =	sadd.s32 s4, s19  }
0x9c: {  	s7 =	simm.s32 $0x0;
	s20 =	sshll.u32 s5, $0x1;
	s5 =	sadd.s32 s21, s3  }
0x9d: {  	[timem:s7], [sflag:s22] =	dma.local [hbm:s5], s20  }
0x9e: {  	_ =	swait.ge [sflag:s22], s20  }
0x9f: {  	s4 =	ssub.s32 $0x0, s20;
	[sflag:s22] =	ssyncset.done $0x0  }
0xa0: {  	[sflag:s22] =	ssyncadd.s32 s4;
	_ =	sdelay $0x1  }
0xa1: {  	s23 =	simm.s32 $0x1B8B  }
0xa2: {  	_ =	swait.ge [sflag:s23], $0x1  }
0xa3: {  	[sflag:s23] =	ssyncset.done $0x0  }
0xa4: {  	s25 =	simm.s32 $0x1B8E;
	s24 =	sld [smem:$0x3FFE];
	[sflag:s23] =	ssyncadd.s32 $0xFFFFFFFF  }
0xa5: {  	s26 =	simm.s32 $execute0_lowered;
	[smem:$0x3FD2] =	sst s25  }
0xa6: {  	s5 =	sshll.u32 s26, $0x1;
	_ =	strace $0x80000046;
	[dreg:$0x1] =	wrdreg $0xFFFFFFFF  }
0xa7: {  	s28 =	simm.s32 $_size_execute0_lowered;
	s3 =	sadd.s32 s3, s5;
	[dreg:$0x0] =	wrdreg $0x0  }
0xa8: {  	s5 =	sshll.u32 s28, $0x1;
	[dreg:$0x2] =	wrdreg s3  }
0xa9: {  	[dreg:$0x3] =	wrdreg s5  }
0xaa: {  	[dreg:$0x4] =	wrdreg $0xC0  }
0xab: {  	_ =	task [dreg:s7], $0x5FFFF  }
0xac: {  	[dreg:$0x1] =	wrdreg $0xFFFFFFFF  }
0xad: {  	[dreg:$0x0] =	wrdreg $0x60  }
0xae: {  	[dreg:$0x2] =	wrdreg s24  }
0xaf: {  	[dreg:$0x3] =	wrdreg s2  }
0xb0: {  	[dreg:$0x4] =	wrdreg $0xC2000  }
0xb1: {  	[dreg:$0x5] =	wrdreg $0xA  }
0xb2: {  	_ =	task.clear_ibuf [dreg:s7], $0x6FFFF;
	_ =	strace $0x90000046  }
0xb3: {  	s29 =	simm.s32 $0xA;
	_ =	strace $0x80000048  }
0xb4: {  	_ =	swait.ge [sflag:s29], $0x1  }
0xb5: {  	[sflag:s29] =	ssyncadd.s32 $0xFFFFFFFF  }
0xb6: {  	_ =	strace $0x90000048  }
0xb7: {  	_ =	sfence  }
0xb8: {  	s30 =	sld [smem:$0x0];
	_ =	sdelay $0x2  }
0xb9: {  	s31 =	sshll.u32 s1, $0xD;
	s1 =	sshrl.u32 s1, $0x2  }
0xba: {  	s3 =	sand.u32 $0x4000, s31;
	s1 =	sadd.s32 s1, s30  }
0xbb: {  	s0 =	sor.u32 s3, s0;
	s1 =	sshll.u32 s1, $0x11  }
0xbc: {  	s0 =	sor.u32 s1, s0  }
0xbd: {  	s0 =	sadd.s32 $0x8F2B, s0  }
0xbe: {  	[sflag:s0] =	ssyncadd.remote.s32 $0x1  }
0xbf: {  	_ =	sfence.sel $0xFFFF  }
0xc0: {  	[dreg:$0x0] =	wrdreg $0xFFFFFFFF;
	(pc) =	sbr.abs _section_cstart, $3  }
0xc1: {  	[dreg:$0x1] =	wrdreg $0xFFFFFFFF  }
0xc2: {  	_ =	task.clear_ibuf [dreg:s7], $0x2FFFF;
	_ =	strace $0x9FFFFFFF  }
0xc3: {  	(tm) =	ssettm $0x7FFFFFFF  }
tec
execute0_lowered:
.L_overlay_start_1:
0x0: {  	(tag) =	ssettag $0x1  }
0x1: {  	s0 =	rddreg [dreg:$0x0]  }
0x2: {  	s1 =	rddreg [dreg:$0x1]  }
0x3: {  	s2 =	rddreg [dreg:$0x2];
	s3 =	simm.s32 $0x0  }
0x4: {  	s4 =	srdreg.scid;
	s18 =	stileid.u32;
	s29 =	simm.s32 $0x8200  }
0x5: {  	s30 =	simm.s32 $0x1;
	s31 =	simm.s32 $0x5;
	s9 =	smul.u32 $0x13C00, s18  }
0x6: {  	s4 =	sand.u32 $0x1, s4;
	s10 =	sshll.u32 s18, $0x1;
	s25 =	smul.u32 $0x4F000, s18  }
0x7: {  	[smem:$0x7FF] =	sst s3;
	s7 =	smul.u32 $0x13C000, s4;
	s10 =	sor.u32 s4, s10  }
0x8: {  	s5 =	sadd.s32 $0xD400, s0;
	s6 =	sadd.s32 $0x3400, s0;
	s12 =	smul.u32 $0x2780, s10  }
0x9: {  	s8 =	sadd.s32 $0x2E00, s0;
	s11 =	sadd.s32 $0xD200, s0;
	s14 =	smul.u32 $0x380, s10  }
0xa: {  	_ =	strace $0x80000047;
	s26 =	ssub.s32 $0x2, s4;
	s22 =	smul.u32 $0x30, s10  }
0xb: {  	[dreg:$0x4] =	wrdreg s11;
	s13 =	sshrl.u32 s26, $0x1;
	s23 =	smul.u32 $0x3, s10  }
0xc: {  	s7 =	sadd.s32 s9, s7;
	s13 =	ssub.s32 s26, s13;
	s26 =	smul.u32 $0x4F0, s10  }
0xd: {  	s16 =	sshrl.u32 s25, $0x2;
	s10 =	smul.u32 $0x1800, s10;
	s7 =	sshrl.u32 s7, $0x3  }
0xe: {  	s17 =	sand.u32 $0x7FC00, s12;
	s19 =	sand.u32 $0x380, s14;
	s20 =	sshrl.u32 s12, $0x3  }
0xf: {  	s13 =	smax.u32 s13, $0x1;
	s12 =	sadd.s32 $0x2, s23;
	s15 =	sadd.s32 s7, s0  }
0x10: {  	s0 =	sadd.s32 $0x34C00, s0;
	s7 =	sadd.s32 s16, s2;
	s9 =	sor.u32 s19, s17  }
0x11: {  	s11 =	sadd.s32 s6, s20;
	[dreg:$0x8] =	wrdreg s13;
	s17 =	sadd.s32 $0x1, s23  }
0x12: {  	s20 =	sshll.u32 s12, $0x4;
	s16 =	smul.u32 $0x9E, s18;
	s13 =	sadd.s32 s6, s26  }
0x13: {  	s23 =	sshll.u32 s12, $0xB;
	s12 =	simm.s32 $0x2;
	s21 =	sadd.s32 $0x10000, s7  }
0x14: {  	s9 =	sshrl.u32 s9, $0x3;
	s11 =	sadd.s32 $0x10, s11;
	[dreg:$0x5] =	wrdreg s21  }
0x15: {  	s24 =	sadd.s32 $0x64C00, s15;
	s25 =	sadd.s32 $0x4000, s7;
	[dreg:$0x6] =	wrdreg s11  }
0x16: {  	s19 =	sshll.u32 s17, $0x4;
	s10 =	sadd.s32 s0, s10;
	[dreg:$0x7] =	wrdreg s24  }
0x17: {  	s26 =	sadd.s32 $0x4E0, s13;
	s28 =	sadd.s32 $0xC000, s7;
	[dreg:$0x9] =	wrdreg s25  }
0x18: {  	s9 =	sadd.s32 s6, s9;
	s11 =	sadd.s32 s8, s22;
	[dreg:$0xd] =	wrdreg s10  }
0x19: {  	s14 =	sadd.s32 s8, s19;
	s8 =	sadd.s32 s8, s20;
	[dreg:$0x10] =	wrdreg s26  }
0x1a: {  	s21 =	smul.u32 $0x4F, s4;
	s22 =	sshll.u32 s17, $0xB;
	[dreg:$0xa] =	wrdreg s11  }
0x1b: {  	s25 =	smul.u32 $0x9E0, s18;
	s20 =	sadd.s32 $0x10, s13;
	[dreg:$0xb] =	wrdreg s14  }
0x1c: {  	s4 =	smul.u32 $0x4F0, s4;
	s26 =	sadd.s32 $0x8000, s7;
	[dreg:$0xc] =	wrdreg s8  }
0x1d: {  	s10 =	sadd.s32 s0, s22;
	s0 =	sadd.s32 s0, s23;
	s22 =	simm.s32 $0x4  }
0x1e: {  	s11 =	simm.s32 $0x4200;
	[dreg:$0xe] =	wrdreg s10;
	s8 =	sadd.s32 s21, s16  }
.Ltmp0:
0x1f: {  	[dreg:$0xf] =	wrdreg s0;
	s21 =	sadd.s32 $0x20, s13;
	(pc) =	sbr.rel .LBB2_1-.Ltmp0, $4  }
0x20: {  	s10 =	simm.s32 $0x3;
	s13 =	simm.s32 $0x0;
	s24 =	sshll.u32 s8, $0x4  }
0x21: {  	s8 =	simm.s32 $0x100;
	s0 =	sadd.s32 s6, s24;
	s6 =	sadd.s32 s25, s6  }
0x22: {  	s23 =	sadd.s32 s4, s6;
	s24 =	sadd.s32 $0x40, s0;
	s25 =	sadd.s32 $0x30, s0  }
0x23: {  	v0 =	vimm.f32 $0.0e+00;
	v1 =	vimm.f32 $1.000000000e+00;
	s0 =	simm.s32 $0x80;
	s4 =	simm.s32 $0x180;
	s6 =	simm.s32 $0x200  }
.LBB2_11:
0x24: {  	[spmem:s2] =	stream.indirect.scatter.add.f32 [tilespmem:s29], [sflag:$0x4], $0x80, s4, s0, $0xb8;
	[tilespmem:$0x1FE80] =	vst v63  }
0x25: {  	_ =	swait.ge [sflag:s10], $0x4000  }
0x26: {  	[sflag:s10] =	ssyncset.done $0x0  }
0x27: {  	s15 =	rddreg [dreg:$0x10];
	[sflag:s10] =	ssyncadd.s32 $0xFFFFC000  }
0x28: {  	[tilespmem:s0], [sflag:$0x5] =	stream.linear.gather [hbm4b:s15+s3], $0x80, $0x38;
	[tilespmem:$0x1FE80] =	vst v63  }
0x29: {  	_ =	swait.ge [sflag:s31], $0x80  }
0x2a: {  	[sflag:s31] =	ssyncset.done $0x0  }
0x2b: {  	[sflag:s31] =	ssyncadd.s32 $0xFFFFFF80  }
0x2c: {  	[spmem:s2] =	stream.indirect.scatter.add.f32 [tilespmem:s29], [sflag:$0x3], $0x80, s0, s0, $0xb8;
	[tilespmem:$0x1FE80] =	vst v63  }
0x2d: {  	_ =	swait.ge [sflag:s22], $0x4000  }
0x2e: {  	[sflag:s22] =	ssyncset.done $0x0  }
0x2f: {  	[sflag:s22] =	ssyncadd.s32 $0xFFFFC000  }
0x30: {  	_ =	swait.ge [sflag:s10], $0x4000  }
0x31: {  	[sflag:s10] =	ssyncset.done $0x0  }
0x32: {  	[sflag:s10] =	ssyncadd.s32 $0xFFFFC000  }
.LBB2_12:
0x33: {  	s14 =	sand.u32 $0x2, s14  }
0x34: {  	p0 =	seq.s32 s14, $0x0  }
0x35: {  	s15 =	rddreg [dreg:$0xa];
	s14 =	simm.s32 @!p0 $0x0  }
0x36: {  	[tilespmem:s14], [sflag:$0x1] =	stream.linear.gather @!p0 [hbm4b:s15+s14], $0x80, $0x38;
	[tilespmem:$0x1FE80] =	vst v63  }
0x37: {  	s15 =	simm.s32 @!p0 $0x1  }
0x38: {  	_ =	swait.ge @!p0 [sflag:s15], $0x80  }
0x39: {  	[sflag:s15] =	ssyncset.done @!p0 $0x0  }
0x3a: {  	s16 =	simm.s32 @!p0 $0x80;
	s17 =	simm.s32 @!p0 $0x200;
	[sflag:s15] =	ssyncadd.s32 @!p0 $0xFFFFFF80  }
0x3b: {  	[tilespmem:s17], [sflag:$0x1] =	stream.indirect.gather @!p0 [hbm4b:s1+s16], $0x80, s14, s16, $0xb8;
	[tilespmem:$0x1FE80] =	vst v63  }
0x3c: {  	_ =	swait.ge @!p0 [sflag:s15], $0x4000  }
0x3d: {  	[sflag:s15] =	ssyncset.done @!p0 $0x0  }
0x3e: {  	s19 =	rddreg [dreg:$0xd];
	[sflag:s15] =	ssyncadd.s32 @!p0 $0xFFFFC000  }
0x3f: {  	[hbm4b:s19+s14] =	stream.linear.scatter @!p0 [tilespmem:s17], [sflag:$0x1], $0x4000, $0x38;
	[tilespmem:$0x1FE80] =	vst v63  }
0x40: {  	_ =	swait.ge @!p0 [sflag:s15], $0x4000  }
0x41: {  	[sflag:s15] =	ssyncset.done @!p0 $0x0  }
0x42: {  	s19 =	rddreg [dreg:$0xb];
	[sflag:s15] =	ssyncadd.s32 @!p0 $0xFFFFC000  }
0x43: {  	[tilespmem:s14], [sflag:$0x1] =	stream.linear.gather @!p0 [hbm4b:s19+s14], $0x80, $0x38;
	[tilespmem:$0x1FE80] =	vst v63  }
0x44: {  	_ =	swait.ge @!p0 [sflag:s15], $0x80  }
0x45: {  	[sflag:s15] =	ssyncset.done @!p0 $0x0  }
0x46: {  	[sflag:s15] =	ssyncadd.s32 @!p0 $0xFFFFFF80  }
0x47: {  	[tilespmem:s17], [sflag:$0x1] =	stream.indirect.gather @!p0 [hbm4b:s1+s16], $0x80, s14, s16, $0xb8;
	[tilespmem:$0x1FE80] =	vst v63  }
0x48: {  	_ =	swait.ge @!p0 [sflag:s15], $0x4000  }
0x49: {  	[sflag:s15] =	ssyncset.done @!p0 $0x0  }
0x4a: {  	s19 =	rddreg [dreg:$0xe];
	[sflag:s15] =	ssyncadd.s32 @!p0 $0xFFFFC000  }
0x4b: {  	[hbm4b:s19+s14] =	stream.linear.scatter @!p0 [tilespmem:s17], [sflag:$0x1], $0x4000, $0x38;
	[tilespmem:$0x1FE80] =	vst v63  }
0x4c: {  	_ =	swait.ge @!p0 [sflag:s15], $0x4000  }
0x4d: {  	[sflag:s15] =	ssyncset.done @!p0 $0x0  }
0x4e: {  	s19 =	rddreg [dreg:$0xc];
	[sflag:s15] =	ssyncadd.s32 @!p0 $0xFFFFC000  }
0x4f: {  	[tilespmem:s14], [sflag:$0x1] =	stream.linear.gather @!p0 [hbm4b:s19+s14], $0x80, $0x38;
	[tilespmem:$0x1FE80] =	vst v63  }
0x50: {  	_ =	swait.ge @!p0 [sflag:s15], $0x80  }
0x51: {  	[sflag:s15] =	ssyncset.done @!p0 $0x0  }
0x52: {  	[sflag:s15] =	ssyncadd.s32 @!p0 $0xFFFFFF80  }
0x53: {  	[tilespmem:s17], [sflag:$0x1] =	stream.indirect.gather @!p0 [hbm4b:s1+s16], $0x80, s14, s16, $0xb8;
	[tilespmem:$0x1FE80] =	vst v63  }
0x54: {  	_ =	swait.ge @!p0 [sflag:s15], $0x4000  }
0x55: {  	[sflag:s15] =	ssyncset.done @!p0 $0x0  }
0x56: {  	s16 =	rddreg [dreg:$0xf];
	[sflag:s15] =	ssyncadd.s32 @!p0 $0xFFFFC000  }
0x57: {  	[hbm4b:s16+s14] =	stream.linear.scatter @!p0 [tilespmem:s17], [sflag:$0x1], $0x4000, $0x38;
	[tilespmem:$0x1FE80] =	vst v63  }
0x58: {  	_ =	swait.ge @!p0 [sflag:s15], $0x4000  }
0x59: {  	[sflag:s15] =	ssyncset.done @!p0 $0x0  }
0x5a: {  	[sflag:s15] =	ssyncadd.s32 @!p0 $0xFFFFC000  }
0x5b: {  	s15 =	sshll.u32 s18, $0x6;
	[bflag:$0x0] =	sbarrier.arrive $0xFFFF  }
0x5c: {  	s16 =	sshrl.u32 s7, $0x3;
	s14 =	sor.u32 $0x1C01, s15;
	s17 =	rddreg [dreg:$0x7]  }
0x5d: {  	[hbm:s17], [sflag:s14] =	dma.local [spmem:s16], $0x2780  }
0x5e: {  	_ =	swait.ge [sflag:s30], $0x2780  }
0x5f: {  	s13 =	sadd.s32 $0x1, s13;
	s19 =	rddreg [dreg:$0x8]  }
0x60: {  	p0 =	sne.s32 s13, s19  }
.Ltmp1:
0x61: {  	_ = 	snop;
	(pc) =	sbr.rel @!p0 .LBB2_13-.Ltmp1, $3  }
0x62: {  	_ =	sdelay $0x1  }
0x63: {  	[sflag:s30] =	ssyncset.done $0x0  }
0x64: {  	[sflag:s30] =	ssyncadd.s32 $0xFFFFD880  }
.LBB2_1:
0x65: {  	s14 =	simm.s32 $0x0;
	s15 =	simm.s32 $0x200  }
.LBB2_2:
0x66: {  	p0 =	sne.s32 s15, $0xFE00;
	[tilespmem:s14+$0x8270] =	vst v0  }
0x67: {  	[tilespmem:s14+$0x8200] =	vst v0  }
0x68: {  	[tilespmem:s14+$0x8210] =	vst v0  }
.Ltmp2:
0x69: {  	[tilespmem:s14+$0x8220] =	vst v0;
	(pc) =	sbr.rel @p0 .LBB2_2-.Ltmp2, $4  }
0x6a: {  	[tilespmem:s14+$0x8230] =	vst v0  }
0x6b: {  	[tilespmem:s14+$0x8240] =	vst v0  }
0x6c: {  	[tilespmem:s14+$0x8250] =	vst v0  }
0x6d: {  	[tilespmem:s14+$0x8260] =	vst v0;
	s14 =	sshra.s32 s15, $0x2;
	s15 =	sadd.s32 $0x200, s15  }
0x6e: {  	[tilespmem:s14+$0x8270] =	vst v0  }
0x6f: {  	[tilespmem:s14+$0x8200] =	vst v0  }
0x70: {  	[tilespmem:s14+$0x8210] =	vst v0  }
0x71: {  	[tilespmem:s14+$0x8220] =	vst v0  }
0x72: {  	[tilespmem:s14+$0x8230] =	vst v0  }
0x73: {  	[tilespmem:s14+$0x8240] =	vst v0  }
0x74: {  	[tilespmem:s14+$0x8250] =	vst v0  }
0x75: {  	[tilespmem:s14+$0x8260] =	vst v0  }
0x76: {  	[spmem:s7] =	stream.linear.scatter [tilespmem:s29], [sflag:$0x1], $0x4000, $0x38;
	[tilespmem:$0x1FE80] =	vst v63  }
0x77: {  	_ =	swait.ge [sflag:s30], $0x4000  }
0x78: {  	[sflag:s30] =	ssyncset.done $0x0  }
0x79: {  	s16 =	rddreg [dreg:$0x9];
	[sflag:s30] =	ssyncadd.s32 $0xFFFFC000  }
0x7a: {  	[spmem:s16] =	stream.linear.scatter [tilespmem:s29], [sflag:$0x1], $0x4000, $0x38;
	[tilespmem:$0x1FE80] =	vst v63  }
0x7b: {  	_ =	swait.ge [sflag:s30], $0x4000  }
0x7c: {  	[sflag:s30] =	ssyncset.done $0x0  }
0x7d: {  	[sflag:s30] =	ssyncadd.s32 $0xFFFFC000  }
0x7e: {  	[spmem:s26] =	stream.linear.scatter [tilespmem:s29], [sflag:$0x1], $0x4000, $0x38;
	[tilespmem:$0x1FE80] =	vst v63  }
0x7f: {  	_ =	swait.ge [sflag:s30], $0x4000  }
0x80: {  	[sflag:s30] =	ssyncset.done $0x0  }
0x81: {  	[sflag:s30] =	ssyncadd.s32 $0xFFFFC000  }
0x82: {  	[spmem:s28] =	stream.linear.scatter [tilespmem:s29], [sflag:$0x1], $0x4000, $0x38;
	[tilespmem:$0x1FE80] =	vst v63  }
0x83: {  	_ =	swait.ge [sflag:s30], $0x4000  }
0x84: {  	[sflag:s30] =	ssyncset.done $0x0  }
0x85: {  	s17 =	rddreg [dreg:$0x5];
	[sflag:s30] =	ssyncadd.s32 $0xFFFFC000  }
0x86: {  	[spmem:s17] =	stream.linear.scatter [tilespmem:s29], [sflag:$0x1], $0x3C00, $0x38;
	[tilespmem:$0x1FE80] =	vst v63  }
0x87: {  	_ =	swait.ge [sflag:s30], $0x3C00  }
0x88: {  	[sflag:s30] =	ssyncset.done $0x0  }
0x89: {  	s15 =	simm.s32 $0x1FE00;
	s19 =	rddreg [dreg:$0x4];
	[sflag:s30] =	ssyncadd.s32 $0xFFFFC400  }
0x8a: {  	[tilespmem:s15], [sflag:$0x1] =	stream.linear.gather [hbm4b:s19+s3], $0x80, $0x38;
	[tilespmem:$0x1FE80] =	vst v63  }
0x8b: {  	_ =	swait.ge [sflag:s30], $0x80  }
0x8c: {  	[sflag:s30] =	ssyncset.done $0x0  }
0x8d: {  	[sflag:s30] =	ssyncadd.s32 $0xFFFFFF80  }
0x8e: {  	[bflag:$0x0] =	sbarrier.arrive $0xFFFF  }
0x8f: {  	v2 =	vld [tilespmem:$0x1FE00];
	_ =	sdelay $0x4  }
0x90: {  	v2 =	vxor.u32 $0x80000000, v2  }
0x91: {  	(xrf0) =	vmax.scan.msk.u32 $0xffff, v2;
	_ =	sdelay $0x5  }
0x92: {  	v2, _, _ =	vpop (xrf0)  }
0x93: {  	(v2sf) =	vpush v2, $0xF;
	_ =	sdelay $0xe  }
0x94: {  	s14 =	spop (v2sf)  }
0x95: {  	s15 =	sand.u32 $0x1, s14  }
0x96: {  	p0 =	seq.s32 s15, $0x1  }
.Ltmp3:
0x97: {  	_ = 	snop;
	(pc) =	sbr.rel @p0 .LBB2_7-.Ltmp3, $1  }
0x98: {  	_ =	sdelay $0x3  }
0x99: {  	s16 =	simm.s32 $0x0  }
0x9a: {  	[tilespmem:s16], [sflag:$0x5] =	stream.linear.gather [hbm4b:s9+s16], $0x80, $0x38;
	[tilespmem:$0x1FE80] =	vst v63  }
0x9b: {  	_ =	swait.ge [sflag:s31], $0x80  }
0x9c: {  	[sflag:s31] =	ssyncset.done $0x0  }
0x9d: {  	[sflag:s31] =	ssyncadd.s32 $0xFFFFFF80  }
0x9e: {  	[tilespmem:s0], [sflag:$0x5] =	stream.linear.gather [hbm4b:s9+s16], $0x80, $0x38;
	[tilespmem:$0x1FE80] =	vst v63  }
0x9f: {  	_ =	swait.ge [sflag:s31], $0x80  }
0xa0: {  	[sflag:s31] =	ssyncset.done $0x0  }
0xa1: {  	[sflag:s31] =	ssyncadd.s32 $0xFFFFFF80  }
0xa2: {  	[tilespmem:s6], [sflag:$0x1] =	stream.indirect.gather [hbm4b:s5+s0], $0x80, s16, s0, $0xb8;
	[tilespmem:$0x1FE80] =	vst v63  }
0xa3: {  	_ =	swait.ge [sflag:s30], $0x4000  }
0xa4: {  	[sflag:s30] =	ssyncset.done $0x0  }
0xa5: {  	[sflag:s30] =	ssyncadd.s32 $0xFFFFC000  }
0xa6: {  	[spmem:s2] =	stream.indirect.scatter.add.f32 [tilespmem:s6], [sflag:$0x3], $0x80, s0, s0, $0xb8;
	[tilespmem:$0x1FE80] =	vst v63  }
0xa7: {  	_ = 	snop  }
0xa8: {  	[tilespmem:s8], [sflag:$0x5] =	stream.linear.gather [hbm4b:s20+s16], $0x80, $0x38;
	[tilespmem:$0x1FE80] =	vst v63  }
0xa9: {  	_ =	swait.ge [sflag:s31], $0x80  }
0xaa: {  	[sflag:s31] =	ssyncset.done $0x0  }
0xab: {  	[sflag:s31] =	ssyncadd.s32 $0xFFFFFF80  }
0xac: {  	[tilespmem:s4], [sflag:$0x5] =	stream.linear.gather [hbm4b:s20+s16], $0x80, $0x38;
	[tilespmem:$0x1FE80] =	vst v63  }
0xad: {  	_ =	swait.ge [sflag:s31], $0x80  }
0xae: {  	[sflag:s31] =	ssyncset.done $0x0  }
0xaf: {  	[sflag:s31] =	ssyncadd.s32 $0xFFFFFF80  }
0xb0: {  	[tilespmem:s11], [sflag:$0x2] =	stream.indirect.gather [hbm4b:s5+s0], $0x80, s8, s0, $0xb8;
	[tilespmem:$0x1FE80] =	vst v63  }
0xb1: {  	_ =	swait.ge [sflag:s12], $0x4000  }
0xb2: {  	[sflag:s12] =	ssyncset.done $0x0  }
0xb3: {  	[sflag:s12] =	ssyncadd.s32 $0xFFFFC000  }
0xb4: {  	[spmem:s2] =	stream.indirect.scatter.add.f32 [tilespmem:s11], [sflag:$0x4], $0x80, s4, s0, $0xb8;
	[tilespmem:$0x1FE80] =	vst v63  }
0xb5: {  	_ =	swait.ge [sflag:s10], $0x4000  }
0xb6: {  	[sflag:s10] =	ssyncset.done $0x0  }
0xb7: {  	[sflag:s10] =	ssyncadd.s32 $0xFFFFC000  }
0xb8: {  	[tilespmem:s16], [sflag:$0x5] =	stream.linear.gather [hbm4b:s21+s16], $0x80, $0x38;
	[tilespmem:$0x1FE80] =	vst v63  }
0xb9: {  	_ =	swait.ge [sflag:s31], $0x80  }
0xba: {  	[sflag:s31] =	ssyncset.done $0x0  }
0xbb: {  	[sflag:s31] =	ssyncadd.s32 $0xFFFFFF80  }
0xbc: {  	[tilespmem:s0], [sflag:$0x5] =	stream.linear.gather [hbm4b:s21+s16], $0x80, $0x38;
	[tilespmem:$0x1FE80] =	vst v63  }
0xbd: {  	_ =	swait.ge [sflag:s31], $0x80  }
0xbe: {  	[sflag:s31] =	ssyncset.done $0x0  }
0xbf: {  	[sflag:s31] =	ssyncadd.s32 $0xFFFFFF80  }
0xc0: {  	[tilespmem:s6], [sflag:$0x1] =	stream.indirect.gather [hbm4b:s5+s0], $0x80, s16, s0, $0xb8;
	[tilespmem:$0x1FE80] =	vst v63  }
0xc1: {  	_ =	swait.ge [sflag:s30], $0x4000  }
0xc2: {  	[sflag:s30] =	ssyncset.done $0x0  }
0xc3: {  	[sflag:s30] =	ssyncadd.s32 $0xFFFFC000  }
0xc4: {  	[spmem:s2] =	stream.indirect.scatter.add.f32 [tilespmem:s6], [sflag:$0x3], $0x80, s0, s0, $0xb8;
	[tilespmem:$0x1FE80] =	vst v63  }
0xc5: {  	_ =	swait.ge [sflag:s22], $0x4000  }
0xc6: {  	[sflag:s22] =	ssyncset.done $0x0  }
0xc7: {  	s18 =	sadd.s32 $0x0, s25;
	[sflag:s22] =	ssyncadd.s32 $0xFFFFC000  }
0xc8: {  	[tilespmem:s8], [sflag:$0x5] =	stream.linear.gather [hbm4b:s18+s3], $0x80, $0x38;
	[tilespmem:$0x1FE80] =	vst v63  }
0xc9: {  	_ =	swait.ge [sflag:s31], $0x80  }
0xca: {  	[sflag:s31] =	ssyncset.done $0x0  }
0xcb: {  	[sflag:s31] =	ssyncadd.s32 $0xFFFFFF80  }
0xcc: {  	[tilespmem:s4], [sflag:$0x5] =	stream.linear.gather [hbm4b:s18+s3], $0x80, $0x38;
	[tilespmem:$0x1FE80] =	vst v63  }
0xcd: {  	_ =	swait.ge [sflag:s31], $0x80  }
0xce: {  	[sflag:s31] =	ssyncset.done $0x0  }
0xcf: {  	[sflag:s31] =	ssyncadd.s32 $0xFFFFFF80  }
0xd0: {  	[tilespmem:s11], [sflag:$0x2] =	stream.indirect.gather [hbm4b:s5+s0], $0x80, s8, s0, $0xb8;
	[tilespmem:$0x1FE80] =	vst v63  }
0xd1: {  	_ =	swait.ge [sflag:s12], $0x4000  }
0xd2: {  	[sflag:s12] =	ssyncset.done $0x0  }
0xd3: {  	[sflag:s12] =	ssyncadd.s32 $0xFFFFC000  }
0xd4: {  	[spmem:s2] =	stream.indirect.scatter.add.f32 [tilespmem:s11], [sflag:$0x4], $0x80, s4, s0, $0xb8;
	[tilespmem:$0x1FE80] =	vst v63  }
0xd5: {  	_ =	swait.ge [sflag:s10], $0x4000  }
0xd6: {  	[sflag:s10] =	ssyncset.done $0x0  }
0xd7: {  	s19 =	sadd.s32 $0x0, s24;
	[sflag:s10] =	ssyncadd.s32 $0xFFFFC000  }
0xd8: {  	[tilespmem:s3], [sflag:$0x5] =	stream.linear.gather [hbm4b:s19+s3], $0x80, $0x38;
	[tilespmem:$0x1FE80] =	vst v63  }
0xd9: {  	_ =	swait.ge [sflag:s31], $0x80  }
0xda: {  	[sflag:s31] =	ssyncset.done $0x0  }
0xdb: {  	[sflag:s31] =	ssyncadd.s32 $0xFFFFFF80  }
0xdc: {  	[tilespmem:s0], [sflag:$0x5] =	stream.linear.gather [hbm4b:s19+s3], $0x80, $0x38;
	[tilespmem:$0x1FE80] =	vst v63  }
0xdd: {  	_ =	swait.ge [sflag:s31], $0x80  }
0xde: {  	[sflag:s31] =	ssyncset.done $0x0  }
0xdf: {  	s16 =	simm.s32 $0x20;
	[sflag:s31] =	ssyncadd.s32 $0xFFFFFF80  }
.LBB2_5:
0xe0: {  	[tilespmem:s6], [sflag:$0x1] =	stream.indirect.gather [hbm4b:s5+s0], $0x80, s3, s0, $0xb8;
	[tilespmem:$0x1FE80] =	vst v63  }
0xe1: {  	s17 =	smov.u32 s16  }
0xe2: {  	p0 =	sne.s32 s16, $0x4A0;
	s16 =	sadd.s32 $0x20, s16;
	_ =	swait.ge [sflag:s30], $0x4000  }
0xe3: {  	[sflag:s30] =	ssyncset.done $0x0  }
0xe4: {  	[sflag:s30] =	ssyncadd.s32 $0xFFFFC000  }
0xe5: {  	[spmem:s2] =	stream.indirect.scatter.add.f32 [tilespmem:s6], [sflag:$0x3], $0x80, s0, s0, $0xb8;
	[tilespmem:$0x1FE80] =	vst v63  }
0xe6: {  	_ =	swait.ge [sflag:s22], $0x4000  }
0xe7: {  	[sflag:s22] =	ssyncset.done $0x0  }
0xe8: {  	s18 =	sadd.s32 s17, s25;
	[sflag:s22] =	ssyncadd.s32 $0xFFFFC000  }
0xe9: {  	[tilespmem:s8], [sflag:$0x5] =	stream.linear.gather [hbm4b:s18+s3], $0x80, $0x38;
	[tilespmem:$0x1FE80] =	vst v63  }
0xea: {  	_ =	swait.ge [sflag:s31], $0x80  }
0xeb: {  	[sflag:s31] =	ssyncset.done $0x0  }
0xec: {  	[sflag:s31] =	ssyncadd.s32 $0xFFFFFF80  }
0xed: {  	[tilespmem:s4], [sflag:$0x5] =	stream.linear.gather [hbm4b:s18+s3], $0x80, $0x38;
	[tilespmem:$0x1FE80] =	vst v63  }
0xee: {  	_ =	swait.ge [sflag:s31], $0x80  }
0xef: {  	[sflag:s31] =	ssyncset.done $0x0  }
0xf0: {  	[sflag:s31] =	ssyncadd.s32 $0xFFFFFF80  }
0xf1: {  	[tilespmem:s11], [sflag:$0x2] =	stream.indirect.gather [hbm4b:s5+s0], $0x80, s8, s0, $0xb8;
	[tilespmem:$0x1FE80] =	vst v63  }
0xf2: {  	_ =	swait.ge [sflag:s12], $0x4000  }
0xf3: {  	[sflag:s12] =	ssyncset.done $0x0  }
0xf4: {  	[sflag:s12] =	ssyncadd.s32 $0xFFFFC000  }
0xf5: {  	[spmem:s2] =	stream.indirect.scatter.add.f32 [tilespmem:s11], [sflag:$0x4], $0x80, s4, s0, $0xb8;
	[tilespmem:$0x1FE80] =	vst v63  }
0xf6: {  	_ =	swait.ge [sflag:s10], $0x4000  }
0xf7: {  	[sflag:s10] =	ssyncset.done $0x0  }
0xf8: {  	s17 =	sadd.s32 s17, s24;
	[sflag:s10] =	ssyncadd.s32 $0xFFFFC000  }
0xf9: {  	[tilespmem:s3], [sflag:$0x5] =	stream.linear.gather [hbm4b:s17+s3], $0x80, $0x38;
	[tilespmem:$0x1FE80] =	vst v63  }
0xfa: {  	_ =	swait.ge [sflag:s31], $0x80  }
0xfb: {  	[sflag:s31] =	ssyncset.done $0x0  }
.Ltmp4:
0xfc: {  	[sflag:s31] =	ssyncadd.s32 $0xFFFFFF80;
	(pc) =	sbr.rel @p0 .LBB2_5-.Ltmp4, $4  }
0xfd: {  	[tilespmem:s0], [sflag:$0x5] =	stream.linear.gather [hbm4b:s17+s3], $0x80, $0x38;
	[tilespmem:$0x1FE80] =	vst v63  }
0xfe: {  	_ =	swait.ge [sflag:s31], $0x80  }
0xff: {  	[sflag:s31] =	ssyncset.done $0x0  }
0x100: {  	[sflag:s31] =	ssyncadd.s32 $0xFFFFFF80  }
0x101: {  	[tilespmem:s6], [sflag:$0x1] =	stream.indirect.gather [hbm4b:s5+s0], $0x80, s3, s0, $0xb8;
	[tilespmem:$0x1FE80] =	vst v63  }
0x102: {  	_ =	swait.ge [sflag:s30], $0x4000  }
0x103: {  	[sflag:s30] =	ssyncset.done $0x0  }
0x104: {  	[sflag:s30] =	ssyncadd.s32 $0xFFFFC000  }
0x105: {  	[spmem:s2] =	stream.indirect.scatter.add.f32 [tilespmem:s6], [sflag:$0x3], $0x80, s0, s0, $0xb8;
	[tilespmem:$0x1FE80] =	vst v63  }
0x106: {  	p0 =	seq.s32 s15, $0x0;
	_ =	swait.ge [sflag:s22], $0x4000  }
.Ltmp5:
0x107: {  	[sflag:s22] =	ssyncset.done $0x0;
	(pc) =	sbr.rel @p0 .LBB2_12-.Ltmp5, $4  }
0x108: {  	[sflag:s22] =	ssyncadd.s32 $0xFFFFC000  }
0x109: {  	_ =	swait.ge [sflag:s10], $0x4000  }
0x10a: {  	[sflag:s10] =	ssyncset.done $0x0  }
0x10b: {  	s18 =	stileid.u32;
	[sflag:s10] =	ssyncadd.s32 $0xFFFFC000  }
.LBB2_7:
0x10c: {  	s15 =	simm.s32 $0x0;
	s16 =	simm.s32 $0x200  }
.LBB2_8:
0x10d: {  	p0 =	sne.s32 s16, $0xFE00;
	[tilespmem:s15+$0x8270] =	vst v1  }
0x10e: {  	[tilespmem:s15+$0x8200] =	vst v1  }
0x10f: {  	[tilespmem:s15+$0x8210] =	vst v1  }
.Ltmp6:
0x110: {  	[tilespmem:s15+$0x8220] =	vst v1;
	(pc) =	sbr.rel @p0 .LBB2_8-.Ltmp6, $4  }
0x111: {  	[tilespmem:s15+$0x8230] =	vst v1  }
0x112: {  	[tilespmem:s15+$0x8240] =	vst v1  }
0x113: {  	[tilespmem:s15+$0x8250] =	vst v1  }
0x114: {  	[tilespmem:s15+$0x8260] =	vst v1;
	s15 =	sshra.s32 s16, $0x2;
	s16 =	sadd.s32 $0x200, s16  }
0x115: {  	[tilespmem:s15+$0x8270] =	vst v1  }
0x116: {  	[tilespmem:s15+$0x8200] =	vst v1  }
0x117: {  	[tilespmem:s15+$0x8210] =	vst v1  }
0x118: {  	[tilespmem:s15+$0x8220] =	vst v1  }
0x119: {  	[tilespmem:s15+$0x8230] =	vst v1  }
0x11a: {  	[tilespmem:s15+$0x8240] =	vst v1  }
0x11b: {  	[tilespmem:s15+$0x8250] =	vst v1  }
0x11c: {  	[tilespmem:s15+$0x8260] =	vst v1  }
0x11d: {  	[tilespmem:s0], [sflag:$0x5] =	stream.linear.gather [hbm4b:s9+s3], $0x80, $0x38;
	[tilespmem:$0x1FE80] =	vst v63  }
0x11e: {  	_ =	swait.ge [sflag:s31], $0x80  }
0x11f: {  	[sflag:s31] =	ssyncset.done $0x0  }
0x120: {  	[sflag:s31] =	ssyncadd.s32 $0xFFFFFF80  }
0x121: {  	[spmem:s2] =	stream.indirect.scatter.add.f32 [tilespmem:s29], [sflag:$0x3], $0x80, s0, s0, $0xb8;
	[tilespmem:$0x1FE80] =	vst v63  }
0x122: {  	s17 =	rddreg [dreg:$0x6]  }
0x123: {  	[tilespmem:s4], [sflag:$0x5] =	stream.linear.gather [hbm4b:s17+s3], $0x80, $0x38;
	[tilespmem:$0x1FE80] =	vst v63  }
0x124: {  	_ =	swait.ge [sflag:s31], $0x80  }
0x125: {  	[sflag:s31] =	ssyncset.done $0x0  }
0x126: {  	[sflag:s31] =	ssyncadd.s32 $0xFFFFFF80  }
0x127: {  	[spmem:s2] =	stream.indirect.scatter.add.f32 [tilespmem:s29], [sflag:$0x4], $0x80, s4, s0, $0xb8;
	[tilespmem:$0x1FE80] =	vst v63  }
0x128: {  	_ =	swait.ge [sflag:s10], $0x4000  }
0x129: {  	s19 =	sadd.s32 $0xFFFFFB40, s23;
	[sflag:s10] =	ssyncset.done $0x0  }
0x12a: {  	s16 =	sadd.s32 $0x4E0, s19;
	[sflag:s10] =	ssyncadd.s32 $0xFFFFC000  }
0x12b: {  	[tilespmem:s0], [sflag:$0x5] =	stream.linear.gather [hbm4b:s16+s3], $0x80, $0x38;
	[tilespmem:$0x1FE80] =	vst v63  }
0x12c: {  	_ =	swait.ge [sflag:s31], $0x80  }
0x12d: {  	[sflag:s31] =	ssyncset.done $0x0  }
0x12e: {  	[sflag:s31] =	ssyncadd.s32 $0xFFFFFF80  }
0x12f: {  	[spmem:s2] =	stream.indirect.scatter.add.f32 [tilespmem:s29], [sflag:$0x3], $0x80, s0, s0, $0xb8;
	[tilespmem:$0x1FE80] =	vst v63  }
0x130: {  	_ =	swait.ge [sflag:s22], $0x4000  }
0x131: {  	[sflag:s22] =	ssyncset.done $0x0  }
0x132: {  	s15 =	sadd.s32 $0x4F0, s19;
	[sflag:s22] =	ssyncadd.s32 $0xFFFFC000  }
0x133: {  	[tilespmem:s4], [sflag:$0x5] =	stream.linear.gather [hbm4b:s15+s3], $0x80, $0x38;
	[tilespmem:$0x1FE80] =	vst v63  }
0x134: {  	_ =	swait.ge [sflag:s31], $0x80  }
0x135: {  	[sflag:s31] =	ssyncset.done $0x0  }
0x136: {  	s15 =	simm.s32 $0xFFFFFB60;
	[sflag:s31] =	ssyncadd.s32 $0xFFFFFF80  }
.LBB2_10:
0x137: {  	[spmem:s2] =	stream.indirect.scatter.add.f32 [tilespmem:s29], [sflag:$0x4], $0x80, s4, s0, $0xb8;
	[tilespmem:$0x1FE80] =	vst v63  }
0x138: {  	s16 =	smov.u32 s15  }
0x139: {  	p0 =	sne.s32 s15, $0xFFFFFFE0;
	s15 =	sadd.s32 $0x20, s15;
	_ =	swait.ge [sflag:s10], $0x4000  }
0x13a: {  	s16 =	sadd.s32 s16, s23;
	[sflag:s10] =	ssyncset.done $0x0  }
0x13b: {  	s17 =	sadd.s32 $0x4E0, s16;
	[sflag:s10] =	ssyncadd.s32 $0xFFFFC000  }
0x13c: {  	[tilespmem:s0], [sflag:$0x5] =	stream.linear.gather [hbm4b:s17+s3], $0x80, $0x38;
	[tilespmem:$0x1FE80] =	vst v63  }
0x13d: {  	_ =	swait.ge [sflag:s31], $0x80  }
0x13e: {  	[sflag:s31] =	ssyncset.done $0x0  }
0x13f: {  	[sflag:s31] =	ssyncadd.s32 $0xFFFFFF80  }
0x140: {  	[spmem:s2] =	stream.indirect.scatter.add.f32 [tilespmem:s29], [sflag:$0x3], $0x80, s0, s0, $0xb8;
	[tilespmem:$0x1FE80] =	vst v63  }
0x141: {  	_ =	swait.ge [sflag:s22], $0x4000  }
0x142: {  	[sflag:s22] =	ssyncset.done $0x0  }
.Ltmp7:
0x143: {  	s16 =	sadd.s32 $0x4F0, s16;
	[sflag:s22] =	ssyncadd.s32 $0xFFFFC000;
	(pc) =	sbr.rel @p0 .LBB2_10-.Ltmp7, $4  }
0x144: {  	[tilespmem:s4], [sflag:$0x5] =	stream.linear.gather [hbm4b:s16+s3], $0x80, $0x38;
	[tilespmem:$0x1FE80] =	vst v63  }
0x145: {  	_ =	swait.ge [sflag:s31], $0x80  }
0x146: {  	[sflag:s31] =	ssyncset.done $0x0  }
0x147: {  	[sflag:s31] =	ssyncadd.s32 $0xFFFFFF80  }
.Ltmp8:
0x148: {  	_ = 	snop;
	(pc) =	sbr.rel .LBB2_11-.Ltmp8, $1  }
0x149: {  	_ =	sdelay $0x3  }
.LBB2_13:
0x14a: {  	_ =	sfence.sel $0x180000  }
0x14b: {  	[bflag:$0x0] =	sbarrier.arrive $0xFFFF  }
0x14c: {  	_ =	strace $0x90000047  }
0x14d: {  	[bflag:$0x2] =	sbarrier.arrive $0xFFFF  }
0x14e: {  	p0 =	sne.s32 s18, $0x0;
	s0 =	rddreg [dreg:$0x3]  }
0x14f: {  	s0 =	sadd.s32 @!p0 $0x100000, s0  }
0x150: {  	[sflag:s0] =	ssyncadd.tile.s32 @!p0 $0x1;
	_ =	shalt  }
.Lfunc_end2:
_tile_overlayer_lowered:
.L_overlay_start_2:
0x151: {  	(tag) =	ssettag $0x2  }
0x152: {  	s0 =	rddreg [dreg:$0x0];
	s2 =	stileid.u32  }
0x153: {  	s1 =	rddreg [dreg:$0x1];
	p0 =	sne.s32 s2, $0x0  }
0x154: {  	s3 =	rddreg [dreg:$0x2];
	[bflag:$0x3] =	sbarrier.arrive $0xFFFF;
	s2 =	simm.s32 @!p0 $0x1C01  }
0x155: {  	[timem:s3], [sflag:s2] =	dma.local @!p0 [hbm:s0], s1  }
0x156: {  	s0 =	simm.s32 @!p0 $0x1  }
0x157: {  	_ =	swait.ge @!p0 [sflag:s0], s1  }
0x158: {  	s1 =	ssub.s32 @!p0 $0x0, s1;
	[sflag:s0] =	ssyncset.done @!p0 $0x0  }
0x159: {  	[sflag:s0] =	ssyncadd.s32 @!p0 s1  }
0x15a: {  	[bflag:$0x3] =	sbarrier.arrive $0xFFFF  }
0x15b: {  	_ =	shalt  }

</sc_bundles>
